<compile_context>
chip_gen: v7x
topology: tpu7x:2x2x1
jax: 0.10.2.dev20260603
libtpu: 0.0.44.dev20260713+nightly
codegen_flags: <defaults>
</compile_context>

<pallas_src>
import jax
import jax.numpy as jnp
from jax import lax
from jax.experimental import pallas as pl
from jax.experimental.pallas import tpu as pltpu
from jax.experimental.pallas import tpu_sc as plsc

N = 100000
E = 1600000
H = 32
NC, NS = 2, 16
NPAD = 100352
SL = NPAD // NS
EPT = E // NS
CG = 4000

_f32 = jnp.float32
_bf16 = jnp.bfloat16

_sc_mesh = plsc.VectorSubcoreMesh(
    core_axis_name="c", subcore_axis_name="s", num_cores=NC, num_subcores=NS)
_notc = pltpu.CompilerParams(use_tc_tiling_on_sc=False)


CA = 5000
_NCA = EPT // CA
_SUB = SL // 4


def _rsqrt_vec(x):
    xi = plsc.bitcast(x, jnp.int32)
    y = plsc.bitcast(0x5F3759DF - lax.shift_right_logical(xi, 1), _f32)
    for _ in range(3):
        y = y * (1.5 - 0.5 * x * y * y)
    return y


def _a_body(src_hbm, dst_hbm, wa_hbm, wb_hbm, ba_hbm, bb_hbm,
            ones_hbm, zn_hbm,
            y0_hbm, y1_hbm, nd_hbm,
            isv, idv, val_v, isv1, idv1, val_v1, ones_v,
            a_v, b_v, ns_v, nd_v, s_v,
            wa_v, wb_v, ba_v, bb_v, ybuf, ybuf1, sh_din, sh_dout, sh_t, sh_s,
            isem0, isem1, gsem0, gsem1, ssem0, ssem1):
    cid = lax.axis_index("c")
    sid = lax.axis_index("s")
    sl0 = sid * SL

    def start_idx(c, isb, idb, isem):
        base = sid * EPT + c * CA
        pltpu.async_copy(src_hbm.at[pl.ds(base, CA)], isb, isem)
        pltpu.async_copy(dst_hbm.at[pl.ds(base, CA)], idb, isem)

    def wait_idx(isb, idb, isem):
        pltpu.make_async_copy(src_hbm.at[pl.ds(0, CA)], isb, isem).wait()
        pltpu.make_async_copy(dst_hbm.at[pl.ds(0, CA)], idb, isem).wait()
    pltpu.sync_copy(zn_hbm.at[pl.ds(sl0, SL)], sh_din.at[pl.ds(sl0, SL)])
    pltpu.sync_copy(zn_hbm.at[pl.ds(sl0, SL)], sh_dout.at[pl.ds(sl0, SL)])
    pltpu.sync_copy(zn_hbm.at[pl.ds(sl0, SL)], sh_t.at[pl.ds(sl0, SL)])
    pltpu.sync_copy(ones_hbm, ones_v)
    pltpu.sync_copy(wa_hbm, wa_v)
    pltpu.sync_copy(wb_hbm, wb_v)
    pltpu.sync_copy(ba_hbm, ba_v)
    pltpu.sync_copy(bb_hbm, bb_v)
    plsc.subcore_barrier()

    def cnt_start(isb, idb, ssem):
        pltpu.async_copy(ones_v, sh_dout.at[isb], ssem, add=True)
        pltpu.async_copy(ones_v, sh_din.at[idb], ssem, add=True)

    def cnt_wait(isb, idb, ssem):
        pltpu.make_async_copy(ones_v, sh_dout.at[isb], ssem).wait()
        pltpu.make_async_copy(ones_v, sh_din.at[idb], ssem).wait()

    start_idx(0, isv, idv, isem0)

    def bpair(i, carry):
        wait_idx(isv, idv, isem0)
        cnt_start(isv, idv, ssem0)
        start_idx(2 * i + 1, isv1, idv1, isem1)
        cnt_wait(isv, idv, ssem0)

        @pl.when(2 * i + 2 < _NCA)
        def _():
            start_idx(2 * i + 2, isv, idv, isem0)

        wait_idx(isv1, idv1, isem1)
        cnt_start(isv1, idv1, ssem1)
        cnt_wait(isv1, idv1, ssem1)
        return carry

    lax.fori_loop(0, _NCA // 2, bpair, 0)
    plsc.subcore_barrier()

    pltpu.sync_copy(sh_din.at[pl.ds(sl0, SL)], a_v)
    pltpu.sync_copy(sh_dout.at[pl.ds(sl0, SL)], b_v)

    def cvec(i, carry):
        din = a_v[pl.ds(i * 16, 16)]
        dout = b_v[pl.ds(i * 16, 16)]
        ns = _rsqrt_vec(dout + 1.0)
        ns_v[pl.ds(i * 16, 16)] = ns
        nd_v[pl.ds(i * 16, 16)] = _rsqrt_vec(din + 1.0)
        s_v[pl.ds(i * 16, 16)] = din * ns
        return carry

    lax.fori_loop(0, SL // 16, cvec, 0)
    pltpu.sync_copy(s_v, sh_s.at[pl.ds(sl0, SL)])

    @pl.when(cid == 0)
    def _():
        pltpu.sync_copy(nd_v, nd_hbm.at[pl.ds(sl0, SL)])

    plsc.subcore_barrier()

    start_idx(0, isv, idv, isem0)

    def dpair(i, carry):
        wait_idx(isv, idv, isem0)
        pltpu.async_copy(sh_s.at[isv], val_v, gsem0)
        start_idx(2 * i + 1, isv1, idv1, isem1)
        pltpu.make_async_copy(sh_s.at[isv], val_v, gsem0).wait()
        pltpu.async_copy(val_v, sh_t.at[idv], ssem0, add=True)
        wait_idx(isv1, idv1, isem1)
        pltpu.async_copy(sh_s.at[isv1], val_v1, gsem1)
        pltpu.make_async_copy(val_v, sh_t.at[idv], ssem0).wait()

        @pl.when(2 * i + 2 < _NCA)
        def _():
            start_idx(2 * i + 2, isv, idv, isem0)

        pltpu.make_async_copy(sh_s.at[isv1], val_v1, gsem1).wait()
        pltpu.async_copy(val_v1, sh_t.at[idv1], ssem1, add=True)
        pltpu.make_async_copy(val_v1, sh_t.at[idv1], ssem1).wait()
        return carry

    lax.fori_loop(0, _NCA // 2, dpair, 0)
    plsc.subcore_barrier()

    pltpu.sync_copy(sh_t.at[pl.ds(sl0, SL)], a_v)
    hi_mask = lax.iota(jnp.int32, 16) >= 8

    def ephase(y_hbm, off):
        wa = wa_v[pl.ds(off, 16)]
        wb = wb_v[pl.ds(off, 16)]
        ba = ba_v[pl.ds(off, 16)]
        bb = bb_v[pl.ds(off, 16)]
        bufs = (ybuf, ybuf1)
        for sub in range(4):
            yb = bufs[sub % 2]

            def rowvec(i, carry):
                n0 = sub * _SUB + i * 16
                uvec = (a_v[pl.ds(n0, 16)] + s_v[pl.ds(n0, 16)]) \
                    * nd_v[pl.ds(n0, 16)]
                nsvec = ns_v[pl.ds(n0, 16)]
                for k in range(8):
                    un2 = jnp.where(hi_mask, uvec[2 * k + 1], uvec[2 * k])
                    ns2 = jnp.where(hi_mask, nsvec[2 * k + 1], nsvec[2 * k])
                    ra = ns2 * jnp.maximum(un2 * wa + ba, 0.0)
                    rb = ns2 * jnp.maximum(un2 * wb + bb, 0.0)
                    yb[pl.ds((i * 16 + 2 * k) * 16, 32)] = plsc.pack(
                        ra, rb, format=plsc.PackFormat.INTERLEAVED)
                return carry

            if sub >= 2:
                pltpu.make_async_copy(
                    yb,
                    y_hbm.at[pl.ds((sl0 + (sub - 2) * _SUB) * 16, _SUB * 16)],
                    gsem0).wait()
            lax.fori_loop(0, _SUB // 16, rowvec, 0)
            pltpu.async_copy(
                yb, y_hbm.at[pl.ds((sl0 + sub * _SUB) * 16, _SUB * 16)],
                gsem0)
        pltpu.make_async_copy(
            ybuf, y_hbm.at[pl.ds((sl0 + 2 * _SUB) * 16, _SUB * 16)],
            gsem0).wait()
        pltpu.make_async_copy(
            ybuf1, y_hbm.at[pl.ds((sl0 + 3 * _SUB) * 16, _SUB * 16)],
            gsem0).wait()

    @pl.when(cid == 0)
    def _():
        ephase(y0_hbm, 0)

    @pl.when(cid == 1)
    def _():
        ephase(y1_hbm, 16)


_a_call = pl.kernel(
    _a_body,
    out_type=(jax.ShapeDtypeStruct((NPAD * 16,), _bf16),
              jax.ShapeDtypeStruct((NPAD * 16,), _bf16),
              jax.ShapeDtypeStruct((NPAD,), _f32)),
    mesh=_sc_mesh,
    compiler_params=pltpu.CompilerParams(
        use_tc_tiling_on_sc=False, needs_layout_passes=False),
    scratch_types=[
        pltpu.VMEM((CA,), jnp.int32),
        pltpu.VMEM((CA,), jnp.int32),
        pltpu.VMEM((CA,), _f32),
        pltpu.VMEM((CA,), jnp.int32),
        pltpu.VMEM((CA,), jnp.int32),
        pltpu.VMEM((CA,), _f32),
        pltpu.VMEM((CA,), _f32),
        pltpu.VMEM((SL,), _f32),
        pltpu.VMEM((SL,), _f32),
        pltpu.VMEM((SL,), _f32),
        pltpu.VMEM((SL,), _f32),
        pltpu.VMEM((SL,), _f32),
        pltpu.VMEM((H,), _f32),
        pltpu.VMEM((H,), _f32),
        pltpu.VMEM((H,), _f32),
        pltpu.VMEM((H,), _f32),
        pltpu.VMEM((_SUB * 16,), _bf16),
        pltpu.VMEM((_SUB * 16,), _bf16),
        pltpu.VMEM_SHARED((NPAD,), _f32),
        pltpu.VMEM_SHARED((NPAD,), _f32),
        pltpu.VMEM_SHARED((NPAD,), _f32),
        pltpu.VMEM_SHARED((NPAD,), _f32),
        pltpu.SemaphoreType.DMA,
        pltpu.SemaphoreType.DMA,
        pltpu.SemaphoreType.DMA,
        pltpu.SemaphoreType.DMA,
        pltpu.SemaphoreType.DMA,
        pltpu.SemaphoreType.DMA,
    ],
)


_NCH = EPT // CG
_NPAIR = _NCH // 2


def _g_body(src_hbm, dst_hbm, y0_hbm, y1_hbm, zg_hbm, g0_hbm, g1_hbm,
            isv0, idv0, rows0, isv1, idv1, rows1, sh,
            isem0, gsem0, ssem0, isem1, gsem1, ssem1):
    cid = lax.axis_index("c")
    sid = lax.axis_index("s")
    pltpu.sync_copy(zg_hbm.at[pl.ds(sid * SL, SL)], sh.at[pl.ds(sid * SL, SL)])
    plsc.subcore_barrier()

    def run(y_hbm):
        def start_idx(c, isv, idv, isem):
            base = sid * EPT + c * CG
            pltpu.async_copy(src_hbm.at[pl.ds(base, CG)], isv, isem)
            pltpu.async_copy(dst_hbm.at[pl.ds(base, CG)], idv, isem)

        def wait_idx(isv, idv, isem):
            pltpu.make_async_copy(src_hbm.at[pl.ds(0, CG)], isv, isem).wait()
            pltpu.make_async_copy(dst_hbm.at[pl.ds(0, CG)], idv, isem).wait()

        start_idx(0, isv0, idv0, isem0)

        def pair(i, carry):
            c0 = 2 * i
            wait_idx(isv0, idv0, isem0)
            pltpu.async_copy(y_hbm.at[isv0], rows0, gsem0)
            start_idx(c0 + 1, isv1, idv1, isem1)
            pltpu.make_async_copy(y_hbm.at[isv0], rows0, gsem0).wait()
            pltpu.async_copy(rows0, sh.at[idv0], ssem0, add=True)
            wait_idx(isv1, idv1, isem1)
            pltpu.async_copy(y_hbm.at[isv1], rows1, gsem1)
            pltpu.make_async_copy(rows0, sh.at[idv0], ssem0).wait()

            @pl.when(c0 + 2 < _NCH)
            def _():
                start_idx(c0 + 2, isv0, idv0, isem0)

            pltpu.make_async_copy(y_hbm.at[isv1], rows1, gsem1).wait()
            pltpu.async_copy(rows1, sh.at[idv1], ssem1, add=True)
            pltpu.make_async_copy(rows1, sh.at[idv1], ssem1).wait()
            return carry

        lax.fori_loop(0, _NPAIR, pair, 0)

        if _NCH % 2 == 1:
            wait_idx(isv0, idv0, isem0)
            pltpu.async_copy(y_hbm.at[isv0], rows0, gsem0)
            pltpu.make_async_copy(y_hbm.at[isv0], rows0, gsem0).wait()
            pltpu.async_copy(rows0, sh.at[idv0], ssem0, add=True)
            pltpu.make_async_copy(rows0, sh.at[idv0], ssem0).wait()

    @pl.when(cid == 0)
    def _():
        run(y0_hbm)

    @pl.when(cid == 1)
    def _():
        run(y1_hbm)

    plsc.subcore_barrier()

    @pl.when(cid == 0)
    def _():
        pltpu.sync_copy(sh.at[pl.ds(sid * SL, SL)],
                        g0_hbm.at[pl.ds(sid * SL, SL)])

    @pl.when(cid == 1)
    def _():
        pltpu.sync_copy(sh.at[pl.ds(sid * SL, SL)],
                        g1_hbm.at[pl.ds(sid * SL, SL)])


_g_call = pl.kernel(
    _g_body,
    out_type=(jax.ShapeDtypeStruct((NPAD, 16), _bf16),
              jax.ShapeDtypeStruct((NPAD, 16), _bf16)),
    mesh=_sc_mesh,
    compiler_params=_notc,
    scratch_types=[
        pltpu.VMEM((CG,), jnp.int32),
        pltpu.VMEM((CG,), jnp.int32),
        pltpu.VMEM((CG, 16), _bf16),
        pltpu.VMEM((CG,), jnp.int32),
        pltpu.VMEM((CG,), jnp.int32),
        pltpu.VMEM((CG, 16), _bf16),
        pltpu.VMEM_SHARED((NPAD, 16), _bf16),
        pltpu.SemaphoreType.DMA,
        pltpu.SemaphoreType.DMA,
        pltpu.SemaphoreType.DMA,
        pltpu.SemaphoreType.DMA,
        pltpu.SemaphoreType.DMA,
        pltpu.SemaphoreType.DMA,
    ],
)


_BO = 5000
_NBO = N // _BO


def _out_body(g0_ref, g1_ref, y0_ref, y1_ref, nd_ref, w2a_ref, w2b_ref,
              b2_ref, wc_ref, bc_ref, out_ref, acc_ref):
    i = pl.program_id(0)

    @pl.when(i == 0)
    def _():
        acc_ref[...] = jnp.zeros((1, H), _f32)

    za = (g0_ref[...] + y0_ref[...].astype(_f32))
    zb = (g1_ref[...] + y1_ref[...].astype(_f32))
    z = (jnp.dot(za, w2a_ref[...], preferred_element_type=_f32)
         + jnp.dot(zb, w2b_ref[...], preferred_element_type=_f32))
    h2 = jnp.maximum(z * nd_ref[...] + b2_ref[...], 0.0)
    acc_ref[...] += jnp.sum(h2, axis=0, keepdims=True)

    @pl.when(i == _NBO - 1)
    def _():
        hg = acc_ref[...] * (1.0 / N)
        out_ref[...] = jnp.dot(hg, wc_ref[...],
                               preferred_element_type=_f32) + bc_ref[...]


_out_call = pl.pallas_call(
    _out_body,
    grid=(_NBO,),
    in_specs=[
        pl.BlockSpec((_BO, 16), lambda i: (i, 0)),
        pl.BlockSpec((_BO, 16), lambda i: (i, 0)),
        pl.BlockSpec((_BO, 16), lambda i: (i, 0)),
        pl.BlockSpec((_BO, 16), lambda i: (i, 0)),
        pl.BlockSpec((_BO, 1), lambda i: (i, 0)),
        pl.BlockSpec((16, H), lambda i: (0, 0)),
        pl.BlockSpec((16, H), lambda i: (0, 0)),
        pl.BlockSpec((1, H), lambda i: (0, 0)),
        pl.BlockSpec((H, 10), lambda i: (0, 0)),
        pl.BlockSpec((1, 10), lambda i: (0, 0)),
    ],
    out_specs=pl.BlockSpec((1, 10), lambda i: (0, 0)),
    out_shape=jax.ShapeDtypeStruct((1, 10), _f32),
    scratch_shapes=[pltpu.VMEM((1, H), _f32)],
)


def kernel(edge_index, W1, b1, W2, b2, Wc, bc):
    src = edge_index[0]
    dst = edge_index[1]
    ones_c = jnp.ones((CA,), _f32)
    zn = jnp.zeros((NPAD,), _f32)
    zg = jnp.zeros((NPAD, 16), _bf16)

    w1 = W1.reshape(H)
    wa = jnp.concatenate([jnp.tile(w1[0:8], 2), jnp.tile(w1[16:24], 2)])
    wb = jnp.concatenate([jnp.tile(w1[8:16], 2), jnp.tile(w1[24:32], 2)])
    ba = jnp.concatenate([jnp.tile(b1[0:8], 2), jnp.tile(b1[16:24], 2)])
    bb = jnp.concatenate([jnp.tile(b1[8:16], 2), jnp.tile(b1[24:32], 2)])

    y0f, y1f, nd = _a_call(src, dst, wa, wb, ba, bb, ones_c, zn)
    y0 = y0f.reshape(NPAD, 16)
    y1 = y1f.reshape(NPAD, 16)

    g0, g1 = _g_call(src, dst, y0, y1, zg)

    perm = jnp.stack([jnp.arange(8), jnp.arange(8) + 8], axis=1).reshape(16)
    w2a = W2[perm]
    w2b = W2[perm + 16]

    return _out_call(g0, g1, y0, y1, nd.reshape(NPAD, 1),
                     w2a, w2b, b2.reshape(1, H), Wc,
                     bc.reshape(1, 10))

# --- scband reference (transcript-rebuilt; emitter-appended) ---
"""Pipeline reference for scband-gcnclassifier-21852793602574 (READ-ONLY COPY).

The authoritative reference and input builder live on the scoring server;
editing this copy changes nothing except your own understanding.
"""

import jax, jax.numpy as jnp
import numpy as np

N_NODES = 100000
N_EDGES = 1600000
HIDDEN = 32
N_CLASSES = 10


def setup_inputs(seed: int = 0) -> dict:
    key = jax.random.key(seed)
    ks = jax.random.split(key, 8)
    edge_index = jax.random.randint(ks[0], (2, N_EDGES), 0, N_NODES, dtype=jnp.int64 if jax.config.jax_enable_x64 else jnp.int32).astype(jnp.int32)
    W1 = jax.random.normal(ks[1], (1, HIDDEN), dtype=jnp.float32) * 0.5
    b1 = jax.random.normal(ks[2], (HIDDEN,), dtype=jnp.float32) * 0.1
    W2 = jax.random.normal(ks[3], (HIDDEN, HIDDEN), dtype=jnp.float32) * 0.2
    b2 = jax.random.normal(ks[4], (HIDDEN,), dtype=jnp.float32) * 0.1
    Wc = jax.random.normal(ks[5], (HIDDEN, N_CLASSES), dtype=jnp.float32) * 0.2
    bc = jax.random.normal(ks[6], (N_CLASSES,), dtype=jnp.float32) * 0.1
    return {"edge_index": edge_index, "W1": W1, "b1": b1, "W2": W2, "b2": b2, "Wc": Wc, "bc": bc}


def reference(edge_index, W1, b1, W2, b2, Wc, bc):
    src = edge_index[0]
    dst = edge_index[1]
    ones_e = jnp.ones((src.shape[0],), dtype=jnp.float32)
    # h = g.in_degrees().view(-1, 1).float()  (degrees BEFORE self-loops)
    h = jax.ops.segment_sum(ones_e, dst, num_segments=N_NODES).reshape(-1, 1)
    # g = dgl.add_self_loop(g)
    loop = jnp.arange(N_NODES, dtype=src.dtype)
    src_sl = jnp.concatenate([src, loop])
    dst_sl = jnp.concatenate([dst, loop])
    ones_sl = jnp.ones((src_sl.shape[0],), dtype=jnp.float32)
    deg_out = jax.ops.segment_sum(ones_sl, src_sl, num_segments=N_NODES)
    deg_in = jax.ops.segment_sum(ones_sl, dst_sl, num_segments=N_NODES)
    norm_src = jnp.clip(deg_out, 1.0) ** -0.5
    norm_dst = jnp.clip(deg_in, 1.0) ** -0.5
    # GraphConv (norm='both') layers with ReLU
    for W, b in ((W1, b1), (W2, b2)):
        x = h * norm_src[:, None]
        x = x @ W
        agg = jax.ops.segment_sum(x[src_sl], dst_sl, num_segments=N_NODES)
        h = jax.nn.relu(agg * norm_dst[:, None] + b)
    # dgl.mean_nodes over the single graph
    hg = jnp.mean(h, axis=0, keepdims=True)
    return hg @ Wc + bc

if __name__ == "__main__":
    import jax
    _d = setup_inputs()
    print(jax.jit(kernel)(*tuple(_d.values())))

</pallas_src>

<mosaic_0001>
#map = affine_map<(d0, d1) -> (0)>
#map1 = affine_map<(d0, d1) -> (0, 0)>
module attributes {stable_mosaic.version = 14 : i64} {
  func.func @_g_body(%arg0: i32, %arg1: i32, %arg2: memref<1600000xi32, #tpu.memory_space<hbm>>, %arg3: memref<1600000xi32, #tpu.memory_space<hbm>>, %arg4: memref<100352x16xbf16, #tpu.memory_space<hbm>>, %arg5: memref<100352x16xbf16, #tpu.memory_space<hbm>>, %arg6: memref<100352x16xbf16, #tpu.memory_space<hbm>>, %arg7: memref<100352x16xbf16, #tpu.memory_space<hbm>>, %arg8: memref<100352x16xbf16, #tpu.memory_space<hbm>>, %arg9: memref<4000xi32, #tpu.memory_space<vmem>>, %arg10: memref<4000xi32, #tpu.memory_space<vmem>>, %arg11: memref<4000x16xbf16, #tpu.memory_space<vmem>>, %arg12: memref<4000xi32, #tpu.memory_space<vmem>>, %arg13: memref<4000xi32, #tpu.memory_space<vmem>>, %arg14: memref<4000x16xbf16, #tpu.memory_space<vmem>>, %arg15: memref<100352x16xbf16, #tpu.memory_space<vmem_shared>>, %arg16: memref<!tpu.dma_semaphore, #tpu.memory_space<semaphore_mem>>, %arg17: memref<!tpu.dma_semaphore, #tpu.memory_space<semaphore_mem>>, %arg18: memref<!tpu.dma_semaphore, #tpu.memory_space<semaphore_mem>>, %arg19: memref<!tpu.dma_semaphore, #tpu.memory_space<semaphore_mem>>, %arg20: memref<!tpu.dma_semaphore, #tpu.memory_space<semaphore_mem>>, %arg21: memref<!tpu.dma_semaphore, #tpu.memory_space<semaphore_mem>>) attributes {dimension_semantics = [#tpu.dimension_semantics<core_parallel>, #tpu.dimension_semantics<subcore_parallel>], iteration_bounds = array<i64: 2, 16>, scalar_prefetch = 0 : i64, scratch_operands = 13 : i64, tpu.core_type = #tpu.core_type<sc_vector_subcore>, window_params = [{transform_indices = #map}, {transform_indices = #map}, {transform_indices = #map1}, {transform_indices = #map1}, {transform_indices = #map1}, {transform_indices = #map1}, {transform_indices = #map1}]} {
    %mul3A = arith.constant 6272 : i32
    %mul3A_0 = arith.muli %arg1, %mul3A : i32
    %mul3A_1 = arith.constant 6272 : i32
    %mul3A_2 = arith.muli %arg1, %mul3A_1 : i32
    "tpu.region"() ({
      %run_scoped3A = tpu.sem_alloc : memref<!tpu.dma_semaphore, #tpu.memory_space<semaphore_mem>>
      %dma_start3A = arith.constant 0 : i32
      %dma_start3A_21 = tpu.memref_slice %arg15[%mul3A_2, %dma_start3A] : memref<100352x16xbf16, #tpu.memory_space<vmem_shared>> -> memref<6272x16xbf16, #tpu.memory_space<vmem_shared>>
      %dma_start3A_22 = arith.constant 0 : i32
      %dma_start3A_23 = tpu.memref_slice %arg6[%mul3A_0, %dma_start3A_22] : memref<100352x16xbf16, #tpu.memory_space<hbm>> -> memref<6272x16xbf16, #tpu.memory_space<hbm>>
      tpu.enqueue_dma source(%dma_start3A_23 : memref<6272x16xbf16, #tpu.memory_space<hbm>>) target(%dma_start3A_21 : memref<6272x16xbf16, #tpu.memory_space<vmem_shared>>) target_semaphore(%run_scoped3A : memref<!tpu.dma_semaphore, #tpu.memory_space<semaphore_mem>>)
      %dma_wait3A = arith.constant 0 : i32
      %dma_wait3A_24 = tpu.memref_slice %arg15[%mul3A_2, %dma_wait3A] : memref<100352x16xbf16, #tpu.memory_space<vmem_shared>> -> memref<6272x16xbf16, #tpu.memory_space<vmem_shared>>
      %dma_wait3A_25 = arith.constant 0 : i32
      %dma_wait3A_26 = tpu.memref_slice %arg6[%mul3A_0, %dma_wait3A_25] : memref<100352x16xbf16, #tpu.memory_space<hbm>> -> memref<6272x16xbf16, #tpu.memory_space<hbm>>
      tpu.wait_dma2 semaphore(%run_scoped3A : memref<!tpu.dma_semaphore, #tpu.memory_space<semaphore_mem>>) src(%dma_wait3A_26 : memref<6272x16xbf16, #tpu.memory_space<hbm>>) dst(%dma_wait3A_24 : memref<6272x16xbf16, #tpu.memory_space<vmem_shared>>)
      tpu.yield
    }) : () -> ()
    %barrier3A = arith.constant 0 : index
    tpu.barrier barrier_id(%barrier3A)
    %eq3A = arith.constant 0 : i32
    %eq3A_3 = arith.cmpi eq, %arg0, %eq3A : i32
    %convert_element_type3A = arith.extui %eq3A_3 : i1 to i32
    %cond3A = arith.constant 0 : i32
    %cond3A_4 = arith.cmpi ne, %convert_element_type3A, %cond3A : i32
    scf.if %cond3A_4 {
      %mul3A_21 = arith.constant 100000 : i32
      %mul3A_22 = arith.muli %arg1, %mul3A_21 : i32
      %add3A = arith.constant 0 : i32
      %add3A_23 = arith.addi %mul3A_22, %add3A : i32
      %dma_start3A = tpu.memref_slice %arg2[%add3A_23] : memref<1600000xi32, #tpu.memory_space<hbm>> -> memref<4000xi32, #tpu.memory_space<hbm>>
      %dma_start3A_24 = tpu.memref_slice %arg2[%add3A_23] : memref<1600000xi32, #tpu.memory_space<hbm>> -> memref<4000xi32, #tpu.memory_space<hbm>>
      tpu.enqueue_dma source(%dma_start3A_24 : memref<4000xi32, #tpu.memory_space<hbm>>) target(%arg9 : memref<4000xi32, #tpu.memory_space<vmem>>) target_semaphore(%arg16 : memref<!tpu.dma_semaphore, #tpu.memory_space<semaphore_mem>>)
      %dma_start3A_25 = tpu.memref_slice %arg3[%add3A_23] : memref<1600000xi32, #tpu.memory_space<hbm>> -> memref<4000xi32, #tpu.memory_space<hbm>>
      %dma_start3A_26 = tpu.memref_slice %arg3[%add3A_23] : memref<1600000xi32, #tpu.memory_space<hbm>> -> memref<4000xi32, #tpu.memory_space<hbm>>
      tpu.enqueue_dma source(%dma_start3A_26 : memref<4000xi32, #tpu.memory_space<hbm>>) target(%arg10 : memref<4000xi32, #tpu.memory_space<vmem>>) target_semaphore(%arg16 : memref<!tpu.dma_semaphore, #tpu.memory_space<semaphore_mem>>)
      %scan3A = arith.constant 0 : i32
      %scan3A_27 = arith.constant 0 : i32
      %scan3A_28 = arith.constant 12 : i32
      %scan3A_29 = arith.addi %scan3A_27, %scan3A_28 : i32
      %scan3A_30 = arith.constant 1 : i32
      scf.for %scan3A_51 = %scan3A_27 to %scan3A_29 step %scan3A_30  : i32 {
        %mul3A_52 = arith.constant 2 : i32
        %mul3A_53 = arith.muli %mul3A_52, %scan3A_51 : i32
        %dma_wait3A_54 = arith.constant 0 : i32
        %dma_wait3A_55 = tpu.memref_slice %arg2[%dma_wait3A_54] : memref<1600000xi32, #tpu.memory_space<hbm>> -> memref<4000xi32, #tpu.memory_space<hbm>>
        %dma_wait3A_56 = arith.constant 0 : i32
        %dma_wait3A_57 = tpu.memref_slice %arg2[%dma_wait3A_56] : memref<1600000xi32, #tpu.memory_space<hbm>> -> memref<4000xi32, #tpu.memory_space<hbm>>
        tpu.wait_dma2 semaphore(%arg16 : memref<!tpu.dma_semaphore, #tpu.memory_space<semaphore_mem>>) src(%dma_wait3A_57 : memref<4000xi32, #tpu.memory_space<hbm>>) dst(%arg9 : memref<4000xi32, #tpu.memory_space<vmem>>)
        %dma_wait3A_58 = arith.constant 0 : i32
        %dma_wait3A_59 = tpu.memref_slice %arg3[%dma_wait3A_58] : memref<1600000xi32, #tpu.memory_space<hbm>> -> memref<4000xi32, #tpu.memory_space<hbm>>
        %dma_wait3A_60 = arith.constant 0 : i32
        %dma_wait3A_61 = tpu.memref_slice %arg3[%dma_wait3A_60] : memref<1600000xi32, #tpu.memory_space<hbm>> -> memref<4000xi32, #tpu.memory_space<hbm>>
        tpu.wait_dma2 semaphore(%arg16 : memref<!tpu.dma_semaphore, #tpu.memory_space<semaphore_mem>>) src(%dma_wait3A_61 : memref<4000xi32, #tpu.memory_space<hbm>>) dst(%arg10 : memref<4000xi32, #tpu.memory_space<vmem>>)
        %dma_start3A_62 = arith.constant 0 : i32
        %dma_start3A_63 = arith.constant 0 : i32
        %dma_start3A_64 = tpu.memref_slice %arg4[%dma_start3A_62, %dma_start3A_63] : memref<100352x16xbf16, #tpu.memory_space<hbm>> -> memref<100352x16xbf16, #tpu.memory_space<hbm>>
        tpu.enqueue_indirect_dma source(%dma_start3A_64 : memref<100352x16xbf16, #tpu.memory_space<hbm>>) target(%arg11 : memref<4000x16xbf16, #tpu.memory_space<vmem>>) offsets(%arg9 : memref<4000xi32, #tpu.memory_space<vmem>>) semaphore(%arg17 : memref<!tpu.dma_semaphore, #tpu.memory_space<semaphore_mem>>)
        %add3A_65 = arith.constant 1 : i32
        %add3A_66 = arith.addi %mul3A_53, %add3A_65 : i32
        %mul3A_67 = arith.constant 100000 : i32
        %mul3A_68 = arith.muli %arg1, %mul3A_67 : i32
        %mul3A_69 = arith.constant 4000 : i32
        %mul3A_70 = arith.muli %add3A_66, %mul3A_69 : i32
        %add3A_71 = arith.addi %mul3A_68, %mul3A_70 : i32
        %dma_start3A_72 = tpu.memref_slice %arg2[%add3A_71] : memref<1600000xi32, #tpu.memory_space<hbm>> -> memref<4000xi32, #tpu.memory_space<hbm>>
        %dma_start3A_73 = tpu.memref_slice %arg2[%add3A_71] : memref<1600000xi32, #tpu.memory_space<hbm>> -> memref<4000xi32, #tpu.memory_space<hbm>>
        tpu.enqueue_dma source(%dma_start3A_73 : memref<4000xi32, #tpu.memory_space<hbm>>) target(%arg12 : memref<4000xi32, #tpu.memory_space<vmem>>) target_semaphore(%arg19 : memref<!tpu.dma_semaphore, #tpu.memory_space<semaphore_mem>>)
        %dma_start3A_74 = tpu.memref_slice %arg3[%add3A_71] : memref<1600000xi32, #tpu.memory_space<hbm>> -> memref<4000xi32, #tpu.memory_space<hbm>>
        %dma_start3A_75 = tpu.memref_slice %arg3[%add3A_71] : memref<1600000xi32, #tpu.memory_space<hbm>> -> memref<4000xi32, #tpu.memory_space<hbm>>
        tpu.enqueue_dma source(%dma_start3A_75 : memref<4000xi32, #tpu.memory_space<hbm>>) target(%arg13 : memref<4000xi32, #tpu.memory_space<vmem>>) target_semaphore(%arg19 : memref<!tpu.dma_semaphore, #tpu.memory_space<semaphore_mem>>)
        %dma_wait3A_76 = arith.constant 0 : i32
        %dma_wait3A_77 = arith.constant 0 : i32
        %dma_wait3A_78 = tpu.memref_slice %arg4[%dma_wait3A_76, %dma_wait3A_77] : memref<100352x16xbf16, #tpu.memory_space<hbm>> -> memref<100352x16xbf16, #tpu.memory_space<hbm>>
        tpu.wait_indirect_dma semaphore(%arg17 : memref<!tpu.dma_semaphore, #tpu.memory_space<semaphore_mem>>) src(%dma_wait3A_78 : memref<100352x16xbf16, #tpu.memory_space<hbm>>) dst(%arg11 : memref<4000x16xbf16, #tpu.memory_space<vmem>>)
        %dma_start3A_79 = arith.constant 0 : i32
        %dma_start3A_80 = arith.constant 0 : i32
        %dma_start3A_81 = tpu.memref_slice %arg15[%dma_start3A_79, %dma_start3A_80] : memref<100352x16xbf16, #tpu.memory_space<vmem_shared>> -> memref<100352x16xbf16, #tpu.memory_space<vmem_shared>>
        tpu.enqueue_indirect_dma source(%arg11 : memref<4000x16xbf16, #tpu.memory_space<vmem>>) target(%dma_start3A_81 : memref<100352x16xbf16, #tpu.memory_space<vmem_shared>>) offsets(%arg10 : memref<4000xi32, #tpu.memory_space<vmem>>) semaphore(%arg18 : memref<!tpu.dma_semaphore, #tpu.memory_space<semaphore_mem>>) {add = true}
        %dma_wait3A_82 = arith.constant 0 : i32
        %dma_wait3A_83 = tpu.memref_slice %arg2[%dma_wait3A_82] : memref<1600000xi32, #tpu.memory_space<hbm>> -> memref<4000xi32, #tpu.memory_space<hbm>>
        %dma_wait3A_84 = arith.constant 0 : i32
        %dma_wait3A_85 = tpu.memref_slice %arg2[%dma_wait3A_84] : memref<1600000xi32, #tpu.memory_space<hbm>> -> memref<4000xi32, #tpu.memory_space<hbm>>
        tpu.wait_dma2 semaphore(%arg19 : memref<!tpu.dma_semaphore, #tpu.memory_space<semaphore_mem>>) src(%dma_wait3A_85 : memref<4000xi32, #tpu.memory_space<hbm>>) dst(%arg12 : memref<4000xi32, #tpu.memory_space<vmem>>)
        %dma_wait3A_86 = arith.constant 0 : i32
        %dma_wait3A_87 = tpu.memref_slice %arg3[%dma_wait3A_86] : memref<1600000xi32, #tpu.memory_space<hbm>> -> memref<4000xi32, #tpu.memory_space<hbm>>
        %dma_wait3A_88 = arith.constant 0 : i32
        %dma_wait3A_89 = tpu.memref_slice %arg3[%dma_wait3A_88] : memref<1600000xi32, #tpu.memory_space<hbm>> -> memref<4000xi32, #tpu.memory_space<hbm>>
        tpu.wait_dma2 semaphore(%arg19 : memref<!tpu.dma_semaphore, #tpu.memory_space<semaphore_mem>>) src(%dma_wait3A_89 : memref<4000xi32, #tpu.memory_space<hbm>>) dst(%arg13 : memref<4000xi32, #tpu.memory_space<vmem>>)
        %dma_start3A_90 = arith.constant 0 : i32
        %dma_start3A_91 = arith.constant 0 : i32
        %dma_start3A_92 = tpu.memref_slice %arg4[%dma_start3A_90, %dma_start3A_91] : memref<100352x16xbf16, #tpu.memory_space<hbm>> -> memref<100352x16xbf16, #tpu.memory_space<hbm>>
        tpu.enqueue_indirect_dma source(%dma_start3A_92 : memref<100352x16xbf16, #tpu.memory_space<hbm>>) target(%arg14 : memref<4000x16xbf16, #tpu.memory_space<vmem>>) offsets(%arg12 : memref<4000xi32, #tpu.memory_space<vmem>>) semaphore(%arg20 : memref<!tpu.dma_semaphore, #tpu.memory_space<semaphore_mem>>)
        %dma_wait3A_93 = arith.constant 0 : i32
        %dma_wait3A_94 = arith.constant 0 : i32
        %dma_wait3A_95 = tpu.memref_slice %arg15[%dma_wait3A_93, %dma_wait3A_94] : memref<100352x16xbf16, #tpu.memory_space<vmem_shared>> -> memref<100352x16xbf16, #tpu.memory_space<vmem_shared>>
        tpu.wait_indirect_dma semaphore(%arg18 : memref<!tpu.dma_semaphore, #tpu.memory_space<semaphore_mem>>) src(%arg11 : memref<4000x16xbf16, #tpu.memory_space<vmem>>) dst(%dma_wait3A_95 : memref<100352x16xbf16, #tpu.memory_space<vmem_shared>>)
        %add3A_96 = arith.constant 2 : i32
        %add3A_97 = arith.addi %mul3A_53, %add3A_96 : i32
        %lt3A = arith.constant 25 : i32
        %lt3A_98 = arith.cmpi slt, %add3A_97, %lt3A : i32
        %convert_element_type3A_99 = arith.extui %lt3A_98 : i1 to i32
        %cond3A_100 = arith.constant 0 : i32
        %cond3A_101 = arith.cmpi ne, %convert_element_type3A_99, %cond3A_100 : i32
        scf.if %cond3A_101 {
          %add3A_111 = arith.constant 2 : i32
          %add3A_112 = arith.addi %mul3A_53, %add3A_111 : i32
          %mul3A_113 = arith.constant 100000 : i32
          %mul3A_114 = arith.muli %arg1, %mul3A_113 : i32
          %mul3A_115 = arith.constant 4000 : i32
          %mul3A_116 = arith.muli %add3A_112, %mul3A_115 : i32
          %add3A_117 = arith.addi %mul3A_114, %mul3A_116 : i32
          %dma_start3A_118 = tpu.memref_slice %arg2[%add3A_117] : memref<1600000xi32, #tpu.memory_space<hbm>> -> memref<4000xi32, #tpu.memory_space<hbm>>
          %dma_start3A_119 = tpu.memref_slice %arg2[%add3A_117] : memref<1600000xi32, #tpu.memory_space<hbm>> -> memref<4000xi32, #tpu.memory_space<hbm>>
          tpu.enqueue_dma source(%dma_start3A_119 : memref<4000xi32, #tpu.memory_space<hbm>>) target(%arg9 : memref<4000xi32, #tpu.memory_space<vmem>>) target_semaphore(%arg16 : memref<!tpu.dma_semaphore, #tpu.memory_space<semaphore_mem>>)
          %dma_start3A_120 = tpu.memref_slice %arg3[%add3A_117] : memref<1600000xi32, #tpu.memory_space<hbm>> -> memref<4000xi32, #tpu.memory_space<hbm>>
          %dma_start3A_121 = tpu.memref_slice %arg3[%add3A_117] : memref<1600000xi32, #tpu.memory_space<hbm>> -> memref<4000xi32, #tpu.memory_space<hbm>>
          tpu.enqueue_dma source(%dma_start3A_121 : memref<4000xi32, #tpu.memory_space<hbm>>) target(%arg10 : memref<4000xi32, #tpu.memory_space<vmem>>) target_semaphore(%arg16 : memref<!tpu.dma_semaphore, #tpu.memory_space<semaphore_mem>>)
        } else {
        }
        %dma_wait3A_102 = arith.constant 0 : i32
        %dma_wait3A_103 = arith.constant 0 : i32
        %dma_wait3A_104 = tpu.memref_slice %arg4[%dma_wait3A_102, %dma_wait3A_103] : memref<100352x16xbf16, #tpu.memory_space<hbm>> -> memref<100352x16xbf16, #tpu.memory_space<hbm>>
        tpu.wait_indirect_dma semaphore(%arg20 : memref<!tpu.dma_semaphore, #tpu.memory_space<semaphore_mem>>) src(%dma_wait3A_104 : memref<100352x16xbf16, #tpu.memory_space<hbm>>) dst(%arg14 : memref<4000x16xbf16, #tpu.memory_space<vmem>>)
        %dma_start3A_105 = arith.constant 0 : i32
        %dma_start3A_106 = arith.constant 0 : i32
        %dma_start3A_107 = tpu.memref_slice %arg15[%dma_start3A_105, %dma_start3A_106] : memref<100352x16xbf16, #tpu.memory_space<vmem_shared>> -> memref<100352x16xbf16, #tpu.memory_space<vmem_shared>>
        tpu.enqueue_indirect_dma source(%arg14 : memref<4000x16xbf16, #tpu.memory_space<vmem>>) target(%dma_start3A_107 : memref<100352x16xbf16, #tpu.memory_space<vmem_shared>>) offsets(%arg13 : memref<4000xi32, #tpu.memory_space<vmem>>) semaphore(%arg21 : memref<!tpu.dma_semaphore, #tpu.memory_space<semaphore_mem>>) {add = true}
        %dma_wait3A_108 = arith.constant 0 : i32
        %dma_wait3A_109 = arith.constant 0 : i32
        %dma_wait3A_110 = tpu.memref_slice %arg15[%dma_wait3A_108, %dma_wait3A_109] : memref<100352x16xbf16, #tpu.memory_space<vmem_shared>> -> memref<100352x16xbf16, #tpu.memory_space<vmem_shared>>
        tpu.wait_indirect_dma semaphore(%arg21 : memref<!tpu.dma_semaphore, #tpu.memory_space<semaphore_mem>>) src(%arg14 : memref<4000x16xbf16, #tpu.memory_space<vmem>>) dst(%dma_wait3A_110 : memref<100352x16xbf16, #tpu.memory_space<vmem_shared>>)
      }
      %scan3A_31 = arith.constant 12 : i32
      %dma_wait3A = arith.constant 0 : i32
      %dma_wait3A_32 = tpu.memref_slice %arg2[%dma_wait3A] : memref<1600000xi32, #tpu.memory_space<hbm>> -> memref<4000xi32, #tpu.memory_space<hbm>>
      %dma_wait3A_33 = arith.constant 0 : i32
      %dma_wait3A_34 = tpu.memref_slice %arg2[%dma_wait3A_33] : memref<1600000xi32, #tpu.memory_space<hbm>> -> memref<4000xi32, #tpu.memory_space<hbm>>
      tpu.wait_dma2 semaphore(%arg16 : memref<!tpu.dma_semaphore, #tpu.memory_space<semaphore_mem>>) src(%dma_wait3A_34 : memref<4000xi32, #tpu.memory_space<hbm>>) dst(%arg9 : memref<4000xi32, #tpu.memory_space<vmem>>)
      %dma_wait3A_35 = arith.constant 0 : i32
      %dma_wait3A_36 = tpu.memref_slice %arg3[%dma_wait3A_35] : memref<1600000xi32, #tpu.memory_space<hbm>> -> memref<4000xi32, #tpu.memory_space<hbm>>
      %dma_wait3A_37 = arith.constant 0 : i32
      %dma_wait3A_38 = tpu.memref_slice %arg3[%dma_wait3A_37] : memref<1600000xi32, #tpu.memory_space<hbm>> -> memref<4000xi32, #tpu.memory_space<hbm>>
      tpu.wait_dma2 semaphore(%arg16 : memref<!tpu.dma_semaphore, #tpu.memory_space<semaphore_mem>>) src(%dma_wait3A_38 : memref<4000xi32, #tpu.memory_space<hbm>>) dst(%arg10 : memref<4000xi32, #tpu.memory_space<vmem>>)
      %dma_start3A_39 = arith.constant 0 : i32
      %dma_start3A_40 = arith.constant 0 : i32
      %dma_start3A_41 = tpu.memref_slice %arg4[%dma_start3A_39, %dma_start3A_40] : memref<100352x16xbf16, #tpu.memory_space<hbm>> -> memref<100352x16xbf16, #tpu.memory_space<hbm>>
      tpu.enqueue_indirect_dma source(%dma_start3A_41 : memref<100352x16xbf16, #tpu.memory_space<hbm>>) target(%arg11 : memref<4000x16xbf16, #tpu.memory_space<vmem>>) offsets(%arg9 : memref<4000xi32, #tpu.memory_space<vmem>>) semaphore(%arg17 : memref<!tpu.dma_semaphore, #tpu.memory_space<semaphore_mem>>)
      %dma_wait3A_42 = arith.constant 0 : i32
      %dma_wait3A_43 = arith.constant 0 : i32
      %dma_wait3A_44 = tpu.memref_slice %arg4[%dma_wait3A_42, %dma_wait3A_43] : memref<100352x16xbf16, #tpu.memory_space<hbm>> -> memref<100352x16xbf16, #tpu.memory_space<hbm>>
      tpu.wait_indirect_dma semaphore(%arg17 : memref<!tpu.dma_semaphore, #tpu.memory_space<semaphore_mem>>) src(%dma_wait3A_44 : memref<100352x16xbf16, #tpu.memory_space<hbm>>) dst(%arg11 : memref<4000x16xbf16, #tpu.memory_space<vmem>>)
      %dma_start3A_45 = arith.constant 0 : i32
      %dma_start3A_46 = arith.constant 0 : i32
      %dma_start3A_47 = tpu.memref_slice %arg15[%dma_start3A_45, %dma_start3A_46] : memref<100352x16xbf16, #tpu.memory_space<vmem_shared>> -> memref<100352x16xbf16, #tpu.memory_space<vmem_shared>>
      tpu.enqueue_indirect_dma source(%arg11 : memref<4000x16xbf16, #tpu.memory_space<vmem>>) target(%dma_start3A_47 : memref<100352x16xbf16, #tpu.memory_space<vmem_shared>>) offsets(%arg10 : memref<4000xi32, #tpu.memory_space<vmem>>) semaphore(%arg18 : memref<!tpu.dma_semaphore, #tpu.memory_space<semaphore_mem>>) {add = true}
      %dma_wait3A_48 = arith.constant 0 : i32
      %dma_wait3A_49 = arith.constant 0 : i32
      %dma_wait3A_50 = tpu.memref_slice %arg15[%dma_wait3A_48, %dma_wait3A_49] : memref<100352x16xbf16, #tpu.memory_space<vmem_shared>> -> memref<100352x16xbf16, #tpu.memory_space<vmem_shared>>
      tpu.wait_indirect_dma semaphore(%arg18 : memref<!tpu.dma_semaphore, #tpu.memory_space<semaphore_mem>>) src(%arg11 : memref<4000x16xbf16, #tpu.memory_space<vmem>>) dst(%dma_wait3A_50 : memref<100352x16xbf16, #tpu.memory_space<vmem_shared>>)
    } else {
    }
    %eq3A_5 = arith.constant 1 : i32
    %eq3A_6 = arith.cmpi eq, %arg0, %eq3A_5 : i32
    %convert_element_type3A_7 = arith.extui %eq3A_6 : i1 to i32
    %cond3A_8 = arith.constant 0 : i32
    %cond3A_9 = arith.cmpi ne, %convert_element_type3A_7, %cond3A_8 : i32
    scf.if %cond3A_9 {
      %mul3A_21 = arith.constant 100000 : i32
      %mul3A_22 = arith.muli %arg1, %mul3A_21 : i32
      %add3A = arith.constant 0 : i32
      %add3A_23 = arith.addi %mul3A_22, %add3A : i32
      %dma_start3A = tpu.memref_slice %arg2[%add3A_23] : memref<1600000xi32, #tpu.memory_space<hbm>> -> memref<4000xi32, #tpu.memory_space<hbm>>
      %dma_start3A_24 = tpu.memref_slice %arg2[%add3A_23] : memref<1600000xi32, #tpu.memory_space<hbm>> -> memref<4000xi32, #tpu.memory_space<hbm>>
      tpu.enqueue_dma source(%dma_start3A_24 : memref<4000xi32, #tpu.memory_space<hbm>>) target(%arg9 : memref<4000xi32, #tpu.memory_space<vmem>>) target_semaphore(%arg16 : memref<!tpu.dma_semaphore, #tpu.memory_space<semaphore_mem>>)
      %dma_start3A_25 = tpu.memref_slice %arg3[%add3A_23] : memref<1600000xi32, #tpu.memory_space<hbm>> -> memref<4000xi32, #tpu.memory_space<hbm>>
      %dma_start3A_26 = tpu.memref_slice %arg3[%add3A_23] : memref<1600000xi32, #tpu.memory_space<hbm>> -> memref<4000xi32, #tpu.memory_space<hbm>>
      tpu.enqueue_dma source(%dma_start3A_26 : memref<4000xi32, #tpu.memory_space<hbm>>) target(%arg10 : memref<4000xi32, #tpu.memory_space<vmem>>) target_semaphore(%arg16 : memref<!tpu.dma_semaphore, #tpu.memory_space<semaphore_mem>>)
      %scan3A = arith.constant 0 : i32
      %scan3A_27 = arith.constant 0 : i32
      %scan3A_28 = arith.constant 12 : i32
      %scan3A_29 = arith.addi %scan3A_27, %scan3A_28 : i32
      %scan3A_30 = arith.constant 1 : i32
      scf.for %scan3A_51 = %scan3A_27 to %scan3A_29 step %scan3A_30  : i32 {
        %mul3A_52 = arith.constant 2 : i32
        %mul3A_53 = arith.muli %mul3A_52, %scan3A_51 : i32
        %dma_wait3A_54 = arith.constant 0 : i32
        %dma_wait3A_55 = tpu.memref_slice %arg2[%dma_wait3A_54] : memref<1600000xi32, #tpu.memory_space<hbm>> -> memref<4000xi32, #tpu.memory_space<hbm>>
        %dma_wait3A_56 = arith.constant 0 : i32
        %dma_wait3A_57 = tpu.memref_slice %arg2[%dma_wait3A_56] : memref<1600000xi32, #tpu.memory_space<hbm>> -> memref<4000xi32, #tpu.memory_space<hbm>>
        tpu.wait_dma2 semaphore(%arg16 : memref<!tpu.dma_semaphore, #tpu.memory_space<semaphore_mem>>) src(%dma_wait3A_57 : memref<4000xi32, #tpu.memory_space<hbm>>) dst(%arg9 : memref<4000xi32, #tpu.memory_space<vmem>>)
        %dma_wait3A_58 = arith.constant 0 : i32
        %dma_wait3A_59 = tpu.memref_slice %arg3[%dma_wait3A_58] : memref<1600000xi32, #tpu.memory_space<hbm>> -> memref<4000xi32, #tpu.memory_space<hbm>>
        %dma_wait3A_60 = arith.constant 0 : i32
        %dma_wait3A_61 = tpu.memref_slice %arg3[%dma_wait3A_60] : memref<1600000xi32, #tpu.memory_space<hbm>> -> memref<4000xi32, #tpu.memory_space<hbm>>
        tpu.wait_dma2 semaphore(%arg16 : memref<!tpu.dma_semaphore, #tpu.memory_space<semaphore_mem>>) src(%dma_wait3A_61 : memref<4000xi32, #tpu.memory_space<hbm>>) dst(%arg10 : memref<4000xi32, #tpu.memory_space<vmem>>)
        %dma_start3A_62 = arith.constant 0 : i32
        %dma_start3A_63 = arith.constant 0 : i32
        %dma_start3A_64 = tpu.memref_slice %arg5[%dma_start3A_62, %dma_start3A_63] : memref<100352x16xbf16, #tpu.memory_space<hbm>> -> memref<100352x16xbf16, #tpu.memory_space<hbm>>
        tpu.enqueue_indirect_dma source(%dma_start3A_64 : memref<100352x16xbf16, #tpu.memory_space<hbm>>) target(%arg11 : memref<4000x16xbf16, #tpu.memory_space<vmem>>) offsets(%arg9 : memref<4000xi32, #tpu.memory_space<vmem>>) semaphore(%arg17 : memref<!tpu.dma_semaphore, #tpu.memory_space<semaphore_mem>>)
        %add3A_65 = arith.constant 1 : i32
        %add3A_66 = arith.addi %mul3A_53, %add3A_65 : i32
        %mul3A_67 = arith.constant 100000 : i32
        %mul3A_68 = arith.muli %arg1, %mul3A_67 : i32
        %mul3A_69 = arith.constant 4000 : i32
        %mul3A_70 = arith.muli %add3A_66, %mul3A_69 : i32
        %add3A_71 = arith.addi %mul3A_68, %mul3A_70 : i32
        %dma_start3A_72 = tpu.memref_slice %arg2[%add3A_71] : memref<1600000xi32, #tpu.memory_space<hbm>> -> memref<4000xi32, #tpu.memory_space<hbm>>
        %dma_start3A_73 = tpu.memref_slice %arg2[%add3A_71] : memref<1600000xi32, #tpu.memory_space<hbm>> -> memref<4000xi32, #tpu.memory_space<hbm>>
        tpu.enqueue_dma source(%dma_start3A_73 : memref<4000xi32, #tpu.memory_space<hbm>>) target(%arg12 : memref<4000xi32, #tpu.memory_space<vmem>>) target_semaphore(%arg19 : memref<!tpu.dma_semaphore, #tpu.memory_space<semaphore_mem>>)
        %dma_start3A_74 = tpu.memref_slice %arg3[%add3A_71] : memref<1600000xi32, #tpu.memory_space<hbm>> -> memref<4000xi32, #tpu.memory_space<hbm>>
        %dma_start3A_75 = tpu.memref_slice %arg3[%add3A_71] : memref<1600000xi32, #tpu.memory_space<hbm>> -> memref<4000xi32, #tpu.memory_space<hbm>>
        tpu.enqueue_dma source(%dma_start3A_75 : memref<4000xi32, #tpu.memory_space<hbm>>) target(%arg13 : memref<4000xi32, #tpu.memory_space<vmem>>) target_semaphore(%arg19 : memref<!tpu.dma_semaphore, #tpu.memory_space<semaphore_mem>>)
        %dma_wait3A_76 = arith.constant 0 : i32
        %dma_wait3A_77 = arith.constant 0 : i32
        %dma_wait3A_78 = tpu.memref_slice %arg5[%dma_wait3A_76, %dma_wait3A_77] : memref<100352x16xbf16, #tpu.memory_space<hbm>> -> memref<100352x16xbf16, #tpu.memory_space<hbm>>
        tpu.wait_indirect_dma semaphore(%arg17 : memref<!tpu.dma_semaphore, #tpu.memory_space<semaphore_mem>>) src(%dma_wait3A_78 : memref<100352x16xbf16, #tpu.memory_space<hbm>>) dst(%arg11 : memref<4000x16xbf16, #tpu.memory_space<vmem>>)
        %dma_start3A_79 = arith.constant 0 : i32
        %dma_start3A_80 = arith.constant 0 : i32
        %dma_start3A_81 = tpu.memref_slice %arg15[%dma_start3A_79, %dma_start3A_80] : memref<100352x16xbf16, #tpu.memory_space<vmem_shared>> -> memref<100352x16xbf16, #tpu.memory_space<vmem_shared>>
        tpu.enqueue_indirect_dma source(%arg11 : memref<4000x16xbf16, #tpu.memory_space<vmem>>) target(%dma_start3A_81 : memref<100352x16xbf16, #tpu.memory_space<vmem_shared>>) offsets(%arg10 : memref<4000xi32, #tpu.memory_space<vmem>>) semaphore(%arg18 : memref<!tpu.dma_semaphore, #tpu.memory_space<semaphore_mem>>) {add = true}
        %dma_wait3A_82 = arith.constant 0 : i32
        %dma_wait3A_83 = tpu.memref_slice %arg2[%dma_wait3A_82] : memref<1600000xi32, #tpu.memory_space<hbm>> -> memref<4000xi32, #tpu.memory_space<hbm>>
        %dma_wait3A_84 = arith.constant 0 : i32
        %dma_wait3A_85 = tpu.memref_slice %arg2[%dma_wait3A_84] : memref<1600000xi32, #tpu.memory_space<hbm>> -> memref<4000xi32, #tpu.memory_space<hbm>>
        tpu.wait_dma2 semaphore(%arg19 : memref<!tpu.dma_semaphore, #tpu.memory_space<semaphore_mem>>) src(%dma_wait3A_85 : memref<4000xi32, #tpu.memory_space<hbm>>) dst(%arg12 : memref<4000xi32, #tpu.memory_space<vmem>>)
        %dma_wait3A_86 = arith.constant 0 : i32
        %dma_wait3A_87 = tpu.memref_slice %arg3[%dma_wait3A_86] : memref<1600000xi32, #tpu.memory_space<hbm>> -> memref<4000xi32, #tpu.memory_space<hbm>>
        %dma_wait3A_88 = arith.constant 0 : i32
        %dma_wait3A_89 = tpu.memref_slice %arg3[%dma_wait3A_88] : memref<1600000xi32, #tpu.memory_space<hbm>> -> memref<4000xi32, #tpu.memory_space<hbm>>
        tpu.wait_dma2 semaphore(%arg19 : memref<!tpu.dma_semaphore, #tpu.memory_space<semaphore_mem>>) src(%dma_wait3A_89 : memref<4000xi32, #tpu.memory_space<hbm>>) dst(%arg13 : memref<4000xi32, #tpu.memory_space<vmem>>)
        %dma_start3A_90 = arith.constant 0 : i32
        %dma_start3A_91 = arith.constant 0 : i32
        %dma_start3A_92 = tpu.memref_slice %arg5[%dma_start3A_90, %dma_start3A_91] : memref<100352x16xbf16, #tpu.memory_space<hbm>> -> memref<100352x16xbf16, #tpu.memory_space<hbm>>
        tpu.enqueue_indirect_dma source(%dma_start3A_92 : memref<100352x16xbf16, #tpu.memory_space<hbm>>) target(%arg14 : memref<4000x16xbf16, #tpu.memory_space<vmem>>) offsets(%arg12 : memref<4000xi32, #tpu.memory_space<vmem>>) semaphore(%arg20 : memref<!tpu.dma_semaphore, #tpu.memory_space<semaphore_mem>>)
        %dma_wait3A_93 = arith.constant 0 : i32
        %dma_wait3A_94 = arith.constant 0 : i32
        %dma_wait3A_95 = tpu.memref_slice %arg15[%dma_wait3A_93, %dma_wait3A_94] : memref<100352x16xbf16, #tpu.memory_space<vmem_shared>> -> memref<100352x16xbf16, #tpu.memory_space<vmem_shared>>
        tpu.wait_indirect_dma semaphore(%arg18 : memref<!tpu.dma_semaphore, #tpu.memory_space<semaphore_mem>>) src(%arg11 : memref<4000x16xbf16, #tpu.memory_space<vmem>>) dst(%dma_wait3A_95 : memref<100352x16xbf16, #tpu.memory_space<vmem_shared>>)
        %add3A_96 = arith.constant 2 : i32
        %add3A_97 = arith.addi %mul3A_53, %add3A_96 : i32
        %lt3A = arith.constant 25 : i32
        %lt3A_98 = arith.cmpi slt, %add3A_97, %lt3A : i32
        %convert_element_type3A_99 = arith.extui %lt3A_98 : i1 to i32
        %cond3A_100 = arith.constant 0 : i32
        %cond3A_101 = arith.cmpi ne, %convert_element_type3A_99, %cond3A_100 : i32
        scf.if %cond3A_101 {
          %add3A_111 = arith.constant 2 : i32
          %add3A_112 = arith.addi %mul3A_53, %add3A_111 : i32
          %mul3A_113 = arith.constant 100000 : i32
          %mul3A_114 = arith.muli %arg1, %mul3A_113 : i32
          %mul3A_115 = arith.constant 4000 : i32
          %mul3A_116 = arith.muli %add3A_112, %mul3A_115 : i32
          %add3A_117 = arith.addi %mul3A_114, %mul3A_116 : i32
          %dma_start3A_118 = tpu.memref_slice %arg2[%add3A_117] : memref<1600000xi32, #tpu.memory_space<hbm>> -> memref<4000xi32, #tpu.memory_space<hbm>>
          %dma_start3A_119 = tpu.memref_slice %arg2[%add3A_117] : memref<1600000xi32, #tpu.memory_space<hbm>> -> memref<4000xi32, #tpu.memory_space<hbm>>
          tpu.enqueue_dma source(%dma_start3A_119 : memref<4000xi32, #tpu.memory_space<hbm>>) target(%arg9 : memref<4000xi32, #tpu.memory_space<vmem>>) target_semaphore(%arg16 : memref<!tpu.dma_semaphore, #tpu.memory_space<semaphore_mem>>)
          %dma_start3A_120 = tpu.memref_slice %arg3[%add3A_117] : memref<1600000xi32, #tpu.memory_space<hbm>> -> memref<4000xi32, #tpu.memory_space<hbm>>
          %dma_start3A_121 = tpu.memref_slice %arg3[%add3A_117] : memref<1600000xi32, #tpu.memory_space<hbm>> -> memref<4000xi32, #tpu.memory_space<hbm>>
          tpu.enqueue_dma source(%dma_start3A_121 : memref<4000xi32, #tpu.memory_space<hbm>>) target(%arg10 : memref<4000xi32, #tpu.memory_space<vmem>>) target_semaphore(%arg16 : memref<!tpu.dma_semaphore, #tpu.memory_space<semaphore_mem>>)
        } else {
        }
        %dma_wait3A_102 = arith.constant 0 : i32
        %dma_wait3A_103 = arith.constant 0 : i32
        %dma_wait3A_104 = tpu.memref_slice %arg5[%dma_wait3A_102, %dma_wait3A_103] : memref<100352x16xbf16, #tpu.memory_space<hbm>> -> memref<100352x16xbf16, #tpu.memory_space<hbm>>
        tpu.wait_indirect_dma semaphore(%arg20 : memref<!tpu.dma_semaphore, #tpu.memory_space<semaphore_mem>>) src(%dma_wait3A_104 : memref<100352x16xbf16, #tpu.memory_space<hbm>>) dst(%arg14 : memref<4000x16xbf16, #tpu.memory_space<vmem>>)
        %dma_start3A_105 = arith.constant 0 : i32
        %dma_start3A_106 = arith.constant 0 : i32
        %dma_start3A_107 = tpu.memref_slice %arg15[%dma_start3A_105, %dma_start3A_106] : memref<100352x16xbf16, #tpu.memory_space<vmem_shared>> -> memref<100352x16xbf16, #tpu.memory_space<vmem_shared>>
        tpu.enqueue_indirect_dma source(%arg14 : memref<4000x16xbf16, #tpu.memory_space<vmem>>) target(%dma_start3A_107 : memref<100352x16xbf16, #tpu.memory_space<vmem_shared>>) offsets(%arg13 : memref<4000xi32, #tpu.memory_space<vmem>>) semaphore(%arg21 : memref<!tpu.dma_semaphore, #tpu.memory_space<semaphore_mem>>) {add = true}
        %dma_wait3A_108 = arith.constant 0 : i32
        %dma_wait3A_109 = arith.constant 0 : i32
        %dma_wait3A_110 = tpu.memref_slice %arg15[%dma_wait3A_108, %dma_wait3A_109] : memref<100352x16xbf16, #tpu.memory_space<vmem_shared>> -> memref<100352x16xbf16, #tpu.memory_space<vmem_shared>>
        tpu.wait_indirect_dma semaphore(%arg21 : memref<!tpu.dma_semaphore, #tpu.memory_space<semaphore_mem>>) src(%arg14 : memref<4000x16xbf16, #tpu.memory_space<vmem>>) dst(%dma_wait3A_110 : memref<100352x16xbf16, #tpu.memory_space<vmem_shared>>)
      }
      %scan3A_31 = arith.constant 12 : i32
      %dma_wait3A = arith.constant 0 : i32
      %dma_wait3A_32 = tpu.memref_slice %arg2[%dma_wait3A] : memref<1600000xi32, #tpu.memory_space<hbm>> -> memref<4000xi32, #tpu.memory_space<hbm>>
      %dma_wait3A_33 = arith.constant 0 : i32
      %dma_wait3A_34 = tpu.memref_slice %arg2[%dma_wait3A_33] : memref<1600000xi32, #tpu.memory_space<hbm>> -> memref<4000xi32, #tpu.memory_space<hbm>>
      tpu.wait_dma2 semaphore(%arg16 : memref<!tpu.dma_semaphore, #tpu.memory_space<semaphore_mem>>) src(%dma_wait3A_34 : memref<4000xi32, #tpu.memory_space<hbm>>) dst(%arg9 : memref<4000xi32, #tpu.memory_space<vmem>>)
      %dma_wait3A_35 = arith.constant 0 : i32
      %dma_wait3A_36 = tpu.memref_slice %arg3[%dma_wait3A_35] : memref<1600000xi32, #tpu.memory_space<hbm>> -> memref<4000xi32, #tpu.memory_space<hbm>>
      %dma_wait3A_37 = arith.constant 0 : i32
      %dma_wait3A_38 = tpu.memref_slice %arg3[%dma_wait3A_37] : memref<1600000xi32, #tpu.memory_space<hbm>> -> memref<4000xi32, #tpu.memory_space<hbm>>
      tpu.wait_dma2 semaphore(%arg16 : memref<!tpu.dma_semaphore, #tpu.memory_space<semaphore_mem>>) src(%dma_wait3A_38 : memref<4000xi32, #tpu.memory_space<hbm>>) dst(%arg10 : memref<4000xi32, #tpu.memory_space<vmem>>)
      %dma_start3A_39 = arith.constant 0 : i32
      %dma_start3A_40 = arith.constant 0 : i32
      %dma_start3A_41 = tpu.memref_slice %arg5[%dma_start3A_39, %dma_start3A_40] : memref<100352x16xbf16, #tpu.memory_space<hbm>> -> memref<100352x16xbf16, #tpu.memory_space<hbm>>
      tpu.enqueue_indirect_dma source(%dma_start3A_41 : memref<100352x16xbf16, #tpu.memory_space<hbm>>) target(%arg11 : memref<4000x16xbf16, #tpu.memory_space<vmem>>) offsets(%arg9 : memref<4000xi32, #tpu.memory_space<vmem>>) semaphore(%arg17 : memref<!tpu.dma_semaphore, #tpu.memory_space<semaphore_mem>>)
      %dma_wait3A_42 = arith.constant 0 : i32
      %dma_wait3A_43 = arith.constant 0 : i32
      %dma_wait3A_44 = tpu.memref_slice %arg5[%dma_wait3A_42, %dma_wait3A_43] : memref<100352x16xbf16, #tpu.memory_space<hbm>> -> memref<100352x16xbf16, #tpu.memory_space<hbm>>
      tpu.wait_indirect_dma semaphore(%arg17 : memref<!tpu.dma_semaphore, #tpu.memory_space<semaphore_mem>>) src(%dma_wait3A_44 : memref<100352x16xbf16, #tpu.memory_space<hbm>>) dst(%arg11 : memref<4000x16xbf16, #tpu.memory_space<vmem>>)
      %dma_start3A_45 = arith.constant 0 : i32
      %dma_start3A_46 = arith.constant 0 : i32
      %dma_start3A_47 = tpu.memref_slice %arg15[%dma_start3A_45, %dma_start3A_46] : memref<100352x16xbf16, #tpu.memory_space<vmem_shared>> -> memref<100352x16xbf16, #tpu.memory_space<vmem_shared>>
      tpu.enqueue_indirect_dma source(%arg11 : memref<4000x16xbf16, #tpu.memory_space<vmem>>) target(%dma_start3A_47 : memref<100352x16xbf16, #tpu.memory_space<vmem_shared>>) offsets(%arg10 : memref<4000xi32, #tpu.memory_space<vmem>>) semaphore(%arg18 : memref<!tpu.dma_semaphore, #tpu.memory_space<semaphore_mem>>) {add = true}
      %dma_wait3A_48 = arith.constant 0 : i32
      %dma_wait3A_49 = arith.constant 0 : i32
      %dma_wait3A_50 = tpu.memref_slice %arg15[%dma_wait3A_48, %dma_wait3A_49] : memref<100352x16xbf16, #tpu.memory_space<vmem_shared>> -> memref<100352x16xbf16, #tpu.memory_space<vmem_shared>>
      tpu.wait_indirect_dma semaphore(%arg18 : memref<!tpu.dma_semaphore, #tpu.memory_space<semaphore_mem>>) src(%arg11 : memref<4000x16xbf16, #tpu.memory_space<vmem>>) dst(%dma_wait3A_50 : memref<100352x16xbf16, #tpu.memory_space<vmem_shared>>)
    } else {
    }
    %barrier3A_10 = arith.constant 0 : index
    tpu.barrier barrier_id(%barrier3A_10)
    %eq3A_11 = arith.constant 0 : i32
    %eq3A_12 = arith.cmpi eq, %arg0, %eq3A_11 : i32
    %convert_element_type3A_13 = arith.extui %eq3A_12 : i1 to i32
    %cond3A_14 = arith.constant 0 : i32
    %cond3A_15 = arith.cmpi ne, %convert_element_type3A_13, %cond3A_14 : i32
    scf.if %cond3A_15 {
      %mul3A_21 = arith.constant 6272 : i32
      %mul3A_22 = arith.muli %arg1, %mul3A_21 : i32
      %mul3A_23 = arith.constant 6272 : i32
      %mul3A_24 = arith.muli %arg1, %mul3A_23 : i32
      "tpu.region"() ({
        %run_scoped3A = tpu.sem_alloc : memref<!tpu.dma_semaphore, #tpu.memory_space<semaphore_mem>>
        %dma_start3A = arith.constant 0 : i32
        %dma_start3A_25 = tpu.memref_slice %arg7[%mul3A_24, %dma_start3A] : memref<100352x16xbf16, #tpu.memory_space<hbm>> -> memref<6272x16xbf16, #tpu.memory_space<hbm>>
        %dma_start3A_26 = arith.constant 0 : i32
        %dma_start3A_27 = tpu.memref_slice %arg15[%mul3A_22, %dma_start3A_26] : memref<100352x16xbf16, #tpu.memory_space<vmem_shared>> -> memref<6272x16xbf16, #tpu.memory_space<vmem_shared>>
        tpu.enqueue_dma source(%dma_start3A_27 : memref<6272x16xbf16, #tpu.memory_space<vmem_shared>>) target(%dma_start3A_25 : memref<6272x16xbf16, #tpu.memory_space<hbm>>) target_semaphore(%run_scoped3A : memref<!tpu.dma_semaphore, #tpu.memory_space<semaphore_mem>>)
        %dma_wait3A = arith.constant 0 : i32
        %dma_wait3A_28 = tpu.memref_slice %arg7[%mul3A_24, %dma_wait3A] : memref<100352x16xbf16, #tpu.memory_space<hbm>> -> memref<6272x16xbf16, #tpu.memory_space<hbm>>
        %dma_wait3A_29 = arith.constant 0 : i32
        %dma_wait3A_30 = tpu.memref_slice %arg15[%mul3A_22, %dma_wait3A_29] : memref<100352x16xbf16, #tpu.memory_space<vmem_shared>> -> memref<6272x16xbf16, #tpu.memory_space<vmem_shared>>
        tpu.wait_dma2 semaphore(%run_scoped3A : memref<!tpu.dma_semaphore, #tpu.memory_space<semaphore_mem>>) src(%dma_wait3A_30 : memref<6272x16xbf16, #tpu.memory_space<vmem_shared>>) dst(%dma_wait3A_28 : memref<6272x16xbf16, #tpu.memory_space<hbm>>)
        tpu.yield
      }) : () -> ()
    } else {
    }
    %eq3A_16 = arith.constant 1 : i32
    %eq3A_17 = arith.cmpi eq, %arg0, %eq3A_16 : i32
    %convert_element_type3A_18 = arith.extui %eq3A_17 : i1 to i32
    %cond3A_19 = arith.constant 0 : i32
    %cond3A_20 = arith.cmpi ne, %convert_element_type3A_18, %cond3A_19 : i32
    scf.if %cond3A_20 {
      %mul3A_21 = arith.constant 6272 : i32
      %mul3A_22 = arith.muli %arg1, %mul3A_21 : i32
      %mul3A_23 = arith.constant 6272 : i32
      %mul3A_24 = arith.muli %arg1, %mul3A_23 : i32
      "tpu.region"() ({
        %run_scoped3A = tpu.sem_alloc : memref<!tpu.dma_semaphore, #tpu.memory_space<semaphore_mem>>
        %dma_start3A = arith.constant 0 : i32
        %dma_start3A_25 = tpu.memref_slice %arg8[%mul3A_24, %dma_start3A] : memref<100352x16xbf16, #tpu.memory_space<hbm>> -> memref<6272x16xbf16, #tpu.memory_space<hbm>>
        %dma_start3A_26 = arith.constant 0 : i32
        %dma_start3A_27 = tpu.memref_slice %arg15[%mul3A_22, %dma_start3A_26] : memref<100352x16xbf16, #tpu.memory_space<vmem_shared>> -> memref<6272x16xbf16, #tpu.memory_space<vmem_shared>>
        tpu.enqueue_dma source(%dma_start3A_27 : memref<6272x16xbf16, #tpu.memory_space<vmem_shared>>) target(%dma_start3A_25 : memref<6272x16xbf16, #tpu.memory_space<hbm>>) target_semaphore(%run_scoped3A : memref<!tpu.dma_semaphore, #tpu.memory_space<semaphore_mem>>)
        %dma_wait3A = arith.constant 0 : i32
        %dma_wait3A_28 = tpu.memref_slice %arg8[%mul3A_24, %dma_wait3A] : memref<100352x16xbf16, #tpu.memory_space<hbm>> -> memref<6272x16xbf16, #tpu.memory_space<hbm>>
        %dma_wait3A_29 = arith.constant 0 : i32
        %dma_wait3A_30 = tpu.memref_slice %arg15[%mul3A_22, %dma_wait3A_29] : memref<100352x16xbf16, #tpu.memory_space<vmem_shared>> -> memref<6272x16xbf16, #tpu.memory_space<vmem_shared>>
        tpu.wait_dma2 semaphore(%run_scoped3A : memref<!tpu.dma_semaphore, #tpu.memory_space<semaphore_mem>>) src(%dma_wait3A_30 : memref<6272x16xbf16, #tpu.memory_space<vmem_shared>>) dst(%dma_wait3A_28 : memref<6272x16xbf16, #tpu.memory_space<hbm>>)
        tpu.yield
      }) : () -> ()
    } else {
    }
    return
  }
}

#map = affine_map<(d0, d1) -> (0)>
module attributes {stable_mosaic.version = 14 : i64} {
  func.func @_a_body(%arg0: i32, %arg1: i32, %arg2: memref<1600000xi32, #tpu.memory_space<hbm>>, %arg3: memref<1600000xi32, #tpu.memory_space<hbm>>, %arg4: memref<32xf32, #tpu.memory_space<hbm>>, %arg5: memref<32xf32, #tpu.memory_space<hbm>>, %arg6: memref<32xf32, #tpu.memory_space<hbm>>, %arg7: memref<32xf32, #tpu.memory_space<hbm>>, %arg8: memref<5000xf32, #tpu.memory_space<hbm>>, %arg9: memref<100352xf32, #tpu.memory_space<hbm>>, %arg10: memref<1605632xbf16, #tpu.memory_space<hbm>>, %arg11: memref<1605632xbf16, #tpu.memory_space<hbm>>, %arg12: memref<100352xf32, #tpu.memory_space<hbm>>, %arg13: memref<5000xi32, #tpu.memory_space<vmem>>, %arg14: memref<5000xi32, #tpu.memory_space<vmem>>, %arg15: memref<5000xf32, #tpu.memory_space<vmem>>, %arg16: memref<5000xi32, #tpu.memory_space<vmem>>, %arg17: memref<5000xi32, #tpu.memory_space<vmem>>, %arg18: memref<5000xf32, #tpu.memory_space<vmem>>, %arg19: memref<5000xf32, #tpu.memory_space<vmem>>, %arg20: memref<6272xf32, #tpu.memory_space<vmem>>, %arg21: memref<6272xf32, #tpu.memory_space<vmem>>, %arg22: memref<6272xf32, #tpu.memory_space<vmem>>, %arg23: memref<6272xf32, #tpu.memory_space<vmem>>, %arg24: memref<6272xf32, #tpu.memory_space<vmem>>, %arg25: memref<32xf32, #tpu.memory_space<vmem>>, %arg26: memref<32xf32, #tpu.memory_space<vmem>>, %arg27: memref<32xf32, #tpu.memory_space<vmem>>, %arg28: memref<32xf32, #tpu.memory_space<vmem>>, %arg29: memref<25088xbf16, #tpu.memory_space<vmem>>, %arg30: memref<25088xbf16, #tpu.memory_space<vmem>>, %arg31: memref<100352xf32, #tpu.memory_space<vmem_shared>>, %arg32: memref<100352xf32, #tpu.memory_space<vmem_shared>>, %arg33: memref<100352xf32, #tpu.memory_space<vmem_shared>>, %arg34: memref<100352xf32, #tpu.memory_space<vmem_shared>>, %arg35: memref<!tpu.dma_semaphore, #tpu.memory_space<semaphore_mem>>, %arg36: memref<!tpu.dma_semaphore, #tpu.memory_space<semaphore_mem>>, %arg37: memref<!tpu.dma_semaphore, #tpu.memory_space<semaphore_mem>>, %arg38: memref<!tpu.dma_semaphore, #tpu.memory_space<semaphore_mem>>, %arg39: memref<!tpu.dma_semaphore, #tpu.memory_space<semaphore_mem>>, %arg40: memref<!tpu.dma_semaphore, #tpu.memory_space<semaphore_mem>>) attributes {dimension_semantics = [#tpu.dimension_semantics<core_parallel>, #tpu.dimension_semantics<subcore_parallel>], iteration_bounds = array<i64: 2, 16>, scalar_prefetch = 0 : i64, scratch_operands = 28 : i64, tpu.core_type = #tpu.core_type<sc_vector_subcore>, window_params = [{transform_indices = #map}, {transform_indices = #map}, {transform_indices = #map}, {transform_indices = #map}, {transform_indices = #map}, {transform_indices = #map}, {transform_indices = #map}, {transform_indices = #map}, {transform_indices = #map}, {transform_indices = #map}, {transform_indices = #map}]} {
    %mul3A = arith.constant 6272 : i32
    %mul3A_0 = arith.muli %arg1, %mul3A : i32
    "tpu.region"() ({
      %run_scoped3A = tpu.sem_alloc : memref<!tpu.dma_semaphore, #tpu.memory_space<semaphore_mem>>
      %dma_start3A_49 = tpu.memref_slice %arg31[%mul3A_0] : memref<100352xf32, #tpu.memory_space<vmem_shared>> -> memref<6272xf32, #tpu.memory_space<vmem_shared>>
      %dma_start3A_50 = tpu.memref_slice %arg9[%mul3A_0] : memref<100352xf32, #tpu.memory_space<hbm>> -> memref<6272xf32, #tpu.memory_space<hbm>>
      tpu.enqueue_dma source(%dma_start3A_50 : memref<6272xf32, #tpu.memory_space<hbm>>) target(%dma_start3A_49 : memref<6272xf32, #tpu.memory_space<vmem_shared>>) target_semaphore(%run_scoped3A : memref<!tpu.dma_semaphore, #tpu.memory_space<semaphore_mem>>)
      %dma_wait3A = tpu.memref_slice %arg31[%mul3A_0] : memref<100352xf32, #tpu.memory_space<vmem_shared>> -> memref<6272xf32, #tpu.memory_space<vmem_shared>>
      %dma_wait3A_51 = tpu.memref_slice %arg9[%mul3A_0] : memref<100352xf32, #tpu.memory_space<hbm>> -> memref<6272xf32, #tpu.memory_space<hbm>>
      tpu.wait_dma2 semaphore(%run_scoped3A : memref<!tpu.dma_semaphore, #tpu.memory_space<semaphore_mem>>) src(%dma_wait3A_51 : memref<6272xf32, #tpu.memory_space<hbm>>) dst(%dma_wait3A : memref<6272xf32, #tpu.memory_space<vmem_shared>>)
      tpu.yield
    }) : () -> ()
    "tpu.region"() ({
      %run_scoped3A = tpu.sem_alloc : memref<!tpu.dma_semaphore, #tpu.memory_space<semaphore_mem>>
      %dma_start3A_49 = tpu.memref_slice %arg32[%mul3A_0] : memref<100352xf32, #tpu.memory_space<vmem_shared>> -> memref<6272xf32, #tpu.memory_space<vmem_shared>>
      %dma_start3A_50 = tpu.memref_slice %arg9[%mul3A_0] : memref<100352xf32, #tpu.memory_space<hbm>> -> memref<6272xf32, #tpu.memory_space<hbm>>
      tpu.enqueue_dma source(%dma_start3A_50 : memref<6272xf32, #tpu.memory_space<hbm>>) target(%dma_start3A_49 : memref<6272xf32, #tpu.memory_space<vmem_shared>>) target_semaphore(%run_scoped3A : memref<!tpu.dma_semaphore, #tpu.memory_space<semaphore_mem>>)
      %dma_wait3A = tpu.memref_slice %arg32[%mul3A_0] : memref<100352xf32, #tpu.memory_space<vmem_shared>> -> memref<6272xf32, #tpu.memory_space<vmem_shared>>
      %dma_wait3A_51 = tpu.memref_slice %arg9[%mul3A_0] : memref<100352xf32, #tpu.memory_space<hbm>> -> memref<6272xf32, #tpu.memory_space<hbm>>
      tpu.wait_dma2 semaphore(%run_scoped3A : memref<!tpu.dma_semaphore, #tpu.memory_space<semaphore_mem>>) src(%dma_wait3A_51 : memref<6272xf32, #tpu.memory_space<hbm>>) dst(%dma_wait3A : memref<6272xf32, #tpu.memory_space<vmem_shared>>)
      tpu.yield
    }) : () -> ()
    "tpu.region"() ({
      %run_scoped3A = tpu.sem_alloc : memref<!tpu.dma_semaphore, #tpu.memory_space<semaphore_mem>>
      %dma_start3A_49 = tpu.memref_slice %arg33[%mul3A_0] : memref<100352xf32, #tpu.memory_space<vmem_shared>> -> memref<6272xf32, #tpu.memory_space<vmem_shared>>
      %dma_start3A_50 = tpu.memref_slice %arg9[%mul3A_0] : memref<100352xf32, #tpu.memory_space<hbm>> -> memref<6272xf32, #tpu.memory_space<hbm>>
      tpu.enqueue_dma source(%dma_start3A_50 : memref<6272xf32, #tpu.memory_space<hbm>>) target(%dma_start3A_49 : memref<6272xf32, #tpu.memory_space<vmem_shared>>) target_semaphore(%run_scoped3A : memref<!tpu.dma_semaphore, #tpu.memory_space<semaphore_mem>>)
      %dma_wait3A = tpu.memref_slice %arg33[%mul3A_0] : memref<100352xf32, #tpu.memory_space<vmem_shared>> -> memref<6272xf32, #tpu.memory_space<vmem_shared>>
      %dma_wait3A_51 = tpu.memref_slice %arg9[%mul3A_0] : memref<100352xf32, #tpu.memory_space<hbm>> -> memref<6272xf32, #tpu.memory_space<hbm>>
      tpu.wait_dma2 semaphore(%run_scoped3A : memref<!tpu.dma_semaphore, #tpu.memory_space<semaphore_mem>>) src(%dma_wait3A_51 : memref<6272xf32, #tpu.memory_space<hbm>>) dst(%dma_wait3A : memref<6272xf32, #tpu.memory_space<vmem_shared>>)
      tpu.yield
    }) : () -> ()
    "tpu.region"() ({
      %run_scoped3A = tpu.sem_alloc : memref<!tpu.dma_semaphore, #tpu.memory_space<semaphore_mem>>
      tpu.enqueue_dma source(%arg8 : memref<5000xf32, #tpu.memory_space<hbm>>) target(%arg19 : memref<5000xf32, #tpu.memory_space<vmem>>) target_semaphore(%run_scoped3A : memref<!tpu.dma_semaphore, #tpu.memory_space<semaphore_mem>>)
      tpu.wait_dma2 semaphore(%run_scoped3A : memref<!tpu.dma_semaphore, #tpu.memory_space<semaphore_mem>>) src(%arg8 : memref<5000xf32, #tpu.memory_space<hbm>>) dst(%arg19 : memref<5000xf32, #tpu.memory_space<vmem>>)
      tpu.yield
    }) : () -> ()
    "tpu.region"() ({
      %run_scoped3A = tpu.sem_alloc : memref<!tpu.dma_semaphore, #tpu.memory_space<semaphore_mem>>
      tpu.enqueue_dma source(%arg4 : memref<32xf32, #tpu.memory_space<hbm>>) target(%arg25 : memref<32xf32, #tpu.memory_space<vmem>>) target_semaphore(%run_scoped3A : memref<!tpu.dma_semaphore, #tpu.memory_space<semaphore_mem>>)
      tpu.wait_dma2 semaphore(%run_scoped3A : memref<!tpu.dma_semaphore, #tpu.memory_space<semaphore_mem>>) src(%arg4 : memref<32xf32, #tpu.memory_space<hbm>>) dst(%arg25 : memref<32xf32, #tpu.memory_space<vmem>>)
      tpu.yield
    }) : () -> ()
    "tpu.region"() ({
      %run_scoped3A = tpu.sem_alloc : memref<!tpu.dma_semaphore, #tpu.memory_space<semaphore_mem>>
      tpu.enqueue_dma source(%arg5 : memref<32xf32, #tpu.memory_space<hbm>>) target(%arg26 : memref<32xf32, #tpu.memory_space<vmem>>) target_semaphore(%run_scoped3A : memref<!tpu.dma_semaphore, #tpu.memory_space<semaphore_mem>>)
      tpu.wait_dma2 semaphore(%run_scoped3A : memref<!tpu.dma_semaphore, #tpu.memory_space<semaphore_mem>>) src(%arg5 : memref<32xf32, #tpu.memory_space<hbm>>) dst(%arg26 : memref<32xf32, #tpu.memory_space<vmem>>)
      tpu.yield
    }) : () -> ()
    "tpu.region"() ({
      %run_scoped3A = tpu.sem_alloc : memref<!tpu.dma_semaphore, #tpu.memory_space<semaphore_mem>>
      tpu.enqueue_dma source(%arg6 : memref<32xf32, #tpu.memory_space<hbm>>) target(%arg27 : memref<32xf32, #tpu.memory_space<vmem>>) target_semaphore(%run_scoped3A : memref<!tpu.dma_semaphore, #tpu.memory_space<semaphore_mem>>)
      tpu.wait_dma2 semaphore(%run_scoped3A : memref<!tpu.dma_semaphore, #tpu.memory_space<semaphore_mem>>) src(%arg6 : memref<32xf32, #tpu.memory_space<hbm>>) dst(%arg27 : memref<32xf32, #tpu.memory_space<vmem>>)
      tpu.yield
    }) : () -> ()
    "tpu.region"() ({
      %run_scoped3A = tpu.sem_alloc : memref<!tpu.dma_semaphore, #tpu.memory_space<semaphore_mem>>
      tpu.enqueue_dma source(%arg7 : memref<32xf32, #tpu.memory_space<hbm>>) target(%arg28 : memref<32xf32, #tpu.memory_space<vmem>>) target_semaphore(%run_scoped3A : memref<!tpu.dma_semaphore, #tpu.memory_space<semaphore_mem>>)
      tpu.wait_dma2 semaphore(%run_scoped3A : memref<!tpu.dma_semaphore, #tpu.memory_space<semaphore_mem>>) src(%arg7 : memref<32xf32, #tpu.memory_space<hbm>>) dst(%arg28 : memref<32xf32, #tpu.memory_space<vmem>>)
      tpu.yield
    }) : () -> ()
    %barrier3A = arith.constant 0 : index
    tpu.barrier barrier_id(%barrier3A)
    %mul3A_1 = arith.constant 100000 : i32
    %mul3A_2 = arith.muli %arg1, %mul3A_1 : i32
    %add3A = arith.constant 0 : i32
    %add3A_3 = arith.addi %mul3A_2, %add3A : i32
    %dma_start3A = tpu.memref_slice %arg2[%add3A_3] : memref<1600000xi32, #tpu.memory_space<hbm>> -> memref<5000xi32, #tpu.memory_space<hbm>>
    %dma_start3A_4 = tpu.memref_slice %arg2[%add3A_3] : memref<1600000xi32, #tpu.memory_space<hbm>> -> memref<5000xi32, #tpu.memory_space<hbm>>
    tpu.enqueue_dma source(%dma_start3A_4 : memref<5000xi32, #tpu.memory_space<hbm>>) target(%arg13 : memref<5000xi32, #tpu.memory_space<vmem>>) target_semaphore(%arg35 : memref<!tpu.dma_semaphore, #tpu.memory_space<semaphore_mem>>)
    %dma_start3A_5 = tpu.memref_slice %arg3[%add3A_3] : memref<1600000xi32, #tpu.memory_space<hbm>> -> memref<5000xi32, #tpu.memory_space<hbm>>
    %dma_start3A_6 = tpu.memref_slice %arg3[%add3A_3] : memref<1600000xi32, #tpu.memory_space<hbm>> -> memref<5000xi32, #tpu.memory_space<hbm>>
    tpu.enqueue_dma source(%dma_start3A_6 : memref<5000xi32, #tpu.memory_space<hbm>>) target(%arg14 : memref<5000xi32, #tpu.memory_space<vmem>>) target_semaphore(%arg35 : memref<!tpu.dma_semaphore, #tpu.memory_space<semaphore_mem>>)
    %scan3A = arith.constant 0 : i32
    %scan3A_7 = arith.constant 0 : i32
    %scan3A_8 = arith.constant 10 : i32
    %scan3A_9 = arith.addi %scan3A_7, %scan3A_8 : i32
    %scan3A_10 = arith.constant 1 : i32
    scf.for %scan3A_49 = %scan3A_7 to %scan3A_9 step %scan3A_10  : i32 {
      %dma_wait3A = arith.constant 0 : i32
      %dma_wait3A_50 = tpu.memref_slice %arg2[%dma_wait3A] : memref<1600000xi32, #tpu.memory_space<hbm>> -> memref<5000xi32, #tpu.memory_space<hbm>>
      %dma_wait3A_51 = arith.constant 0 : i32
      %dma_wait3A_52 = tpu.memref_slice %arg2[%dma_wait3A_51] : memref<1600000xi32, #tpu.memory_space<hbm>> -> memref<5000xi32, #tpu.memory_space<hbm>>
      tpu.wait_dma2 semaphore(%arg35 : memref<!tpu.dma_semaphore, #tpu.memory_space<semaphore_mem>>) src(%dma_wait3A_52 : memref<5000xi32, #tpu.memory_space<hbm>>) dst(%arg13 : memref<5000xi32, #tpu.memory_space<vmem>>)
      %dma_wait3A_53 = arith.constant 0 : i32
      %dma_wait3A_54 = tpu.memref_slice %arg3[%dma_wait3A_53] : memref<1600000xi32, #tpu.memory_space<hbm>> -> memref<5000xi32, #tpu.memory_space<hbm>>
      %dma_wait3A_55 = arith.constant 0 : i32
      %dma_wait3A_56 = tpu.memref_slice %arg3[%dma_wait3A_55] : memref<1600000xi32, #tpu.memory_space<hbm>> -> memref<5000xi32, #tpu.memory_space<hbm>>
      tpu.wait_dma2 semaphore(%arg35 : memref<!tpu.dma_semaphore, #tpu.memory_space<semaphore_mem>>) src(%dma_wait3A_56 : memref<5000xi32, #tpu.memory_space<hbm>>) dst(%arg14 : memref<5000xi32, #tpu.memory_space<vmem>>)
      %dma_start3A_57 = arith.constant 0 : i32
      %dma_start3A_58 = tpu.memref_slice %arg32[%dma_start3A_57] : memref<100352xf32, #tpu.memory_space<vmem_shared>> -> memref<100352xf32, #tpu.memory_space<vmem_shared>>
      tpu.enqueue_indirect_dma source(%arg19 : memref<5000xf32, #tpu.memory_space<vmem>>) target(%dma_start3A_58 : memref<100352xf32, #tpu.memory_space<vmem_shared>>) offsets(%arg13 : memref<5000xi32, #tpu.memory_space<vmem>>) semaphore(%arg39 : memref<!tpu.dma_semaphore, #tpu.memory_space<semaphore_mem>>) {add = true}
      %dma_start3A_59 = arith.constant 0 : i32
      %dma_start3A_60 = tpu.memref_slice %arg31[%dma_start3A_59] : memref<100352xf32, #tpu.memory_space<vmem_shared>> -> memref<100352xf32, #tpu.memory_space<vmem_shared>>
      tpu.enqueue_indirect_dma source(%arg19 : memref<5000xf32, #tpu.memory_space<vmem>>) target(%dma_start3A_60 : memref<100352xf32, #tpu.memory_space<vmem_shared>>) offsets(%arg14 : memref<5000xi32, #tpu.memory_space<vmem>>) semaphore(%arg39 : memref<!tpu.dma_semaphore, #tpu.memory_space<semaphore_mem>>) {add = true}
      %mul3A_61 = arith.constant 2 : i32
      %mul3A_62 = arith.muli %mul3A_61, %scan3A_49 : i32
      %add3A_63 = arith.constant 1 : i32
      %add3A_64 = arith.addi %mul3A_62, %add3A_63 : i32
      %mul3A_65 = arith.constant 100000 : i32
      %mul3A_66 = arith.muli %arg1, %mul3A_65 : i32
      %mul3A_67 = arith.constant 5000 : i32
      %mul3A_68 = arith.muli %add3A_64, %mul3A_67 : i32
      %add3A_69 = arith.addi %mul3A_66, %mul3A_68 : i32
      %dma_start3A_70 = tpu.memref_slice %arg2[%add3A_69] : memref<1600000xi32, #tpu.memory_space<hbm>> -> memref<5000xi32, #tpu.memory_space<hbm>>
      %dma_start3A_71 = tpu.memref_slice %arg2[%add3A_69] : memref<1600000xi32, #tpu.memory_space<hbm>> -> memref<5000xi32, #tpu.memory_space<hbm>>
      tpu.enqueue_dma source(%dma_start3A_71 : memref<5000xi32, #tpu.memory_space<hbm>>) target(%arg16 : memref<5000xi32, #tpu.memory_space<vmem>>) target_semaphore(%arg36 : memref<!tpu.dma_semaphore, #tpu.memory_space<semaphore_mem>>)
      %dma_start3A_72 = tpu.memref_slice %arg3[%add3A_69] : memref<1600000xi32, #tpu.memory_space<hbm>> -> memref<5000xi32, #tpu.memory_space<hbm>>
      %dma_start3A_73 = tpu.memref_slice %arg3[%add3A_69] : memref<1600000xi32, #tpu.memory_space<hbm>> -> memref<5000xi32, #tpu.memory_space<hbm>>
      tpu.enqueue_dma source(%dma_start3A_73 : memref<5000xi32, #tpu.memory_space<hbm>>) target(%arg17 : memref<5000xi32, #tpu.memory_space<vmem>>) target_semaphore(%arg36 : memref<!tpu.dma_semaphore, #tpu.memory_space<semaphore_mem>>)
      %dma_wait3A_74 = arith.constant 0 : i32
      %dma_wait3A_75 = tpu.memref_slice %arg32[%dma_wait3A_74] : memref<100352xf32, #tpu.memory_space<vmem_shared>> -> memref<100352xf32, #tpu.memory_space<vmem_shared>>
      tpu.wait_indirect_dma semaphore(%arg39 : memref<!tpu.dma_semaphore, #tpu.memory_space<semaphore_mem>>) src(%arg19 : memref<5000xf32, #tpu.memory_space<vmem>>) dst(%dma_wait3A_75 : memref<100352xf32, #tpu.memory_space<vmem_shared>>)
      %dma_wait3A_76 = arith.constant 0 : i32
      %dma_wait3A_77 = tpu.memref_slice %arg31[%dma_wait3A_76] : memref<100352xf32, #tpu.memory_space<vmem_shared>> -> memref<100352xf32, #tpu.memory_space<vmem_shared>>
      tpu.wait_indirect_dma semaphore(%arg39 : memref<!tpu.dma_semaphore, #tpu.memory_space<semaphore_mem>>) src(%arg19 : memref<5000xf32, #tpu.memory_space<vmem>>) dst(%dma_wait3A_77 : memref<100352xf32, #tpu.memory_space<vmem_shared>>)
      %mul3A_78 = arith.constant 2 : i32
      %mul3A_79 = arith.muli %mul3A_78, %scan3A_49 : i32
      %add3A_80 = arith.constant 2 : i32
      %add3A_81 = arith.addi %mul3A_79, %add3A_80 : i32
      %lt3A = arith.constant 20 : i32
      %lt3A_82 = arith.cmpi slt, %add3A_81, %lt3A : i32
      %convert_element_type3A_83 = arith.extui %lt3A_82 : i1 to i32
      %cond3A_84 = arith.constant 0 : i32
      %cond3A_85 = arith.cmpi ne, %convert_element_type3A_83, %cond3A_84 : i32
      scf.if %cond3A_85 {
        %mul3A_102 = arith.constant 2 : i32
        %mul3A_103 = arith.muli %mul3A_102, %scan3A_49 : i32
        %add3A_104 = arith.constant 2 : i32
        %add3A_105 = arith.addi %mul3A_103, %add3A_104 : i32
        %mul3A_106 = arith.constant 100000 : i32
        %mul3A_107 = arith.muli %arg1, %mul3A_106 : i32
        %mul3A_108 = arith.constant 5000 : i32
        %mul3A_109 = arith.muli %add3A_105, %mul3A_108 : i32
        %add3A_110 = arith.addi %mul3A_107, %mul3A_109 : i32
        %dma_start3A_111 = tpu.memref_slice %arg2[%add3A_110] : memref<1600000xi32, #tpu.memory_space<hbm>> -> memref<5000xi32, #tpu.memory_space<hbm>>
        %dma_start3A_112 = tpu.memref_slice %arg2[%add3A_110] : memref<1600000xi32, #tpu.memory_space<hbm>> -> memref<5000xi32, #tpu.memory_space<hbm>>
        tpu.enqueue_dma source(%dma_start3A_112 : memref<5000xi32, #tpu.memory_space<hbm>>) target(%arg13 : memref<5000xi32, #tpu.memory_space<vmem>>) target_semaphore(%arg35 : memref<!tpu.dma_semaphore, #tpu.memory_space<semaphore_mem>>)
        %dma_start3A_113 = tpu.memref_slice %arg3[%add3A_110] : memref<1600000xi32, #tpu.memory_space<hbm>> -> memref<5000xi32, #tpu.memory_space<hbm>>
        %dma_start3A_114 = tpu.memref_slice %arg3[%add3A_110] : memref<1600000xi32, #tpu.memory_space<hbm>> -> memref<5000xi32, #tpu.memory_space<hbm>>
        tpu.enqueue_dma source(%dma_start3A_114 : memref<5000xi32, #tpu.memory_space<hbm>>) target(%arg14 : memref<5000xi32, #tpu.memory_space<vmem>>) target_semaphore(%arg35 : memref<!tpu.dma_semaphore, #tpu.memory_space<semaphore_mem>>)
      } else {
      }
      %dma_wait3A_86 = arith.constant 0 : i32
      %dma_wait3A_87 = tpu.memref_slice %arg2[%dma_wait3A_86] : memref<1600000xi32, #tpu.memory_space<hbm>> -> memref<5000xi32, #tpu.memory_space<hbm>>
      %dma_wait3A_88 = arith.constant 0 : i32
      %dma_wait3A_89 = tpu.memref_slice %arg2[%dma_wait3A_88] : memref<1600000xi32, #tpu.memory_space<hbm>> -> memref<5000xi32, #tpu.memory_space<hbm>>
      tpu.wait_dma2 semaphore(%arg36 : memref<!tpu.dma_semaphore, #tpu.memory_space<semaphore_mem>>) src(%dma_wait3A_89 : memref<5000xi32, #tpu.memory_space<hbm>>) dst(%arg16 : memref<5000xi32, #tpu.memory_space<vmem>>)
      %dma_wait3A_90 = arith.constant 0 : i32
      %dma_wait3A_91 = tpu.memref_slice %arg3[%dma_wait3A_90] : memref<1600000xi32, #tpu.memory_space<hbm>> -> memref<5000xi32, #tpu.memory_space<hbm>>
      %dma_wait3A_92 = arith.constant 0 : i32
      %dma_wait3A_93 = tpu.memref_slice %arg3[%dma_wait3A_92] : memref<1600000xi32, #tpu.memory_space<hbm>> -> memref<5000xi32, #tpu.memory_space<hbm>>
      tpu.wait_dma2 semaphore(%arg36 : memref<!tpu.dma_semaphore, #tpu.memory_space<semaphore_mem>>) src(%dma_wait3A_93 : memref<5000xi32, #tpu.memory_space<hbm>>) dst(%arg17 : memref<5000xi32, #tpu.memory_space<vmem>>)
      %dma_start3A_94 = arith.constant 0 : i32
      %dma_start3A_95 = tpu.memref_slice %arg32[%dma_start3A_94] : memref<100352xf32, #tpu.memory_space<vmem_shared>> -> memref<100352xf32, #tpu.memory_space<vmem_shared>>
      tpu.enqueue_indirect_dma source(%arg19 : memref<5000xf32, #tpu.memory_space<vmem>>) target(%dma_start3A_95 : memref<100352xf32, #tpu.memory_space<vmem_shared>>) offsets(%arg16 : memref<5000xi32, #tpu.memory_space<vmem>>) semaphore(%arg40 : memref<!tpu.dma_semaphore, #tpu.memory_space<semaphore_mem>>) {add = true}
      %dma_start3A_96 = arith.constant 0 : i32
      %dma_start3A_97 = tpu.memref_slice %arg31[%dma_start3A_96] : memref<100352xf32, #tpu.memory_space<vmem_shared>> -> memref<100352xf32, #tpu.memory_space<vmem_shared>>
      tpu.enqueue_indirect_dma source(%arg19 : memref<5000xf32, #tpu.memory_space<vmem>>) target(%dma_start3A_97 : memref<100352xf32, #tpu.memory_space<vmem_shared>>) offsets(%arg17 : memref<5000xi32, #tpu.memory_space<vmem>>) semaphore(%arg40 : memref<!tpu.dma_semaphore, #tpu.memory_space<semaphore_mem>>) {add = true}
      %dma_wait3A_98 = arith.constant 0 : i32
      %dma_wait3A_99 = tpu.memref_slice %arg32[%dma_wait3A_98] : memref<100352xf32, #tpu.memory_space<vmem_shared>> -> memref<100352xf32, #tpu.memory_space<vmem_shared>>
      tpu.wait_indirect_dma semaphore(%arg40 : memref<!tpu.dma_semaphore, #tpu.memory_space<semaphore_mem>>) src(%arg19 : memref<5000xf32, #tpu.memory_space<vmem>>) dst(%dma_wait3A_99 : memref<100352xf32, #tpu.memory_space<vmem_shared>>)
      %dma_wait3A_100 = arith.constant 0 : i32
      %dma_wait3A_101 = tpu.memref_slice %arg31[%dma_wait3A_100] : memref<100352xf32, #tpu.memory_space<vmem_shared>> -> memref<100352xf32, #tpu.memory_space<vmem_shared>>
      tpu.wait_indirect_dma semaphore(%arg40 : memref<!tpu.dma_semaphore, #tpu.memory_space<semaphore_mem>>) src(%arg19 : memref<5000xf32, #tpu.memory_space<vmem>>) dst(%dma_wait3A_101 : memref<100352xf32, #tpu.memory_space<vmem_shared>>)
    }
    %scan3A_11 = arith.constant 10 : i32
    %barrier3A_12 = arith.constant 0 : index
    tpu.barrier barrier_id(%barrier3A_12)
    "tpu.region"() ({
      %run_scoped3A = tpu.sem_alloc : memref<!tpu.dma_semaphore, #tpu.memory_space<semaphore_mem>>
      %dma_start3A_49 = tpu.memref_slice %arg31[%mul3A_0] : memref<100352xf32, #tpu.memory_space<vmem_shared>> -> memref<6272xf32, #tpu.memory_space<vmem_shared>>
      %dma_start3A_50 = tpu.memref_slice %arg31[%mul3A_0] : memref<100352xf32, #tpu.memory_space<vmem_shared>> -> memref<6272xf32, #tpu.memory_space<vmem_shared>>
      tpu.enqueue_dma source(%dma_start3A_50 : memref<6272xf32, #tpu.memory_space<vmem_shared>>) target(%arg20 : memref<6272xf32, #tpu.memory_space<vmem>>) target_semaphore(%run_scoped3A : memref<!tpu.dma_semaphore, #tpu.memory_space<semaphore_mem>>)
      %dma_wait3A = tpu.memref_slice %arg31[%mul3A_0] : memref<100352xf32, #tpu.memory_space<vmem_shared>> -> memref<6272xf32, #tpu.memory_space<vmem_shared>>
      %dma_wait3A_51 = tpu.memref_slice %arg31[%mul3A_0] : memref<100352xf32, #tpu.memory_space<vmem_shared>> -> memref<6272xf32, #tpu.memory_space<vmem_shared>>
      tpu.wait_dma2 semaphore(%run_scoped3A : memref<!tpu.dma_semaphore, #tpu.memory_space<semaphore_mem>>) src(%dma_wait3A_51 : memref<6272xf32, #tpu.memory_space<vmem_shared>>) dst(%arg20 : memref<6272xf32, #tpu.memory_space<vmem>>)
      tpu.yield
    }) : () -> ()
    "tpu.region"() ({
      %run_scoped3A = tpu.sem_alloc : memref<!tpu.dma_semaphore, #tpu.memory_space<semaphore_mem>>
      %dma_start3A_49 = tpu.memref_slice %arg32[%mul3A_0] : memref<100352xf32, #tpu.memory_space<vmem_shared>> -> memref<6272xf32, #tpu.memory_space<vmem_shared>>
      %dma_start3A_50 = tpu.memref_slice %arg32[%mul3A_0] : memref<100352xf32, #tpu.memory_space<vmem_shared>> -> memref<6272xf32, #tpu.memory_space<vmem_shared>>
      tpu.enqueue_dma source(%dma_start3A_50 : memref<6272xf32, #tpu.memory_space<vmem_shared>>) target(%arg21 : memref<6272xf32, #tpu.memory_space<vmem>>) target_semaphore(%run_scoped3A : memref<!tpu.dma_semaphore, #tpu.memory_space<semaphore_mem>>)
      %dma_wait3A = tpu.memref_slice %arg32[%mul3A_0] : memref<100352xf32, #tpu.memory_space<vmem_shared>> -> memref<6272xf32, #tpu.memory_space<vmem_shared>>
      %dma_wait3A_51 = tpu.memref_slice %arg32[%mul3A_0] : memref<100352xf32, #tpu.memory_space<vmem_shared>> -> memref<6272xf32, #tpu.memory_space<vmem_shared>>
      tpu.wait_dma2 semaphore(%run_scoped3A : memref<!tpu.dma_semaphore, #tpu.memory_space<semaphore_mem>>) src(%dma_wait3A_51 : memref<6272xf32, #tpu.memory_space<vmem_shared>>) dst(%arg21 : memref<6272xf32, #tpu.memory_space<vmem>>)
      tpu.yield
    }) : () -> ()
    %scan3A_13 = arith.constant 0 : i32
    %scan3A_14 = arith.constant 0 : i32
    %scan3A_15 = arith.constant 392 : i32
    %scan3A_16 = arith.addi %scan3A_14, %scan3A_15 : i32
    %scan3A_17 = arith.constant 1 : i32
    scf.for %scan3A_49 = %scan3A_14 to %scan3A_16 step %scan3A_17  : i32 {
      %mul3A_50 = arith.constant 16 : i32
      %mul3A_51 = arith.muli %scan3A_49, %mul3A_50 : i32
      %get3A = arith.index_cast %mul3A_51 : i32 to index
      %get3A_52 = tpu.vector_load %arg20[%get3A] {strides = array<i32>} : memref<6272xf32, #tpu.memory_space<vmem>>, vector<16xf32>,
      %mul3A_53 = arith.constant 16 : i32
      %mul3A_54 = arith.muli %scan3A_49, %mul3A_53 : i32
      %get3A_55 = arith.index_cast %mul3A_54 : i32 to index
      %get3A_56 = tpu.vector_load %arg21[%get3A_55] {strides = array<i32>} : memref<6272xf32, #tpu.memory_space<vmem>>, vector<16xf32>,
      %add3A_57 = arith.constant 1.000000e+00 : f32
      %add3A_58 = vector.broadcast %add3A_57 : f32 to vector<16xf32>
      %add3A_59 = arith.addf %get3A_56, %add3A_58 : vector<16xf32>
      %bitcast3A = vector.bitcast %add3A_59 : vector<16xf32> to vector<16xi32>
      %shift_right_logical3A = arith.constant 1 : i32
      %shift_right_logical3A_60 = vector.broadcast %shift_right_logical3A : i32 to vector<16xi32>
      %shift_right_logical3A_61 = arith.shrui %bitcast3A, %shift_right_logical3A_60 : vector<16xi32>
      %sub3A = arith.constant 1597463007 : i32
      %sub3A_62 = vector.broadcast %sub3A : i32 to vector<16xi32>
      %sub3A_63 = arith.subi %sub3A_62, %shift_right_logical3A_61 : vector<16xi32>
      %bitcast3A_64 = vector.bitcast %sub3A_63 : vector<16xi32> to vector<16xf32>
      %mul3A_65 = arith.constant 5.000000e-01 : f32
      %mul3A_66 = vector.broadcast %mul3A_65 : f32 to vector<16xf32>
      %mul3A_67 = arith.mulf %mul3A_66, %add3A_59 : vector<16xf32>
      %mul3A_68 = arith.mulf %mul3A_67, %bitcast3A_64 : vector<16xf32>
      %mul3A_69 = arith.mulf %mul3A_68, %bitcast3A_64 : vector<16xf32>
      %sub3A_70 = arith.constant 1.500000e+00 : f32
      %sub3A_71 = vector.broadcast %sub3A_70 : f32 to vector<16xf32>
      %sub3A_72 = arith.subf %sub3A_71, %mul3A_69 : vector<16xf32>
      %mul3A_73 = arith.mulf %bitcast3A_64, %sub3A_72 : vector<16xf32>
      %mul3A_74 = arith.constant 5.000000e-01 : f32
      %mul3A_75 = vector.broadcast %mul3A_74 : f32 to vector<16xf32>
      %mul3A_76 = arith.mulf %mul3A_75, %add3A_59 : vector<16xf32>
      %mul3A_77 = arith.mulf %mul3A_76, %mul3A_73 : vector<16xf32>
      %mul3A_78 = arith.mulf %mul3A_77, %mul3A_73 : vector<16xf32>
      %sub3A_79 = arith.constant 1.500000e+00 : f32
      %sub3A_80 = vector.broadcast %sub3A_79 : f32 to vector<16xf32>
      %sub3A_81 = arith.subf %sub3A_80, %mul3A_78 : vector<16xf32>
      %mul3A_82 = arith.mulf %mul3A_73, %sub3A_81 : vector<16xf32>
      %mul3A_83 = arith.constant 5.000000e-01 : f32
      %mul3A_84 = vector.broadcast %mul3A_83 : f32 to vector<16xf32>
      %mul3A_85 = arith.mulf %mul3A_84, %add3A_59 : vector<16xf32>
      %mul3A_86 = arith.mulf %mul3A_85, %mul3A_82 : vector<16xf32>
      %mul3A_87 = arith.mulf %mul3A_86, %mul3A_82 : vector<16xf32>
      %sub3A_88 = arith.constant 1.500000e+00 : f32
      %sub3A_89 = vector.broadcast %sub3A_88 : f32 to vector<16xf32>
      %sub3A_90 = arith.subf %sub3A_89, %mul3A_87 : vector<16xf32>
      %mul3A_91 = arith.mulf %mul3A_82, %sub3A_90 : vector<16xf32>
      %mul3A_92 = arith.constant 16 : i32
      %mul3A_93 = arith.muli %scan3A_49, %mul3A_92 : i32
      %swap3A = arith.index_cast %mul3A_93 : i32 to index
      %swap3A_94 = tpu.vector_load %arg22[%swap3A] {strides = array<i32>} : memref<6272xf32, #tpu.memory_space<vmem>>, vector<16xf32>,
      tpu.vector_store %arg22[%swap3A], %mul3A_91 {strides = array<i32>} : memref<6272xf32, #tpu.memory_space<vmem>>, vector<16xf32>,
      %add3A_95 = arith.constant 1.000000e+00 : f32
      %add3A_96 = vector.broadcast %add3A_95 : f32 to vector<16xf32>
      %add3A_97 = arith.addf %get3A_52, %add3A_96 : vector<16xf32>
      %bitcast3A_98 = vector.bitcast %add3A_97 : vector<16xf32> to vector<16xi32>
      %shift_right_logical3A_99 = arith.constant 1 : i32
      %shift_right_logical3A_100 = vector.broadcast %shift_right_logical3A_99 : i32 to vector<16xi32>
      %shift_right_logical3A_101 = arith.shrui %bitcast3A_98, %shift_right_logical3A_100 : vector<16xi32>
      %sub3A_102 = arith.constant 1597463007 : i32
      %sub3A_103 = vector.broadcast %sub3A_102 : i32 to vector<16xi32>
      %sub3A_104 = arith.subi %sub3A_103, %shift_right_logical3A_101 : vector<16xi32>
      %bitcast3A_105 = vector.bitcast %sub3A_104 : vector<16xi32> to vector<16xf32>
      %mul3A_106 = arith.constant 5.000000e-01 : f32
      %mul3A_107 = vector.broadcast %mul3A_106 : f32 to vector<16xf32>
      %mul3A_108 = arith.mulf %mul3A_107, %add3A_97 : vector<16xf32>
      %mul3A_109 = arith.mulf %mul3A_108, %bitcast3A_105 : vector<16xf32>
      %mul3A_110 = arith.mulf %mul3A_109, %bitcast3A_105 : vector<16xf32>
      %sub3A_111 = arith.constant 1.500000e+00 : f32
      %sub3A_112 = vector.broadcast %sub3A_111 : f32 to vector<16xf32>
      %sub3A_113 = arith.subf %sub3A_112, %mul3A_110 : vector<16xf32>
      %mul3A_114 = arith.mulf %bitcast3A_105, %sub3A_113 : vector<16xf32>
      %mul3A_115 = arith.constant 5.000000e-01 : f32
      %mul3A_116 = vector.broadcast %mul3A_115 : f32 to vector<16xf32>
      %mul3A_117 = arith.mulf %mul3A_116, %add3A_97 : vector<16xf32>
      %mul3A_118 = arith.mulf %mul3A_117, %mul3A_114 : vector<16xf32>
      %mul3A_119 = arith.mulf %mul3A_118, %mul3A_114 : vector<16xf32>
      %sub3A_120 = arith.constant 1.500000e+00 : f32
      %sub3A_121 = vector.broadcast %sub3A_120 : f32 to vector<16xf32>
      %sub3A_122 = arith.subf %sub3A_121, %mul3A_119 : vector<16xf32>
      %mul3A_123 = arith.mulf %mul3A_114, %sub3A_122 : vector<16xf32>
      %mul3A_124 = arith.constant 5.000000e-01 : f32
      %mul3A_125 = vector.broadcast %mul3A_124 : f32 to vector<16xf32>
      %mul3A_126 = arith.mulf %mul3A_125, %add3A_97 : vector<16xf32>
      %mul3A_127 = arith.mulf %mul3A_126, %mul3A_123 : vector<16xf32>
      %mul3A_128 = arith.mulf %mul3A_127, %mul3A_123 : vector<16xf32>
      %sub3A_129 = arith.constant 1.500000e+00 : f32
      %sub3A_130 = vector.broadcast %sub3A_129 : f32 to vector<16xf32>
      %sub3A_131 = arith.subf %sub3A_130, %mul3A_128 : vector<16xf32>
      %mul3A_132 = arith.mulf %mul3A_123, %sub3A_131 : vector<16xf32>
      %mul3A_133 = arith.constant 16 : i32
      %mul3A_134 = arith.muli %scan3A_49, %mul3A_133 : i32
      %swap3A_135 = arith.index_cast %mul3A_134 : i32 to index
      %swap3A_136 = tpu.vector_load %arg23[%swap3A_135] {strides = array<i32>} : memref<6272xf32, #tpu.memory_space<vmem>>, vector<16xf32>,
      tpu.vector_store %arg23[%swap3A_135], %mul3A_132 {strides = array<i32>} : memref<6272xf32, #tpu.memory_space<vmem>>, vector<16xf32>,
      %mul3A_137 = arith.mulf %get3A_52, %mul3A_91 : vector<16xf32>
      %mul3A_138 = arith.constant 16 : i32
      %mul3A_139 = arith.muli %scan3A_49, %mul3A_138 : i32
      %swap3A_140 = arith.index_cast %mul3A_139 : i32 to index
      %swap3A_141 = tpu.vector_load %arg24[%swap3A_140] {strides = array<i32>} : memref<6272xf32, #tpu.memory_space<vmem>>, vector<16xf32>,
      tpu.vector_store %arg24[%swap3A_140], %mul3A_137 {strides = array<i32>} : memref<6272xf32, #tpu.memory_space<vmem>>, vector<16xf32>,
    }
    %scan3A_18 = arith.constant 392 : i32
    "tpu.region"() ({
      %run_scoped3A = tpu.sem_alloc : memref<!tpu.dma_semaphore, #tpu.memory_space<semaphore_mem>>
      %dma_start3A_49 = tpu.memref_slice %arg34[%mul3A_0] : memref<100352xf32, #tpu.memory_space<vmem_shared>> -> memref<6272xf32, #tpu.memory_space<vmem_shared>>
      %dma_start3A_50 = tpu.memref_slice %arg34[%mul3A_0] : memref<100352xf32, #tpu.memory_space<vmem_shared>> -> memref<6272xf32, #tpu.memory_space<vmem_shared>>
      tpu.enqueue_dma source(%arg24 : memref<6272xf32, #tpu.memory_space<vmem>>) target(%dma_start3A_50 : memref<6272xf32, #tpu.memory_space<vmem_shared>>) target_semaphore(%run_scoped3A : memref<!tpu.dma_semaphore, #tpu.memory_space<semaphore_mem>>)
      %dma_wait3A = tpu.memref_slice %arg34[%mul3A_0] : memref<100352xf32, #tpu.memory_space<vmem_shared>> -> memref<6272xf32, #tpu.memory_space<vmem_shared>>
      %dma_wait3A_51 = tpu.memref_slice %arg34[%mul3A_0] : memref<100352xf32, #tpu.memory_space<vmem_shared>> -> memref<6272xf32, #tpu.memory_space<vmem_shared>>
      tpu.wait_dma2 semaphore(%run_scoped3A : memref<!tpu.dma_semaphore, #tpu.memory_space<semaphore_mem>>) src(%arg24 : memref<6272xf32, #tpu.memory_space<vmem>>) dst(%dma_wait3A_51 : memref<6272xf32, #tpu.memory_space<vmem_shared>>)
      tpu.yield
    }) : () -> ()
    %eq3A = arith.constant 0 : i32
    %eq3A_19 = arith.cmpi eq, %arg0, %eq3A : i32
    %convert_element_type3A = arith.extui %eq3A_19 : i1 to i32
    %cond3A = arith.constant 0 : i32
    %cond3A_20 = arith.cmpi ne, %convert_element_type3A, %cond3A : i32
    scf.if %cond3A_20 {
      "tpu.region"() ({
        %run_scoped3A = tpu.sem_alloc : memref<!tpu.dma_semaphore, #tpu.memory_space<semaphore_mem>>
        %dma_start3A_49 = tpu.memref_slice %arg12[%mul3A_0] : memref<100352xf32, #tpu.memory_space<hbm>> -> memref<6272xf32, #tpu.memory_space<hbm>>
        %dma_start3A_50 = tpu.memref_slice %arg12[%mul3A_0] : memref<100352xf32, #tpu.memory_space<hbm>> -> memref<6272xf32, #tpu.memory_space<hbm>>
        tpu.enqueue_dma source(%arg23 : memref<6272xf32, #tpu.memory_space<vmem>>) target(%dma_start3A_50 : memref<6272xf32, #tpu.memory_space<hbm>>) target_semaphore(%run_scoped3A : memref<!tpu.dma_semaphore, #tpu.memory_space<semaphore_mem>>)
        %dma_wait3A = tpu.memref_slice %arg12[%mul3A_0] : memref<100352xf32, #tpu.memory_space<hbm>> -> memref<6272xf32, #tpu.memory_space<hbm>>
        %dma_wait3A_51 = tpu.memref_slice %arg12[%mul3A_0] : memref<100352xf32, #tpu.memory_space<hbm>> -> memref<6272xf32, #tpu.memory_space<hbm>>
        tpu.wait_dma2 semaphore(%run_scoped3A : memref<!tpu.dma_semaphore, #tpu.memory_space<semaphore_mem>>) src(%arg23 : memref<6272xf32, #tpu.memory_space<vmem>>) dst(%dma_wait3A_51 : memref<6272xf32, #tpu.memory_space<hbm>>)
        tpu.yield
      }) : () -> ()
    } else {
    }
    %barrier3A_21 = arith.constant 0 : index
    tpu.barrier barrier_id(%barrier3A_21)
    %mul3A_22 = arith.constant 100000 : i32
    %mul3A_23 = arith.muli %arg1, %mul3A_22 : i32
    %add3A_24 = arith.constant 0 : i32
    %add3A_25 = arith.addi %mul3A_23, %add3A_24 : i32
    %dma_start3A_26 = tpu.memref_slice %arg2[%add3A_25] : memref<1600000xi32, #tpu.memory_space<hbm>> -> memref<5000xi32, #tpu.memory_space<hbm>>
    %dma_start3A_27 = tpu.memref_slice %arg2[%add3A_25] : memref<1600000xi32, #tpu.memory_space<hbm>> -> memref<5000xi32, #tpu.memory_space<hbm>>
    tpu.enqueue_dma source(%dma_start3A_27 : memref<5000xi32, #tpu.memory_space<hbm>>) target(%arg13 : memref<5000xi32, #tpu.memory_space<vmem>>) target_semaphore(%arg35 : memref<!tpu.dma_semaphore, #tpu.memory_space<semaphore_mem>>)
    %dma_start3A_28 = tpu.memref_slice %arg3[%add3A_25] : memref<1600000xi32, #tpu.memory_space<hbm>> -> memref<5000xi32, #tpu.memory_space<hbm>>
    %dma_start3A_29 = tpu.memref_slice %arg3[%add3A_25] : memref<1600000xi32, #tpu.memory_space<hbm>> -> memref<5000xi32, #tpu.memory_space<hbm>>
    tpu.enqueue_dma source(%dma_start3A_29 : memref<5000xi32, #tpu.memory_space<hbm>>) target(%arg14 : memref<5000xi32, #tpu.memory_space<vmem>>) target_semaphore(%arg35 : memref<!tpu.dma_semaphore, #tpu.memory_space<semaphore_mem>>)
    %scan3A_30 = arith.constant 0 : i32
    %scan3A_31 = arith.constant 0 : i32
    %scan3A_32 = arith.constant 10 : i32
    %scan3A_33 = arith.addi %scan3A_31, %scan3A_32 : i32
    %scan3A_34 = arith.constant 1 : i32
    scf.for %scan3A_49 = %scan3A_31 to %scan3A_33 step %scan3A_34  : i32 {
      %dma_wait3A = arith.constant 0 : i32
      %dma_wait3A_50 = tpu.memref_slice %arg2[%dma_wait3A] : memref<1600000xi32, #tpu.memory_space<hbm>> -> memref<5000xi32, #tpu.memory_space<hbm>>
      %dma_wait3A_51 = arith.constant 0 : i32
      %dma_wait3A_52 = tpu.memref_slice %arg2[%dma_wait3A_51] : memref<1600000xi32, #tpu.memory_space<hbm>> -> memref<5000xi32, #tpu.memory_space<hbm>>
      tpu.wait_dma2 semaphore(%arg35 : memref<!tpu.dma_semaphore, #tpu.memory_space<semaphore_mem>>) src(%dma_wait3A_52 : memref<5000xi32, #tpu.memory_space<hbm>>) dst(%arg13 : memref<5000xi32, #tpu.memory_space<vmem>>)
      %dma_wait3A_53 = arith.constant 0 : i32
      %dma_wait3A_54 = tpu.memref_slice %arg3[%dma_wait3A_53] : memref<1600000xi32, #tpu.memory_space<hbm>> -> memref<5000xi32, #tpu.memory_space<hbm>>
      %dma_wait3A_55 = arith.constant 0 : i32
      %dma_wait3A_56 = tpu.memref_slice %arg3[%dma_wait3A_55] : memref<1600000xi32, #tpu.memory_space<hbm>> -> memref<5000xi32, #tpu.memory_space<hbm>>
      tpu.wait_dma2 semaphore(%arg35 : memref<!tpu.dma_semaphore, #tpu.memory_space<semaphore_mem>>) src(%dma_wait3A_56 : memref<5000xi32, #tpu.memory_space<hbm>>) dst(%arg14 : memref<5000xi32, #tpu.memory_space<vmem>>)
      %dma_start3A_57 = arith.constant 0 : i32
      %dma_start3A_58 = tpu.memref_slice %arg34[%dma_start3A_57] : memref<100352xf32, #tpu.memory_space<vmem_shared>> -> memref<100352xf32, #tpu.memory_space<vmem_shared>>
      tpu.enqueue_indirect_dma source(%dma_start3A_58 : memref<100352xf32, #tpu.memory_space<vmem_shared>>) target(%arg15 : memref<5000xf32, #tpu.memory_space<vmem>>) offsets(%arg13 : memref<5000xi32, #tpu.memory_space<vmem>>) semaphore(%arg37 : memref<!tpu.dma_semaphore, #tpu.memory_space<semaphore_mem>>)
      %mul3A_59 = arith.constant 2 : i32
      %mul3A_60 = arith.muli %mul3A_59, %scan3A_49 : i32
      %add3A_61 = arith.constant 1 : i32
      %add3A_62 = arith.addi %mul3A_60, %add3A_61 : i32
      %mul3A_63 = arith.constant 100000 : i32
      %mul3A_64 = arith.muli %arg1, %mul3A_63 : i32
      %mul3A_65 = arith.constant 5000 : i32
      %mul3A_66 = arith.muli %add3A_62, %mul3A_65 : i32
      %add3A_67 = arith.addi %mul3A_64, %mul3A_66 : i32
      %dma_start3A_68 = tpu.memref_slice %arg2[%add3A_67] : memref<1600000xi32, #tpu.memory_space<hbm>> -> memref<5000xi32, #tpu.memory_space<hbm>>
      %dma_start3A_69 = tpu.memref_slice %arg2[%add3A_67] : memref<1600000xi32, #tpu.memory_space<hbm>> -> memref<5000xi32, #tpu.memory_space<hbm>>
      tpu.enqueue_dma source(%dma_start3A_69 : memref<5000xi32, #tpu.memory_space<hbm>>) target(%arg16 : memref<5000xi32, #tpu.memory_space<vmem>>) target_semaphore(%arg36 : memref<!tpu.dma_semaphore, #tpu.memory_space<semaphore_mem>>)
      %dma_start3A_70 = tpu.memref_slice %arg3[%add3A_67] : memref<1600000xi32, #tpu.memory_space<hbm>> -> memref<5000xi32, #tpu.memory_space<hbm>>
      %dma_start3A_71 = tpu.memref_slice %arg3[%add3A_67] : memref<1600000xi32, #tpu.memory_space<hbm>> -> memref<5000xi32, #tpu.memory_space<hbm>>
      tpu.enqueue_dma source(%dma_start3A_71 : memref<5000xi32, #tpu.memory_space<hbm>>) target(%arg17 : memref<5000xi32, #tpu.memory_space<vmem>>) target_semaphore(%arg36 : memref<!tpu.dma_semaphore, #tpu.memory_space<semaphore_mem>>)
      %dma_wait3A_72 = arith.constant 0 : i32
      %dma_wait3A_73 = tpu.memref_slice %arg34[%dma_wait3A_72] : memref<100352xf32, #tpu.memory_space<vmem_shared>> -> memref<100352xf32, #tpu.memory_space<vmem_shared>>
      tpu.wait_indirect_dma semaphore(%arg37 : memref<!tpu.dma_semaphore, #tpu.memory_space<semaphore_mem>>) src(%dma_wait3A_73 : memref<100352xf32, #tpu.memory_space<vmem_shared>>) dst(%arg15 : memref<5000xf32, #tpu.memory_space<vmem>>)
      %dma_start3A_74 = arith.constant 0 : i32
      %dma_start3A_75 = tpu.memref_slice %arg33[%dma_start3A_74] : memref<100352xf32, #tpu.memory_space<vmem_shared>> -> memref<100352xf32, #tpu.memory_space<vmem_shared>>
      tpu.enqueue_indirect_dma source(%arg15 : memref<5000xf32, #tpu.memory_space<vmem>>) target(%dma_start3A_75 : memref<100352xf32, #tpu.memory_space<vmem_shared>>) offsets(%arg14 : memref<5000xi32, #tpu.memory_space<vmem>>) semaphore(%arg39 : memref<!tpu.dma_semaphore, #tpu.memory_space<semaphore_mem>>) {add = true}
      %dma_wait3A_76 = arith.constant 0 : i32
      %dma_wait3A_77 = tpu.memref_slice %arg2[%dma_wait3A_76] : memref<1600000xi32, #tpu.memory_space<hbm>> -> memref<5000xi32, #tpu.memory_space<hbm>>
      %dma_wait3A_78 = arith.constant 0 : i32
      %dma_wait3A_79 = tpu.memref_slice %arg2[%dma_wait3A_78] : memref<1600000xi32, #tpu.memory_space<hbm>> -> memref<5000xi32, #tpu.memory_space<hbm>>
      tpu.wait_dma2 semaphore(%arg36 : memref<!tpu.dma_semaphore, #tpu.memory_space<semaphore_mem>>) src(%dma_wait3A_79 : memref<5000xi32, #tpu.memory_space<hbm>>) dst(%arg16 : memref<5000xi32, #tpu.memory_space<vmem>>)
      %dma_wait3A_80 = arith.constant 0 : i32
      %dma_wait3A_81 = tpu.memref_slice %arg3[%dma_wait3A_80] : memref<1600000xi32, #tpu.memory_space<hbm>> -> memref<5000xi32, #tpu.memory_space<hbm>>
      %dma_wait3A_82 = arith.constant 0 : i32
      %dma_wait3A_83 = tpu.memref_slice %arg3[%dma_wait3A_82] : memref<1600000xi32, #tpu.memory_space<hbm>> -> memref<5000xi32, #tpu.memory_space<hbm>>
      tpu.wait_dma2 semaphore(%arg36 : memref<!tpu.dma_semaphore, #tpu.memory_space<semaphore_mem>>) src(%dma_wait3A_83 : memref<5000xi32, #tpu.memory_space<hbm>>) dst(%arg17 : memref<5000xi32, #tpu.memory_space<vmem>>)
      %dma_start3A_84 = arith.constant 0 : i32
      %dma_start3A_85 = tpu.memref_slice %arg34[%dma_start3A_84] : memref<100352xf32, #tpu.memory_space<vmem_shared>> -> memref<100352xf32, #tpu.memory_space<vmem_shared>>
      tpu.enqueue_indirect_dma source(%dma_start3A_85 : memref<100352xf32, #tpu.memory_space<vmem_shared>>) target(%arg18 : memref<5000xf32, #tpu.memory_space<vmem>>) offsets(%arg16 : memref<5000xi32, #tpu.memory_space<vmem>>) semaphore(%arg38 : memref<!tpu.dma_semaphore, #tpu.memory_space<semaphore_mem>>)
      %dma_wait3A_86 = arith.constant 0 : i32
      %dma_wait3A_87 = tpu.memref_slice %arg33[%dma_wait3A_86] : memref<100352xf32, #tpu.memory_space<vmem_shared>> -> memref<100352xf32, #tpu.memory_space<vmem_shared>>
      tpu.wait_indirect_dma semaphore(%arg39 : memref<!tpu.dma_semaphore, #tpu.memory_space<semaphore_mem>>) src(%arg15 : memref<5000xf32, #tpu.memory_space<vmem>>) dst(%dma_wait3A_87 : memref<100352xf32, #tpu.memory_space<vmem_shared>>)
      %mul3A_88 = arith.constant 2 : i32
      %mul3A_89 = arith.muli %mul3A_88, %scan3A_49 : i32
      %add3A_90 = arith.constant 2 : i32
      %add3A_91 = arith.addi %mul3A_89, %add3A_90 : i32
      %lt3A = arith.constant 20 : i32
      %lt3A_92 = arith.cmpi slt, %add3A_91, %lt3A : i32
      %convert_element_type3A_93 = arith.extui %lt3A_92 : i1 to i32
      %cond3A_94 = arith.constant 0 : i32
      %cond3A_95 = arith.cmpi ne, %convert_element_type3A_93, %cond3A_94 : i32
      scf.if %cond3A_95 {
        %mul3A_102 = arith.constant 2 : i32
        %mul3A_103 = arith.muli %mul3A_102, %scan3A_49 : i32
        %add3A_104 = arith.constant 2 : i32
        %add3A_105 = arith.addi %mul3A_103, %add3A_104 : i32
        %mul3A_106 = arith.constant 100000 : i32
        %mul3A_107 = arith.muli %arg1, %mul3A_106 : i32
        %mul3A_108 = arith.constant 5000 : i32
        %mul3A_109 = arith.muli %add3A_105, %mul3A_108 : i32
        %add3A_110 = arith.addi %mul3A_107, %mul3A_109 : i32
        %dma_start3A_111 = tpu.memref_slice %arg2[%add3A_110] : memref<1600000xi32, #tpu.memory_space<hbm>> -> memref<5000xi32, #tpu.memory_space<hbm>>
        %dma_start3A_112 = tpu.memref_slice %arg2[%add3A_110] : memref<1600000xi32, #tpu.memory_space<hbm>> -> memref<5000xi32, #tpu.memory_space<hbm>>
        tpu.enqueue_dma source(%dma_start3A_112 : memref<5000xi32, #tpu.memory_space<hbm>>) target(%arg13 : memref<5000xi32, #tpu.memory_space<vmem>>) target_semaphore(%arg35 : memref<!tpu.dma_semaphore, #tpu.memory_space<semaphore_mem>>)
        %dma_start3A_113 = tpu.memref_slice %arg3[%add3A_110] : memref<1600000xi32, #tpu.memory_space<hbm>> -> memref<5000xi32, #tpu.memory_space<hbm>>
        %dma_start3A_114 = tpu.memref_slice %arg3[%add3A_110] : memref<1600000xi32, #tpu.memory_space<hbm>> -> memref<5000xi32, #tpu.memory_space<hbm>>
        tpu.enqueue_dma source(%dma_start3A_114 : memref<5000xi32, #tpu.memory_space<hbm>>) target(%arg14 : memref<5000xi32, #tpu.memory_space<vmem>>) target_semaphore(%arg35 : memref<!tpu.dma_semaphore, #tpu.memory_space<semaphore_mem>>)
      } else {
      }
      %dma_wait3A_96 = arith.constant 0 : i32
      %dma_wait3A_97 = tpu.memref_slice %arg34[%dma_wait3A_96] : memref<100352xf32, #tpu.memory_space<vmem_shared>> -> memref<100352xf32, #tpu.memory_space<vmem_shared>>
      tpu.wait_indirect_dma semaphore(%arg38 : memref<!tpu.dma_semaphore, #tpu.memory_space<semaphore_mem>>) src(%dma_wait3A_97 : memref<100352xf32, #tpu.memory_space<vmem_shared>>) dst(%arg18 : memref<5000xf32, #tpu.memory_space<vmem>>)
      %dma_start3A_98 = arith.constant 0 : i32
      %dma_start3A_99 = tpu.memref_slice %arg33[%dma_start3A_98] : memref<100352xf32, #tpu.memory_space<vmem_shared>> -> memref<100352xf32, #tpu.memory_space<vmem_shared>>
      tpu.enqueue_indirect_dma source(%arg18 : memref<5000xf32, #tpu.memory_space<vmem>>) target(%dma_start3A_99 : memref<100352xf32, #tpu.memory_space<vmem_shared>>) offsets(%arg17 : memref<5000xi32, #tpu.memory_space<vmem>>) semaphore(%arg40 : memref<!tpu.dma_semaphore, #tpu.memory_space<semaphore_mem>>) {add = true}
      %dma_wait3A_100 = arith.constant 0 : i32
      %dma_wait3A_101 = tpu.memref_slice %arg33[%dma_wait3A_100] : memref<100352xf32, #tpu.memory_space<vmem_shared>> -> memref<100352xf32, #tpu.memory_space<vmem_shared>>
      tpu.wait_indirect_dma semaphore(%arg40 : memref<!tpu.dma_semaphore, #tpu.memory_space<semaphore_mem>>) src(%arg18 : memref<5000xf32, #tpu.memory_space<vmem>>) dst(%dma_wait3A_101 : memref<100352xf32, #tpu.memory_space<vmem_shared>>)
    }
    %scan3A_35 = arith.constant 10 : i32
    %barrier3A_36 = arith.constant 0 : index
    tpu.barrier barrier_id(%barrier3A_36)
    "tpu.region"() ({
      %run_scoped3A = tpu.sem_alloc : memref<!tpu.dma_semaphore, #tpu.memory_space<semaphore_mem>>
      %dma_start3A_49 = tpu.memref_slice %arg33[%mul3A_0] : memref<100352xf32, #tpu.memory_space<vmem_shared>> -> memref<6272xf32, #tpu.memory_space<vmem_shared>>
      %dma_start3A_50 = tpu.memref_slice %arg33[%mul3A_0] : memref<100352xf32, #tpu.memory_space<vmem_shared>> -> memref<6272xf32, #tpu.memory_space<vmem_shared>>
      tpu.enqueue_dma source(%dma_start3A_50 : memref<6272xf32, #tpu.memory_space<vmem_shared>>) target(%arg20 : memref<6272xf32, #tpu.memory_space<vmem>>) target_semaphore(%run_scoped3A : memref<!tpu.dma_semaphore, #tpu.memory_space<semaphore_mem>>)
      %dma_wait3A = tpu.memref_slice %arg33[%mul3A_0] : memref<100352xf32, #tpu.memory_space<vmem_shared>> -> memref<6272xf32, #tpu.memory_space<vmem_shared>>
      %dma_wait3A_51 = tpu.memref_slice %arg33[%mul3A_0] : memref<100352xf32, #tpu.memory_space<vmem_shared>> -> memref<6272xf32, #tpu.memory_space<vmem_shared>>
      tpu.wait_dma2 semaphore(%run_scoped3A : memref<!tpu.dma_semaphore, #tpu.memory_space<semaphore_mem>>) src(%dma_wait3A_51 : memref<6272xf32, #tpu.memory_space<vmem_shared>>) dst(%arg20 : memref<6272xf32, #tpu.memory_space<vmem>>)
      tpu.yield
    }) : () -> ()
    %iota3A = tpu.iota {dimensions = array<i32: 0>} : vector<16xi32>
    %ge3A = arith.constant 8 : i32
    %ge3A_37 = vector.broadcast %ge3A : i32 to vector<16xi32>
    %ge3A_38 = arith.cmpi sge, %iota3A, %ge3A_37 : vector<16xi32>
    %eq3A_39 = arith.constant 0 : i32
    %eq3A_40 = arith.cmpi eq, %arg0, %eq3A_39 : i32
    %convert_element_type3A_41 = arith.extui %eq3A_40 : i1 to i32
    %cond3A_42 = arith.constant 0 : i32
    %cond3A_43 = arith.cmpi ne, %convert_element_type3A_41, %cond3A_42 : i32
    scf.if %cond3A_43 {
      %get3A = arith.constant 0 : index
      %get3A_49 = tpu.vector_load %arg25[%get3A] {strides = array<i32>} : memref<32xf32, #tpu.memory_space<vmem>>, vector<16xf32>,
      %get3A_50 = arith.constant 0 : index
      %get3A_51 = tpu.vector_load %arg26[%get3A_50] {strides = array<i32>} : memref<32xf32, #tpu.memory_space<vmem>>, vector<16xf32>,
      %get3A_52 = arith.constant 0 : index
      %get3A_53 = tpu.vector_load %arg27[%get3A_52] {strides = array<i32>} : memref<32xf32, #tpu.memory_space<vmem>>, vector<16xf32>,
      %get3A_54 = arith.constant 0 : index
      %get3A_55 = tpu.vector_load %arg28[%get3A_54] {strides = array<i32>} : memref<32xf32, #tpu.memory_space<vmem>>, vector<16xf32>,
      %scan3A_56 = arith.constant 0 : i32
      %scan3A_57 = arith.constant 0 : i32
      %scan3A_58 = arith.constant 98 : i32
      %scan3A_59 = arith.addi %scan3A_57, %scan3A_58 : i32
      %scan3A_60 = arith.constant 1 : i32
      scf.for %scan3A_127 = %scan3A_57 to %scan3A_59 step %scan3A_60  : i32 {
        %mul3A_128 = arith.constant 16 : i32
        %mul3A_129 = arith.muli %scan3A_127, %mul3A_128 : i32
        %add3A_130 = arith.constant 0 : i32
        %add3A_131 = arith.addi %add3A_130, %mul3A_129 : i32
        %get3A_132 = arith.index_cast %add3A_131 : i32 to index
        %get3A_133 = tpu.vector_load %arg20[%get3A_132] {strides = array<i32>} : memref<6272xf32, #tpu.memory_space<vmem>>, vector<16xf32>,
        %get3A_134 = arith.index_cast %add3A_131 : i32 to index
        %get3A_135 = tpu.vector_load %arg24[%get3A_134] {strides = array<i32>} : memref<6272xf32, #tpu.memory_space<vmem>>, vector<16xf32>,
        %add3A_136 = arith.addf %get3A_133, %get3A_135 : vector<16xf32>
        %get3A_137 = arith.index_cast %add3A_131 : i32 to index
        %get3A_138 = tpu.vector_load %arg23[%get3A_137] {strides = array<i32>} : memref<6272xf32, #tpu.memory_space<vmem>>, vector<16xf32>,
        %mul3A_139 = arith.mulf %add3A_136, %get3A_138 : vector<16xf32>
        %get3A_140 = arith.index_cast %add3A_131 : i32 to index
        %get3A_141 = tpu.vector_load %arg22[%get3A_140] {strides = array<i32>} : memref<6272xf32, #tpu.memory_space<vmem>>, vector<16xf32>,
        %slice3A = vector.extract_strided_slice %mul3A_139 {offsets = [1], sizes = [1], strides = [1]} : vector<16xf32> to vector<1xf32>
        %squeeze3A = vector.extract %slice3A[0] : f32 from vector<1xf32>
        %slice3A_142 = vector.extract_strided_slice %mul3A_139 {offsets = [0], sizes = [1], strides = [1]} : vector<16xf32> to vector<1xf32>
        %squeeze3A_143 = vector.extract %slice3A_142[0] : f32 from vector<1xf32>
        %broadcast_in_dim3A = vector.broadcast %squeeze3A : f32 to vector<16xf32>
        %broadcast_in_dim3A_144 = vector.broadcast %squeeze3A_143 : f32 to vector<16xf32>
        %select_n3A = arith.select %ge3A_38, %broadcast_in_dim3A, %broadcast_in_dim3A_144 : vector<16xi1>, vector<16xf32>
        %slice3A_145 = vector.extract_strided_slice %get3A_141 {offsets = [1], sizes = [1], strides = [1]} : vector<16xf32> to vector<1xf32>
        %squeeze3A_146 = vector.extract %slice3A_145[0] : f32 from vector<1xf32>
        %slice3A_147 = vector.extract_strided_slice %get3A_141 {offsets = [0], sizes = [1], strides = [1]} : vector<16xf32> to vector<1xf32>
        %squeeze3A_148 = vector.extract %slice3A_147[0] : f32 from vector<1xf32>
        %broadcast_in_dim3A_149 = vector.broadcast %squeeze3A_146 : f32 to vector<16xf32>
        %broadcast_in_dim3A_150 = vector.broadcast %squeeze3A_148 : f32 to vector<16xf32>
        %select_n3A_151 = arith.select %ge3A_38, %broadcast_in_dim3A_149, %broadcast_in_dim3A_150 : vector<16xi1>, vector<16xf32>
        %mul3A_152 = arith.mulf %select_n3A, %get3A_49 : vector<16xf32>
        %add3A_153 = arith.addf %mul3A_152, %get3A_53 : vector<16xf32>
        %max3A = arith.constant 0.000000e+00 : f32
        %max3A_154 = vector.broadcast %max3A : f32 to vector<16xf32>
        %max3A_155 = arith.maximumf %add3A_153, %max3A_154 : vector<16xf32>
        %mul3A_156 = arith.mulf %select_n3A_151, %max3A_155 : vector<16xf32>
        %mul3A_157 = arith.mulf %select_n3A, %get3A_51 : vector<16xf32>
        %add3A_158 = arith.addf %mul3A_157, %get3A_55 : vector<16xf32>
        %max3A_159 = arith.constant 0.000000e+00 : f32
        %max3A_160 = vector.broadcast %max3A_159 : f32 to vector<16xf32>
        %max3A_161 = arith.maximumf %add3A_158, %max3A_160 : vector<16xf32>
        %mul3A_162 = arith.mulf %select_n3A_151, %max3A_161 : vector<16xf32>
        %pack3A = tpu.pack_subelements %mul3A_156, %mul3A_162 {pack_format = #tpu.pack_format<interleaved>, positions = array<i32: 0, 1>} : vector<16xf32>, vector<16xf32> -> vector<32xbf16>
        %mul3A_163 = arith.constant 16 : i32
        %mul3A_164 = arith.muli %scan3A_127, %mul3A_163 : i32
        %add3A_165 = arith.constant 0 : i32
        %add3A_166 = arith.addi %mul3A_164, %add3A_165 : i32
        %mul3A_167 = arith.constant 16 : i32
        %mul3A_168 = arith.muli %add3A_166, %mul3A_167 : i32
        %swap3A = arith.index_cast %mul3A_168 : i32 to index
        %swap3A_169 = tpu.vector_load %arg29[%swap3A] {strides = array<i32>} : memref<25088xbf16, #tpu.memory_space<vmem>>, vector<32xbf16>,
        tpu.vector_store %arg29[%swap3A], %pack3A {strides = array<i32>} : memref<25088xbf16, #tpu.memory_space<vmem>>, vector<32xbf16>,
        %slice3A_170 = vector.extract_strided_slice %mul3A_139 {offsets = [3], sizes = [1], strides = [1]} : vector<16xf32> to vector<1xf32>
        %squeeze3A_171 = vector.extract %slice3A_170[0] : f32 from vector<1xf32>
        %slice3A_172 = vector.extract_strided_slice %mul3A_139 {offsets = [2], sizes = [1], strides = [1]} : vector<16xf32> to vector<1xf32>
        %squeeze3A_173 = vector.extract %slice3A_172[0] : f32 from vector<1xf32>
        %broadcast_in_dim3A_174 = vector.broadcast %squeeze3A_171 : f32 to vector<16xf32>
        %broadcast_in_dim3A_175 = vector.broadcast %squeeze3A_173 : f32 to vector<16xf32>
        %select_n3A_176 = arith.select %ge3A_38, %broadcast_in_dim3A_174, %broadcast_in_dim3A_175 : vector<16xi1>, vector<16xf32>
        %slice3A_177 = vector.extract_strided_slice %get3A_141 {offsets = [3], sizes = [1], strides = [1]} : vector<16xf32> to vector<1xf32>
        %squeeze3A_178 = vector.extract %slice3A_177[0] : f32 from vector<1xf32>
        %slice3A_179 = vector.extract_strided_slice %get3A_141 {offsets = [2], sizes = [1], strides = [1]} : vector<16xf32> to vector<1xf32>
        %squeeze3A_180 = vector.extract %slice3A_179[0] : f32 from vector<1xf32>
        %broadcast_in_dim3A_181 = vector.broadcast %squeeze3A_178 : f32 to vector<16xf32>
        %broadcast_in_dim3A_182 = vector.broadcast %squeeze3A_180 : f32 to vector<16xf32>
        %select_n3A_183 = arith.select %ge3A_38, %broadcast_in_dim3A_181, %broadcast_in_dim3A_182 : vector<16xi1>, vector<16xf32>
        %mul3A_184 = arith.mulf %select_n3A_176, %get3A_49 : vector<16xf32>
        %add3A_185 = arith.addf %mul3A_184, %get3A_53 : vector<16xf32>
        %max3A_186 = arith.constant 0.000000e+00 : f32
        %max3A_187 = vector.broadcast %max3A_186 : f32 to vector<16xf32>
        %max3A_188 = arith.maximumf %add3A_185, %max3A_187 : vector<16xf32>
        %mul3A_189 = arith.mulf %select_n3A_183, %max3A_188 : vector<16xf32>
        %mul3A_190 = arith.mulf %select_n3A_176, %get3A_51 : vector<16xf32>
        %add3A_191 = arith.addf %mul3A_190, %get3A_55 : vector<16xf32>
        %max3A_192 = arith.constant 0.000000e+00 : f32
        %max3A_193 = vector.broadcast %max3A_192 : f32 to vector<16xf32>
        %max3A_194 = arith.maximumf %add3A_191, %max3A_193 : vector<16xf32>
        %mul3A_195 = arith.mulf %select_n3A_183, %max3A_194 : vector<16xf32>
        %pack3A_196 = tpu.pack_subelements %mul3A_189, %mul3A_195 {pack_format = #tpu.pack_format<interleaved>, positions = array<i32: 0, 1>} : vector<16xf32>, vector<16xf32> -> vector<32xbf16>
        %mul3A_197 = arith.constant 16 : i32
        %mul3A_198 = arith.muli %scan3A_127, %mul3A_197 : i32
        %add3A_199 = arith.constant 2 : i32
        %add3A_200 = arith.addi %mul3A_198, %add3A_199 : i32
        %mul3A_201 = arith.constant 16 : i32
        %mul3A_202 = arith.muli %add3A_200, %mul3A_201 : i32
        %swap3A_203 = arith.index_cast %mul3A_202 : i32 to index
        %swap3A_204 = tpu.vector_load %arg29[%swap3A_203] {strides = array<i32>} : memref<25088xbf16, #tpu.memory_space<vmem>>, vector<32xbf16>,
        tpu.vector_store %arg29[%swap3A_203], %pack3A_196 {strides = array<i32>} : memref<25088xbf16, #tpu.memory_space<vmem>>, vector<32xbf16>,
        %slice3A_205 = vector.extract_strided_slice %mul3A_139 {offsets = [5], sizes = [1], strides = [1]} : vector<16xf32> to vector<1xf32>
        %squeeze3A_206 = vector.extract %slice3A_205[0] : f32 from vector<1xf32>
        %slice3A_207 = vector.extract_strided_slice %mul3A_139 {offsets = [4], sizes = [1], strides = [1]} : vector<16xf32> to vector<1xf32>
        %squeeze3A_208 = vector.extract %slice3A_207[0] : f32 from vector<1xf32>
        %broadcast_in_dim3A_209 = vector.broadcast %squeeze3A_206 : f32 to vector<16xf32>
        %broadcast_in_dim3A_210 = vector.broadcast %squeeze3A_208 : f32 to vector<16xf32>
        %select_n3A_211 = arith.select %ge3A_38, %broadcast_in_dim3A_209, %broadcast_in_dim3A_210 : vector<16xi1>, vector<16xf32>
        %slice3A_212 = vector.extract_strided_slice %get3A_141 {offsets = [5], sizes = [1], strides = [1]} : vector<16xf32> to vector<1xf32>
        %squeeze3A_213 = vector.extract %slice3A_212[0] : f32 from vector<1xf32>
        %slice3A_214 = vector.extract_strided_slice %get3A_141 {offsets = [4], sizes = [1], strides = [1]} : vector<16xf32> to vector<1xf32>
        %squeeze3A_215 = vector.extract %slice3A_214[0] : f32 from vector<1xf32>
        %broadcast_in_dim3A_216 = vector.broadcast %squeeze3A_213 : f32 to vector<16xf32>
        %broadcast_in_dim3A_217 = vector.broadcast %squeeze3A_215 : f32 to vector<16xf32>
        %select_n3A_218 = arith.select %ge3A_38, %broadcast_in_dim3A_216, %broadcast_in_dim3A_217 : vector<16xi1>, vector<16xf32>
        %mul3A_219 = arith.mulf %select_n3A_211, %get3A_49 : vector<16xf32>
        %add3A_220 = arith.addf %mul3A_219, %get3A_53 : vector<16xf32>
        %max3A_221 = arith.constant 0.000000e+00 : f32
        %max3A_222 = vector.broadcast %max3A_221 : f32 to vector<16xf32>
        %max3A_223 = arith.maximumf %add3A_220, %max3A_222 : vector<16xf32>
        %mul3A_224 = arith.mulf %select_n3A_218, %max3A_223 : vector<16xf32>
        %mul3A_225 = arith.mulf %select_n3A_211, %get3A_51 : vector<16xf32>
        %add3A_226 = arith.addf %mul3A_225, %get3A_55 : vector<16xf32>
        %max3A_227 = arith.constant 0.000000e+00 : f32
        %max3A_228 = vector.broadcast %max3A_227 : f32 to vector<16xf32>
        %max3A_229 = arith.maximumf %add3A_226, %max3A_228 : vector<16xf32>
        %mul3A_230 = arith.mulf %select_n3A_218, %max3A_229 : vector<16xf32>
        %pack3A_231 = tpu.pack_subelements %mul3A_224, %mul3A_230 {pack_format = #tpu.pack_format<interleaved>, positions = array<i32: 0, 1>} : vector<16xf32>, vector<16xf32> -> vector<32xbf16>
        %mul3A_232 = arith.constant 16 : i32
        %mul3A_233 = arith.muli %scan3A_127, %mul3A_232 : i32
        %add3A_234 = arith.constant 4 : i32
        %add3A_235 = arith.addi %mul3A_233, %add3A_234 : i32
        %mul3A_236 = arith.constant 16 : i32
        %mul3A_237 = arith.muli %add3A_235, %mul3A_236 : i32
        %swap3A_238 = arith.index_cast %mul3A_237 : i32 to index
        %swap3A_239 = tpu.vector_load %arg29[%swap3A_238] {strides = array<i32>} : memref<25088xbf16, #tpu.memory_space<vmem>>, vector<32xbf16>,
        tpu.vector_store %arg29[%swap3A_238], %pack3A_231 {strides = array<i32>} : memref<25088xbf16, #tpu.memory_space<vmem>>, vector<32xbf16>,
        %slice3A_240 = vector.extract_strided_slice %mul3A_139 {offsets = [7], sizes = [1], strides = [1]} : vector<16xf32> to vector<1xf32>
        %squeeze3A_241 = vector.extract %slice3A_240[0] : f32 from vector<1xf32>
        %slice3A_242 = vector.extract_strided_slice %mul3A_139 {offsets = [6], sizes = [1], strides = [1]} : vector<16xf32> to vector<1xf32>
        %squeeze3A_243 = vector.extract %slice3A_242[0] : f32 from vector<1xf32>
        %broadcast_in_dim3A_244 = vector.broadcast %squeeze3A_241 : f32 to vector<16xf32>
        %broadcast_in_dim3A_245 = vector.broadcast %squeeze3A_243 : f32 to vector<16xf32>
        %select_n3A_246 = arith.select %ge3A_38, %broadcast_in_dim3A_244, %broadcast_in_dim3A_245 : vector<16xi1>, vector<16xf32>
        %slice3A_247 = vector.extract_strided_slice %get3A_141 {offsets = [7], sizes = [1], strides = [1]} : vector<16xf32> to vector<1xf32>
        %squeeze3A_248 = vector.extract %slice3A_247[0] : f32 from vector<1xf32>
        %slice3A_249 = vector.extract_strided_slice %get3A_141 {offsets = [6], sizes = [1], strides = [1]} : vector<16xf32> to vector<1xf32>
        %squeeze3A_250 = vector.extract %slice3A_249[0] : f32 from vector<1xf32>
        %broadcast_in_dim3A_251 = vector.broadcast %squeeze3A_248 : f32 to vector<16xf32>
        %broadcast_in_dim3A_252 = vector.broadcast %squeeze3A_250 : f32 to vector<16xf32>
        %select_n3A_253 = arith.select %ge3A_38, %broadcast_in_dim3A_251, %broadcast_in_dim3A_252 : vector<16xi1>, vector<16xf32>
        %mul3A_254 = arith.mulf %select_n3A_246, %get3A_49 : vector<16xf32>
        %add3A_255 = arith.addf %mul3A_254, %get3A_53 : vector<16xf32>
        %max3A_256 = arith.constant 0.000000e+00 : f32
        %max3A_257 = vector.broadcast %max3A_256 : f32 to vector<16xf32>
        %max3A_258 = arith.maximumf %add3A_255, %max3A_257 : vector<16xf32>
        %mul3A_259 = arith.mulf %select_n3A_253, %max3A_258 : vector<16xf32>
        %mul3A_260 = arith.mulf %select_n3A_246, %get3A_51 : vector<16xf32>
        %add3A_261 = arith.addf %mul3A_260, %get3A_55 : vector<16xf32>
        %max3A_262 = arith.constant 0.000000e+00 : f32
        %max3A_263 = vector.broadcast %max3A_262 : f32 to vector<16xf32>
        %max3A_264 = arith.maximumf %add3A_261, %max3A_263 : vector<16xf32>
        %mul3A_265 = arith.mulf %select_n3A_253, %max3A_264 : vector<16xf32>
        %pack3A_266 = tpu.pack_subelements %mul3A_259, %mul3A_265 {pack_format = #tpu.pack_format<interleaved>, positions = array<i32: 0, 1>} : vector<16xf32>, vector<16xf32> -> vector<32xbf16>
        %mul3A_267 = arith.constant 16 : i32
        %mul3A_268 = arith.muli %scan3A_127, %mul3A_267 : i32
        %add3A_269 = arith.constant 6 : i32
        %add3A_270 = arith.addi %mul3A_268, %add3A_269 : i32
        %mul3A_271 = arith.constant 16 : i32
        %mul3A_272 = arith.muli %add3A_270, %mul3A_271 : i32
        %swap3A_273 = arith.index_cast %mul3A_272 : i32 to index
        %swap3A_274 = tpu.vector_load %arg29[%swap3A_273] {strides = array<i32>} : memref<25088xbf16, #tpu.memory_space<vmem>>, vector<32xbf16>,
        tpu.vector_store %arg29[%swap3A_273], %pack3A_266 {strides = array<i32>} : memref<25088xbf16, #tpu.memory_space<vmem>>, vector<32xbf16>,
        %slice3A_275 = vector.extract_strided_slice %mul3A_139 {offsets = [9], sizes = [1], strides = [1]} : vector<16xf32> to vector<1xf32>
        %squeeze3A_276 = vector.extract %slice3A_275[0] : f32 from vector<1xf32>
        %slice3A_277 = vector.extract_strided_slice %mul3A_139 {offsets = [8], sizes = [1], strides = [1]} : vector<16xf32> to vector<1xf32>
        %squeeze3A_278 = vector.extract %slice3A_277[0] : f32 from vector<1xf32>
        %broadcast_in_dim3A_279 = vector.broadcast %squeeze3A_276 : f32 to vector<16xf32>
        %broadcast_in_dim3A_280 = vector.broadcast %squeeze3A_278 : f32 to vector<16xf32>
        %select_n3A_281 = arith.select %ge3A_38, %broadcast_in_dim3A_279, %broadcast_in_dim3A_280 : vector<16xi1>, vector<16xf32>
        %slice3A_282 = vector.extract_strided_slice %get3A_141 {offsets = [9], sizes = [1], strides = [1]} : vector<16xf32> to vector<1xf32>
        %squeeze3A_283 = vector.extract %slice3A_282[0] : f32 from vector<1xf32>
        %slice3A_284 = vector.extract_strided_slice %get3A_141 {offsets = [8], sizes = [1], strides = [1]} : vector<16xf32> to vector<1xf32>
        %squeeze3A_285 = vector.extract %slice3A_284[0] : f32 from vector<1xf32>
        %broadcast_in_dim3A_286 = vector.broadcast %squeeze3A_283 : f32 to vector<16xf32>
        %broadcast_in_dim3A_287 = vector.broadcast %squeeze3A_285 : f32 to vector<16xf32>
        %select_n3A_288 = arith.select %ge3A_38, %broadcast_in_dim3A_286, %broadcast_in_dim3A_287 : vector<16xi1>, vector<16xf32>
        %mul3A_289 = arith.mulf %select_n3A_281, %get3A_49 : vector<16xf32>
        %add3A_290 = arith.addf %mul3A_289, %get3A_53 : vector<16xf32>
        %max3A_291 = arith.constant 0.000000e+00 : f32
        %max3A_292 = vector.broadcast %max3A_291 : f32 to vector<16xf32>
        %max3A_293 = arith.maximumf %add3A_290, %max3A_292 : vector<16xf32>
        %mul3A_294 = arith.mulf %select_n3A_288, %max3A_293 : vector<16xf32>
        %mul3A_295 = arith.mulf %select_n3A_281, %get3A_51 : vector<16xf32>
        %add3A_296 = arith.addf %mul3A_295, %get3A_55 : vector<16xf32>
        %max3A_297 = arith.constant 0.000000e+00 : f32
        %max3A_298 = vector.broadcast %max3A_297 : f32 to vector<16xf32>
        %max3A_299 = arith.maximumf %add3A_296, %max3A_298 : vector<16xf32>
        %mul3A_300 = arith.mulf %select_n3A_288, %max3A_299 : vector<16xf32>
        %pack3A_301 = tpu.pack_subelements %mul3A_294, %mul3A_300 {pack_format = #tpu.pack_format<interleaved>, positions = array<i32: 0, 1>} : vector<16xf32>, vector<16xf32> -> vector<32xbf16>
        %mul3A_302 = arith.constant 16 : i32
        %mul3A_303 = arith.muli %scan3A_127, %mul3A_302 : i32
        %add3A_304 = arith.constant 8 : i32
        %add3A_305 = arith.addi %mul3A_303, %add3A_304 : i32
        %mul3A_306 = arith.constant 16 : i32
        %mul3A_307 = arith.muli %add3A_305, %mul3A_306 : i32
        %swap3A_308 = arith.index_cast %mul3A_307 : i32 to index
        %swap3A_309 = tpu.vector_load %arg29[%swap3A_308] {strides = array<i32>} : memref<25088xbf16, #tpu.memory_space<vmem>>, vector<32xbf16>,
        tpu.vector_store %arg29[%swap3A_308], %pack3A_301 {strides = array<i32>} : memref<25088xbf16, #tpu.memory_space<vmem>>, vector<32xbf16>,
        %slice3A_310 = vector.extract_strided_slice %mul3A_139 {offsets = [11], sizes = [1], strides = [1]} : vector<16xf32> to vector<1xf32>
        %squeeze3A_311 = vector.extract %slice3A_310[0] : f32 from vector<1xf32>
        %slice3A_312 = vector.extract_strided_slice %mul3A_139 {offsets = [10], sizes = [1], strides = [1]} : vector<16xf32> to vector<1xf32>
        %squeeze3A_313 = vector.extract %slice3A_312[0] : f32 from vector<1xf32>
        %broadcast_in_dim3A_314 = vector.broadcast %squeeze3A_311 : f32 to vector<16xf32>
        %broadcast_in_dim3A_315 = vector.broadcast %squeeze3A_313 : f32 to vector<16xf32>
        %select_n3A_316 = arith.select %ge3A_38, %broadcast_in_dim3A_314, %broadcast_in_dim3A_315 : vector<16xi1>, vector<16xf32>
        %slice3A_317 = vector.extract_strided_slice %get3A_141 {offsets = [11], sizes = [1], strides = [1]} : vector<16xf32> to vector<1xf32>
        %squeeze3A_318 = vector.extract %slice3A_317[0] : f32 from vector<1xf32>
        %slice3A_319 = vector.extract_strided_slice %get3A_141 {offsets = [10], sizes = [1], strides = [1]} : vector<16xf32> to vector<1xf32>
        %squeeze3A_320 = vector.extract %slice3A_319[0] : f32 from vector<1xf32>
        %broadcast_in_dim3A_321 = vector.broadcast %squeeze3A_318 : f32 to vector<16xf32>
        %broadcast_in_dim3A_322 = vector.broadcast %squeeze3A_320 : f32 to vector<16xf32>
        %select_n3A_323 = arith.select %ge3A_38, %broadcast_in_dim3A_321, %broadcast_in_dim3A_322 : vector<16xi1>, vector<16xf32>
        %mul3A_324 = arith.mulf %select_n3A_316, %get3A_49 : vector<16xf32>
        %add3A_325 = arith.addf %mul3A_324, %get3A_53 : vector<16xf32>
        %max3A_326 = arith.constant 0.000000e+00 : f32
        %max3A_327 = vector.broadcast %max3A_326 : f32 to vector<16xf32>
        %max3A_328 = arith.maximumf %add3A_325, %max3A_327 : vector<16xf32>
        %mul3A_329 = arith.mulf %select_n3A_323, %max3A_328 : vector<16xf32>
        %mul3A_330 = arith.mulf %select_n3A_316, %get3A_51 : vector<16xf32>
        %add3A_331 = arith.addf %mul3A_330, %get3A_55 : vector<16xf32>
        %max3A_332 = arith.constant 0.000000e+00 : f32
        %max3A_333 = vector.broadcast %max3A_332 : f32 to vector<16xf32>
        %max3A_334 = arith.maximumf %add3A_331, %max3A_333 : vector<16xf32>
        %mul3A_335 = arith.mulf %select_n3A_323, %max3A_334 : vector<16xf32>
        %pack3A_336 = tpu.pack_subelements %mul3A_329, %mul3A_335 {pack_format = #tpu.pack_format<interleaved>, positions = array<i32: 0, 1>} : vector<16xf32>, vector<16xf32> -> vector<32xbf16>
        %mul3A_337 = arith.constant 16 : i32
        %mul3A_338 = arith.muli %scan3A_127, %mul3A_337 : i32
        %add3A_339 = arith.constant 10 : i32
        %add3A_340 = arith.addi %mul3A_338, %add3A_339 : i32
        %mul3A_341 = arith.constant 16 : i32
        %mul3A_342 = arith.muli %add3A_340, %mul3A_341 : i32
        %swap3A_343 = arith.index_cast %mul3A_342 : i32 to index
        %swap3A_344 = tpu.vector_load %arg29[%swap3A_343] {strides = array<i32>} : memref<25088xbf16, #tpu.memory_space<vmem>>, vector<32xbf16>,
        tpu.vector_store %arg29[%swap3A_343], %pack3A_336 {strides = array<i32>} : memref<25088xbf16, #tpu.memory_space<vmem>>, vector<32xbf16>,
        %slice3A_345 = vector.extract_strided_slice %mul3A_139 {offsets = [13], sizes = [1], strides = [1]} : vector<16xf32> to vector<1xf32>
        %squeeze3A_346 = vector.extract %slice3A_345[0] : f32 from vector<1xf32>
        %slice3A_347 = vector.extract_strided_slice %mul3A_139 {offsets = [12], sizes = [1], strides = [1]} : vector<16xf32> to vector<1xf32>
        %squeeze3A_348 = vector.extract %slice3A_347[0] : f32 from vector<1xf32>
        %broadcast_in_dim3A_349 = vector.broadcast %squeeze3A_346 : f32 to vector<16xf32>
        %broadcast_in_dim3A_350 = vector.broadcast %squeeze3A_348 : f32 to vector<16xf32>
        %select_n3A_351 = arith.select %ge3A_38, %broadcast_in_dim3A_349, %broadcast_in_dim3A_350 : vector<16xi1>, vector<16xf32>
        %slice3A_352 = vector.extract_strided_slice %get3A_141 {offsets = [13], sizes = [1], strides = [1]} : vector<16xf32> to vector<1xf32>
        %squeeze3A_353 = vector.extract %slice3A_352[0] : f32 from vector<1xf32>
        %slice3A_354 = vector.extract_strided_slice %get3A_141 {offsets = [12], sizes = [1], strides = [1]} : vector<16xf32> to vector<1xf32>
        %squeeze3A_355 = vector.extract %slice3A_354[0] : f32 from vector<1xf32>
        %broadcast_in_dim3A_356 = vector.broadcast %squeeze3A_353 : f32 to vector<16xf32>
        %broadcast_in_dim3A_357 = vector.broadcast %squeeze3A_355 : f32 to vector<16xf32>
        %select_n3A_358 = arith.select %ge3A_38, %broadcast_in_dim3A_356, %broadcast_in_dim3A_357 : vector<16xi1>, vector<16xf32>
        %mul3A_359 = arith.mulf %select_n3A_351, %get3A_49 : vector<16xf32>
        %add3A_360 = arith.addf %mul3A_359, %get3A_53 : vector<16xf32>
        %max3A_361 = arith.constant 0.000000e+00 : f32
        %max3A_362 = vector.broadcast %max3A_361 : f32 to vector<16xf32>
        %max3A_363 = arith.maximumf %add3A_360, %max3A_362 : vector<16xf32>
        %mul3A_364 = arith.mulf %select_n3A_358, %max3A_363 : vector<16xf32>
        %mul3A_365 = arith.mulf %select_n3A_351, %get3A_51 : vector<16xf32>
        %add3A_366 = arith.addf %mul3A_365, %get3A_55 : vector<16xf32>
        %max3A_367 = arith.constant 0.000000e+00 : f32
        %max3A_368 = vector.broadcast %max3A_367 : f32 to vector<16xf32>
        %max3A_369 = arith.maximumf %add3A_366, %max3A_368 : vector<16xf32>
        %mul3A_370 = arith.mulf %select_n3A_358, %max3A_369 : vector<16xf32>
        %pack3A_371 = tpu.pack_subelements %mul3A_364, %mul3A_370 {pack_format = #tpu.pack_format<interleaved>, positions = array<i32: 0, 1>} : vector<16xf32>, vector<16xf32> -> vector<32xbf16>
        %mul3A_372 = arith.constant 16 : i32
        %mul3A_373 = arith.muli %scan3A_127, %mul3A_372 : i32
        %add3A_374 = arith.constant 12 : i32
        %add3A_375 = arith.addi %mul3A_373, %add3A_374 : i32
        %mul3A_376 = arith.constant 16 : i32
        %mul3A_377 = arith.muli %add3A_375, %mul3A_376 : i32
        %swap3A_378 = arith.index_cast %mul3A_377 : i32 to index
        %swap3A_379 = tpu.vector_load %arg29[%swap3A_378] {strides = array<i32>} : memref<25088xbf16, #tpu.memory_space<vmem>>, vector<32xbf16>,
        tpu.vector_store %arg29[%swap3A_378], %pack3A_371 {strides = array<i32>} : memref<25088xbf16, #tpu.memory_space<vmem>>, vector<32xbf16>,
        %slice3A_380 = vector.extract_strided_slice %mul3A_139 {offsets = [15], sizes = [1], strides = [1]} : vector<16xf32> to vector<1xf32>
        %squeeze3A_381 = vector.extract %slice3A_380[0] : f32 from vector<1xf32>
        %slice3A_382 = vector.extract_strided_slice %mul3A_139 {offsets = [14], sizes = [1], strides = [1]} : vector<16xf32> to vector<1xf32>
        %squeeze3A_383 = vector.extract %slice3A_382[0] : f32 from vector<1xf32>
        %broadcast_in_dim3A_384 = vector.broadcast %squeeze3A_381 : f32 to vector<16xf32>
        %broadcast_in_dim3A_385 = vector.broadcast %squeeze3A_383 : f32 to vector<16xf32>
        %select_n3A_386 = arith.select %ge3A_38, %broadcast_in_dim3A_384, %broadcast_in_dim3A_385 : vector<16xi1>, vector<16xf32>
        %slice3A_387 = vector.extract_strided_slice %get3A_141 {offsets = [15], sizes = [1], strides = [1]} : vector<16xf32> to vector<1xf32>
        %squeeze3A_388 = vector.extract %slice3A_387[0] : f32 from vector<1xf32>
        %slice3A_389 = vector.extract_strided_slice %get3A_141 {offsets = [14], sizes = [1], strides = [1]} : vector<16xf32> to vector<1xf32>
        %squeeze3A_390 = vector.extract %slice3A_389[0] : f32 from vector<1xf32>
        %broadcast_in_dim3A_391 = vector.broadcast %squeeze3A_388 : f32 to vector<16xf32>
        %broadcast_in_dim3A_392 = vector.broadcast %squeeze3A_390 : f32 to vector<16xf32>
        %select_n3A_393 = arith.select %ge3A_38, %broadcast_in_dim3A_391, %broadcast_in_dim3A_392 : vector<16xi1>, vector<16xf32>
        %mul3A_394 = arith.mulf %select_n3A_386, %get3A_49 : vector<16xf32>
        %add3A_395 = arith.addf %mul3A_394, %get3A_53 : vector<16xf32>
        %max3A_396 = arith.constant 0.000000e+00 : f32
        %max3A_397 = vector.broadcast %max3A_396 : f32 to vector<16xf32>
        %max3A_398 = arith.maximumf %add3A_395, %max3A_397 : vector<16xf32>
        %mul3A_399 = arith.mulf %select_n3A_393, %max3A_398 : vector<16xf32>
        %mul3A_400 = arith.mulf %select_n3A_386, %get3A_51 : vector<16xf32>
        %add3A_401 = arith.addf %mul3A_400, %get3A_55 : vector<16xf32>
        %max3A_402 = arith.constant 0.000000e+00 : f32
        %max3A_403 = vector.broadcast %max3A_402 : f32 to vector<16xf32>
        %max3A_404 = arith.maximumf %add3A_401, %max3A_403 : vector<16xf32>
        %mul3A_405 = arith.mulf %select_n3A_393, %max3A_404 : vector<16xf32>
        %pack3A_406 = tpu.pack_subelements %mul3A_399, %mul3A_405 {pack_format = #tpu.pack_format<interleaved>, positions = array<i32: 0, 1>} : vector<16xf32>, vector<16xf32> -> vector<32xbf16>
        %mul3A_407 = arith.constant 16 : i32
        %mul3A_408 = arith.muli %scan3A_127, %mul3A_407 : i32
        %add3A_409 = arith.constant 14 : i32
        %add3A_410 = arith.addi %mul3A_408, %add3A_409 : i32
        %mul3A_411 = arith.constant 16 : i32
        %mul3A_412 = arith.muli %add3A_410, %mul3A_411 : i32
        %swap3A_413 = arith.index_cast %mul3A_412 : i32 to index
        %swap3A_414 = tpu.vector_load %arg29[%swap3A_413] {strides = array<i32>} : memref<25088xbf16, #tpu.memory_space<vmem>>, vector<32xbf16>,
        tpu.vector_store %arg29[%swap3A_413], %pack3A_406 {strides = array<i32>} : memref<25088xbf16, #tpu.memory_space<vmem>>, vector<32xbf16>,
      }
      %scan3A_61 = arith.constant 98 : i32
      %add3A_62 = arith.constant 0 : i32
      %add3A_63 = arith.addi %mul3A_0, %add3A_62 : i32
      %mul3A_64 = arith.constant 16 : i32
      %mul3A_65 = arith.muli %add3A_63, %mul3A_64 : i32
      %dma_start3A_66 = tpu.memref_slice %arg10[%mul3A_65] : memref<1605632xbf16, #tpu.memory_space<hbm>> -> memref<25088xbf16, #tpu.memory_space<hbm>>
      %dma_start3A_67 = tpu.memref_slice %arg10[%mul3A_65] : memref<1605632xbf16, #tpu.memory_space<hbm>> -> memref<25088xbf16, #tpu.memory_space<hbm>>
      tpu.enqueue_dma source(%arg29 : memref<25088xbf16, #tpu.memory_space<vmem>>) target(%dma_start3A_67 : memref<25088xbf16, #tpu.memory_space<hbm>>) target_semaphore(%arg37 : memref<!tpu.dma_semaphore, #tpu.memory_space<semaphore_mem>>)
      %scan3A_68 = arith.constant 0 : i32
      %scan3A_69 = arith.constant 0 : i32
      %scan3A_70 = arith.constant 98 : i32
      %scan3A_71 = arith.addi %scan3A_69, %scan3A_70 : i32
      %scan3A_72 = arith.constant 1 : i32
      scf.for %scan3A_127 = %scan3A_69 to %scan3A_71 step %scan3A_72  : i32 {
        %mul3A_128 = arith.constant 16 : i32
        %mul3A_129 = arith.muli %scan3A_127, %mul3A_128 : i32
        %add3A_130 = arith.constant 1568 : i32
        %add3A_131 = arith.addi %add3A_130, %mul3A_129 : i32
        %get3A_132 = arith.index_cast %add3A_131 : i32 to index
        %get3A_133 = tpu.vector_load %arg20[%get3A_132] {strides = array<i32>} : memref<6272xf32, #tpu.memory_space<vmem>>, vector<16xf32>,
        %get3A_134 = arith.index_cast %add3A_131 : i32 to index
        %get3A_135 = tpu.vector_load %arg24[%get3A_134] {strides = array<i32>} : memref<6272xf32, #tpu.memory_space<vmem>>, vector<16xf32>,
        %add3A_136 = arith.addf %get3A_133, %get3A_135 : vector<16xf32>
        %get3A_137 = arith.index_cast %add3A_131 : i32 to index
        %get3A_138 = tpu.vector_load %arg23[%get3A_137] {strides = array<i32>} : memref<6272xf32, #tpu.memory_space<vmem>>, vector<16xf32>,
        %mul3A_139 = arith.mulf %add3A_136, %get3A_138 : vector<16xf32>
        %get3A_140 = arith.index_cast %add3A_131 : i32 to index
        %get3A_141 = tpu.vector_load %arg22[%get3A_140] {strides = array<i32>} : memref<6272xf32, #tpu.memory_space<vmem>>, vector<16xf32>,
        %slice3A = vector.extract_strided_slice %mul3A_139 {offsets = [1], sizes = [1], strides = [1]} : vector<16xf32> to vector<1xf32>
        %squeeze3A = vector.extract %slice3A[0] : f32 from vector<1xf32>
        %slice3A_142 = vector.extract_strided_slice %mul3A_139 {offsets = [0], sizes = [1], strides = [1]} : vector<16xf32> to vector<1xf32>
        %squeeze3A_143 = vector.extract %slice3A_142[0] : f32 from vector<1xf32>
        %broadcast_in_dim3A = vector.broadcast %squeeze3A : f32 to vector<16xf32>
        %broadcast_in_dim3A_144 = vector.broadcast %squeeze3A_143 : f32 to vector<16xf32>
        %select_n3A = arith.select %ge3A_38, %broadcast_in_dim3A, %broadcast_in_dim3A_144 : vector<16xi1>, vector<16xf32>
        %slice3A_145 = vector.extract_strided_slice %get3A_141 {offsets = [1], sizes = [1], strides = [1]} : vector<16xf32> to vector<1xf32>
        %squeeze3A_146 = vector.extract %slice3A_145[0] : f32 from vector<1xf32>
        %slice3A_147 = vector.extract_strided_slice %get3A_141 {offsets = [0], sizes = [1], strides = [1]} : vector<16xf32> to vector<1xf32>
        %squeeze3A_148 = vector.extract %slice3A_147[0] : f32 from vector<1xf32>
        %broadcast_in_dim3A_149 = vector.broadcast %squeeze3A_146 : f32 to vector<16xf32>
        %broadcast_in_dim3A_150 = vector.broadcast %squeeze3A_148 : f32 to vector<16xf32>
        %select_n3A_151 = arith.select %ge3A_38, %broadcast_in_dim3A_149, %broadcast_in_dim3A_150 : vector<16xi1>, vector<16xf32>
        %mul3A_152 = arith.mulf %select_n3A, %get3A_49 : vector<16xf32>
        %add3A_153 = arith.addf %mul3A_152, %get3A_53 : vector<16xf32>
        %max3A = arith.constant 0.000000e+00 : f32
        %max3A_154 = vector.broadcast %max3A : f32 to vector<16xf32>
        %max3A_155 = arith.maximumf %add3A_153, %max3A_154 : vector<16xf32>
        %mul3A_156 = arith.mulf %select_n3A_151, %max3A_155 : vector<16xf32>
        %mul3A_157 = arith.mulf %select_n3A, %get3A_51 : vector<16xf32>
        %add3A_158 = arith.addf %mul3A_157, %get3A_55 : vector<16xf32>
        %max3A_159 = arith.constant 0.000000e+00 : f32
        %max3A_160 = vector.broadcast %max3A_159 : f32 to vector<16xf32>
        %max3A_161 = arith.maximumf %add3A_158, %max3A_160 : vector<16xf32>
        %mul3A_162 = arith.mulf %select_n3A_151, %max3A_161 : vector<16xf32>
        %pack3A = tpu.pack_subelements %mul3A_156, %mul3A_162 {pack_format = #tpu.pack_format<interleaved>, positions = array<i32: 0, 1>} : vector<16xf32>, vector<16xf32> -> vector<32xbf16>
        %mul3A_163 = arith.constant 16 : i32
        %mul3A_164 = arith.muli %scan3A_127, %mul3A_163 : i32
        %add3A_165 = arith.constant 0 : i32
        %add3A_166 = arith.addi %mul3A_164, %add3A_165 : i32
        %mul3A_167 = arith.constant 16 : i32
        %mul3A_168 = arith.muli %add3A_166, %mul3A_167 : i32
        %swap3A = arith.index_cast %mul3A_168 : i32 to index
        %swap3A_169 = tpu.vector_load %arg30[%swap3A] {strides = array<i32>} : memref<25088xbf16, #tpu.memory_space<vmem>>, vector<32xbf16>,
        tpu.vector_store %arg30[%swap3A], %pack3A {strides = array<i32>} : memref<25088xbf16, #tpu.memory_space<vmem>>, vector<32xbf16>,
        %slice3A_170 = vector.extract_strided_slice %mul3A_139 {offsets = [3], sizes = [1], strides = [1]} : vector<16xf32> to vector<1xf32>
        %squeeze3A_171 = vector.extract %slice3A_170[0] : f32 from vector<1xf32>
        %slice3A_172 = vector.extract_strided_slice %mul3A_139 {offsets = [2], sizes = [1], strides = [1]} : vector<16xf32> to vector<1xf32>
        %squeeze3A_173 = vector.extract %slice3A_172[0] : f32 from vector<1xf32>
        %broadcast_in_dim3A_174 = vector.broadcast %squeeze3A_171 : f32 to vector<16xf32>
        %broadcast_in_dim3A_175 = vector.broadcast %squeeze3A_173 : f32 to vector<16xf32>
        %select_n3A_176 = arith.select %ge3A_38, %broadcast_in_dim3A_174, %broadcast_in_dim3A_175 : vector<16xi1>, vector<16xf32>
        %slice3A_177 = vector.extract_strided_slice %get3A_141 {offsets = [3], sizes = [1], strides = [1]} : vector<16xf32> to vector<1xf32>
        %squeeze3A_178 = vector.extract %slice3A_177[0] : f32 from vector<1xf32>
        %slice3A_179 = vector.extract_strided_slice %get3A_141 {offsets = [2], sizes = [1], strides = [1]} : vector<16xf32> to vector<1xf32>
        %squeeze3A_180 = vector.extract %slice3A_179[0] : f32 from vector<1xf32>
        %broadcast_in_dim3A_181 = vector.broadcast %squeeze3A_178 : f32 to vector<16xf32>
        %broadcast_in_dim3A_182 = vector.broadcast %squeeze3A_180 : f32 to vector<16xf32>
        %select_n3A_183 = arith.select %ge3A_38, %broadcast_in_dim3A_181, %broadcast_in_dim3A_182 : vector<16xi1>, vector<16xf32>
        %mul3A_184 = arith.mulf %select_n3A_176, %get3A_49 : vector<16xf32>
        %add3A_185 = arith.addf %mul3A_184, %get3A_53 : vector<16xf32>
        %max3A_186 = arith.constant 0.000000e+00 : f32
        %max3A_187 = vector.broadcast %max3A_186 : f32 to vector<16xf32>
        %max3A_188 = arith.maximumf %add3A_185, %max3A_187 : vector<16xf32>
        %mul3A_189 = arith.mulf %select_n3A_183, %max3A_188 : vector<16xf32>
        %mul3A_190 = arith.mulf %select_n3A_176, %get3A_51 : vector<16xf32>
        %add3A_191 = arith.addf %mul3A_190, %get3A_55 : vector<16xf32>
        %max3A_192 = arith.constant 0.000000e+00 : f32
        %max3A_193 = vector.broadcast %max3A_192 : f32 to vector<16xf32>
        %max3A_194 = arith.maximumf %add3A_191, %max3A_193 : vector<16xf32>
        %mul3A_195 = arith.mulf %select_n3A_183, %max3A_194 : vector<16xf32>
        %pack3A_196 = tpu.pack_subelements %mul3A_189, %mul3A_195 {pack_format = #tpu.pack_format<interleaved>, positions = array<i32: 0, 1>} : vector<16xf32>, vector<16xf32> -> vector<32xbf16>
        %mul3A_197 = arith.constant 16 : i32
        %mul3A_198 = arith.muli %scan3A_127, %mul3A_197 : i32
        %add3A_199 = arith.constant 2 : i32
        %add3A_200 = arith.addi %mul3A_198, %add3A_199 : i32
        %mul3A_201 = arith.constant 16 : i32
        %mul3A_202 = arith.muli %add3A_200, %mul3A_201 : i32
        %swap3A_203 = arith.index_cast %mul3A_202 : i32 to index
        %swap3A_204 = tpu.vector_load %arg30[%swap3A_203] {strides = array<i32>} : memref<25088xbf16, #tpu.memory_space<vmem>>, vector<32xbf16>,
        tpu.vector_store %arg30[%swap3A_203], %pack3A_196 {strides = array<i32>} : memref<25088xbf16, #tpu.memory_space<vmem>>, vector<32xbf16>,
        %slice3A_205 = vector.extract_strided_slice %mul3A_139 {offsets = [5], sizes = [1], strides = [1]} : vector<16xf32> to vector<1xf32>
        %squeeze3A_206 = vector.extract %slice3A_205[0] : f32 from vector<1xf32>
        %slice3A_207 = vector.extract_strided_slice %mul3A_139 {offsets = [4], sizes = [1], strides = [1]} : vector<16xf32> to vector<1xf32>
        %squeeze3A_208 = vector.extract %slice3A_207[0] : f32 from vector<1xf32>
        %broadcast_in_dim3A_209 = vector.broadcast %squeeze3A_206 : f32 to vector<16xf32>
        %broadcast_in_dim3A_210 = vector.broadcast %squeeze3A_208 : f32 to vector<16xf32>
        %select_n3A_211 = arith.select %ge3A_38, %broadcast_in_dim3A_209, %broadcast_in_dim3A_210 : vector<16xi1>, vector<16xf32>
        %slice3A_212 = vector.extract_strided_slice %get3A_141 {offsets = [5], sizes = [1], strides = [1]} : vector<16xf32> to vector<1xf32>
        %squeeze3A_213 = vector.extract %slice3A_212[0] : f32 from vector<1xf32>
        %slice3A_214 = vector.extract_strided_slice %get3A_141 {offsets = [4], sizes = [1], strides = [1]} : vector<16xf32> to vector<1xf32>
        %squeeze3A_215 = vector.extract %slice3A_214[0] : f32 from vector<1xf32>
        %broadcast_in_dim3A_216 = vector.broadcast %squeeze3A_213 : f32 to vector<16xf32>
        %broadcast_in_dim3A_217 = vector.broadcast %squeeze3A_215 : f32 to vector<16xf32>
        %select_n3A_218 = arith.select %ge3A_38, %broadcast_in_dim3A_216, %broadcast_in_dim3A_217 : vector<16xi1>, vector<16xf32>
        %mul3A_219 = arith.mulf %select_n3A_211, %get3A_49 : vector<16xf32>
        %add3A_220 = arith.addf %mul3A_219, %get3A_53 : vector<16xf32>
        %max3A_221 = arith.constant 0.000000e+00 : f32
        %max3A_222 = vector.broadcast %max3A_221 : f32 to vector<16xf32>
        %max3A_223 = arith.maximumf %add3A_220, %max3A_222 : vector<16xf32>
        %mul3A_224 = arith.mulf %select_n3A_218, %max3A_223 : vector<16xf32>
        %mul3A_225 = arith.mulf %select_n3A_211, %get3A_51 : vector<16xf32>
        %add3A_226 = arith.addf %mul3A_225, %get3A_55 : vector<16xf32>
        %max3A_227 = arith.constant 0.000000e+00 : f32
        %max3A_228 = vector.broadcast %max3A_227 : f32 to vector<16xf32>
        %max3A_229 = arith.maximumf %add3A_226, %max3A_228 : vector<16xf32>
        %mul3A_230 = arith.mulf %select_n3A_218, %max3A_229 : vector<16xf32>
        %pack3A_231 = tpu.pack_subelements %mul3A_224, %mul3A_230 {pack_format = #tpu.pack_format<interleaved>, positions = array<i32: 0, 1>} : vector<16xf32>, vector<16xf32> -> vector<32xbf16>
        %mul3A_232 = arith.constant 16 : i32
        %mul3A_233 = arith.muli %scan3A_127, %mul3A_232 : i32
        %add3A_234 = arith.constant 4 : i32
        %add3A_235 = arith.addi %mul3A_233, %add3A_234 : i32
        %mul3A_236 = arith.constant 16 : i32
        %mul3A_237 = arith.muli %add3A_235, %mul3A_236 : i32
        %swap3A_238 = arith.index_cast %mul3A_237 : i32 to index
        %swap3A_239 = tpu.vector_load %arg30[%swap3A_238] {strides = array<i32>} : memref<25088xbf16, #tpu.memory_space<vmem>>, vector<32xbf16>,
        tpu.vector_store %arg30[%swap3A_238], %pack3A_231 {strides = array<i32>} : memref<25088xbf16, #tpu.memory_space<vmem>>, vector<32xbf16>,
        %slice3A_240 = vector.extract_strided_slice %mul3A_139 {offsets = [7], sizes = [1], strides = [1]} : vector<16xf32> to vector<1xf32>
        %squeeze3A_241 = vector.extract %slice3A_240[0] : f32 from vector<1xf32>
        %slice3A_242 = vector.extract_strided_slice %mul3A_139 {offsets = [6], sizes = [1], strides = [1]} : vector<16xf32> to vector<1xf32>
        %squeeze3A_243 = vector.extract %slice3A_242[0] : f32 from vector<1xf32>
        %broadcast_in_dim3A_244 = vector.broadcast %squeeze3A_241 : f32 to vector<16xf32>
        %broadcast_in_dim3A_245 = vector.broadcast %squeeze3A_243 : f32 to vector<16xf32>
        %select_n3A_246 = arith.select %ge3A_38, %broadcast_in_dim3A_244, %broadcast_in_dim3A_245 : vector<16xi1>, vector<16xf32>
        %slice3A_247 = vector.extract_strided_slice %get3A_141 {offsets = [7], sizes = [1], strides = [1]} : vector<16xf32> to vector<1xf32>
        %squeeze3A_248 = vector.extract %slice3A_247[0] : f32 from vector<1xf32>
        %slice3A_249 = vector.extract_strided_slice %get3A_141 {offsets = [6], sizes = [1], strides = [1]} : vector<16xf32> to vector<1xf32>
        %squeeze3A_250 = vector.extract %slice3A_249[0] : f32 from vector<1xf32>
        %broadcast_in_dim3A_251 = vector.broadcast %squeeze3A_248 : f32 to vector<16xf32>
        %broadcast_in_dim3A_252 = vector.broadcast %squeeze3A_250 : f32 to vector<16xf32>
        %select_n3A_253 = arith.select %ge3A_38, %broadcast_in_dim3A_251, %broadcast_in_dim3A_252 : vector<16xi1>, vector<16xf32>
        %mul3A_254 = arith.mulf %select_n3A_246, %get3A_49 : vector<16xf32>
        %add3A_255 = arith.addf %mul3A_254, %get3A_53 : vector<16xf32>
        %max3A_256 = arith.constant 0.000000e+00 : f32
        %max3A_257 = vector.broadcast %max3A_256 : f32 to vector<16xf32>
        %max3A_258 = arith.maximumf %add3A_255, %max3A_257 : vector<16xf32>
        %mul3A_259 = arith.mulf %select_n3A_253, %max3A_258 : vector<16xf32>
        %mul3A_260 = arith.mulf %select_n3A_246, %get3A_51 : vector<16xf32>
        %add3A_261 = arith.addf %mul3A_260, %get3A_55 : vector<16xf32>
        %max3A_262 = arith.constant 0.000000e+00 : f32
        %max3A_263 = vector.broadcast %max3A_262 : f32 to vector<16xf32>
        %max3A_264 = arith.maximumf %add3A_261, %max3A_263 : vector<16xf32>
        %mul3A_265 = arith.mulf %select_n3A_253, %max3A_264 : vector<16xf32>
        %pack3A_266 = tpu.pack_subelements %mul3A_259, %mul3A_265 {pack_format = #tpu.pack_format<interleaved>, positions = array<i32: 0, 1>} : vector<16xf32>, vector<16xf32> -> vector<32xbf16>
        %mul3A_267 = arith.constant 16 : i32
        %mul3A_268 = arith.muli %scan3A_127, %mul3A_267 : i32
        %add3A_269 = arith.constant 6 : i32
        %add3A_270 = arith.addi %mul3A_268, %add3A_269 : i32
        %mul3A_271 = arith.constant 16 : i32
        %mul3A_272 = arith.muli %add3A_270, %mul3A_271 : i32
        %swap3A_273 = arith.index_cast %mul3A_272 : i32 to index
        %swap3A_274 = tpu.vector_load %arg30[%swap3A_273] {strides = array<i32>} : memref<25088xbf16, #tpu.memory_space<vmem>>, vector<32xbf16>,
        tpu.vector_store %arg30[%swap3A_273], %pack3A_266 {strides = array<i32>} : memref<25088xbf16, #tpu.memory_space<vmem>>, vector<32xbf16>,
        %slice3A_275 = vector.extract_strided_slice %mul3A_139 {offsets = [9], sizes = [1], strides = [1]} : vector<16xf32> to vector<1xf32>
        %squeeze3A_276 = vector.extract %slice3A_275[0] : f32 from vector<1xf32>
        %slice3A_277 = vector.extract_strided_slice %mul3A_139 {offsets = [8], sizes = [1], strides = [1]} : vector<16xf32> to vector<1xf32>
        %squeeze3A_278 = vector.extract %slice3A_277[0] : f32 from vector<1xf32>
        %broadcast_in_dim3A_279 = vector.broadcast %squeeze3A_276 : f32 to vector<16xf32>
        %broadcast_in_dim3A_280 = vector.broadcast %squeeze3A_278 : f32 to vector<16xf32>
        %select_n3A_281 = arith.select %ge3A_38, %broadcast_in_dim3A_279, %broadcast_in_dim3A_280 : vector<16xi1>, vector<16xf32>
        %slice3A_282 = vector.extract_strided_slice %get3A_141 {offsets = [9], sizes = [1], strides = [1]} : vector<16xf32> to vector<1xf32>
        %squeeze3A_283 = vector.extract %slice3A_282[0] : f32 from vector<1xf32>
        %slice3A_284 = vector.extract_strided_slice %get3A_141 {offsets = [8], sizes = [1], strides = [1]} : vector<16xf32> to vector<1xf32>
        %squeeze3A_285 = vector.extract %slice3A_284[0] : f32 from vector<1xf32>
        %broadcast_in_dim3A_286 = vector.broadcast %squeeze3A_283 : f32 to vector<16xf32>
        %broadcast_in_dim3A_287 = vector.broadcast %squeeze3A_285 : f32 to vector<16xf32>
        %select_n3A_288 = arith.select %ge3A_38, %broadcast_in_dim3A_286, %broadcast_in_dim3A_287 : vector<16xi1>, vector<16xf32>
        %mul3A_289 = arith.mulf %select_n3A_281, %get3A_49 : vector<16xf32>
        %add3A_290 = arith.addf %mul3A_289, %get3A_53 : vector<16xf32>
        %max3A_291 = arith.constant 0.000000e+00 : f32
        %max3A_292 = vector.broadcast %max3A_291 : f32 to vector<16xf32>
        %max3A_293 = arith.maximumf %add3A_290, %max3A_292 : vector<16xf32>
        %mul3A_294 = arith.mulf %select_n3A_288, %max3A_293 : vector<16xf32>
        %mul3A_295 = arith.mulf %select_n3A_281, %get3A_51 : vector<16xf32>
        %add3A_296 = arith.addf %mul3A_295, %get3A_55 : vector<16xf32>
        %max3A_297 = arith.constant 0.000000e+00 : f32
        %max3A_298 = vector.broadcast %max3A_297 : f32 to vector<16xf32>
        %max3A_299 = arith.maximumf %add3A_296, %max3A_298 : vector<16xf32>
        %mul3A_300 = arith.mulf %select_n3A_288, %max3A_299 : vector<16xf32>
        %pack3A_301 = tpu.pack_subelements %mul3A_294, %mul3A_300 {pack_format = #tpu.pack_format<interleaved>, positions = array<i32: 0, 1>} : vector<16xf32>, vector<16xf32> -> vector<32xbf16>
        %mul3A_302 = arith.constant 16 : i32
        %mul3A_303 = arith.muli %scan3A_127, %mul3A_302 : i32
        %add3A_304 = arith.constant 8 : i32
        %add3A_305 = arith.addi %mul3A_303, %add3A_304 : i32
        %mul3A_306 = arith.constant 16 : i32
        %mul3A_307 = arith.muli %add3A_305, %mul3A_306 : i32
        %swap3A_308 = arith.index_cast %mul3A_307 : i32 to index
        %swap3A_309 = tpu.vector_load %arg30[%swap3A_308] {strides = array<i32>} : memref<25088xbf16, #tpu.memory_space<vmem>>, vector<32xbf16>,
        tpu.vector_store %arg30[%swap3A_308], %pack3A_301 {strides = array<i32>} : memref<25088xbf16, #tpu.memory_space<vmem>>, vector<32xbf16>,
        %slice3A_310 = vector.extract_strided_slice %mul3A_139 {offsets = [11], sizes = [1], strides = [1]} : vector<16xf32> to vector<1xf32>
        %squeeze3A_311 = vector.extract %slice3A_310[0] : f32 from vector<1xf32>
        %slice3A_312 = vector.extract_strided_slice %mul3A_139 {offsets = [10], sizes = [1], strides = [1]} : vector<16xf32> to vector<1xf32>
        %squeeze3A_313 = vector.extract %slice3A_312[0] : f32 from vector<1xf32>
        %broadcast_in_dim3A_314 = vector.broadcast %squeeze3A_311 : f32 to vector<16xf32>
        %broadcast_in_dim3A_315 = vector.broadcast %squeeze3A_313 : f32 to vector<16xf32>
        %select_n3A_316 = arith.select %ge3A_38, %broadcast_in_dim3A_314, %broadcast_in_dim3A_315 : vector<16xi1>, vector<16xf32>
        %slice3A_317 = vector.extract_strided_slice %get3A_141 {offsets = [11], sizes = [1], strides = [1]} : vector<16xf32> to vector<1xf32>
        %squeeze3A_318 = vector.extract %slice3A_317[0] : f32 from vector<1xf32>
        %slice3A_319 = vector.extract_strided_slice %get3A_141 {offsets = [10], sizes = [1], strides = [1]} : vector<16xf32> to vector<1xf32>
        %squeeze3A_320 = vector.extract %slice3A_319[0] : f32 from vector<1xf32>
        %broadcast_in_dim3A_321 = vector.broadcast %squeeze3A_318 : f32 to vector<16xf32>
        %broadcast_in_dim3A_322 = vector.broadcast %squeeze3A_320 : f32 to vector<16xf32>
        %select_n3A_323 = arith.select %ge3A_38, %broadcast_in_dim3A_321, %broadcast_in_dim3A_322 : vector<16xi1>, vector<16xf32>
        %mul3A_324 = arith.mulf %select_n3A_316, %get3A_49 : vector<16xf32>
        %add3A_325 = arith.addf %mul3A_324, %get3A_53 : vector<16xf32>
        %max3A_326 = arith.constant 0.000000e+00 : f32
        %max3A_327 = vector.broadcast %max3A_326 : f32 to vector<16xf32>
        %max3A_328 = arith.maximumf %add3A_325, %max3A_327 : vector<16xf32>
        %mul3A_329 = arith.mulf %select_n3A_323, %max3A_328 : vector<16xf32>
        %mul3A_330 = arith.mulf %select_n3A_316, %get3A_51 : vector<16xf32>
        %add3A_331 = arith.addf %mul3A_330, %get3A_55 : vector<16xf32>
        %max3A_332 = arith.constant 0.000000e+00 : f32
        %max3A_333 = vector.broadcast %max3A_332 : f32 to vector<16xf32>
        %max3A_334 = arith.maximumf %add3A_331, %max3A_333 : vector<16xf32>
        %mul3A_335 = arith.mulf %select_n3A_323, %max3A_334 : vector<16xf32>
        %pack3A_336 = tpu.pack_subelements %mul3A_329, %mul3A_335 {pack_format = #tpu.pack_format<interleaved>, positions = array<i32: 0, 1>} : vector<16xf32>, vector<16xf32> -> vector<32xbf16>
        %mul3A_337 = arith.constant 16 : i32
        %mul3A_338 = arith.muli %scan3A_127, %mul3A_337 : i32
        %add3A_339 = arith.constant 10 : i32
        %add3A_340 = arith.addi %mul3A_338, %add3A_339 : i32
        %mul3A_341 = arith.constant 16 : i32
        %mul3A_342 = arith.muli %add3A_340, %mul3A_341 : i32
        %swap3A_343 = arith.index_cast %mul3A_342 : i32 to index
        %swap3A_344 = tpu.vector_load %arg30[%swap3A_343] {strides = array<i32>} : memref<25088xbf16, #tpu.memory_space<vmem>>, vector<32xbf16>,
        tpu.vector_store %arg30[%swap3A_343], %pack3A_336 {strides = array<i32>} : memref<25088xbf16, #tpu.memory_space<vmem>>, vector<32xbf16>,
        %slice3A_345 = vector.extract_strided_slice %mul3A_139 {offsets = [13], sizes = [1], strides = [1]} : vector<16xf32> to vector<1xf32>
        %squeeze3A_346 = vector.extract %slice3A_345[0] : f32 from vector<1xf32>
        %slice3A_347 = vector.extract_strided_slice %mul3A_139 {offsets = [12], sizes = [1], strides = [1]} : vector<16xf32> to vector<1xf32>
        %squeeze3A_348 = vector.extract %slice3A_347[0] : f32 from vector<1xf32>
        %broadcast_in_dim3A_349 = vector.broadcast %squeeze3A_346 : f32 to vector<16xf32>
        %broadcast_in_dim3A_350 = vector.broadcast %squeeze3A_348 : f32 to vector<16xf32>
        %select_n3A_351 = arith.select %ge3A_38, %broadcast_in_dim3A_349, %broadcast_in_dim3A_350 : vector<16xi1>, vector<16xf32>
        %slice3A_352 = vector.extract_strided_slice %get3A_141 {offsets = [13], sizes = [1], strides = [1]} : vector<16xf32> to vector<1xf32>
        %squeeze3A_353 = vector.extract %slice3A_352[0] : f32 from vector<1xf32>
        %slice3A_354 = vector.extract_strided_slice %get3A_141 {offsets = [12], sizes = [1], strides = [1]} : vector<16xf32> to vector<1xf32>
        %squeeze3A_355 = vector.extract %slice3A_354[0] : f32 from vector<1xf32>
        %broadcast_in_dim3A_356 = vector.broadcast %squeeze3A_353 : f32 to vector<16xf32>
        %broadcast_in_dim3A_357 = vector.broadcast %squeeze3A_355 : f32 to vector<16xf32>
        %select_n3A_358 = arith.select %ge3A_38, %broadcast_in_dim3A_356, %broadcast_in_dim3A_357 : vector<16xi1>, vector<16xf32>
        %mul3A_359 = arith.mulf %select_n3A_351, %get3A_49 : vector<16xf32>
        %add3A_360 = arith.addf %mul3A_359, %get3A_53 : vector<16xf32>
        %max3A_361 = arith.constant 0.000000e+00 : f32
        %max3A_362 = vector.broadcast %max3A_361 : f32 to vector<16xf32>
        %max3A_363 = arith.maximumf %add3A_360, %max3A_362 : vector<16xf32>
        %mul3A_364 = arith.mulf %select_n3A_358, %max3A_363 : vector<16xf32>
        %mul3A_365 = arith.mulf %select_n3A_351, %get3A_51 : vector<16xf32>
        %add3A_366 = arith.addf %mul3A_365, %get3A_55 : vector<16xf32>
        %max3A_367 = arith.constant 0.000000e+00 : f32
        %max3A_368 = vector.broadcast %max3A_367 : f32 to vector<16xf32>
        %max3A_369 = arith.maximumf %add3A_366, %max3A_368 : vector<16xf32>
        %mul3A_370 = arith.mulf %select_n3A_358, %max3A_369 : vector<16xf32>
        %pack3A_371 = tpu.pack_subelements %mul3A_364, %mul3A_370 {pack_format = #tpu.pack_format<interleaved>, positions = array<i32: 0, 1>} : vector<16xf32>, vector<16xf32> -> vector<32xbf16>
        %mul3A_372 = arith.constant 16 : i32
        %mul3A_373 = arith.muli %scan3A_127, %mul3A_372 : i32
        %add3A_374 = arith.constant 12 : i32
        %add3A_375 = arith.addi %mul3A_373, %add3A_374 : i32
        %mul3A_376 = arith.constant 16 : i32
        %mul3A_377 = arith.muli %add3A_375, %mul3A_376 : i32
        %swap3A_378 = arith.index_cast %mul3A_377 : i32 to index
        %swap3A_379 = tpu.vector_load %arg30[%swap3A_378] {strides = array<i32>} : memref<25088xbf16, #tpu.memory_space<vmem>>, vector<32xbf16>,
        tpu.vector_store %arg30[%swap3A_378], %pack3A_371 {strides = array<i32>} : memref<25088xbf16, #tpu.memory_space<vmem>>, vector<32xbf16>,
        %slice3A_380 = vector.extract_strided_slice %mul3A_139 {offsets = [15], sizes = [1], strides = [1]} : vector<16xf32> to vector<1xf32>
        %squeeze3A_381 = vector.extract %slice3A_380[0] : f32 from vector<1xf32>
        %slice3A_382 = vector.extract_strided_slice %mul3A_139 {offsets = [14], sizes = [1], strides = [1]} : vector<16xf32> to vector<1xf32>
        %squeeze3A_383 = vector.extract %slice3A_382[0] : f32 from vector<1xf32>
        %broadcast_in_dim3A_384 = vector.broadcast %squeeze3A_381 : f32 to vector<16xf32>
        %broadcast_in_dim3A_385 = vector.broadcast %squeeze3A_383 : f32 to vector<16xf32>
        %select_n3A_386 = arith.select %ge3A_38, %broadcast_in_dim3A_384, %broadcast_in_dim3A_385 : vector<16xi1>, vector<16xf32>
        %slice3A_387 = vector.extract_strided_slice %get3A_141 {offsets = [15], sizes = [1], strides = [1]} : vector<16xf32> to vector<1xf32>
        %squeeze3A_388 = vector.extract %slice3A_387[0] : f32 from vector<1xf32>
        %slice3A_389 = vector.extract_strided_slice %get3A_141 {offsets = [14], sizes = [1], strides = [1]} : vector<16xf32> to vector<1xf32>
        %squeeze3A_390 = vector.extract %slice3A_389[0] : f32 from vector<1xf32>
        %broadcast_in_dim3A_391 = vector.broadcast %squeeze3A_388 : f32 to vector<16xf32>
        %broadcast_in_dim3A_392 = vector.broadcast %squeeze3A_390 : f32 to vector<16xf32>
        %select_n3A_393 = arith.select %ge3A_38, %broadcast_in_dim3A_391, %broadcast_in_dim3A_392 : vector<16xi1>, vector<16xf32>
        %mul3A_394 = arith.mulf %select_n3A_386, %get3A_49 : vector<16xf32>
        %add3A_395 = arith.addf %mul3A_394, %get3A_53 : vector<16xf32>
        %max3A_396 = arith.constant 0.000000e+00 : f32
        %max3A_397 = vector.broadcast %max3A_396 : f32 to vector<16xf32>
        %max3A_398 = arith.maximumf %add3A_395, %max3A_397 : vector<16xf32>
        %mul3A_399 = arith.mulf %select_n3A_393, %max3A_398 : vector<16xf32>
        %mul3A_400 = arith.mulf %select_n3A_386, %get3A_51 : vector<16xf32>
        %add3A_401 = arith.addf %mul3A_400, %get3A_55 : vector<16xf32>
        %max3A_402 = arith.constant 0.000000e+00 : f32
        %max3A_403 = vector.broadcast %max3A_402 : f32 to vector<16xf32>
        %max3A_404 = arith.maximumf %add3A_401, %max3A_403 : vector<16xf32>
        %mul3A_405 = arith.mulf %select_n3A_393, %max3A_404 : vector<16xf32>
        %pack3A_406 = tpu.pack_subelements %mul3A_399, %mul3A_405 {pack_format = #tpu.pack_format<interleaved>, positions = array<i32: 0, 1>} : vector<16xf32>, vector<16xf32> -> vector<32xbf16>
        %mul3A_407 = arith.constant 16 : i32
        %mul3A_408 = arith.muli %scan3A_127, %mul3A_407 : i32
        %add3A_409 = arith.constant 14 : i32
        %add3A_410 = arith.addi %mul3A_408, %add3A_409 : i32
        %mul3A_411 = arith.constant 16 : i32
        %mul3A_412 = arith.muli %add3A_410, %mul3A_411 : i32
        %swap3A_413 = arith.index_cast %mul3A_412 : i32 to index
        %swap3A_414 = tpu.vector_load %arg30[%swap3A_413] {strides = array<i32>} : memref<25088xbf16, #tpu.memory_space<vmem>>, vector<32xbf16>,
        tpu.vector_store %arg30[%swap3A_413], %pack3A_406 {strides = array<i32>} : memref<25088xbf16, #tpu.memory_space<vmem>>, vector<32xbf16>,
      }
      %scan3A_73 = arith.constant 98 : i32
      %add3A_74 = arith.constant 1568 : i32
      %add3A_75 = arith.addi %mul3A_0, %add3A_74 : i32
      %mul3A_76 = arith.constant 16 : i32
      %mul3A_77 = arith.muli %add3A_75, %mul3A_76 : i32
      %dma_start3A_78 = tpu.memref_slice %arg10[%mul3A_77] : memref<1605632xbf16, #tpu.memory_space<hbm>> -> memref<25088xbf16, #tpu.memory_space<hbm>>
      %dma_start3A_79 = tpu.memref_slice %arg10[%mul3A_77] : memref<1605632xbf16, #tpu.memory_space<hbm>> -> memref<25088xbf16, #tpu.memory_space<hbm>>
      tpu.enqueue_dma source(%arg30 : memref<25088xbf16, #tpu.memory_space<vmem>>) target(%dma_start3A_79 : memref<25088xbf16, #tpu.memory_space<hbm>>) target_semaphore(%arg37 : memref<!tpu.dma_semaphore, #tpu.memory_space<semaphore_mem>>)
      %add3A_80 = arith.constant 0 : i32
      %add3A_81 = arith.addi %mul3A_0, %add3A_80 : i32
      %mul3A_82 = arith.constant 16 : i32
      %mul3A_83 = arith.muli %add3A_81, %mul3A_82 : i32
      %dma_wait3A = tpu.memref_slice %arg10[%mul3A_83] : memref<1605632xbf16, #tpu.memory_space<hbm>> -> memref<25088xbf16, #tpu.memory_space<hbm>>
      %dma_wait3A_84 = tpu.memref_slice %arg10[%mul3A_83] : memref<1605632xbf16, #tpu.memory_space<hbm>> -> memref<25088xbf16, #tpu.memory_space<hbm>>
      tpu.wait_dma2 semaphore(%arg37 : memref<!tpu.dma_semaphore, #tpu.memory_space<semaphore_mem>>) src(%arg29 : memref<25088xbf16, #tpu.memory_space<vmem>>) dst(%dma_wait3A_84 : memref<25088xbf16, #tpu.memory_space<hbm>>)
      %scan3A_85 = arith.constant 0 : i32
      %scan3A_86 = arith.constant 0 : i32
      %scan3A_87 = arith.constant 98 : i32
      %scan3A_88 = arith.addi %scan3A_86, %scan3A_87 : i32
      %scan3A_89 = arith.constant 1 : i32
      scf.for %scan3A_127 = %scan3A_86 to %scan3A_88 step %scan3A_89  : i32 {
        %mul3A_128 = arith.constant 16 : i32
        %mul3A_129 = arith.muli %scan3A_127, %mul3A_128 : i32
        %add3A_130 = arith.constant 3136 : i32
        %add3A_131 = arith.addi %add3A_130, %mul3A_129 : i32
        %get3A_132 = arith.index_cast %add3A_131 : i32 to index
        %get3A_133 = tpu.vector_load %arg20[%get3A_132] {strides = array<i32>} : memref<6272xf32, #tpu.memory_space<vmem>>, vector<16xf32>,
        %get3A_134 = arith.index_cast %add3A_131 : i32 to index
        %get3A_135 = tpu.vector_load %arg24[%get3A_134] {strides = array<i32>} : memref<6272xf32, #tpu.memory_space<vmem>>, vector<16xf32>,
        %add3A_136 = arith.addf %get3A_133, %get3A_135 : vector<16xf32>
        %get3A_137 = arith.index_cast %add3A_131 : i32 to index
        %get3A_138 = tpu.vector_load %arg23[%get3A_137] {strides = array<i32>} : memref<6272xf32, #tpu.memory_space<vmem>>, vector<16xf32>,
        %mul3A_139 = arith.mulf %add3A_136, %get3A_138 : vector<16xf32>
        %get3A_140 = arith.index_cast %add3A_131 : i32 to index
        %get3A_141 = tpu.vector_load %arg22[%get3A_140] {strides = array<i32>} : memref<6272xf32, #tpu.memory_space<vmem>>, vector<16xf32>,
        %slice3A = vector.extract_strided_slice %mul3A_139 {offsets = [1], sizes = [1], strides = [1]} : vector<16xf32> to vector<1xf32>
        %squeeze3A = vector.extract %slice3A[0] : f32 from vector<1xf32>
        %slice3A_142 = vector.extract_strided_slice %mul3A_139 {offsets = [0], sizes = [1], strides = [1]} : vector<16xf32> to vector<1xf32>
        %squeeze3A_143 = vector.extract %slice3A_142[0] : f32 from vector<1xf32>
        %broadcast_in_dim3A = vector.broadcast %squeeze3A : f32 to vector<16xf32>
        %broadcast_in_dim3A_144 = vector.broadcast %squeeze3A_143 : f32 to vector<16xf32>
        %select_n3A = arith.select %ge3A_38, %broadcast_in_dim3A, %broadcast_in_dim3A_144 : vector<16xi1>, vector<16xf32>
        %slice3A_145 = vector.extract_strided_slice %get3A_141 {offsets = [1], sizes = [1], strides = [1]} : vector<16xf32> to vector<1xf32>
        %squeeze3A_146 = vector.extract %slice3A_145[0] : f32 from vector<1xf32>
        %slice3A_147 = vector.extract_strided_slice %get3A_141 {offsets = [0], sizes = [1], strides = [1]} : vector<16xf32> to vector<1xf32>
        %squeeze3A_148 = vector.extract %slice3A_147[0] : f32 from vector<1xf32>
        %broadcast_in_dim3A_149 = vector.broadcast %squeeze3A_146 : f32 to vector<16xf32>
        %broadcast_in_dim3A_150 = vector.broadcast %squeeze3A_148 : f32 to vector<16xf32>
        %select_n3A_151 = arith.select %ge3A_38, %broadcast_in_dim3A_149, %broadcast_in_dim3A_150 : vector<16xi1>, vector<16xf32>
        %mul3A_152 = arith.mulf %select_n3A, %get3A_49 : vector<16xf32>
        %add3A_153 = arith.addf %mul3A_152, %get3A_53 : vector<16xf32>
        %max3A = arith.constant 0.000000e+00 : f32
        %max3A_154 = vector.broadcast %max3A : f32 to vector<16xf32>
        %max3A_155 = arith.maximumf %add3A_153, %max3A_154 : vector<16xf32>
        %mul3A_156 = arith.mulf %select_n3A_151, %max3A_155 : vector<16xf32>
        %mul3A_157 = arith.mulf %select_n3A, %get3A_51 : vector<16xf32>
        %add3A_158 = arith.addf %mul3A_157, %get3A_55 : vector<16xf32>
        %max3A_159 = arith.constant 0.000000e+00 : f32
        %max3A_160 = vector.broadcast %max3A_159 : f32 to vector<16xf32>
        %max3A_161 = arith.maximumf %add3A_158, %max3A_160 : vector<16xf32>
        %mul3A_162 = arith.mulf %select_n3A_151, %max3A_161 : vector<16xf32>
        %pack3A = tpu.pack_subelements %mul3A_156, %mul3A_162 {pack_format = #tpu.pack_format<interleaved>, positions = array<i32: 0, 1>} : vector<16xf32>, vector<16xf32> -> vector<32xbf16>
        %mul3A_163 = arith.constant 16 : i32
        %mul3A_164 = arith.muli %scan3A_127, %mul3A_163 : i32
        %add3A_165 = arith.constant 0 : i32
        %add3A_166 = arith.addi %mul3A_164, %add3A_165 : i32
        %mul3A_167 = arith.constant 16 : i32
        %mul3A_168 = arith.muli %add3A_166, %mul3A_167 : i32
        %swap3A = arith.index_cast %mul3A_168 : i32 to index
        %swap3A_169 = tpu.vector_load %arg29[%swap3A] {strides = array<i32>} : memref<25088xbf16, #tpu.memory_space<vmem>>, vector<32xbf16>,
        tpu.vector_store %arg29[%swap3A], %pack3A {strides = array<i32>} : memref<25088xbf16, #tpu.memory_space<vmem>>, vector<32xbf16>,
        %slice3A_170 = vector.extract_strided_slice %mul3A_139 {offsets = [3], sizes = [1], strides = [1]} : vector<16xf32> to vector<1xf32>
        %squeeze3A_171 = vector.extract %slice3A_170[0] : f32 from vector<1xf32>
        %slice3A_172 = vector.extract_strided_slice %mul3A_139 {offsets = [2], sizes = [1], strides = [1]} : vector<16xf32> to vector<1xf32>
        %squeeze3A_173 = vector.extract %slice3A_172[0] : f32 from vector<1xf32>
        %broadcast_in_dim3A_174 = vector.broadcast %squeeze3A_171 : f32 to vector<16xf32>
        %broadcast_in_dim3A_175 = vector.broadcast %squeeze3A_173 : f32 to vector<16xf32>
        %select_n3A_176 = arith.select %ge3A_38, %broadcast_in_dim3A_174, %broadcast_in_dim3A_175 : vector<16xi1>, vector<16xf32>
        %slice3A_177 = vector.extract_strided_slice %get3A_141 {offsets = [3], sizes = [1], strides = [1]} : vector<16xf32> to vector<1xf32>
        %squeeze3A_178 = vector.extract %slice3A_177[0] : f32 from vector<1xf32>
        %slice3A_179 = vector.extract_strided_slice %get3A_141 {offsets = [2], sizes = [1], strides = [1]} : vector<16xf32> to vector<1xf32>
        %squeeze3A_180 = vector.extract %slice3A_179[0] : f32 from vector<1xf32>
        %broadcast_in_dim3A_181 = vector.broadcast %squeeze3A_178 : f32 to vector<16xf32>
        %broadcast_in_dim3A_182 = vector.broadcast %squeeze3A_180 : f32 to vector<16xf32>
        %select_n3A_183 = arith.select %ge3A_38, %broadcast_in_dim3A_181, %broadcast_in_dim3A_182 : vector<16xi1>, vector<16xf32>
        %mul3A_184 = arith.mulf %select_n3A_176, %get3A_49 : vector<16xf32>
        %add3A_185 = arith.addf %mul3A_184, %get3A_53 : vector<16xf32>
        %max3A_186 = arith.constant 0.000000e+00 : f32
        %max3A_187 = vector.broadcast %max3A_186 : f32 to vector<16xf32>
        %max3A_188 = arith.maximumf %add3A_185, %max3A_187 : vector<16xf32>
        %mul3A_189 = arith.mulf %select_n3A_183, %max3A_188 : vector<16xf32>
        %mul3A_190 = arith.mulf %select_n3A_176, %get3A_51 : vector<16xf32>
        %add3A_191 = arith.addf %mul3A_190, %get3A_55 : vector<16xf32>
        %max3A_192 = arith.constant 0.000000e+00 : f32
        %max3A_193 = vector.broadcast %max3A_192 : f32 to vector<16xf32>
        %max3A_194 = arith.maximumf %add3A_191, %max3A_193 : vector<16xf32>
        %mul3A_195 = arith.mulf %select_n3A_183, %max3A_194 : vector<16xf32>
        %pack3A_196 = tpu.pack_subelements %mul3A_189, %mul3A_195 {pack_format = #tpu.pack_format<interleaved>, positions = array<i32: 0, 1>} : vector<16xf32>, vector<16xf32> -> vector<32xbf16>
        %mul3A_197 = arith.constant 16 : i32
        %mul3A_198 = arith.muli %scan3A_127, %mul3A_197 : i32
        %add3A_199 = arith.constant 2 : i32
        %add3A_200 = arith.addi %mul3A_198, %add3A_199 : i32
        %mul3A_201 = arith.constant 16 : i32
        %mul3A_202 = arith.muli %add3A_200, %mul3A_201 : i32
        %swap3A_203 = arith.index_cast %mul3A_202 : i32 to index
        %swap3A_204 = tpu.vector_load %arg29[%swap3A_203] {strides = array<i32>} : memref<25088xbf16, #tpu.memory_space<vmem>>, vector<32xbf16>,
        tpu.vector_store %arg29[%swap3A_203], %pack3A_196 {strides = array<i32>} : memref<25088xbf16, #tpu.memory_space<vmem>>, vector<32xbf16>,
        %slice3A_205 = vector.extract_strided_slice %mul3A_139 {offsets = [5], sizes = [1], strides = [1]} : vector<16xf32> to vector<1xf32>
        %squeeze3A_206 = vector.extract %slice3A_205[0] : f32 from vector<1xf32>
        %slice3A_207 = vector.extract_strided_slice %mul3A_139 {offsets = [4], sizes = [1], strides = [1]} : vector<16xf32> to vector<1xf32>
        %squeeze3A_208 = vector.extract %slice3A_207[0] : f32 from vector<1xf32>
        %broadcast_in_dim3A_209 = vector.broadcast %squeeze3A_206 : f32 to vector<16xf32>
        %broadcast_in_dim3A_210 = vector.broadcast %squeeze3A_208 : f32 to vector<16xf32>
        %select_n3A_211 = arith.select %ge3A_38, %broadcast_in_dim3A_209, %broadcast_in_dim3A_210 : vector<16xi1>, vector<16xf32>
        %slice3A_212 = vector.extract_strided_slice %get3A_141 {offsets = [5], sizes = [1], strides = [1]} : vector<16xf32> to vector<1xf32>
        %squeeze3A_213 = vector.extract %slice3A_212[0] : f32 from vector<1xf32>
        %slice3A_214 = vector.extract_strided_slice %get3A_141 {offsets = [4], sizes = [1], strides = [1]} : vector<16xf32> to vector<1xf32>
        %squeeze3A_215 = vector.extract %slice3A_214[0] : f32 from vector<1xf32>
        %broadcast_in_dim3A_216 = vector.broadcast %squeeze3A_213 : f32 to vector<16xf32>
        %broadcast_in_dim3A_217 = vector.broadcast %squeeze3A_215 : f32 to vector<16xf32>
        %select_n3A_218 = arith.select %ge3A_38, %broadcast_in_dim3A_216, %broadcast_in_dim3A_217 : vector<16xi1>, vector<16xf32>
        %mul3A_219 = arith.mulf %select_n3A_211, %get3A_49 : vector<16xf32>
        %add3A_220 = arith.addf %mul3A_219, %get3A_53 : vector<16xf32>
        %max3A_221 = arith.constant 0.000000e+00 : f32
        %max3A_222 = vector.broadcast %max3A_221 : f32 to vector<16xf32>
        %max3A_223 = arith.maximumf %add3A_220, %max3A_222 : vector<16xf32>
        %mul3A_224 = arith.mulf %select_n3A_218, %max3A_223 : vector<16xf32>
        %mul3A_225 = arith.mulf %select_n3A_211, %get3A_51 : vector<16xf32>
        %add3A_226 = arith.addf %mul3A_225, %get3A_55 : vector<16xf32>
        %max3A_227 = arith.constant 0.000000e+00 : f32
        %max3A_228 = vector.broadcast %max3A_227 : f32 to vector<16xf32>
        %max3A_229 = arith.maximumf %add3A_226, %max3A_228 : vector<16xf32>
        %mul3A_230 = arith.mulf %select_n3A_218, %max3A_229 : vector<16xf32>
        %pack3A_231 = tpu.pack_subelements %mul3A_224, %mul3A_230 {pack_format = #tpu.pack_format<interleaved>, positions = array<i32: 0, 1>} : vector<16xf32>, vector<16xf32> -> vector<32xbf16>
        %mul3A_232 = arith.constant 16 : i32
        %mul3A_233 = arith.muli %scan3A_127, %mul3A_232 : i32
        %add3A_234 = arith.constant 4 : i32
        %add3A_235 = arith.addi %mul3A_233, %add3A_234 : i32
        %mul3A_236 = arith.constant 16 : i32
        %mul3A_237 = arith.muli %add3A_235, %mul3A_236 : i32
        %swap3A_238 = arith.index_cast %mul3A_237 : i32 to index
        %swap3A_239 = tpu.vector_load %arg29[%swap3A_238] {strides = array<i32>} : memref<25088xbf16, #tpu.memory_space<vmem>>, vector<32xbf16>,
        tpu.vector_store %arg29[%swap3A_238], %pack3A_231 {strides = array<i32>} : memref<25088xbf16, #tpu.memory_space<vmem>>, vector<32xbf16>,
        %slice3A_240 = vector.extract_strided_slice %mul3A_139 {offsets = [7], sizes = [1], strides = [1]} : vector<16xf32> to vector<1xf32>
        %squeeze3A_241 = vector.extract %slice3A_240[0] : f32 from vector<1xf32>
        %slice3A_242 = vector.extract_strided_slice %mul3A_139 {offsets = [6], sizes = [1], strides = [1]} : vector<16xf32> to vector<1xf32>
        %squeeze3A_243 = vector.extract %slice3A_242[0] : f32 from vector<1xf32>
        %broadcast_in_dim3A_244 = vector.broadcast %squeeze3A_241 : f32 to vector<16xf32>
        %broadcast_in_dim3A_245 = vector.broadcast %squeeze3A_243 : f32 to vector<16xf32>
        %select_n3A_246 = arith.select %ge3A_38, %broadcast_in_dim3A_244, %broadcast_in_dim3A_245 : vector<16xi1>, vector<16xf32>
        %slice3A_247 = vector.extract_strided_slice %get3A_141 {offsets = [7], sizes = [1], strides = [1]} : vector<16xf32> to vector<1xf32>
        %squeeze3A_248 = vector.extract %slice3A_247[0] : f32 from vector<1xf32>
        %slice3A_249 = vector.extract_strided_slice %get3A_141 {offsets = [6], sizes = [1], strides = [1]} : vector<16xf32> to vector<1xf32>
        %squeeze3A_250 = vector.extract %slice3A_249[0] : f32 from vector<1xf32>
        %broadcast_in_dim3A_251 = vector.broadcast %squeeze3A_248 : f32 to vector<16xf32>
        %broadcast_in_dim3A_252 = vector.broadcast %squeeze3A_250 : f32 to vector<16xf32>
        %select_n3A_253 = arith.select %ge3A_38, %broadcast_in_dim3A_251, %broadcast_in_dim3A_252 : vector<16xi1>, vector<16xf32>
        %mul3A_254 = arith.mulf %select_n3A_246, %get3A_49 : vector<16xf32>
        %add3A_255 = arith.addf %mul3A_254, %get3A_53 : vector<16xf32>
        %max3A_256 = arith.constant 0.000000e+00 : f32
        %max3A_257 = vector.broadcast %max3A_256 : f32 to vector<16xf32>
        %max3A_258 = arith.maximumf %add3A_255, %max3A_257 : vector<16xf32>
        %mul3A_259 = arith.mulf %select_n3A_253, %max3A_258 : vector<16xf32>
        %mul3A_260 = arith.mulf %select_n3A_246, %get3A_51 : vector<16xf32>
        %add3A_261 = arith.addf %mul3A_260, %get3A_55 : vector<16xf32>
        %max3A_262 = arith.constant 0.000000e+00 : f32
        %max3A_263 = vector.broadcast %max3A_262 : f32 to vector<16xf32>
        %max3A_264 = arith.maximumf %add3A_261, %max3A_263 : vector<16xf32>
        %mul3A_265 = arith.mulf %select_n3A_253, %max3A_264 : vector<16xf32>
        %pack3A_266 = tpu.pack_subelements %mul3A_259, %mul3A_265 {pack_format = #tpu.pack_format<interleaved>, positions = array<i32: 0, 1>} : vector<16xf32>, vector<16xf32> -> vector<32xbf16>
        %mul3A_267 = arith.constant 16 : i32
        %mul3A_268 = arith.muli %scan3A_127, %mul3A_267 : i32
        %add3A_269 = arith.constant 6 : i32
        %add3A_270 = arith.addi %mul3A_268, %add3A_269 : i32
        %mul3A_271 = arith.constant 16 : i32
        %mul3A_272 = arith.muli %add3A_270, %mul3A_271 : i32
        %swap3A_273 = arith.index_cast %mul3A_272 : i32 to index
        %swap3A_274 = tpu.vector_load %arg29[%swap3A_273] {strides = array<i32>} : memref<25088xbf16, #tpu.memory_space<vmem>>, vector<32xbf16>,
        tpu.vector_store %arg29[%swap3A_273], %pack3A_266 {strides = array<i32>} : memref<25088xbf16, #tpu.memory_space<vmem>>, vector<32xbf16>,
        %slice3A_275 = vector.extract_strided_slice %mul3A_139 {offsets = [9], sizes = [1], strides = [1]} : vector<16xf32> to vector<1xf32>
        %squeeze3A_276 = vector.extract %slice3A_275[0] : f32 from vector<1xf32>
        %slice3A_277 = vector.extract_strided_slice %mul3A_139 {offsets = [8], sizes = [1], strides = [1]} : vector<16xf32> to vector<1xf32>
        %squeeze3A_278 = vector.extract %slice3A_277[0] : f32 from vector<1xf32>
        %broadcast_in_dim3A_279 = vector.broadcast %squeeze3A_276 : f32 to vector<16xf32>
        %broadcast_in_dim3A_280 = vector.broadcast %squeeze3A_278 : f32 to vector<16xf32>
        %select_n3A_281 = arith.select %ge3A_38, %broadcast_in_dim3A_279, %broadcast_in_dim3A_280 : vector<16xi1>, vector<16xf32>
        %slice3A_282 = vector.extract_strided_slice %get3A_141 {offsets = [9], sizes = [1], strides = [1]} : vector<16xf32> to vector<1xf32>
        %squeeze3A_283 = vector.extract %slice3A_282[0] : f32 from vector<1xf32>
        %slice3A_284 = vector.extract_strided_slice %get3A_141 {offsets = [8], sizes = [1], strides = [1]} : vector<16xf32> to vector<1xf32>
        %squeeze3A_285 = vector.extract %slice3A_284[0] : f32 from vector<1xf32>
        %broadcast_in_dim3A_286 = vector.broadcast %squeeze3A_283 : f32 to vector<16xf32>
        %broadcast_in_dim3A_287 = vector.broadcast %squeeze3A_285 : f32 to vector<16xf32>
        %select_n3A_288 = arith.select %ge3A_38, %broadcast_in_dim3A_286, %broadcast_in_dim3A_287 : vector<16xi1>, vector<16xf32>
        %mul3A_289 = arith.mulf %select_n3A_281, %get3A_49 : vector<16xf32>
        %add3A_290 = arith.addf %mul3A_289, %get3A_53 : vector<16xf32>
        %max3A_291 = arith.constant 0.000000e+00 : f32
        %max3A_292 = vector.broadcast %max3A_291 : f32 to vector<16xf32>
        %max3A_293 = arith.maximumf %add3A_290, %max3A_292 : vector<16xf32>
        %mul3A_294 = arith.mulf %select_n3A_288, %max3A_293 : vector<16xf32>
        %mul3A_295 = arith.mulf %select_n3A_281, %get3A_51 : vector<16xf32>
        %add3A_296 = arith.addf %mul3A_295, %get3A_55 : vector<16xf32>
        %max3A_297 = arith.constant 0.000000e+00 : f32
        %max3A_298 = vector.broadcast %max3A_297 : f32 to vector<16xf32>
        %max3A_299 = arith.maximumf %add3A_296, %max3A_298 : vector<16xf32>
        %mul3A_300 = arith.mulf %select_n3A_288, %max3A_299 : vector<16xf32>
        %pack3A_301 = tpu.pack_subelements %mul3A_294, %mul3A_300 {pack_format = #tpu.pack_format<interleaved>, positions = array<i32: 0, 1>} : vector<16xf32>, vector<16xf32> -> vector<32xbf16>
        %mul3A_302 = arith.constant 16 : i32
        %mul3A_303 = arith.muli %scan3A_127, %mul3A_302 : i32
        %add3A_304 = arith.constant 8 : i32
        %add3A_305 = arith.addi %mul3A_303, %add3A_304 : i32
        %mul3A_306 = arith.constant 16 : i32
        %mul3A_307 = arith.muli %add3A_305, %mul3A_306 : i32
        %swap3A_308 = arith.index_cast %mul3A_307 : i32 to index
        %swap3A_309 = tpu.vector_load %arg29[%swap3A_308] {strides = array<i32>} : memref<25088xbf16, #tpu.memory_space<vmem>>, vector<32xbf16>,
        tpu.vector_store %arg29[%swap3A_308], %pack3A_301 {strides = array<i32>} : memref<25088xbf16, #tpu.memory_space<vmem>>, vector<32xbf16>,
        %slice3A_310 = vector.extract_strided_slice %mul3A_139 {offsets = [11], sizes = [1], strides = [1]} : vector<16xf32> to vector<1xf32>
        %squeeze3A_311 = vector.extract %slice3A_310[0] : f32 from vector<1xf32>
        %slice3A_312 = vector.extract_strided_slice %mul3A_139 {offsets = [10], sizes = [1], strides = [1]} : vector<16xf32> to vector<1xf32>
        %squeeze3A_313 = vector.extract %slice3A_312[0] : f32 from vector<1xf32>
        %broadcast_in_dim3A_314 = vector.broadcast %squeeze3A_311 : f32 to vector<16xf32>
        %broadcast_in_dim3A_315 = vector.broadcast %squeeze3A_313 : f32 to vector<16xf32>
        %select_n3A_316 = arith.select %ge3A_38, %broadcast_in_dim3A_314, %broadcast_in_dim3A_315 : vector<16xi1>, vector<16xf32>
        %slice3A_317 = vector.extract_strided_slice %get3A_141 {offsets = [11], sizes = [1], strides = [1]} : vector<16xf32> to vector<1xf32>
        %squeeze3A_318 = vector.extract %slice3A_317[0] : f32 from vector<1xf32>
        %slice3A_319 = vector.extract_strided_slice %get3A_141 {offsets = [10], sizes = [1], strides = [1]} : vector<16xf32> to vector<1xf32>
        %squeeze3A_320 = vector.extract %slice3A_319[0] : f32 from vector<1xf32>
        %broadcast_in_dim3A_321 = vector.broadcast %squeeze3A_318 : f32 to vector<16xf32>
        %broadcast_in_dim3A_322 = vector.broadcast %squeeze3A_320 : f32 to vector<16xf32>
        %select_n3A_323 = arith.select %ge3A_38, %broadcast_in_dim3A_321, %broadcast_in_dim3A_322 : vector<16xi1>, vector<16xf32>
        %mul3A_324 = arith.mulf %select_n3A_316, %get3A_49 : vector<16xf32>
        %add3A_325 = arith.addf %mul3A_324, %get3A_53 : vector<16xf32>
        %max3A_326 = arith.constant 0.000000e+00 : f32
        %max3A_327 = vector.broadcast %max3A_326 : f32 to vector<16xf32>
        %max3A_328 = arith.maximumf %add3A_325, %max3A_327 : vector<16xf32>
        %mul3A_329 = arith.mulf %select_n3A_323, %max3A_328 : vector<16xf32>
        %mul3A_330 = arith.mulf %select_n3A_316, %get3A_51 : vector<16xf32>
        %add3A_331 = arith.addf %mul3A_330, %get3A_55 : vector<16xf32>
        %max3A_332 = arith.constant 0.000000e+00 : f32
        %max3A_333 = vector.broadcast %max3A_332 : f32 to vector<16xf32>
        %max3A_334 = arith.maximumf %add3A_331, %max3A_333 : vector<16xf32>
        %mul3A_335 = arith.mulf %select_n3A_323, %max3A_334 : vector<16xf32>
        %pack3A_336 = tpu.pack_subelements %mul3A_329, %mul3A_335 {pack_format = #tpu.pack_format<interleaved>, positions = array<i32: 0, 1>} : vector<16xf32>, vector<16xf32> -> vector<32xbf16>
        %mul3A_337 = arith.constant 16 : i32
        %mul3A_338 = arith.muli %scan3A_127, %mul3A_337 : i32
        %add3A_339 = arith.constant 10 : i32
        %add3A_340 = arith.addi %mul3A_338, %add3A_339 : i32
        %mul3A_341 = arith.constant 16 : i32
        %mul3A_342 = arith.muli %add3A_340, %mul3A_341 : i32
        %swap3A_343 = arith.index_cast %mul3A_342 : i32 to index
        %swap3A_344 = tpu.vector_load %arg29[%swap3A_343] {strides = array<i32>} : memref<25088xbf16, #tpu.memory_space<vmem>>, vector<32xbf16>,
        tpu.vector_store %arg29[%swap3A_343], %pack3A_336 {strides = array<i32>} : memref<25088xbf16, #tpu.memory_space<vmem>>, vector<32xbf16>,
        %slice3A_345 = vector.extract_strided_slice %mul3A_139 {offsets = [13], sizes = [1], strides = [1]} : vector<16xf32> to vector<1xf32>
        %squeeze3A_346 = vector.extract %slice3A_345[0] : f32 from vector<1xf32>
        %slice3A_347 = vector.extract_strided_slice %mul3A_139 {offsets = [12], sizes = [1], strides = [1]} : vector<16xf32> to vector<1xf32>
        %squeeze3A_348 = vector.extract %slice3A_347[0] : f32 from vector<1xf32>
        %broadcast_in_dim3A_349 = vector.broadcast %squeeze3A_346 : f32 to vector<16xf32>
        %broadcast_in_dim3A_350 = vector.broadcast %squeeze3A_348 : f32 to vector<16xf32>
        %select_n3A_351 = arith.select %ge3A_38, %broadcast_in_dim3A_349, %broadcast_in_dim3A_350 : vector<16xi1>, vector<16xf32>
        %slice3A_352 = vector.extract_strided_slice %get3A_141 {offsets = [13], sizes = [1], strides = [1]} : vector<16xf32> to vector<1xf32>
        %squeeze3A_353 = vector.extract %slice3A_352[0] : f32 from vector<1xf32>
        %slice3A_354 = vector.extract_strided_slice %get3A_141 {offsets = [12], sizes = [1], strides = [1]} : vector<16xf32> to vector<1xf32>
        %squeeze3A_355 = vector.extract %slice3A_354[0] : f32 from vector<1xf32>
        %broadcast_in_dim3A_356 = vector.broadcast %squeeze3A_353 : f32 to vector<16xf32>
        %broadcast_in_dim3A_357 = vector.broadcast %squeeze3A_355 : f32 to vector<16xf32>
        %select_n3A_358 = arith.select %ge3A_38, %broadcast_in_dim3A_356, %broadcast_in_dim3A_357 : vector<16xi1>, vector<16xf32>
        %mul3A_359 = arith.mulf %select_n3A_351, %get3A_49 : vector<16xf32>
        %add3A_360 = arith.addf %mul3A_359, %get3A_53 : vector<16xf32>
        %max3A_361 = arith.constant 0.000000e+00 : f32
        %max3A_362 = vector.broadcast %max3A_361 : f32 to vector<16xf32>
        %max3A_363 = arith.maximumf %add3A_360, %max3A_362 : vector<16xf32>
        %mul3A_364 = arith.mulf %select_n3A_358, %max3A_363 : vector<16xf32>
        %mul3A_365 = arith.mulf %select_n3A_351, %get3A_51 : vector<16xf32>
        %add3A_366 = arith.addf %mul3A_365, %get3A_55 : vector<16xf32>
        %max3A_367 = arith.constant 0.000000e+00 : f32
        %max3A_368 = vector.broadcast %max3A_367 : f32 to vector<16xf32>
        %max3A_369 = arith.maximumf %add3A_366, %max3A_368 : vector<16xf32>
        %mul3A_370 = arith.mulf %select_n3A_358, %max3A_369 : vector<16xf32>
        %pack3A_371 = tpu.pack_subelements %mul3A_364, %mul3A_370 {pack_format = #tpu.pack_format<interleaved>, positions = array<i32: 0, 1>} : vector<16xf32>, vector<16xf32> -> vector<32xbf16>
        %mul3A_372 = arith.constant 16 : i32
        %mul3A_373 = arith.muli %scan3A_127, %mul3A_372 : i32
        %add3A_374 = arith.constant 12 : i32
        %add3A_375 = arith.addi %mul3A_373, %add3A_374 : i32
        %mul3A_376 = arith.constant 16 : i32
        %mul3A_377 = arith.muli %add3A_375, %mul3A_376 : i32
        %swap3A_378 = arith.index_cast %mul3A_377 : i32 to index
        %swap3A_379 = tpu.vector_load %arg29[%swap3A_378] {strides = array<i32>} : memref<25088xbf16, #tpu.memory_space<vmem>>, vector<32xbf16>,
        tpu.vector_store %arg29[%swap3A_378], %pack3A_371 {strides = array<i32>} : memref<25088xbf16, #tpu.memory_space<vmem>>, vector<32xbf16>,
        %slice3A_380 = vector.extract_strided_slice %mul3A_139 {offsets = [15], sizes = [1], strides = [1]} : vector<16xf32> to vector<1xf32>
        %squeeze3A_381 = vector.extract %slice3A_380[0] : f32 from vector<1xf32>
        %slice3A_382 = vector.extract_strided_slice %mul3A_139 {offsets = [14], sizes = [1], strides = [1]} : vector<16xf32> to vector<1xf32>
        %squeeze3A_383 = vector.extract %slice3A_382[0] : f32 from vector<1xf32>
        %broadcast_in_dim3A_384 = vector.broadcast %squeeze3A_381 : f32 to vector<16xf32>
        %broadcast_in_dim3A_385 = vector.broadcast %squeeze3A_383 : f32 to vector<16xf32>
        %select_n3A_386 = arith.select %ge3A_38, %broadcast_in_dim3A_384, %broadcast_in_dim3A_385 : vector<16xi1>, vector<16xf32>
        %slice3A_387 = vector.extract_strided_slice %get3A_141 {offsets = [15], sizes = [1], strides = [1]} : vector<16xf32> to vector<1xf32>
        %squeeze3A_388 = vector.extract %slice3A_387[0] : f32 from vector<1xf32>
        %slice3A_389 = vector.extract_strided_slice %get3A_141 {offsets = [14], sizes = [1], strides = [1]} : vector<16xf32> to vector<1xf32>
        %squeeze3A_390 = vector.extract %slice3A_389[0] : f32 from vector<1xf32>
        %broadcast_in_dim3A_391 = vector.broadcast %squeeze3A_388 : f32 to vector<16xf32>
        %broadcast_in_dim3A_392 = vector.broadcast %squeeze3A_390 : f32 to vector<16xf32>
        %select_n3A_393 = arith.select %ge3A_38, %broadcast_in_dim3A_391, %broadcast_in_dim3A_392 : vector<16xi1>, vector<16xf32>
        %mul3A_394 = arith.mulf %select_n3A_386, %get3A_49 : vector<16xf32>
        %add3A_395 = arith.addf %mul3A_394, %get3A_53 : vector<16xf32>
        %max3A_396 = arith.constant 0.000000e+00 : f32
        %max3A_397 = vector.broadcast %max3A_396 : f32 to vector<16xf32>
        %max3A_398 = arith.maximumf %add3A_395, %max3A_397 : vector<16xf32>
        %mul3A_399 = arith.mulf %select_n3A_393, %max3A_398 : vector<16xf32>
        %mul3A_400 = arith.mulf %select_n3A_386, %get3A_51 : vector<16xf32>
        %add3A_401 = arith.addf %mul3A_400, %get3A_55 : vector<16xf32>
        %max3A_402 = arith.constant 0.000000e+00 : f32
        %max3A_403 = vector.broadcast %max3A_402 : f32 to vector<16xf32>
        %max3A_404 = arith.maximumf %add3A_401, %max3A_403 : vector<16xf32>
        %mul3A_405 = arith.mulf %select_n3A_393, %max3A_404 : vector<16xf32>
        %pack3A_406 = tpu.pack_subelements %mul3A_399, %mul3A_405 {pack_format = #tpu.pack_format<interleaved>, positions = array<i32: 0, 1>} : vector<16xf32>, vector<16xf32> -> vector<32xbf16>
        %mul3A_407 = arith.constant 16 : i32
        %mul3A_408 = arith.muli %scan3A_127, %mul3A_407 : i32
        %add3A_409 = arith.constant 14 : i32
        %add3A_410 = arith.addi %mul3A_408, %add3A_409 : i32
        %mul3A_411 = arith.constant 16 : i32
        %mul3A_412 = arith.muli %add3A_410, %mul3A_411 : i32
        %swap3A_413 = arith.index_cast %mul3A_412 : i32 to index
        %swap3A_414 = tpu.vector_load %arg29[%swap3A_413] {strides = array<i32>} : memref<25088xbf16, #tpu.memory_space<vmem>>, vector<32xbf16>,
        tpu.vector_store %arg29[%swap3A_413], %pack3A_406 {strides = array<i32>} : memref<25088xbf16, #tpu.memory_space<vmem>>, vector<32xbf16>,
      }
      %scan3A_90 = arith.constant 98 : i32
      %add3A_91 = arith.constant 3136 : i32
      %add3A_92 = arith.addi %mul3A_0, %add3A_91 : i32
      %mul3A_93 = arith.constant 16 : i32
      %mul3A_94 = arith.muli %add3A_92, %mul3A_93 : i32
      %dma_start3A_95 = tpu.memref_slice %arg10[%mul3A_94] : memref<1605632xbf16, #tpu.memory_space<hbm>> -> memref<25088xbf16, #tpu.memory_space<hbm>>
      %dma_start3A_96 = tpu.memref_slice %arg10[%mul3A_94] : memref<1605632xbf16, #tpu.memory_space<hbm>> -> memref<25088xbf16, #tpu.memory_space<hbm>>
      tpu.enqueue_dma source(%arg29 : memref<25088xbf16, #tpu.memory_space<vmem>>) target(%dma_start3A_96 : memref<25088xbf16, #tpu.memory_space<hbm>>) target_semaphore(%arg37 : memref<!tpu.dma_semaphore, #tpu.memory_space<semaphore_mem>>)
      %add3A_97 = arith.constant 1568 : i32
      %add3A_98 = arith.addi %mul3A_0, %add3A_97 : i32
      %mul3A_99 = arith.constant 16 : i32
      %mul3A_100 = arith.muli %add3A_98, %mul3A_99 : i32
      %dma_wait3A_101 = tpu.memref_slice %arg10[%mul3A_100] : memref<1605632xbf16, #tpu.memory_space<hbm>> -> memref<25088xbf16, #tpu.memory_space<hbm>>
      %dma_wait3A_102 = tpu.memref_slice %arg10[%mul3A_100] : memref<1605632xbf16, #tpu.memory_space<hbm>> -> memref<25088xbf16, #tpu.memory_space<hbm>>
      tpu.wait_dma2 semaphore(%arg37 : memref<!tpu.dma_semaphore, #tpu.memory_space<semaphore_mem>>) src(%arg30 : memref<25088xbf16, #tpu.memory_space<vmem>>) dst(%dma_wait3A_102 : memref<25088xbf16, #tpu.memory_space<hbm>>)
      %scan3A_103 = arith.constant 0 : i32
      %scan3A_104 = arith.constant 0 : i32
      %scan3A_105 = arith.constant 98 : i32
      %scan3A_106 = arith.addi %scan3A_104, %scan3A_105 : i32
      %scan3A_107 = arith.constant 1 : i32
      scf.for %scan3A_127 = %scan3A_104 to %scan3A_106 step %scan3A_107  : i32 {
        %mul3A_128 = arith.constant 16 : i32
        %mul3A_129 = arith.muli %scan3A_127, %mul3A_128 : i32
        %add3A_130 = arith.constant 4704 : i32
        %add3A_131 = arith.addi %add3A_130, %mul3A_129 : i32
        %get3A_132 = arith.index_cast %add3A_131 : i32 to index
        %get3A_133 = tpu.vector_load %arg20[%get3A_132] {strides = array<i32>} : memref<6272xf32, #tpu.memory_space<vmem>>, vector<16xf32>,
        %get3A_134 = arith.index_cast %add3A_131 : i32 to index
        %get3A_135 = tpu.vector_load %arg24[%get3A_134] {strides = array<i32>} : memref<6272xf32, #tpu.memory_space<vmem>>, vector<16xf32>,
        %add3A_136 = arith.addf %get3A_133, %get3A_135 : vector<16xf32>
        %get3A_137 = arith.index_cast %add3A_131 : i32 to index
        %get3A_138 = tpu.vector_load %arg23[%get3A_137] {strides = array<i32>} : memref<6272xf32, #tpu.memory_space<vmem>>, vector<16xf32>,
        %mul3A_139 = arith.mulf %add3A_136, %get3A_138 : vector<16xf32>
        %get3A_140 = arith.index_cast %add3A_131 : i32 to index
        %get3A_141 = tpu.vector_load %arg22[%get3A_140] {strides = array<i32>} : memref<6272xf32, #tpu.memory_space<vmem>>, vector<16xf32>,
        %slice3A = vector.extract_strided_slice %mul3A_139 {offsets = [1], sizes = [1], strides = [1]} : vector<16xf32> to vector<1xf32>
        %squeeze3A = vector.extract %slice3A[0] : f32 from vector<1xf32>
        %slice3A_142 = vector.extract_strided_slice %mul3A_139 {offsets = [0], sizes = [1], strides = [1]} : vector<16xf32> to vector<1xf32>
        %squeeze3A_143 = vector.extract %slice3A_142[0] : f32 from vector<1xf32>
        %broadcast_in_dim3A = vector.broadcast %squeeze3A : f32 to vector<16xf32>
        %broadcast_in_dim3A_144 = vector.broadcast %squeeze3A_143 : f32 to vector<16xf32>
        %select_n3A = arith.select %ge3A_38, %broadcast_in_dim3A, %broadcast_in_dim3A_144 : vector<16xi1>, vector<16xf32>
        %slice3A_145 = vector.extract_strided_slice %get3A_141 {offsets = [1], sizes = [1], strides = [1]} : vector<16xf32> to vector<1xf32>
        %squeeze3A_146 = vector.extract %slice3A_145[0] : f32 from vector<1xf32>
        %slice3A_147 = vector.extract_strided_slice %get3A_141 {offsets = [0], sizes = [1], strides = [1]} : vector<16xf32> to vector<1xf32>
        %squeeze3A_148 = vector.extract %slice3A_147[0] : f32 from vector<1xf32>
        %broadcast_in_dim3A_149 = vector.broadcast %squeeze3A_146 : f32 to vector<16xf32>
        %broadcast_in_dim3A_150 = vector.broadcast %squeeze3A_148 : f32 to vector<16xf32>
        %select_n3A_151 = arith.select %ge3A_38, %broadcast_in_dim3A_149, %broadcast_in_dim3A_150 : vector<16xi1>, vector<16xf32>
        %mul3A_152 = arith.mulf %select_n3A, %get3A_49 : vector<16xf32>
        %add3A_153 = arith.addf %mul3A_152, %get3A_53 : vector<16xf32>
        %max3A = arith.constant 0.000000e+00 : f32
        %max3A_154 = vector.broadcast %max3A : f32 to vector<16xf32>
        %max3A_155 = arith.maximumf %add3A_153, %max3A_154 : vector<16xf32>
        %mul3A_156 = arith.mulf %select_n3A_151, %max3A_155 : vector<16xf32>
        %mul3A_157 = arith.mulf %select_n3A, %get3A_51 : vector<16xf32>
        %add3A_158 = arith.addf %mul3A_157, %get3A_55 : vector<16xf32>
        %max3A_159 = arith.constant 0.000000e+00 : f32
        %max3A_160 = vector.broadcast %max3A_159 : f32 to vector<16xf32>
        %max3A_161 = arith.maximumf %add3A_158, %max3A_160 : vector<16xf32>
        %mul3A_162 = arith.mulf %select_n3A_151, %max3A_161 : vector<16xf32>
        %pack3A = tpu.pack_subelements %mul3A_156, %mul3A_162 {pack_format = #tpu.pack_format<interleaved>, positions = array<i32: 0, 1>} : vector<16xf32>, vector<16xf32> -> vector<32xbf16>
        %mul3A_163 = arith.constant 16 : i32
        %mul3A_164 = arith.muli %scan3A_127, %mul3A_163 : i32
        %add3A_165 = arith.constant 0 : i32
        %add3A_166 = arith.addi %mul3A_164, %add3A_165 : i32
        %mul3A_167 = arith.constant 16 : i32
        %mul3A_168 = arith.muli %add3A_166, %mul3A_167 : i32
        %swap3A = arith.index_cast %mul3A_168 : i32 to index
        %swap3A_169 = tpu.vector_load %arg30[%swap3A] {strides = array<i32>} : memref<25088xbf16, #tpu.memory_space<vmem>>, vector<32xbf16>,
        tpu.vector_store %arg30[%swap3A], %pack3A {strides = array<i32>} : memref<25088xbf16, #tpu.memory_space<vmem>>, vector<32xbf16>,
        %slice3A_170 = vector.extract_strided_slice %mul3A_139 {offsets = [3], sizes = [1], strides = [1]} : vector<16xf32> to vector<1xf32>
        %squeeze3A_171 = vector.extract %slice3A_170[0] : f32 from vector<1xf32>
        %slice3A_172 = vector.extract_strided_slice %mul3A_139 {offsets = [2], sizes = [1], strides = [1]} : vector<16xf32> to vector<1xf32>
        %squeeze3A_173 = vector.extract %slice3A_172[0] : f32 from vector<1xf32>
        %broadcast_in_dim3A_174 = vector.broadcast %squeeze3A_171 : f32 to vector<16xf32>
        %broadcast_in_dim3A_175 = vector.broadcast %squeeze3A_173 : f32 to vector<16xf32>
        %select_n3A_176 = arith.select %ge3A_38, %broadcast_in_dim3A_174, %broadcast_in_dim3A_175 : vector<16xi1>, vector<16xf32>
        %slice3A_177 = vector.extract_strided_slice %get3A_141 {offsets = [3], sizes = [1], strides = [1]} : vector<16xf32> to vector<1xf32>
        %squeeze3A_178 = vector.extract %slice3A_177[0] : f32 from vector<1xf32>
        %slice3A_179 = vector.extract_strided_slice %get3A_141 {offsets = [2], sizes = [1], strides = [1]} : vector<16xf32> to vector<1xf32>
        %squeeze3A_180 = vector.extract %slice3A_179[0] : f32 from vector<1xf32>
        %broadcast_in_dim3A_181 = vector.broadcast %squeeze3A_178 : f32 to vector<16xf32>
        %broadcast_in_dim3A_182 = vector.broadcast %squeeze3A_180 : f32 to vector<16xf32>
        %select_n3A_183 = arith.select %ge3A_38, %broadcast_in_dim3A_181, %broadcast_in_dim3A_182 : vector<16xi1>, vector<16xf32>
        %mul3A_184 = arith.mulf %select_n3A_176, %get3A_49 : vector<16xf32>
        %add3A_185 = arith.addf %mul3A_184, %get3A_53 : vector<16xf32>
        %max3A_186 = arith.constant 0.000000e+00 : f32
        %max3A_187 = vector.broadcast %max3A_186 : f32 to vector<16xf32>
        %max3A_188 = arith.maximumf %add3A_185, %max3A_187 : vector<16xf32>
        %mul3A_189 = arith.mulf %select_n3A_183, %max3A_188 : vector<16xf32>
        %mul3A_190 = arith.mulf %select_n3A_176, %get3A_51 : vector<16xf32>
        %add3A_191 = arith.addf %mul3A_190, %get3A_55 : vector<16xf32>
        %max3A_192 = arith.constant 0.000000e+00 : f32
        %max3A_193 = vector.broadcast %max3A_192 : f32 to vector<16xf32>
        %max3A_194 = arith.maximumf %add3A_191, %max3A_193 : vector<16xf32>
        %mul3A_195 = arith.mulf %select_n3A_183, %max3A_194 : vector<16xf32>
        %pack3A_196 = tpu.pack_subelements %mul3A_189, %mul3A_195 {pack_format = #tpu.pack_format<interleaved>, positions = array<i32: 0, 1>} : vector<16xf32>, vector<16xf32> -> vector<32xbf16>
        %mul3A_197 = arith.constant 16 : i32
        %mul3A_198 = arith.muli %scan3A_127, %mul3A_197 : i32
        %add3A_199 = arith.constant 2 : i32
        %add3A_200 = arith.addi %mul3A_198, %add3A_199 : i32
        %mul3A_201 = arith.constant 16 : i32
        %mul3A_202 = arith.muli %add3A_200, %mul3A_201 : i32
        %swap3A_203 = arith.index_cast %mul3A_202 : i32 to index
        %swap3A_204 = tpu.vector_load %arg30[%swap3A_203] {strides = array<i32>} : memref<25088xbf16, #tpu.memory_space<vmem>>, vector<32xbf16>,
        tpu.vector_store %arg30[%swap3A_203], %pack3A_196 {strides = array<i32>} : memref<25088xbf16, #tpu.memory_space<vmem>>, vector<32xbf16>,
        %slice3A_205 = vector.extract_strided_slice %mul3A_139 {offsets = [5], sizes = [1], strides = [1]} : vector<16xf32> to vector<1xf32>
        %squeeze3A_206 = vector.extract %slice3A_205[0] : f32 from vector<1xf32>
        %slice3A_207 = vector.extract_strided_slice %mul3A_139 {offsets = [4], sizes = [1], strides = [1]} : vector<16xf32> to vector<1xf32>
        %squeeze3A_208 = vector.extract %slice3A_207[0] : f32 from vector<1xf32>
        %broadcast_in_dim3A_209 = vector.broadcast %squeeze3A_206 : f32 to vector<16xf32>
        %broadcast_in_dim3A_210 = vector.broadcast %squeeze3A_208 : f32 to vector<16xf32>
        %select_n3A_211 = arith.select %ge3A_38, %broadcast_in_dim3A_209, %broadcast_in_dim3A_210 : vector<16xi1>, vector<16xf32>
        %slice3A_212 = vector.extract_strided_slice %get3A_141 {offsets = [5], sizes = [1], strides = [1]} : vector<16xf32> to vector<1xf32>
        %squeeze3A_213 = vector.extract %slice3A_212[0] : f32 from vector<1xf32>
        %slice3A_214 = vector.extract_strided_slice %get3A_141 {offsets = [4], sizes = [1], strides = [1]} : vector<16xf32> to vector<1xf32>
        %squeeze3A_215 = vector.extract %slice3A_214[0] : f32 from vector<1xf32>
        %broadcast_in_dim3A_216 = vector.broadcast %squeeze3A_213 : f32 to vector<16xf32>
        %broadcast_in_dim3A_217 = vector.broadcast %squeeze3A_215 : f32 to vector<16xf32>
        %select_n3A_218 = arith.select %ge3A_38, %broadcast_in_dim3A_216, %broadcast_in_dim3A_217 : vector<16xi1>, vector<16xf32>
        %mul3A_219 = arith.mulf %select_n3A_211, %get3A_49 : vector<16xf32>
        %add3A_220 = arith.addf %mul3A_219, %get3A_53 : vector<16xf32>
        %max3A_221 = arith.constant 0.000000e+00 : f32
        %max3A_222 = vector.broadcast %max3A_221 : f32 to vector<16xf32>
        %max3A_223 = arith.maximumf %add3A_220, %max3A_222 : vector<16xf32>
        %mul3A_224 = arith.mulf %select_n3A_218, %max3A_223 : vector<16xf32>
        %mul3A_225 = arith.mulf %select_n3A_211, %get3A_51 : vector<16xf32>
        %add3A_226 = arith.addf %mul3A_225, %get3A_55 : vector<16xf32>
        %max3A_227 = arith.constant 0.000000e+00 : f32
        %max3A_228 = vector.broadcast %max3A_227 : f32 to vector<16xf32>
        %max3A_229 = arith.maximumf %add3A_226, %max3A_228 : vector<16xf32>
        %mul3A_230 = arith.mulf %select_n3A_218, %max3A_229 : vector<16xf32>
        %pack3A_231 = tpu.pack_subelements %mul3A_224, %mul3A_230 {pack_format = #tpu.pack_format<interleaved>, positions = array<i32: 0, 1>} : vector<16xf32>, vector<16xf32> -> vector<32xbf16>
        %mul3A_232 = arith.constant 16 : i32
        %mul3A_233 = arith.muli %scan3A_127, %mul3A_232 : i32
        %add3A_234 = arith.constant 4 : i32
        %add3A_235 = arith.addi %mul3A_233, %add3A_234 : i32
        %mul3A_236 = arith.constant 16 : i32
        %mul3A_237 = arith.muli %add3A_235, %mul3A_236 : i32
        %swap3A_238 = arith.index_cast %mul3A_237 : i32 to index
        %swap3A_239 = tpu.vector_load %arg30[%swap3A_238] {strides = array<i32>} : memref<25088xbf16, #tpu.memory_space<vmem>>, vector<32xbf16>,
        tpu.vector_store %arg30[%swap3A_238], %pack3A_231 {strides = array<i32>} : memref<25088xbf16, #tpu.memory_space<vmem>>, vector<32xbf16>,
        %slice3A_240 = vector.extract_strided_slice %mul3A_139 {offsets = [7], sizes = [1], strides = [1]} : vector<16xf32> to vector<1xf32>
        %squeeze3A_241 = vector.extract %slice3A_240[0] : f32 from vector<1xf32>
        %slice3A_242 = vector.extract_strided_slice %mul3A_139 {offsets = [6], sizes = [1], strides = [1]} : vector<16xf32> to vector<1xf32>
        %squeeze3A_243 = vector.extract %slice3A_242[0] : f32 from vector<1xf32>
        %broadcast_in_dim3A_244 = vector.broadcast %squeeze3A_241 : f32 to vector<16xf32>
        %broadcast_in_dim3A_245 = vector.broadcast %squeeze3A_243 : f32 to vector<16xf32>
        %select_n3A_246 = arith.select %ge3A_38, %broadcast_in_dim3A_244, %broadcast_in_dim3A_245 : vector<16xi1>, vector<16xf32>
        %slice3A_247 = vector.extract_strided_slice %get3A_141 {offsets = [7], sizes = [1], strides = [1]} : vector<16xf32> to vector<1xf32>
        %squeeze3A_248 = vector.extract %slice3A_247[0] : f32 from vector<1xf32>
        %slice3A_249 = vector.extract_strided_slice %get3A_141 {offsets = [6], sizes = [1], strides = [1]} : vector<16xf32> to vector<1xf32>
        %squeeze3A_250 = vector.extract %slice3A_249[0] : f32 from vector<1xf32>
        %broadcast_in_dim3A_251 = vector.broadcast %squeeze3A_248 : f32 to vector<16xf32>
        %broadcast_in_dim3A_252 = vector.broadcast %squeeze3A_250 : f32 to vector<16xf32>
        %select_n3A_253 = arith.select %ge3A_38, %broadcast_in_dim3A_251, %broadcast_in_dim3A_252 : vector<16xi1>, vector<16xf32>
        %mul3A_254 = arith.mulf %select_n3A_246, %get3A_49 : vector<16xf32>
        %add3A_255 = arith.addf %mul3A_254, %get3A_53 : vector<16xf32>
        %max3A_256 = arith.constant 0.000000e+00 : f32
        %max3A_257 = vector.broadcast %max3A_256 : f32 to vector<16xf32>
        %max3A_258 = arith.maximumf %add3A_255, %max3A_257 : vector<16xf32>
        %mul3A_259 = arith.mulf %select_n3A_253, %max3A_258 : vector<16xf32>
        %mul3A_260 = arith.mulf %select_n3A_246, %get3A_51 : vector<16xf32>
        %add3A_261 = arith.addf %mul3A_260, %get3A_55 : vector<16xf32>
        %max3A_262 = arith.constant 0.000000e+00 : f32
        %max3A_263 = vector.broadcast %max3A_262 : f32 to vector<16xf32>
        %max3A_264 = arith.maximumf %add3A_261, %max3A_263 : vector<16xf32>
        %mul3A_265 = arith.mulf %select_n3A_253, %max3A_264 : vector<16xf32>
        %pack3A_266 = tpu.pack_subelements %mul3A_259, %mul3A_265 {pack_format = #tpu.pack_format<interleaved>, positions = array<i32: 0, 1>} : vector<16xf32>, vector<16xf32> -> vector<32xbf16>
        %mul3A_267 = arith.constant 16 : i32
        %mul3A_268 = arith.muli %scan3A_127, %mul3A_267 : i32
        %add3A_269 = arith.constant 6 : i32
        %add3A_270 = arith.addi %mul3A_268, %add3A_269 : i32
        %mul3A_271 = arith.constant 16 : i32
        %mul3A_272 = arith.muli %add3A_270, %mul3A_271 : i32
        %swap3A_273 = arith.index_cast %mul3A_272 : i32 to index
        %swap3A_274 = tpu.vector_load %arg30[%swap3A_273] {strides = array<i32>} : memref<25088xbf16, #tpu.memory_space<vmem>>, vector<32xbf16>,
        tpu.vector_store %arg30[%swap3A_273], %pack3A_266 {strides = array<i32>} : memref<25088xbf16, #tpu.memory_space<vmem>>, vector<32xbf16>,
        %slice3A_275 = vector.extract_strided_slice %mul3A_139 {offsets = [9], sizes = [1], strides = [1]} : vector<16xf32> to vector<1xf32>
        %squeeze3A_276 = vector.extract %slice3A_275[0] : f32 from vector<1xf32>
        %slice3A_277 = vector.extract_strided_slice %mul3A_139 {offsets = [8], sizes = [1], strides = [1]} : vector<16xf32> to vector<1xf32>
        %squeeze3A_278 = vector.extract %slice3A_277[0] : f32 from vector<1xf32>
        %broadcast_in_dim3A_279 = vector.broadcast %squeeze3A_276 : f32 to vector<16xf32>
        %broadcast_in_dim3A_280 = vector.broadcast %squeeze3A_278 : f32 to vector<16xf32>
        %select_n3A_281 = arith.select %ge3A_38, %broadcast_in_dim3A_279, %broadcast_in_dim3A_280 : vector<16xi1>, vector<16xf32>
        %slice3A_282 = vector.extract_strided_slice %get3A_141 {offsets = [9], sizes = [1], strides = [1]} : vector<16xf32> to vector<1xf32>
        %squeeze3A_283 = vector.extract %slice3A_282[0] : f32 from vector<1xf32>
        %slice3A_284 = vector.extract_strided_slice %get3A_141 {offsets = [8], sizes = [1], strides = [1]} : vector<16xf32> to vector<1xf32>
        %squeeze3A_285 = vector.extract %slice3A_284[0] : f32 from vector<1xf32>
        %broadcast_in_dim3A_286 = vector.broadcast %squeeze3A_283 : f32 to vector<16xf32>
        %broadcast_in_dim3A_287 = vector.broadcast %squeeze3A_285 : f32 to vector<16xf32>
        %select_n3A_288 = arith.select %ge3A_38, %broadcast_in_dim3A_286, %broadcast_in_dim3A_287 : vector<16xi1>, vector<16xf32>
        %mul3A_289 = arith.mulf %select_n3A_281, %get3A_49 : vector<16xf32>
        %add3A_290 = arith.addf %mul3A_289, %get3A_53 : vector<16xf32>
        %max3A_291 = arith.constant 0.000000e+00 : f32
        %max3A_292 = vector.broadcast %max3A_291 : f32 to vector<16xf32>
        %max3A_293 = arith.maximumf %add3A_290, %max3A_292 : vector<16xf32>
        %mul3A_294 = arith.mulf %select_n3A_288, %max3A_293 : vector<16xf32>
        %mul3A_295 = arith.mulf %select_n3A_281, %get3A_51 : vector<16xf32>
        %add3A_296 = arith.addf %mul3A_295, %get3A_55 : vector<16xf32>
        %max3A_297 = arith.constant 0.000000e+00 : f32
        %max3A_298 = vector.broadcast %max3A_297 : f32 to vector<16xf32>
        %max3A_299 = arith.maximumf %add3A_296, %max3A_298 : vector<16xf32>
        %mul3A_300 = arith.mulf %select_n3A_288, %max3A_299 : vector<16xf32>
        %pack3A_301 = tpu.pack_subelements %mul3A_294, %mul3A_300 {pack_format = #tpu.pack_format<interleaved>, positions = array<i32: 0, 1>} : vector<16xf32>, vector<16xf32> -> vector<32xbf16>
        %mul3A_302 = arith.constant 16 : i32
        %mul3A_303 = arith.muli %scan3A_127, %mul3A_302 : i32
        %add3A_304 = arith.constant 8 : i32
        %add3A_305 = arith.addi %mul3A_303, %add3A_304 : i32
        %mul3A_306 = arith.constant 16 : i32
        %mul3A_307 = arith.muli %add3A_305, %mul3A_306 : i32
        %swap3A_308 = arith.index_cast %mul3A_307 : i32 to index
        %swap3A_309 = tpu.vector_load %arg30[%swap3A_308] {strides = array<i32>} : memref<25088xbf16, #tpu.memory_space<vmem>>, vector<32xbf16>,
        tpu.vector_store %arg30[%swap3A_308], %pack3A_301 {strides = array<i32>} : memref<25088xbf16, #tpu.memory_space<vmem>>, vector<32xbf16>,
        %slice3A_310 = vector.extract_strided_slice %mul3A_139 {offsets = [11], sizes = [1], strides = [1]} : vector<16xf32> to vector<1xf32>
        %squeeze3A_311 = vector.extract %slice3A_310[0] : f32 from vector<1xf32>
        %slice3A_312 = vector.extract_strided_slice %mul3A_139 {offsets = [10], sizes = [1], strides = [1]} : vector<16xf32> to vector<1xf32>
        %squeeze3A_313 = vector.extract %slice3A_312[0] : f32 from vector<1xf32>
        %broadcast_in_dim3A_314 = vector.broadcast %squeeze3A_311 : f32 to vector<16xf32>
        %broadcast_in_dim3A_315 = vector.broadcast %squeeze3A_313 : f32 to vector<16xf32>
        %select_n3A_316 = arith.select %ge3A_38, %broadcast_in_dim3A_314, %broadcast_in_dim3A_315 : vector<16xi1>, vector<16xf32>
        %slice3A_317 = vector.extract_strided_slice %get3A_141 {offsets = [11], sizes = [1], strides = [1]} : vector<16xf32> to vector<1xf32>
        %squeeze3A_318 = vector.extract %slice3A_317[0] : f32 from vector<1xf32>
        %slice3A_319 = vector.extract_strided_slice %get3A_141 {offsets = [10], sizes = [1], strides = [1]} : vector<16xf32> to vector<1xf32>
        %squeeze3A_320 = vector.extract %slice3A_319[0] : f32 from vector<1xf32>
        %broadcast_in_dim3A_321 = vector.broadcast %squeeze3A_318 : f32 to vector<16xf32>
        %broadcast_in_dim3A_322 = vector.broadcast %squeeze3A_320 : f32 to vector<16xf32>
        %select_n3A_323 = arith.select %ge3A_38, %broadcast_in_dim3A_321, %broadcast_in_dim3A_322 : vector<16xi1>, vector<16xf32>
        %mul3A_324 = arith.mulf %select_n3A_316, %get3A_49 : vector<16xf32>
        %add3A_325 = arith.addf %mul3A_324, %get3A_53 : vector<16xf32>
        %max3A_326 = arith.constant 0.000000e+00 : f32
        %max3A_327 = vector.broadcast %max3A_326 : f32 to vector<16xf32>
        %max3A_328 = arith.maximumf %add3A_325, %max3A_327 : vector<16xf32>
        %mul3A_329 = arith.mulf %select_n3A_323, %max3A_328 : vector<16xf32>
        %mul3A_330 = arith.mulf %select_n3A_316, %get3A_51 : vector<16xf32>
        %add3A_331 = arith.addf %mul3A_330, %get3A_55 : vector<16xf32>
        %max3A_332 = arith.constant 0.000000e+00 : f32
        %max3A_333 = vector.broadcast %max3A_332 : f32 to vector<16xf32>
        %max3A_334 = arith.maximumf %add3A_331, %max3A_333 : vector<16xf32>
        %mul3A_335 = arith.mulf %select_n3A_323, %max3A_334 : vector<16xf32>
        %pack3A_336 = tpu.pack_subelements %mul3A_329, %mul3A_335 {pack_format = #tpu.pack_format<interleaved>, positions = array<i32: 0, 1>} : vector<16xf32>, vector<16xf32> -> vector<32xbf16>
        %mul3A_337 = arith.constant 16 : i32
        %mul3A_338 = arith.muli %scan3A_127, %mul3A_337 : i32
        %add3A_339 = arith.constant 10 : i32
        %add3A_340 = arith.addi %mul3A_338, %add3A_339 : i32
        %mul3A_341 = arith.constant 16 : i32
        %mul3A_342 = arith.muli %add3A_340, %mul3A_341 : i32
        %swap3A_343 = arith.index_cast %mul3A_342 : i32 to index
        %swap3A_344 = tpu.vector_load %arg30[%swap3A_343] {strides = array<i32>} : memref<25088xbf16, #tpu.memory_space<vmem>>, vector<32xbf16>,
        tpu.vector_store %arg30[%swap3A_343], %pack3A_336 {strides = array<i32>} : memref<25088xbf16, #tpu.memory_space<vmem>>, vector<32xbf16>,
        %slice3A_345 = vector.extract_strided_slice %mul3A_139 {offsets = [13], sizes = [1], strides = [1]} : vector<16xf32> to vector<1xf32>
        %squeeze3A_346 = vector.extract %slice3A_345[0] : f32 from vector<1xf32>
        %slice3A_347 = vector.extract_strided_slice %mul3A_139 {offsets = [12], sizes = [1], strides = [1]} : vector<16xf32> to vector<1xf32>
        %squeeze3A_348 = vector.extract %slice3A_347[0] : f32 from vector<1xf32>
        %broadcast_in_dim3A_349 = vector.broadcast %squeeze3A_346 : f32 to vector<16xf32>
        %broadcast_in_dim3A_350 = vector.broadcast %squeeze3A_348 : f32 to vector<16xf32>
        %select_n3A_351 = arith.select %ge3A_38, %broadcast_in_dim3A_349, %broadcast_in_dim3A_350 : vector<16xi1>, vector<16xf32>
        %slice3A_352 = vector.extract_strided_slice %get3A_141 {offsets = [13], sizes = [1], strides = [1]} : vector<16xf32> to vector<1xf32>
        %squeeze3A_353 = vector.extract %slice3A_352[0] : f32 from vector<1xf32>
        %slice3A_354 = vector.extract_strided_slice %get3A_141 {offsets = [12], sizes = [1], strides = [1]} : vector<16xf32> to vector<1xf32>
        %squeeze3A_355 = vector.extract %slice3A_354[0] : f32 from vector<1xf32>
        %broadcast_in_dim3A_356 = vector.broadcast %squeeze3A_353 : f32 to vector<16xf32>
        %broadcast_in_dim3A_357 = vector.broadcast %squeeze3A_355 : f32 to vector<16xf32>
        %select_n3A_358 = arith.select %ge3A_38, %broadcast_in_dim3A_356, %broadcast_in_dim3A_357 : vector<16xi1>, vector<16xf32>
        %mul3A_359 = arith.mulf %select_n3A_351, %get3A_49 : vector<16xf32>
        %add3A_360 = arith.addf %mul3A_359, %get3A_53 : vector<16xf32>
        %max3A_361 = arith.constant 0.000000e+00 : f32
        %max3A_362 = vector.broadcast %max3A_361 : f32 to vector<16xf32>
        %max3A_363 = arith.maximumf %add3A_360, %max3A_362 : vector<16xf32>
        %mul3A_364 = arith.mulf %select_n3A_358, %max3A_363 : vector<16xf32>
        %mul3A_365 = arith.mulf %select_n3A_351, %get3A_51 : vector<16xf32>
        %add3A_366 = arith.addf %mul3A_365, %get3A_55 : vector<16xf32>
        %max3A_367 = arith.constant 0.000000e+00 : f32
        %max3A_368 = vector.broadcast %max3A_367 : f32 to vector<16xf32>
        %max3A_369 = arith.maximumf %add3A_366, %max3A_368 : vector<16xf32>
        %mul3A_370 = arith.mulf %select_n3A_358, %max3A_369 : vector<16xf32>
        %pack3A_371 = tpu.pack_subelements %mul3A_364, %mul3A_370 {pack_format = #tpu.pack_format<interleaved>, positions = array<i32: 0, 1>} : vector<16xf32>, vector<16xf32> -> vector<32xbf16>
        %mul3A_372 = arith.constant 16 : i32
        %mul3A_373 = arith.muli %scan3A_127, %mul3A_372 : i32
        %add3A_374 = arith.constant 12 : i32
        %add3A_375 = arith.addi %mul3A_373, %add3A_374 : i32
        %mul3A_376 = arith.constant 16 : i32
        %mul3A_377 = arith.muli %add3A_375, %mul3A_376 : i32
        %swap3A_378 = arith.index_cast %mul3A_377 : i32 to index
        %swap3A_379 = tpu.vector_load %arg30[%swap3A_378] {strides = array<i32>} : memref<25088xbf16, #tpu.memory_space<vmem>>, vector<32xbf16>,
        tpu.vector_store %arg30[%swap3A_378], %pack3A_371 {strides = array<i32>} : memref<25088xbf16, #tpu.memory_space<vmem>>, vector<32xbf16>,
        %slice3A_380 = vector.extract_strided_slice %mul3A_139 {offsets = [15], sizes = [1], strides = [1]} : vector<16xf32> to vector<1xf32>
        %squeeze3A_381 = vector.extract %slice3A_380[0] : f32 from vector<1xf32>
        %slice3A_382 = vector.extract_strided_slice %mul3A_139 {offsets = [14], sizes = [1], strides = [1]} : vector<16xf32> to vector<1xf32>
        %squeeze3A_383 = vector.extract %slice3A_382[0] : f32 from vector<1xf32>
        %broadcast_in_dim3A_384 = vector.broadcast %squeeze3A_381 : f32 to vector<16xf32>
        %broadcast_in_dim3A_385 = vector.broadcast %squeeze3A_383 : f32 to vector<16xf32>
        %select_n3A_386 = arith.select %ge3A_38, %broadcast_in_dim3A_384, %broadcast_in_dim3A_385 : vector<16xi1>, vector<16xf32>
        %slice3A_387 = vector.extract_strided_slice %get3A_141 {offsets = [15], sizes = [1], strides = [1]} : vector<16xf32> to vector<1xf32>
        %squeeze3A_388 = vector.extract %slice3A_387[0] : f32 from vector<1xf32>
        %slice3A_389 = vector.extract_strided_slice %get3A_141 {offsets = [14], sizes = [1], strides = [1]} : vector<16xf32> to vector<1xf32>
        %squeeze3A_390 = vector.extract %slice3A_389[0] : f32 from vector<1xf32>
        %broadcast_in_dim3A_391 = vector.broadcast %squeeze3A_388 : f32 to vector<16xf32>
        %broadcast_in_dim3A_392 = vector.broadcast %squeeze3A_390 : f32 to vector<16xf32>
        %select_n3A_393 = arith.select %ge3A_38, %broadcast_in_dim3A_391, %broadcast_in_dim3A_392 : vector<16xi1>, vector<16xf32>
        %mul3A_394 = arith.mulf %select_n3A_386, %get3A_49 : vector<16xf32>
        %add3A_395 = arith.addf %mul3A_394, %get3A_53 : vector<16xf32>
        %max3A_396 = arith.constant 0.000000e+00 : f32
        %max3A_397 = vector.broadcast %max3A_396 : f32 to vector<16xf32>
        %max3A_398 = arith.maximumf %add3A_395, %max3A_397 : vector<16xf32>
        %mul3A_399 = arith.mulf %select_n3A_393, %max3A_398 : vector<16xf32>
        %mul3A_400 = arith.mulf %select_n3A_386, %get3A_51 : vector<16xf32>
        %add3A_401 = arith.addf %mul3A_400, %get3A_55 : vector<16xf32>
        %max3A_402 = arith.constant 0.000000e+00 : f32
        %max3A_403 = vector.broadcast %max3A_402 : f32 to vector<16xf32>
        %max3A_404 = arith.maximumf %add3A_401, %max3A_403 : vector<16xf32>
        %mul3A_405 = arith.mulf %select_n3A_393, %max3A_404 : vector<16xf32>
        %pack3A_406 = tpu.pack_subelements %mul3A_399, %mul3A_405 {pack_format = #tpu.pack_format<interleaved>, positions = array<i32: 0, 1>} : vector<16xf32>, vector<16xf32> -> vector<32xbf16>
        %mul3A_407 = arith.constant 16 : i32
        %mul3A_408 = arith.muli %scan3A_127, %mul3A_407 : i32
        %add3A_409 = arith.constant 14 : i32
        %add3A_410 = arith.addi %mul3A_408, %add3A_409 : i32
        %mul3A_411 = arith.constant 16 : i32
        %mul3A_412 = arith.muli %add3A_410, %mul3A_411 : i32
        %swap3A_413 = arith.index_cast %mul3A_412 : i32 to index
        %swap3A_414 = tpu.vector_load %arg30[%swap3A_413] {strides = array<i32>} : memref<25088xbf16, #tpu.memory_space<vmem>>, vector<32xbf16>,
        tpu.vector_store %arg30[%swap3A_413], %pack3A_406 {strides = array<i32>} : memref<25088xbf16, #tpu.memory_space<vmem>>, vector<32xbf16>,
      }
      %scan3A_108 = arith.constant 98 : i32
      %add3A_109 = arith.constant 4704 : i32
      %add3A_110 = arith.addi %mul3A_0, %add3A_109 : i32
      %mul3A_111 = arith.constant 16 : i32
      %mul3A_112 = arith.muli %add3A_110, %mul3A_111 : i32
      %dma_start3A_113 = tpu.memref_slice %arg10[%mul3A_112] : memref<1605632xbf16, #tpu.memory_space<hbm>> -> memref<25088xbf16, #tpu.memory_space<hbm>>
      %dma_start3A_114 = tpu.memref_slice %arg10[%mul3A_112] : memref<1605632xbf16, #tpu.memory_space<hbm>> -> memref<25088xbf16, #tpu.memory_space<hbm>>
      tpu.enqueue_dma source(%arg30 : memref<25088xbf16, #tpu.memory_space<vmem>>) target(%dma_start3A_114 : memref<25088xbf16, #tpu.memory_space<hbm>>) target_semaphore(%arg37 : memref<!tpu.dma_semaphore, #tpu.memory_space<semaphore_mem>>)
      %add3A_115 = arith.constant 3136 : i32
      %add3A_116 = arith.addi %mul3A_0, %add3A_115 : i32
      %mul3A_117 = arith.constant 16 : i32
      %mul3A_118 = arith.muli %add3A_116, %mul3A_117 : i32
      %dma_wait3A_119 = tpu.memref_slice %arg10[%mul3A_118] : memref<1605632xbf16, #tpu.memory_space<hbm>> -> memref<25088xbf16, #tpu.memory_space<hbm>>
      %dma_wait3A_120 = tpu.memref_slice %arg10[%mul3A_118] : memref<1605632xbf16, #tpu.memory_space<hbm>> -> memref<25088xbf16, #tpu.memory_space<hbm>>
      tpu.wait_dma2 semaphore(%arg37 : memref<!tpu.dma_semaphore, #tpu.memory_space<semaphore_mem>>) src(%arg29 : memref<25088xbf16, #tpu.memory_space<vmem>>) dst(%dma_wait3A_120 : memref<25088xbf16, #tpu.memory_space<hbm>>)
      %add3A_121 = arith.constant 4704 : i32
      %add3A_122 = arith.addi %mul3A_0, %add3A_121 : i32
      %mul3A_123 = arith.constant 16 : i32
      %mul3A_124 = arith.muli %add3A_122, %mul3A_123 : i32
      %dma_wait3A_125 = tpu.memref_slice %arg10[%mul3A_124] : memref<1605632xbf16, #tpu.memory_space<hbm>> -> memref<25088xbf16, #tpu.memory_space<hbm>>
      %dma_wait3A_126 = tpu.memref_slice %arg10[%mul3A_124] : memref<1605632xbf16, #tpu.memory_space<hbm>> -> memref<25088xbf16, #tpu.memory_space<hbm>>
      tpu.wait_dma2 semaphore(%arg37 : memref<!tpu.dma_semaphore, #tpu.memory_space<semaphore_mem>>) src(%arg30 : memref<25088xbf16, #tpu.memory_space<vmem>>) dst(%dma_wait3A_126 : memref<25088xbf16, #tpu.memory_space<hbm>>)
    } else {
    }
    %eq3A_44 = arith.constant 1 : i32
    %eq3A_45 = arith.cmpi eq, %arg0, %eq3A_44 : i32
    %convert_element_type3A_46 = arith.extui %eq3A_45 : i1 to i32
    %cond3A_47 = arith.constant 0 : i32
    %cond3A_48 = arith.cmpi ne, %convert_element_type3A_46, %cond3A_47 : i32
    scf.if %cond3A_48 {
      %get3A = arith.constant 16 : index
      %get3A_49 = tpu.vector_load %arg25[%get3A] {strides = array<i32>} : memref<32xf32, #tpu.memory_space<vmem>>, vector<16xf32>,
      %get3A_50 = arith.constant 16 : index
      %get3A_51 = tpu.vector_load %arg26[%get3A_50] {strides = array<i32>} : memref<32xf32, #tpu.memory_space<vmem>>, vector<16xf32>,
      %get3A_52 = arith.constant 16 : index
      %get3A_53 = tpu.vector_load %arg27[%get3A_52] {strides = array<i32>} : memref<32xf32, #tpu.memory_space<vmem>>, vector<16xf32>,
      %get3A_54 = arith.constant 16 : index
      %get3A_55 = tpu.vector_load %arg28[%get3A_54] {strides = array<i32>} : memref<32xf32, #tpu.memory_space<vmem>>, vector<16xf32>,
      %scan3A_56 = arith.constant 0 : i32
      %scan3A_57 = arith.constant 0 : i32
      %scan3A_58 = arith.constant 98 : i32
      %scan3A_59 = arith.addi %scan3A_57, %scan3A_58 : i32
      %scan3A_60 = arith.constant 1 : i32
      scf.for %scan3A_127 = %scan3A_57 to %scan3A_59 step %scan3A_60  : i32 {
        %mul3A_128 = arith.constant 16 : i32
        %mul3A_129 = arith.muli %scan3A_127, %mul3A_128 : i32
        %add3A_130 = arith.constant 0 : i32
        %add3A_131 = arith.addi %add3A_130, %mul3A_129 : i32
        %get3A_132 = arith.index_cast %add3A_131 : i32 to index
        %get3A_133 = tpu.vector_load %arg20[%get3A_132] {strides = array<i32>} : memref<6272xf32, #tpu.memory_space<vmem>>, vector<16xf32>,
        %get3A_134 = arith.index_cast %add3A_131 : i32 to index
        %get3A_135 = tpu.vector_load %arg24[%get3A_134] {strides = array<i32>} : memref<6272xf32, #tpu.memory_space<vmem>>, vector<16xf32>,
        %add3A_136 = arith.addf %get3A_133, %get3A_135 : vector<16xf32>
        %get3A_137 = arith.index_cast %add3A_131 : i32 to index
        %get3A_138 = tpu.vector_load %arg23[%get3A_137] {strides = array<i32>} : memref<6272xf32, #tpu.memory_space<vmem>>, vector<16xf32>,
        %mul3A_139 = arith.mulf %add3A_136, %get3A_138 : vector<16xf32>
        %get3A_140 = arith.index_cast %add3A_131 : i32 to index
        %get3A_141 = tpu.vector_load %arg22[%get3A_140] {strides = array<i32>} : memref<6272xf32, #tpu.memory_space<vmem>>, vector<16xf32>,
        %slice3A = vector.extract_strided_slice %mul3A_139 {offsets = [1], sizes = [1], strides = [1]} : vector<16xf32> to vector<1xf32>
        %squeeze3A = vector.extract %slice3A[0] : f32 from vector<1xf32>
        %slice3A_142 = vector.extract_strided_slice %mul3A_139 {offsets = [0], sizes = [1], strides = [1]} : vector<16xf32> to vector<1xf32>
        %squeeze3A_143 = vector.extract %slice3A_142[0] : f32 from vector<1xf32>
        %broadcast_in_dim3A = vector.broadcast %squeeze3A : f32 to vector<16xf32>
        %broadcast_in_dim3A_144 = vector.broadcast %squeeze3A_143 : f32 to vector<16xf32>
        %select_n3A = arith.select %ge3A_38, %broadcast_in_dim3A, %broadcast_in_dim3A_144 : vector<16xi1>, vector<16xf32>
        %slice3A_145 = vector.extract_strided_slice %get3A_141 {offsets = [1], sizes = [1], strides = [1]} : vector<16xf32> to vector<1xf32>
        %squeeze3A_146 = vector.extract %slice3A_145[0] : f32 from vector<1xf32>
        %slice3A_147 = vector.extract_strided_slice %get3A_141 {offsets = [0], sizes = [1], strides = [1]} : vector<16xf32> to vector<1xf32>
        %squeeze3A_148 = vector.extract %slice3A_147[0] : f32 from vector<1xf32>
        %broadcast_in_dim3A_149 = vector.broadcast %squeeze3A_146 : f32 to vector<16xf32>
        %broadcast_in_dim3A_150 = vector.broadcast %squeeze3A_148 : f32 to vector<16xf32>
        %select_n3A_151 = arith.select %ge3A_38, %broadcast_in_dim3A_149, %broadcast_in_dim3A_150 : vector<16xi1>, vector<16xf32>
        %mul3A_152 = arith.mulf %select_n3A, %get3A_49 : vector<16xf32>
        %add3A_153 = arith.addf %mul3A_152, %get3A_53 : vector<16xf32>
        %max3A = arith.constant 0.000000e+00 : f32
        %max3A_154 = vector.broadcast %max3A : f32 to vector<16xf32>
        %max3A_155 = arith.maximumf %add3A_153, %max3A_154 : vector<16xf32>
        %mul3A_156 = arith.mulf %select_n3A_151, %max3A_155 : vector<16xf32>
        %mul3A_157 = arith.mulf %select_n3A, %get3A_51 : vector<16xf32>
        %add3A_158 = arith.addf %mul3A_157, %get3A_55 : vector<16xf32>
        %max3A_159 = arith.constant 0.000000e+00 : f32
        %max3A_160 = vector.broadcast %max3A_159 : f32 to vector<16xf32>
        %max3A_161 = arith.maximumf %add3A_158, %max3A_160 : vector<16xf32>
        %mul3A_162 = arith.mulf %select_n3A_151, %max3A_161 : vector<16xf32>
        %pack3A = tpu.pack_subelements %mul3A_156, %mul3A_162 {pack_format = #tpu.pack_format<interleaved>, positions = array<i32: 0, 1>} : vector<16xf32>, vector<16xf32> -> vector<32xbf16>
        %mul3A_163 = arith.constant 16 : i32
        %mul3A_164 = arith.muli %scan3A_127, %mul3A_163 : i32
        %add3A_165 = arith.constant 0 : i32
        %add3A_166 = arith.addi %mul3A_164, %add3A_165 : i32
        %mul3A_167 = arith.constant 16 : i32
        %mul3A_168 = arith.muli %add3A_166, %mul3A_167 : i32
        %swap3A = arith.index_cast %mul3A_168 : i32 to index
        %swap3A_169 = tpu.vector_load %arg29[%swap3A] {strides = array<i32>} : memref<25088xbf16, #tpu.memory_space<vmem>>, vector<32xbf16>,
        tpu.vector_store %arg29[%swap3A], %pack3A {strides = array<i32>} : memref<25088xbf16, #tpu.memory_space<vmem>>, vector<32xbf16>,
        %slice3A_170 = vector.extract_strided_slice %mul3A_139 {offsets = [3], sizes = [1], strides = [1]} : vector<16xf32> to vector<1xf32>
        %squeeze3A_171 = vector.extract %slice3A_170[0] : f32 from vector<1xf32>
        %slice3A_172 = vector.extract_strided_slice %mul3A_139 {offsets = [2], sizes = [1], strides = [1]} : vector<16xf32> to vector<1xf32>
        %squeeze3A_173 = vector.extract %slice3A_172[0] : f32 from vector<1xf32>
        %broadcast_in_dim3A_174 = vector.broadcast %squeeze3A_171 : f32 to vector<16xf32>
        %broadcast_in_dim3A_175 = vector.broadcast %squeeze3A_173 : f32 to vector<16xf32>
        %select_n3A_176 = arith.select %ge3A_38, %broadcast_in_dim3A_174, %broadcast_in_dim3A_175 : vector<16xi1>, vector<16xf32>
        %slice3A_177 = vector.extract_strided_slice %get3A_141 {offsets = [3], sizes = [1], strides = [1]} : vector<16xf32> to vector<1xf32>
        %squeeze3A_178 = vector.extract %slice3A_177[0] : f32 from vector<1xf32>
        %slice3A_179 = vector.extract_strided_slice %get3A_141 {offsets = [2], sizes = [1], strides = [1]} : vector<16xf32> to vector<1xf32>
        %squeeze3A_180 = vector.extract %slice3A_179[0] : f32 from vector<1xf32>
        %broadcast_in_dim3A_181 = vector.broadcast %squeeze3A_178 : f32 to vector<16xf32>
        %broadcast_in_dim3A_182 = vector.broadcast %squeeze3A_180 : f32 to vector<16xf32>
        %select_n3A_183 = arith.select %ge3A_38, %broadcast_in_dim3A_181, %broadcast_in_dim3A_182 : vector<16xi1>, vector<16xf32>
        %mul3A_184 = arith.mulf %select_n3A_176, %get3A_49 : vector<16xf32>
        %add3A_185 = arith.addf %mul3A_184, %get3A_53 : vector<16xf32>
        %max3A_186 = arith.constant 0.000000e+00 : f32
        %max3A_187 = vector.broadcast %max3A_186 : f32 to vector<16xf32>
        %max3A_188 = arith.maximumf %add3A_185, %max3A_187 : vector<16xf32>
        %mul3A_189 = arith.mulf %select_n3A_183, %max3A_188 : vector<16xf32>
        %mul3A_190 = arith.mulf %select_n3A_176, %get3A_51 : vector<16xf32>
        %add3A_191 = arith.addf %mul3A_190, %get3A_55 : vector<16xf32>
        %max3A_192 = arith.constant 0.000000e+00 : f32
        %max3A_193 = vector.broadcast %max3A_192 : f32 to vector<16xf32>
        %max3A_194 = arith.maximumf %add3A_191, %max3A_193 : vector<16xf32>
        %mul3A_195 = arith.mulf %select_n3A_183, %max3A_194 : vector<16xf32>
        %pack3A_196 = tpu.pack_subelements %mul3A_189, %mul3A_195 {pack_format = #tpu.pack_format<interleaved>, positions = array<i32: 0, 1>} : vector<16xf32>, vector<16xf32> -> vector<32xbf16>
        %mul3A_197 = arith.constant 16 : i32
        %mul3A_198 = arith.muli %scan3A_127, %mul3A_197 : i32
        %add3A_199 = arith.constant 2 : i32
        %add3A_200 = arith.addi %mul3A_198, %add3A_199 : i32
        %mul3A_201 = arith.constant 16 : i32
        %mul3A_202 = arith.muli %add3A_200, %mul3A_201 : i32
        %swap3A_203 = arith.index_cast %mul3A_202 : i32 to index
        %swap3A_204 = tpu.vector_load %arg29[%swap3A_203] {strides = array<i32>} : memref<25088xbf16, #tpu.memory_space<vmem>>, vector<32xbf16>,
        tpu.vector_store %arg29[%swap3A_203], %pack3A_196 {strides = array<i32>} : memref<25088xbf16, #tpu.memory_space<vmem>>, vector<32xbf16>,
        %slice3A_205 = vector.extract_strided_slice %mul3A_139 {offsets = [5], sizes = [1], strides = [1]} : vector<16xf32> to vector<1xf32>
        %squeeze3A_206 = vector.extract %slice3A_205[0] : f32 from vector<1xf32>
        %slice3A_207 = vector.extract_strided_slice %mul3A_139 {offsets = [4], sizes = [1], strides = [1]} : vector<16xf32> to vector<1xf32>
        %squeeze3A_208 = vector.extract %slice3A_207[0] : f32 from vector<1xf32>
        %broadcast_in_dim3A_209 = vector.broadcast %squeeze3A_206 : f32 to vector<16xf32>
        %broadcast_in_dim3A_210 = vector.broadcast %squeeze3A_208 : f32 to vector<16xf32>
        %select_n3A_211 = arith.select %ge3A_38, %broadcast_in_dim3A_209, %broadcast_in_dim3A_210 : vector<16xi1>, vector<16xf32>
        %slice3A_212 = vector.extract_strided_slice %get3A_141 {offsets = [5], sizes = [1], strides = [1]} : vector<16xf32> to vector<1xf32>
        %squeeze3A_213 = vector.extract %slice3A_212[0] : f32 from vector<1xf32>
        %slice3A_214 = vector.extract_strided_slice %get3A_141 {offsets = [4], sizes = [1], strides = [1]} : vector<16xf32> to vector<1xf32>
        %squeeze3A_215 = vector.extract %slice3A_214[0] : f32 from vector<1xf32>
        %broadcast_in_dim3A_216 = vector.broadcast %squeeze3A_213 : f32 to vector<16xf32>
        %broadcast_in_dim3A_217 = vector.broadcast %squeeze3A_215 : f32 to vector<16xf32>
        %select_n3A_218 = arith.select %ge3A_38, %broadcast_in_dim3A_216, %broadcast_in_dim3A_217 : vector<16xi1>, vector<16xf32>
        %mul3A_219 = arith.mulf %select_n3A_211, %get3A_49 : vector<16xf32>
        %add3A_220 = arith.addf %mul3A_219, %get3A_53 : vector<16xf32>
        %max3A_221 = arith.constant 0.000000e+00 : f32
        %max3A_222 = vector.broadcast %max3A_221 : f32 to vector<16xf32>
        %max3A_223 = arith.maximumf %add3A_220, %max3A_222 : vector<16xf32>
        %mul3A_224 = arith.mulf %select_n3A_218, %max3A_223 : vector<16xf32>
        %mul3A_225 = arith.mulf %select_n3A_211, %get3A_51 : vector<16xf32>
        %add3A_226 = arith.addf %mul3A_225, %get3A_55 : vector<16xf32>
        %max3A_227 = arith.constant 0.000000e+00 : f32
        %max3A_228 = vector.broadcast %max3A_227 : f32 to vector<16xf32>
        %max3A_229 = arith.maximumf %add3A_226, %max3A_228 : vector<16xf32>
        %mul3A_230 = arith.mulf %select_n3A_218, %max3A_229 : vector<16xf32>
        %pack3A_231 = tpu.pack_subelements %mul3A_224, %mul3A_230 {pack_format = #tpu.pack_format<interleaved>, positions = array<i32: 0, 1>} : vector<16xf32>, vector<16xf32> -> vector<32xbf16>
        %mul3A_232 = arith.constant 16 : i32
        %mul3A_233 = arith.muli %scan3A_127, %mul3A_232 : i32
        %add3A_234 = arith.constant 4 : i32
        %add3A_235 = arith.addi %mul3A_233, %add3A_234 : i32
        %mul3A_236 = arith.constant 16 : i32
        %mul3A_237 = arith.muli %add3A_235, %mul3A_236 : i32
        %swap3A_238 = arith.index_cast %mul3A_237 : i32 to index
        %swap3A_239 = tpu.vector_load %arg29[%swap3A_238] {strides = array<i32>} : memref<25088xbf16, #tpu.memory_space<vmem>>, vector<32xbf16>,
        tpu.vector_store %arg29[%swap3A_238], %pack3A_231 {strides = array<i32>} : memref<25088xbf16, #tpu.memory_space<vmem>>, vector<32xbf16>,
        %slice3A_240 = vector.extract_strided_slice %mul3A_139 {offsets = [7], sizes = [1], strides = [1]} : vector<16xf32> to vector<1xf32>
        %squeeze3A_241 = vector.extract %slice3A_240[0] : f32 from vector<1xf32>
        %slice3A_242 = vector.extract_strided_slice %mul3A_139 {offsets = [6], sizes = [1], strides = [1]} : vector<16xf32> to vector<1xf32>
        %squeeze3A_243 = vector.extract %slice3A_242[0] : f32 from vector<1xf32>
        %broadcast_in_dim3A_244 = vector.broadcast %squeeze3A_241 : f32 to vector<16xf32>
        %broadcast_in_dim3A_245 = vector.broadcast %squeeze3A_243 : f32 to vector<16xf32>
        %select_n3A_246 = arith.select %ge3A_38, %broadcast_in_dim3A_244, %broadcast_in_dim3A_245 : vector<16xi1>, vector<16xf32>
        %slice3A_247 = vector.extract_strided_slice %get3A_141 {offsets = [7], sizes = [1], strides = [1]} : vector<16xf32> to vector<1xf32>
        %squeeze3A_248 = vector.extract %slice3A_247[0] : f32 from vector<1xf32>
        %slice3A_249 = vector.extract_strided_slice %get3A_141 {offsets = [6], sizes = [1], strides = [1]} : vector<16xf32> to vector<1xf32>
        %squeeze3A_250 = vector.extract %slice3A_249[0] : f32 from vector<1xf32>
        %broadcast_in_dim3A_251 = vector.broadcast %squeeze3A_248 : f32 to vector<16xf32>
        %broadcast_in_dim3A_252 = vector.broadcast %squeeze3A_250 : f32 to vector<16xf32>
        %select_n3A_253 = arith.select %ge3A_38, %broadcast_in_dim3A_251, %broadcast_in_dim3A_252 : vector<16xi1>, vector<16xf32>
        %mul3A_254 = arith.mulf %select_n3A_246, %get3A_49 : vector<16xf32>
        %add3A_255 = arith.addf %mul3A_254, %get3A_53 : vector<16xf32>
        %max3A_256 = arith.constant 0.000000e+00 : f32
        %max3A_257 = vector.broadcast %max3A_256 : f32 to vector<16xf32>
        %max3A_258 = arith.maximumf %add3A_255, %max3A_257 : vector<16xf32>
        %mul3A_259 = arith.mulf %select_n3A_253, %max3A_258 : vector<16xf32>
        %mul3A_260 = arith.mulf %select_n3A_246, %get3A_51 : vector<16xf32>
        %add3A_261 = arith.addf %mul3A_260, %get3A_55 : vector<16xf32>
        %max3A_262 = arith.constant 0.000000e+00 : f32
        %max3A_263 = vector.broadcast %max3A_262 : f32 to vector<16xf32>
        %max3A_264 = arith.maximumf %add3A_261, %max3A_263 : vector<16xf32>
        %mul3A_265 = arith.mulf %select_n3A_253, %max3A_264 : vector<16xf32>
        %pack3A_266 = tpu.pack_subelements %mul3A_259, %mul3A_265 {pack_format = #tpu.pack_format<interleaved>, positions = array<i32: 0, 1>} : vector<16xf32>, vector<16xf32> -> vector<32xbf16>
        %mul3A_267 = arith.constant 16 : i32
        %mul3A_268 = arith.muli %scan3A_127, %mul3A_267 : i32
        %add3A_269 = arith.constant 6 : i32
        %add3A_270 = arith.addi %mul3A_268, %add3A_269 : i32
        %mul3A_271 = arith.constant 16 : i32
        %mul3A_272 = arith.muli %add3A_270, %mul3A_271 : i32
        %swap3A_273 = arith.index_cast %mul3A_272 : i32 to index
        %swap3A_274 = tpu.vector_load %arg29[%swap3A_273] {strides = array<i32>} : memref<25088xbf16, #tpu.memory_space<vmem>>, vector<32xbf16>,
        tpu.vector_store %arg29[%swap3A_273], %pack3A_266 {strides = array<i32>} : memref<25088xbf16, #tpu.memory_space<vmem>>, vector<32xbf16>,
        %slice3A_275 = vector.extract_strided_slice %mul3A_139 {offsets = [9], sizes = [1], strides = [1]} : vector<16xf32> to vector<1xf32>
        %squeeze3A_276 = vector.extract %slice3A_275[0] : f32 from vector<1xf32>
        %slice3A_277 = vector.extract_strided_slice %mul3A_139 {offsets = [8], sizes = [1], strides = [1]} : vector<16xf32> to vector<1xf32>
        %squeeze3A_278 = vector.extract %slice3A_277[0] : f32 from vector<1xf32>
        %broadcast_in_dim3A_279 = vector.broadcast %squeeze3A_276 : f32 to vector<16xf32>
        %broadcast_in_dim3A_280 = vector.broadcast %squeeze3A_278 : f32 to vector<16xf32>
        %select_n3A_281 = arith.select %ge3A_38, %broadcast_in_dim3A_279, %broadcast_in_dim3A_280 : vector<16xi1>, vector<16xf32>
        %slice3A_282 = vector.extract_strided_slice %get3A_141 {offsets = [9], sizes = [1], strides = [1]} : vector<16xf32> to vector<1xf32>
        %squeeze3A_283 = vector.extract %slice3A_282[0] : f32 from vector<1xf32>
        %slice3A_284 = vector.extract_strided_slice %get3A_141 {offsets = [8], sizes = [1], strides = [1]} : vector<16xf32> to vector<1xf32>
        %squeeze3A_285 = vector.extract %slice3A_284[0] : f32 from vector<1xf32>
        %broadcast_in_dim3A_286 = vector.broadcast %squeeze3A_283 : f32 to vector<16xf32>
        %broadcast_in_dim3A_287 = vector.broadcast %squeeze3A_285 : f32 to vector<16xf32>
        %select_n3A_288 = arith.select %ge3A_38, %broadcast_in_dim3A_286, %broadcast_in_dim3A_287 : vector<16xi1>, vector<16xf32>
        %mul3A_289 = arith.mulf %select_n3A_281, %get3A_49 : vector<16xf32>
        %add3A_290 = arith.addf %mul3A_289, %get3A_53 : vector<16xf32>
        %max3A_291 = arith.constant 0.000000e+00 : f32
        %max3A_292 = vector.broadcast %max3A_291 : f32 to vector<16xf32>
        %max3A_293 = arith.maximumf %add3A_290, %max3A_292 : vector<16xf32>
        %mul3A_294 = arith.mulf %select_n3A_288, %max3A_293 : vector<16xf32>
        %mul3A_295 = arith.mulf %select_n3A_281, %get3A_51 : vector<16xf32>
        %add3A_296 = arith.addf %mul3A_295, %get3A_55 : vector<16xf32>
        %max3A_297 = arith.constant 0.000000e+00 : f32
        %max3A_298 = vector.broadcast %max3A_297 : f32 to vector<16xf32>
        %max3A_299 = arith.maximumf %add3A_296, %max3A_298 : vector<16xf32>
        %mul3A_300 = arith.mulf %select_n3A_288, %max3A_299 : vector<16xf32>
        %pack3A_301 = tpu.pack_subelements %mul3A_294, %mul3A_300 {pack_format = #tpu.pack_format<interleaved>, positions = array<i32: 0, 1>} : vector<16xf32>, vector<16xf32> -> vector<32xbf16>
        %mul3A_302 = arith.constant 16 : i32
        %mul3A_303 = arith.muli %scan3A_127, %mul3A_302 : i32
        %add3A_304 = arith.constant 8 : i32
        %add3A_305 = arith.addi %mul3A_303, %add3A_304 : i32
        %mul3A_306 = arith.constant 16 : i32
        %mul3A_307 = arith.muli %add3A_305, %mul3A_306 : i32
        %swap3A_308 = arith.index_cast %mul3A_307 : i32 to index
        %swap3A_309 = tpu.vector_load %arg29[%swap3A_308] {strides = array<i32>} : memref<25088xbf16, #tpu.memory_space<vmem>>, vector<32xbf16>,
        tpu.vector_store %arg29[%swap3A_308], %pack3A_301 {strides = array<i32>} : memref<25088xbf16, #tpu.memory_space<vmem>>, vector<32xbf16>,
        %slice3A_310 = vector.extract_strided_slice %mul3A_139 {offsets = [11], sizes = [1], strides = [1]} : vector<16xf32> to vector<1xf32>
        %squeeze3A_311 = vector.extract %slice3A_310[0] : f32 from vector<1xf32>
        %slice3A_312 = vector.extract_strided_slice %mul3A_139 {offsets = [10], sizes = [1], strides = [1]} : vector<16xf32> to vector<1xf32>
        %squeeze3A_313 = vector.extract %slice3A_312[0] : f32 from vector<1xf32>
        %broadcast_in_dim3A_314 = vector.broadcast %squeeze3A_311 : f32 to vector<16xf32>
        %broadcast_in_dim3A_315 = vector.broadcast %squeeze3A_313 : f32 to vector<16xf32>
        %select_n3A_316 = arith.select %ge3A_38, %broadcast_in_dim3A_314, %broadcast_in_dim3A_315 : vector<16xi1>, vector<16xf32>
        %slice3A_317 = vector.extract_strided_slice %get3A_141 {offsets = [11], sizes = [1], strides = [1]} : vector<16xf32> to vector<1xf32>
        %squeeze3A_318 = vector.extract %slice3A_317[0] : f32 from vector<1xf32>
        %slice3A_319 = vector.extract_strided_slice %get3A_141 {offsets = [10], sizes = [1], strides = [1]} : vector<16xf32> to vector<1xf32>
        %squeeze3A_320 = vector.extract %slice3A_319[0] : f32 from vector<1xf32>
        %broadcast_in_dim3A_321 = vector.broadcast %squeeze3A_318 : f32 to vector<16xf32>
        %broadcast_in_dim3A_322 = vector.broadcast %squeeze3A_320 : f32 to vector<16xf32>
        %select_n3A_323 = arith.select %ge3A_38, %broadcast_in_dim3A_321, %broadcast_in_dim3A_322 : vector<16xi1>, vector<16xf32>
        %mul3A_324 = arith.mulf %select_n3A_316, %get3A_49 : vector<16xf32>
        %add3A_325 = arith.addf %mul3A_324, %get3A_53 : vector<16xf32>
        %max3A_326 = arith.constant 0.000000e+00 : f32
        %max3A_327 = vector.broadcast %max3A_326 : f32 to vector<16xf32>
        %max3A_328 = arith.maximumf %add3A_325, %max3A_327 : vector<16xf32>
        %mul3A_329 = arith.mulf %select_n3A_323, %max3A_328 : vector<16xf32>
        %mul3A_330 = arith.mulf %select_n3A_316, %get3A_51 : vector<16xf32>
        %add3A_331 = arith.addf %mul3A_330, %get3A_55 : vector<16xf32>
        %max3A_332 = arith.constant 0.000000e+00 : f32
        %max3A_333 = vector.broadcast %max3A_332 : f32 to vector<16xf32>
        %max3A_334 = arith.maximumf %add3A_331, %max3A_333 : vector<16xf32>
        %mul3A_335 = arith.mulf %select_n3A_323, %max3A_334 : vector<16xf32>
        %pack3A_336 = tpu.pack_subelements %mul3A_329, %mul3A_335 {pack_format = #tpu.pack_format<interleaved>, positions = array<i32: 0, 1>} : vector<16xf32>, vector<16xf32> -> vector<32xbf16>
        %mul3A_337 = arith.constant 16 : i32
        %mul3A_338 = arith.muli %scan3A_127, %mul3A_337 : i32
        %add3A_339 = arith.constant 10 : i32
        %add3A_340 = arith.addi %mul3A_338, %add3A_339 : i32
        %mul3A_341 = arith.constant 16 : i32
        %mul3A_342 = arith.muli %add3A_340, %mul3A_341 : i32
        %swap3A_343 = arith.index_cast %mul3A_342 : i32 to index
        %swap3A_344 = tpu.vector_load %arg29[%swap3A_343] {strides = array<i32>} : memref<25088xbf16, #tpu.memory_space<vmem>>, vector<32xbf16>,
        tpu.vector_store %arg29[%swap3A_343], %pack3A_336 {strides = array<i32>} : memref<25088xbf16, #tpu.memory_space<vmem>>, vector<32xbf16>,
        %slice3A_345 = vector.extract_strided_slice %mul3A_139 {offsets = [13], sizes = [1], strides = [1]} : vector<16xf32> to vector<1xf32>
        %squeeze3A_346 = vector.extract %slice3A_345[0] : f32 from vector<1xf32>
        %slice3A_347 = vector.extract_strided_slice %mul3A_139 {offsets = [12], sizes = [1], strides = [1]} : vector<16xf32> to vector<1xf32>
        %squeeze3A_348 = vector.extract %slice3A_347[0] : f32 from vector<1xf32>
        %broadcast_in_dim3A_349 = vector.broadcast %squeeze3A_346 : f32 to vector<16xf32>
        %broadcast_in_dim3A_350 = vector.broadcast %squeeze3A_348 : f32 to vector<16xf32>
        %select_n3A_351 = arith.select %ge3A_38, %broadcast_in_dim3A_349, %broadcast_in_dim3A_350 : vector<16xi1>, vector<16xf32>
        %slice3A_352 = vector.extract_strided_slice %get3A_141 {offsets = [13], sizes = [1], strides = [1]} : vector<16xf32> to vector<1xf32>
        %squeeze3A_353 = vector.extract %slice3A_352[0] : f32 from vector<1xf32>
        %slice3A_354 = vector.extract_strided_slice %get3A_141 {offsets = [12], sizes = [1], strides = [1]} : vector<16xf32> to vector<1xf32>
        %squeeze3A_355 = vector.extract %slice3A_354[0] : f32 from vector<1xf32>
        %broadcast_in_dim3A_356 = vector.broadcast %squeeze3A_353 : f32 to vector<16xf32>
        %broadcast_in_dim3A_357 = vector.broadcast %squeeze3A_355 : f32 to vector<16xf32>
        %select_n3A_358 = arith.select %ge3A_38, %broadcast_in_dim3A_356, %broadcast_in_dim3A_357 : vector<16xi1>, vector<16xf32>
        %mul3A_359 = arith.mulf %select_n3A_351, %get3A_49 : vector<16xf32>
        %add3A_360 = arith.addf %mul3A_359, %get3A_53 : vector<16xf32>
        %max3A_361 = arith.constant 0.000000e+00 : f32
        %max3A_362 = vector.broadcast %max3A_361 : f32 to vector<16xf32>
        %max3A_363 = arith.maximumf %add3A_360, %max3A_362 : vector<16xf32>
        %mul3A_364 = arith.mulf %select_n3A_358, %max3A_363 : vector<16xf32>
        %mul3A_365 = arith.mulf %select_n3A_351, %get3A_51 : vector<16xf32>
        %add3A_366 = arith.addf %mul3A_365, %get3A_55 : vector<16xf32>
        %max3A_367 = arith.constant 0.000000e+00 : f32
        %max3A_368 = vector.broadcast %max3A_367 : f32 to vector<16xf32>
        %max3A_369 = arith.maximumf %add3A_366, %max3A_368 : vector<16xf32>
        %mul3A_370 = arith.mulf %select_n3A_358, %max3A_369 : vector<16xf32>
        %pack3A_371 = tpu.pack_subelements %mul3A_364, %mul3A_370 {pack_format = #tpu.pack_format<interleaved>, positions = array<i32: 0, 1>} : vector<16xf32>, vector<16xf32> -> vector<32xbf16>
        %mul3A_372 = arith.constant 16 : i32
        %mul3A_373 = arith.muli %scan3A_127, %mul3A_372 : i32
        %add3A_374 = arith.constant 12 : i32
        %add3A_375 = arith.addi %mul3A_373, %add3A_374 : i32
        %mul3A_376 = arith.constant 16 : i32
        %mul3A_377 = arith.muli %add3A_375, %mul3A_376 : i32
        %swap3A_378 = arith.index_cast %mul3A_377 : i32 to index
        %swap3A_379 = tpu.vector_load %arg29[%swap3A_378] {strides = array<i32>} : memref<25088xbf16, #tpu.memory_space<vmem>>, vector<32xbf16>,
        tpu.vector_store %arg29[%swap3A_378], %pack3A_371 {strides = array<i32>} : memref<25088xbf16, #tpu.memory_space<vmem>>, vector<32xbf16>,
        %slice3A_380 = vector.extract_strided_slice %mul3A_139 {offsets = [15], sizes = [1], strides = [1]} : vector<16xf32> to vector<1xf32>
        %squeeze3A_381 = vector.extract %slice3A_380[0] : f32 from vector<1xf32>
        %slice3A_382 = vector.extract_strided_slice %mul3A_139 {offsets = [14], sizes = [1], strides = [1]} : vector<16xf32> to vector<1xf32>
        %squeeze3A_383 = vector.extract %slice3A_382[0] : f32 from vector<1xf32>
        %broadcast_in_dim3A_384 = vector.broadcast %squeeze3A_381 : f32 to vector<16xf32>
        %broadcast_in_dim3A_385 = vector.broadcast %squeeze3A_383 : f32 to vector<16xf32>
        %select_n3A_386 = arith.select %ge3A_38, %broadcast_in_dim3A_384, %broadcast_in_dim3A_385 : vector<16xi1>, vector<16xf32>
        %slice3A_387 = vector.extract_strided_slice %get3A_141 {offsets = [15], sizes = [1], strides = [1]} : vector<16xf32> to vector<1xf32>
        %squeeze3A_388 = vector.extract %slice3A_387[0] : f32 from vector<1xf32>
        %slice3A_389 = vector.extract_strided_slice %get3A_141 {offsets = [14], sizes = [1], strides = [1]} : vector<16xf32> to vector<1xf32>
        %squeeze3A_390 = vector.extract %slice3A_389[0] : f32 from vector<1xf32>
        %broadcast_in_dim3A_391 = vector.broadcast %squeeze3A_388 : f32 to vector<16xf32>
        %broadcast_in_dim3A_392 = vector.broadcast %squeeze3A_390 : f32 to vector<16xf32>
        %select_n3A_393 = arith.select %ge3A_38, %broadcast_in_dim3A_391, %broadcast_in_dim3A_392 : vector<16xi1>, vector<16xf32>
        %mul3A_394 = arith.mulf %select_n3A_386, %get3A_49 : vector<16xf32>
        %add3A_395 = arith.addf %mul3A_394, %get3A_53 : vector<16xf32>
        %max3A_396 = arith.constant 0.000000e+00 : f32
        %max3A_397 = vector.broadcast %max3A_396 : f32 to vector<16xf32>
        %max3A_398 = arith.maximumf %add3A_395, %max3A_397 : vector<16xf32>
        %mul3A_399 = arith.mulf %select_n3A_393, %max3A_398 : vector<16xf32>
        %mul3A_400 = arith.mulf %select_n3A_386, %get3A_51 : vector<16xf32>
        %add3A_401 = arith.addf %mul3A_400, %get3A_55 : vector<16xf32>
        %max3A_402 = arith.constant 0.000000e+00 : f32
        %max3A_403 = vector.broadcast %max3A_402 : f32 to vector<16xf32>
        %max3A_404 = arith.maximumf %add3A_401, %max3A_403 : vector<16xf32>
        %mul3A_405 = arith.mulf %select_n3A_393, %max3A_404 : vector<16xf32>
        %pack3A_406 = tpu.pack_subelements %mul3A_399, %mul3A_405 {pack_format = #tpu.pack_format<interleaved>, positions = array<i32: 0, 1>} : vector<16xf32>, vector<16xf32> -> vector<32xbf16>
        %mul3A_407 = arith.constant 16 : i32
        %mul3A_408 = arith.muli %scan3A_127, %mul3A_407 : i32
        %add3A_409 = arith.constant 14 : i32
        %add3A_410 = arith.addi %mul3A_408, %add3A_409 : i32
        %mul3A_411 = arith.constant 16 : i32
        %mul3A_412 = arith.muli %add3A_410, %mul3A_411 : i32
        %swap3A_413 = arith.index_cast %mul3A_412 : i32 to index
        %swap3A_414 = tpu.vector_load %arg29[%swap3A_413] {strides = array<i32>} : memref<25088xbf16, #tpu.memory_space<vmem>>, vector<32xbf16>,
        tpu.vector_store %arg29[%swap3A_413], %pack3A_406 {strides = array<i32>} : memref<25088xbf16, #tpu.memory_space<vmem>>, vector<32xbf16>,
      }
      %scan3A_61 = arith.constant 98 : i32
      %add3A_62 = arith.constant 0 : i32
      %add3A_63 = arith.addi %mul3A_0, %add3A_62 : i32
      %mul3A_64 = arith.constant 16 : i32
      %mul3A_65 = arith.muli %add3A_63, %mul3A_64 : i32
      %dma_start3A_66 = tpu.memref_slice %arg11[%mul3A_65] : memref<1605632xbf16, #tpu.memory_space<hbm>> -> memref<25088xbf16, #tpu.memory_space<hbm>>
      %dma_start3A_67 = tpu.memref_slice %arg11[%mul3A_65] : memref<1605632xbf16, #tpu.memory_space<hbm>> -> memref<25088xbf16, #tpu.memory_space<hbm>>
      tpu.enqueue_dma source(%arg29 : memref<25088xbf16, #tpu.memory_space<vmem>>) target(%dma_start3A_67 : memref<25088xbf16, #tpu.memory_space<hbm>>) target_semaphore(%arg37 : memref<!tpu.dma_semaphore, #tpu.memory_space<semaphore_mem>>)
      %scan3A_68 = arith.constant 0 : i32
      %scan3A_69 = arith.constant 0 : i32
      %scan3A_70 = arith.constant 98 : i32
      %scan3A_71 = arith.addi %scan3A_69, %scan3A_70 : i32
      %scan3A_72 = arith.constant 1 : i32
      scf.for %scan3A_127 = %scan3A_69 to %scan3A_71 step %scan3A_72  : i32 {
        %mul3A_128 = arith.constant 16 : i32
        %mul3A_129 = arith.muli %scan3A_127, %mul3A_128 : i32
        %add3A_130 = arith.constant 1568 : i32
        %add3A_131 = arith.addi %add3A_130, %mul3A_129 : i32
        %get3A_132 = arith.index_cast %add3A_131 : i32 to index
        %get3A_133 = tpu.vector_load %arg20[%get3A_132] {strides = array<i32>} : memref<6272xf32, #tpu.memory_space<vmem>>, vector<16xf32>,
        %get3A_134 = arith.index_cast %add3A_131 : i32 to index
        %get3A_135 = tpu.vector_load %arg24[%get3A_134] {strides = array<i32>} : memref<6272xf32, #tpu.memory_space<vmem>>, vector<16xf32>,
        %add3A_136 = arith.addf %get3A_133, %get3A_135 : vector<16xf32>
        %get3A_137 = arith.index_cast %add3A_131 : i32 to index
        %get3A_138 = tpu.vector_load %arg23[%get3A_137] {strides = array<i32>} : memref<6272xf32, #tpu.memory_space<vmem>>, vector<16xf32>,
        %mul3A_139 = arith.mulf %add3A_136, %get3A_138 : vector<16xf32>
        %get3A_140 = arith.index_cast %add3A_131 : i32 to index
        %get3A_141 = tpu.vector_load %arg22[%get3A_140] {strides = array<i32>} : memref<6272xf32, #tpu.memory_space<vmem>>, vector<16xf32>,
        %slice3A = vector.extract_strided_slice %mul3A_139 {offsets = [1], sizes = [1], strides = [1]} : vector<16xf32> to vector<1xf32>
        %squeeze3A = vector.extract %slice3A[0] : f32 from vector<1xf32>
        %slice3A_142 = vector.extract_strided_slice %mul3A_139 {offsets = [0], sizes = [1], strides = [1]} : vector<16xf32> to vector<1xf32>
        %squeeze3A_143 = vector.extract %slice3A_142[0] : f32 from vector<1xf32>
        %broadcast_in_dim3A = vector.broadcast %squeeze3A : f32 to vector<16xf32>
        %broadcast_in_dim3A_144 = vector.broadcast %squeeze3A_143 : f32 to vector<16xf32>
        %select_n3A = arith.select %ge3A_38, %broadcast_in_dim3A, %broadcast_in_dim3A_144 : vector<16xi1>, vector<16xf32>
        %slice3A_145 = vector.extract_strided_slice %get3A_141 {offsets = [1], sizes = [1], strides = [1]} : vector<16xf32> to vector<1xf32>
        %squeeze3A_146 = vector.extract %slice3A_145[0] : f32 from vector<1xf32>
        %slice3A_147 = vector.extract_strided_slice %get3A_141 {offsets = [0], sizes = [1], strides = [1]} : vector<16xf32> to vector<1xf32>
        %squeeze3A_148 = vector.extract %slice3A_147[0] : f32 from vector<1xf32>
        %broadcast_in_dim3A_149 = vector.broadcast %squeeze3A_146 : f32 to vector<16xf32>
        %broadcast_in_dim3A_150 = vector.broadcast %squeeze3A_148 : f32 to vector<16xf32>
        %select_n3A_151 = arith.select %ge3A_38, %broadcast_in_dim3A_149, %broadcast_in_dim3A_150 : vector<16xi1>, vector<16xf32>
        %mul3A_152 = arith.mulf %select_n3A, %get3A_49 : vector<16xf32>
        %add3A_153 = arith.addf %mul3A_152, %get3A_53 : vector<16xf32>
        %max3A = arith.constant 0.000000e+00 : f32
        %max3A_154 = vector.broadcast %max3A : f32 to vector<16xf32>
        %max3A_155 = arith.maximumf %add3A_153, %max3A_154 : vector<16xf32>
        %mul3A_156 = arith.mulf %select_n3A_151, %max3A_155 : vector<16xf32>
        %mul3A_157 = arith.mulf %select_n3A, %get3A_51 : vector<16xf32>
        %add3A_158 = arith.addf %mul3A_157, %get3A_55 : vector<16xf32>
        %max3A_159 = arith.constant 0.000000e+00 : f32
        %max3A_160 = vector.broadcast %max3A_159 : f32 to vector<16xf32>
        %max3A_161 = arith.maximumf %add3A_158, %max3A_160 : vector<16xf32>
        %mul3A_162 = arith.mulf %select_n3A_151, %max3A_161 : vector<16xf32>
        %pack3A = tpu.pack_subelements %mul3A_156, %mul3A_162 {pack_format = #tpu.pack_format<interleaved>, positions = array<i32: 0, 1>} : vector<16xf32>, vector<16xf32> -> vector<32xbf16>
        %mul3A_163 = arith.constant 16 : i32
        %mul3A_164 = arith.muli %scan3A_127, %mul3A_163 : i32
        %add3A_165 = arith.constant 0 : i32
        %add3A_166 = arith.addi %mul3A_164, %add3A_165 : i32
        %mul3A_167 = arith.constant 16 : i32
        %mul3A_168 = arith.muli %add3A_166, %mul3A_167 : i32
        %swap3A = arith.index_cast %mul3A_168 : i32 to index
        %swap3A_169 = tpu.vector_load %arg30[%swap3A] {strides = array<i32>} : memref<25088xbf16, #tpu.memory_space<vmem>>, vector<32xbf16>,
        tpu.vector_store %arg30[%swap3A], %pack3A {strides = array<i32>} : memref<25088xbf16, #tpu.memory_space<vmem>>, vector<32xbf16>,
        %slice3A_170 = vector.extract_strided_slice %mul3A_139 {offsets = [3], sizes = [1], strides = [1]} : vector<16xf32> to vector<1xf32>
        %squeeze3A_171 = vector.extract %slice3A_170[0] : f32 from vector<1xf32>
        %slice3A_172 = vector.extract_strided_slice %mul3A_139 {offsets = [2], sizes = [1], strides = [1]} : vector<16xf32> to vector<1xf32>
        %squeeze3A_173 = vector.extract %slice3A_172[0] : f32 from vector<1xf32>
        %broadcast_in_dim3A_174 = vector.broadcast %squeeze3A_171 : f32 to vector<16xf32>
        %broadcast_in_dim3A_175 = vector.broadcast %squeeze3A_173 : f32 to vector<16xf32>
        %select_n3A_176 = arith.select %ge3A_38, %broadcast_in_dim3A_174, %broadcast_in_dim3A_175 : vector<16xi1>, vector<16xf32>
        %slice3A_177 = vector.extract_strided_slice %get3A_141 {offsets = [3], sizes = [1], strides = [1]} : vector<16xf32> to vector<1xf32>
        %squeeze3A_178 = vector.extract %slice3A_177[0] : f32 from vector<1xf32>
        %slice3A_179 = vector.extract_strided_slice %get3A_141 {offsets = [2], sizes = [1], strides = [1]} : vector<16xf32> to vector<1xf32>
        %squeeze3A_180 = vector.extract %slice3A_179[0] : f32 from vector<1xf32>
        %broadcast_in_dim3A_181 = vector.broadcast %squeeze3A_178 : f32 to vector<16xf32>
        %broadcast_in_dim3A_182 = vector.broadcast %squeeze3A_180 : f32 to vector<16xf32>
        %select_n3A_183 = arith.select %ge3A_38, %broadcast_in_dim3A_181, %broadcast_in_dim3A_182 : vector<16xi1>, vector<16xf32>
        %mul3A_184 = arith.mulf %select_n3A_176, %get3A_49 : vector<16xf32>
        %add3A_185 = arith.addf %mul3A_184, %get3A_53 : vector<16xf32>
        %max3A_186 = arith.constant 0.000000e+00 : f32
        %max3A_187 = vector.broadcast %max3A_186 : f32 to vector<16xf32>
        %max3A_188 = arith.maximumf %add3A_185, %max3A_187 : vector<16xf32>
        %mul3A_189 = arith.mulf %select_n3A_183, %max3A_188 : vector<16xf32>
        %mul3A_190 = arith.mulf %select_n3A_176, %get3A_51 : vector<16xf32>
        %add3A_191 = arith.addf %mul3A_190, %get3A_55 : vector<16xf32>
        %max3A_192 = arith.constant 0.000000e+00 : f32
        %max3A_193 = vector.broadcast %max3A_192 : f32 to vector<16xf32>
        %max3A_194 = arith.maximumf %add3A_191, %max3A_193 : vector<16xf32>
        %mul3A_195 = arith.mulf %select_n3A_183, %max3A_194 : vector<16xf32>
        %pack3A_196 = tpu.pack_subelements %mul3A_189, %mul3A_195 {pack_format = #tpu.pack_format<interleaved>, positions = array<i32: 0, 1>} : vector<16xf32>, vector<16xf32> -> vector<32xbf16>
        %mul3A_197 = arith.constant 16 : i32
        %mul3A_198 = arith.muli %scan3A_127, %mul3A_197 : i32
        %add3A_199 = arith.constant 2 : i32
        %add3A_200 = arith.addi %mul3A_198, %add3A_199 : i32
        %mul3A_201 = arith.constant 16 : i32
        %mul3A_202 = arith.muli %add3A_200, %mul3A_201 : i32
        %swap3A_203 = arith.index_cast %mul3A_202 : i32 to index
        %swap3A_204 = tpu.vector_load %arg30[%swap3A_203] {strides = array<i32>} : memref<25088xbf16, #tpu.memory_space<vmem>>, vector<32xbf16>,
        tpu.vector_store %arg30[%swap3A_203], %pack3A_196 {strides = array<i32>} : memref<25088xbf16, #tpu.memory_space<vmem>>, vector<32xbf16>,
        %slice3A_205 = vector.extract_strided_slice %mul3A_139 {offsets = [5], sizes = [1], strides = [1]} : vector<16xf32> to vector<1xf32>
        %squeeze3A_206 = vector.extract %slice3A_205[0] : f32 from vector<1xf32>
        %slice3A_207 = vector.extract_strided_slice %mul3A_139 {offsets = [4], sizes = [1], strides = [1]} : vector<16xf32> to vector<1xf32>
        %squeeze3A_208 = vector.extract %slice3A_207[0] : f32 from vector<1xf32>
        %broadcast_in_dim3A_209 = vector.broadcast %squeeze3A_206 : f32 to vector<16xf32>
        %broadcast_in_dim3A_210 = vector.broadcast %squeeze3A_208 : f32 to vector<16xf32>
        %select_n3A_211 = arith.select %ge3A_38, %broadcast_in_dim3A_209, %broadcast_in_dim3A_210 : vector<16xi1>, vector<16xf32>
        %slice3A_212 = vector.extract_strided_slice %get3A_141 {offsets = [5], sizes = [1], strides = [1]} : vector<16xf32> to vector<1xf32>
        %squeeze3A_213 = vector.extract %slice3A_212[0] : f32 from vector<1xf32>
        %slice3A_214 = vector.extract_strided_slice %get3A_141 {offsets = [4], sizes = [1], strides = [1]} : vector<16xf32> to vector<1xf32>
        %squeeze3A_215 = vector.extract %slice3A_214[0] : f32 from vector<1xf32>
        %broadcast_in_dim3A_216 = vector.broadcast %squeeze3A_213 : f32 to vector<16xf32>
        %broadcast_in_dim3A_217 = vector.broadcast %squeeze3A_215 : f32 to vector<16xf32>
        %select_n3A_218 = arith.select %ge3A_38, %broadcast_in_dim3A_216, %broadcast_in_dim3A_217 : vector<16xi1>, vector<16xf32>
        %mul3A_219 = arith.mulf %select_n3A_211, %get3A_49 : vector<16xf32>
        %add3A_220 = arith.addf %mul3A_219, %get3A_53 : vector<16xf32>
        %max3A_221 = arith.constant 0.000000e+00 : f32
        %max3A_222 = vector.broadcast %max3A_221 : f32 to vector<16xf32>
        %max3A_223 = arith.maximumf %add3A_220, %max3A_222 : vector<16xf32>
        %mul3A_224 = arith.mulf %select_n3A_218, %max3A_223 : vector<16xf32>
        %mul3A_225 = arith.mulf %select_n3A_211, %get3A_51 : vector<16xf32>
        %add3A_226 = arith.addf %mul3A_225, %get3A_55 : vector<16xf32>
        %max3A_227 = arith.constant 0.000000e+00 : f32
        %max3A_228 = vector.broadcast %max3A_227 : f32 to vector<16xf32>
        %max3A_229 = arith.maximumf %add3A_226, %max3A_228 : vector<16xf32>
        %mul3A_230 = arith.mulf %select_n3A_218, %max3A_229 : vector<16xf32>
        %pack3A_231 = tpu.pack_subelements %mul3A_224, %mul3A_230 {pack_format = #tpu.pack_format<interleaved>, positions = array<i32: 0, 1>} : vector<16xf32>, vector<16xf32> -> vector<32xbf16>
        %mul3A_232 = arith.constant 16 : i32
        %mul3A_233 = arith.muli %scan3A_127, %mul3A_232 : i32
        %add3A_234 = arith.constant 4 : i32
        %add3A_235 = arith.addi %mul3A_233, %add3A_234 : i32
        %mul3A_236 = arith.constant 16 : i32
        %mul3A_237 = arith.muli %add3A_235, %mul3A_236 : i32
        %swap3A_238 = arith.index_cast %mul3A_237 : i32 to index
        %swap3A_239 = tpu.vector_load %arg30[%swap3A_238] {strides = array<i32>} : memref<25088xbf16, #tpu.memory_space<vmem>>, vector<32xbf16>,
        tpu.vector_store %arg30[%swap3A_238], %pack3A_231 {strides = array<i32>} : memref<25088xbf16, #tpu.memory_space<vmem>>, vector<32xbf16>,
        %slice3A_240 = vector.extract_strided_slice %mul3A_139 {offsets = [7], sizes = [1], strides = [1]} : vector<16xf32> to vector<1xf32>
        %squeeze3A_241 = vector.extract %slice3A_240[0] : f32 from vector<1xf32>
        %slice3A_242 = vector.extract_strided_slice %mul3A_139 {offsets = [6], sizes = [1], strides = [1]} : vector<16xf32> to vector<1xf32>
        %squeeze3A_243 = vector.extract %slice3A_242[0] : f32 from vector<1xf32>
        %broadcast_in_dim3A_244 = vector.broadcast %squeeze3A_241 : f32 to vector<16xf32>
        %broadcast_in_dim3A_245 = vector.broadcast %squeeze3A_243 : f32 to vector<16xf32>
        %select_n3A_246 = arith.select %ge3A_38, %broadcast_in_dim3A_244, %broadcast_in_dim3A_245 : vector<16xi1>, vector<16xf32>
        %slice3A_247 = vector.extract_strided_slice %get3A_141 {offsets = [7], sizes = [1], strides = [1]} : vector<16xf32> to vector<1xf32>
        %squeeze3A_248 = vector.extract %slice3A_247[0] : f32 from vector<1xf32>
        %slice3A_249 = vector.extract_strided_slice %get3A_141 {offsets = [6], sizes = [1], strides = [1]} : vector<16xf32> to vector<1xf32>
        %squeeze3A_250 = vector.extract %slice3A_249[0] : f32 from vector<1xf32>
        %broadcast_in_dim3A_251 = vector.broadcast %squeeze3A_248 : f32 to vector<16xf32>
        %broadcast_in_dim3A_252 = vector.broadcast %squeeze3A_250 : f32 to vector<16xf32>
        %select_n3A_253 = arith.select %ge3A_38, %broadcast_in_dim3A_251, %broadcast_in_dim3A_252 : vector<16xi1>, vector<16xf32>
        %mul3A_254 = arith.mulf %select_n3A_246, %get3A_49 : vector<16xf32>
        %add3A_255 = arith.addf %mul3A_254, %get3A_53 : vector<16xf32>
        %max3A_256 = arith.constant 0.000000e+00 : f32
        %max3A_257 = vector.broadcast %max3A_256 : f32 to vector<16xf32>
        %max3A_258 = arith.maximumf %add3A_255, %max3A_257 : vector<16xf32>
        %mul3A_259 = arith.mulf %select_n3A_253, %max3A_258 : vector<16xf32>
        %mul3A_260 = arith.mulf %select_n3A_246, %get3A_51 : vector<16xf32>
        %add3A_261 = arith.addf %mul3A_260, %get3A_55 : vector<16xf32>
        %max3A_262 = arith.constant 0.000000e+00 : f32
        %max3A_263 = vector.broadcast %max3A_262 : f32 to vector<16xf32>
        %max3A_264 = arith.maximumf %add3A_261, %max3A_263 : vector<16xf32>
        %mul3A_265 = arith.mulf %select_n3A_253, %max3A_264 : vector<16xf32>
        %pack3A_266 = tpu.pack_subelements %mul3A_259, %mul3A_265 {pack_format = #tpu.pack_format<interleaved>, positions = array<i32: 0, 1>} : vector<16xf32>, vector<16xf32> -> vector<32xbf16>
        %mul3A_267 = arith.constant 16 : i32
        %mul3A_268 = arith.muli %scan3A_127, %mul3A_267 : i32
        %add3A_269 = arith.constant 6 : i32
        %add3A_270 = arith.addi %mul3A_268, %add3A_269 : i32
        %mul3A_271 = arith.constant 16 : i32
        %mul3A_272 = arith.muli %add3A_270, %mul3A_271 : i32
        %swap3A_273 = arith.index_cast %mul3A_272 : i32 to index
        %swap3A_274 = tpu.vector_load %arg30[%swap3A_273] {strides = array<i32>} : memref<25088xbf16, #tpu.memory_space<vmem>>, vector<32xbf16>,
        tpu.vector_store %arg30[%swap3A_273], %pack3A_266 {strides = array<i32>} : memref<25088xbf16, #tpu.memory_space<vmem>>, vector<32xbf16>,
        %slice3A_275 = vector.extract_strided_slice %mul3A_139 {offsets = [9], sizes = [1], strides = [1]} : vector<16xf32> to vector<1xf32>
        %squeeze3A_276 = vector.extract %slice3A_275[0] : f32 from vector<1xf32>
        %slice3A_277 = vector.extract_strided_slice %mul3A_139 {offsets = [8], sizes = [1], strides = [1]} : vector<16xf32> to vector<1xf32>
        %squeeze3A_278 = vector.extract %slice3A_277[0] : f32 from vector<1xf32>
        %broadcast_in_dim3A_279 = vector.broadcast %squeeze3A_276 : f32 to vector<16xf32>
        %broadcast_in_dim3A_280 = vector.broadcast %squeeze3A_278 : f32 to vector<16xf32>
        %select_n3A_281 = arith.select %ge3A_38, %broadcast_in_dim3A_279, %broadcast_in_dim3A_280 : vector<16xi1>, vector<16xf32>
        %slice3A_282 = vector.extract_strided_slice %get3A_141 {offsets = [9], sizes = [1], strides = [1]} : vector<16xf32> to vector<1xf32>
        %squeeze3A_283 = vector.extract %slice3A_282[0] : f32 from vector<1xf32>
        %slice3A_284 = vector.extract_strided_slice %get3A_141 {offsets = [8], sizes = [1], strides = [1]} : vector<16xf32> to vector<1xf32>
        %squeeze3A_285 = vector.extract %slice3A_284[0] : f32 from vector<1xf32>
        %broadcast_in_dim3A_286 = vector.broadcast %squeeze3A_283 : f32 to vector<16xf32>
        %broadcast_in_dim3A_287 = vector.broadcast %squeeze3A_285 : f32 to vector<16xf32>
        %select_n3A_288 = arith.select %ge3A_38, %broadcast_in_dim3A_286, %broadcast_in_dim3A_287 : vector<16xi1>, vector<16xf32>
        %mul3A_289 = arith.mulf %select_n3A_281, %get3A_49 : vector<16xf32>
        %add3A_290 = arith.addf %mul3A_289, %get3A_53 : vector<16xf32>
        %max3A_291 = arith.constant 0.000000e+00 : f32
        %max3A_292 = vector.broadcast %max3A_291 : f32 to vector<16xf32>
        %max3A_293 = arith.maximumf %add3A_290, %max3A_292 : vector<16xf32>
        %mul3A_294 = arith.mulf %select_n3A_288, %max3A_293 : vector<16xf32>
        %mul3A_295 = arith.mulf %select_n3A_281, %get3A_51 : vector<16xf32>
        %add3A_296 = arith.addf %mul3A_295, %get3A_55 : vector<16xf32>
        %max3A_297 = arith.constant 0.000000e+00 : f32
        %max3A_298 = vector.broadcast %max3A_297 : f32 to vector<16xf32>
        %max3A_299 = arith.maximumf %add3A_296, %max3A_298 : vector<16xf32>
        %mul3A_300 = arith.mulf %select_n3A_288, %max3A_299 : vector<16xf32>
        %pack3A_301 = tpu.pack_subelements %mul3A_294, %mul3A_300 {pack_format = #tpu.pack_format<interleaved>, positions = array<i32: 0, 1>} : vector<16xf32>, vector<16xf32> -> vector<32xbf16>
        %mul3A_302 = arith.constant 16 : i32
        %mul3A_303 = arith.muli %scan3A_127, %mul3A_302 : i32
        %add3A_304 = arith.constant 8 : i32
        %add3A_305 = arith.addi %mul3A_303, %add3A_304 : i32
        %mul3A_306 = arith.constant 16 : i32
        %mul3A_307 = arith.muli %add3A_305, %mul3A_306 : i32
        %swap3A_308 = arith.index_cast %mul3A_307 : i32 to index
        %swap3A_309 = tpu.vector_load %arg30[%swap3A_308] {strides = array<i32>} : memref<25088xbf16, #tpu.memory_space<vmem>>, vector<32xbf16>,
        tpu.vector_store %arg30[%swap3A_308], %pack3A_301 {strides = array<i32>} : memref<25088xbf16, #tpu.memory_space<vmem>>, vector<32xbf16>,
        %slice3A_310 = vector.extract_strided_slice %mul3A_139 {offsets = [11], sizes = [1], strides = [1]} : vector<16xf32> to vector<1xf32>
        %squeeze3A_311 = vector.extract %slice3A_310[0] : f32 from vector<1xf32>
        %slice3A_312 = vector.extract_strided_slice %mul3A_139 {offsets = [10], sizes = [1], strides = [1]} : vector<16xf32> to vector<1xf32>
        %squeeze3A_313 = vector.extract %slice3A_312[0] : f32 from vector<1xf32>
        %broadcast_in_dim3A_314 = vector.broadcast %squeeze3A_311 : f32 to vector<16xf32>
        %broadcast_in_dim3A_315 = vector.broadcast %squeeze3A_313 : f32 to vector<16xf32>
        %select_n3A_316 = arith.select %ge3A_38, %broadcast_in_dim3A_314, %broadcast_in_dim3A_315 : vector<16xi1>, vector<16xf32>
        %slice3A_317 = vector.extract_strided_slice %get3A_141 {offsets = [11], sizes = [1], strides = [1]} : vector<16xf32> to vector<1xf32>
        %squeeze3A_318 = vector.extract %slice3A_317[0] : f32 from vector<1xf32>
        %slice3A_319 = vector.extract_strided_slice %get3A_141 {offsets = [10], sizes = [1], strides = [1]} : vector<16xf32> to vector<1xf32>
        %squeeze3A_320 = vector.extract %slice3A_319[0] : f32 from vector<1xf32>
        %broadcast_in_dim3A_321 = vector.broadcast %squeeze3A_318 : f32 to vector<16xf32>
        %broadcast_in_dim3A_322 = vector.broadcast %squeeze3A_320 : f32 to vector<16xf32>
        %select_n3A_323 = arith.select %ge3A_38, %broadcast_in_dim3A_321, %broadcast_in_dim3A_322 : vector<16xi1>, vector<16xf32>
        %mul3A_324 = arith.mulf %select_n3A_316, %get3A_49 : vector<16xf32>
        %add3A_325 = arith.addf %mul3A_324, %get3A_53 : vector<16xf32>
        %max3A_326 = arith.constant 0.000000e+00 : f32
        %max3A_327 = vector.broadcast %max3A_326 : f32 to vector<16xf32>
        %max3A_328 = arith.maximumf %add3A_325, %max3A_327 : vector<16xf32>
        %mul3A_329 = arith.mulf %select_n3A_323, %max3A_328 : vector<16xf32>
        %mul3A_330 = arith.mulf %select_n3A_316, %get3A_51 : vector<16xf32>
        %add3A_331 = arith.addf %mul3A_330, %get3A_55 : vector<16xf32>
        %max3A_332 = arith.constant 0.000000e+00 : f32
        %max3A_333 = vector.broadcast %max3A_332 : f32 to vector<16xf32>
        %max3A_334 = arith.maximumf %add3A_331, %max3A_333 : vector<16xf32>
        %mul3A_335 = arith.mulf %select_n3A_323, %max3A_334 : vector<16xf32>
        %pack3A_336 = tpu.pack_subelements %mul3A_329, %mul3A_335 {pack_format = #tpu.pack_format<interleaved>, positions = array<i32: 0, 1>} : vector<16xf32>, vector<16xf32> -> vector<32xbf16>
        %mul3A_337 = arith.constant 16 : i32
        %mul3A_338 = arith.muli %scan3A_127, %mul3A_337 : i32
        %add3A_339 = arith.constant 10 : i32
        %add3A_340 = arith.addi %mul3A_338, %add3A_339 : i32
        %mul3A_341 = arith.constant 16 : i32
        %mul3A_342 = arith.muli %add3A_340, %mul3A_341 : i32
        %swap3A_343 = arith.index_cast %mul3A_342 : i32 to index
        %swap3A_344 = tpu.vector_load %arg30[%swap3A_343] {strides = array<i32>} : memref<25088xbf16, #tpu.memory_space<vmem>>, vector<32xbf16>,
        tpu.vector_store %arg30[%swap3A_343], %pack3A_336 {strides = array<i32>} : memref<25088xbf16, #tpu.memory_space<vmem>>, vector<32xbf16>,
        %slice3A_345 = vector.extract_strided_slice %mul3A_139 {offsets = [13], sizes = [1], strides = [1]} : vector<16xf32> to vector<1xf32>
        %squeeze3A_346 = vector.extract %slice3A_345[0] : f32 from vector<1xf32>
        %slice3A_347 = vector.extract_strided_slice %mul3A_139 {offsets = [12], sizes = [1], strides = [1]} : vector<16xf32> to vector<1xf32>
        %squeeze3A_348 = vector.extract %slice3A_347[0] : f32 from vector<1xf32>
        %broadcast_in_dim3A_349 = vector.broadcast %squeeze3A_346 : f32 to vector<16xf32>
        %broadcast_in_dim3A_350 = vector.broadcast %squeeze3A_348 : f32 to vector<16xf32>
        %select_n3A_351 = arith.select %ge3A_38, %broadcast_in_dim3A_349, %broadcast_in_dim3A_350 : vector<16xi1>, vector<16xf32>
        %slice3A_352 = vector.extract_strided_slice %get3A_141 {offsets = [13], sizes = [1], strides = [1]} : vector<16xf32> to vector<1xf32>
        %squeeze3A_353 = vector.extract %slice3A_352[0] : f32 from vector<1xf32>
        %slice3A_354 = vector.extract_strided_slice %get3A_141 {offsets = [12], sizes = [1], strides = [1]} : vector<16xf32> to vector<1xf32>
        %squeeze3A_355 = vector.extract %slice3A_354[0] : f32 from vector<1xf32>
        %broadcast_in_dim3A_356 = vector.broadcast %squeeze3A_353 : f32 to vector<16xf32>
        %broadcast_in_dim3A_357 = vector.broadcast %squeeze3A_355 : f32 to vector<16xf32>
        %select_n3A_358 = arith.select %ge3A_38, %broadcast_in_dim3A_356, %broadcast_in_dim3A_357 : vector<16xi1>, vector<16xf32>
        %mul3A_359 = arith.mulf %select_n3A_351, %get3A_49 : vector<16xf32>
        %add3A_360 = arith.addf %mul3A_359, %get3A_53 : vector<16xf32>
        %max3A_361 = arith.constant 0.000000e+00 : f32
        %max3A_362 = vector.broadcast %max3A_361 : f32 to vector<16xf32>
        %max3A_363 = arith.maximumf %add3A_360, %max3A_362 : vector<16xf32>
        %mul3A_364 = arith.mulf %select_n3A_358, %max3A_363 : vector<16xf32>
        %mul3A_365 = arith.mulf %select_n3A_351, %get3A_51 : vector<16xf32>
        %add3A_366 = arith.addf %mul3A_365, %get3A_55 : vector<16xf32>
        %max3A_367 = arith.constant 0.000000e+00 : f32
        %max3A_368 = vector.broadcast %max3A_367 : f32 to vector<16xf32>
        %max3A_369 = arith.maximumf %add3A_366, %max3A_368 : vector<16xf32>
        %mul3A_370 = arith.mulf %select_n3A_358, %max3A_369 : vector<16xf32>
        %pack3A_371 = tpu.pack_subelements %mul3A_364, %mul3A_370 {pack_format = #tpu.pack_format<interleaved>, positions = array<i32: 0, 1>} : vector<16xf32>, vector<16xf32> -> vector<32xbf16>
        %mul3A_372 = arith.constant 16 : i32
        %mul3A_373 = arith.muli %scan3A_127, %mul3A_372 : i32
        %add3A_374 = arith.constant 12 : i32
        %add3A_375 = arith.addi %mul3A_373, %add3A_374 : i32
        %mul3A_376 = arith.constant 16 : i32
        %mul3A_377 = arith.muli %add3A_375, %mul3A_376 : i32
        %swap3A_378 = arith.index_cast %mul3A_377 : i32 to index
        %swap3A_379 = tpu.vector_load %arg30[%swap3A_378] {strides = array<i32>} : memref<25088xbf16, #tpu.memory_space<vmem>>, vector<32xbf16>,
        tpu.vector_store %arg30[%swap3A_378], %pack3A_371 {strides = array<i32>} : memref<25088xbf16, #tpu.memory_space<vmem>>, vector<32xbf16>,
        %slice3A_380 = vector.extract_strided_slice %mul3A_139 {offsets = [15], sizes = [1], strides = [1]} : vector<16xf32> to vector<1xf32>
        %squeeze3A_381 = vector.extract %slice3A_380[0] : f32 from vector<1xf32>
        %slice3A_382 = vector.extract_strided_slice %mul3A_139 {offsets = [14], sizes = [1], strides = [1]} : vector<16xf32> to vector<1xf32>
        %squeeze3A_383 = vector.extract %slice3A_382[0] : f32 from vector<1xf32>
        %broadcast_in_dim3A_384 = vector.broadcast %squeeze3A_381 : f32 to vector<16xf32>
        %broadcast_in_dim3A_385 = vector.broadcast %squeeze3A_383 : f32 to vector<16xf32>
        %select_n3A_386 = arith.select %ge3A_38, %broadcast_in_dim3A_384, %broadcast_in_dim3A_385 : vector<16xi1>, vector<16xf32>
        %slice3A_387 = vector.extract_strided_slice %get3A_141 {offsets = [15], sizes = [1], strides = [1]} : vector<16xf32> to vector<1xf32>
        %squeeze3A_388 = vector.extract %slice3A_387[0] : f32 from vector<1xf32>
        %slice3A_389 = vector.extract_strided_slice %get3A_141 {offsets = [14], sizes = [1], strides = [1]} : vector<16xf32> to vector<1xf32>
        %squeeze3A_390 = vector.extract %slice3A_389[0] : f32 from vector<1xf32>
        %broadcast_in_dim3A_391 = vector.broadcast %squeeze3A_388 : f32 to vector<16xf32>
        %broadcast_in_dim3A_392 = vector.broadcast %squeeze3A_390 : f32 to vector<16xf32>
        %select_n3A_393 = arith.select %ge3A_38, %broadcast_in_dim3A_391, %broadcast_in_dim3A_392 : vector<16xi1>, vector<16xf32>
        %mul3A_394 = arith.mulf %select_n3A_386, %get3A_49 : vector<16xf32>
        %add3A_395 = arith.addf %mul3A_394, %get3A_53 : vector<16xf32>
        %max3A_396 = arith.constant 0.000000e+00 : f32
        %max3A_397 = vector.broadcast %max3A_396 : f32 to vector<16xf32>
        %max3A_398 = arith.maximumf %add3A_395, %max3A_397 : vector<16xf32>
        %mul3A_399 = arith.mulf %select_n3A_393, %max3A_398 : vector<16xf32>
        %mul3A_400 = arith.mulf %select_n3A_386, %get3A_51 : vector<16xf32>
        %add3A_401 = arith.addf %mul3A_400, %get3A_55 : vector<16xf32>
        %max3A_402 = arith.constant 0.000000e+00 : f32
        %max3A_403 = vector.broadcast %max3A_402 : f32 to vector<16xf32>
        %max3A_404 = arith.maximumf %add3A_401, %max3A_403 : vector<16xf32>
        %mul3A_405 = arith.mulf %select_n3A_393, %max3A_404 : vector<16xf32>
        %pack3A_406 = tpu.pack_subelements %mul3A_399, %mul3A_405 {pack_format = #tpu.pack_format<interleaved>, positions = array<i32: 0, 1>} : vector<16xf32>, vector<16xf32> -> vector<32xbf16>
        %mul3A_407 = arith.constant 16 : i32
        %mul3A_408 = arith.muli %scan3A_127, %mul3A_407 : i32
        %add3A_409 = arith.constant 14 : i32
        %add3A_410 = arith.addi %mul3A_408, %add3A_409 : i32
        %mul3A_411 = arith.constant 16 : i32
        %mul3A_412 = arith.muli %add3A_410, %mul3A_411 : i32
        %swap3A_413 = arith.index_cast %mul3A_412 : i32 to index
        %swap3A_414 = tpu.vector_load %arg30[%swap3A_413] {strides = array<i32>} : memref<25088xbf16, #tpu.memory_space<vmem>>, vector<32xbf16>,
        tpu.vector_store %arg30[%swap3A_413], %pack3A_406 {strides = array<i32>} : memref<25088xbf16, #tpu.memory_space<vmem>>, vector<32xbf16>,
      }
      %scan3A_73 = arith.constant 98 : i32
      %add3A_74 = arith.constant 1568 : i32
      %add3A_75 = arith.addi %mul3A_0, %add3A_74 : i32
      %mul3A_76 = arith.constant 16 : i32
      %mul3A_77 = arith.muli %add3A_75, %mul3A_76 : i32
      %dma_start3A_78 = tpu.memref_slice %arg11[%mul3A_77] : memref<1605632xbf16, #tpu.memory_space<hbm>> -> memref<25088xbf16, #tpu.memory_space<hbm>>
      %dma_start3A_79 = tpu.memref_slice %arg11[%mul3A_77] : memref<1605632xbf16, #tpu.memory_space<hbm>> -> memref<25088xbf16, #tpu.memory_space<hbm>>
      tpu.enqueue_dma source(%arg30 : memref<25088xbf16, #tpu.memory_space<vmem>>) target(%dma_start3A_79 : memref<25088xbf16, #tpu.memory_space<hbm>>) target_semaphore(%arg37 : memref<!tpu.dma_semaphore, #tpu.memory_space<semaphore_mem>>)
      %add3A_80 = arith.constant 0 : i32
      %add3A_81 = arith.addi %mul3A_0, %add3A_80 : i32
      %mul3A_82 = arith.constant 16 : i32
      %mul3A_83 = arith.muli %add3A_81, %mul3A_82 : i32
      %dma_wait3A = tpu.memref_slice %arg11[%mul3A_83] : memref<1605632xbf16, #tpu.memory_space<hbm>> -> memref<25088xbf16, #tpu.memory_space<hbm>>
      %dma_wait3A_84 = tpu.memref_slice %arg11[%mul3A_83] : memref<1605632xbf16, #tpu.memory_space<hbm>> -> memref<25088xbf16, #tpu.memory_space<hbm>>
      tpu.wait_dma2 semaphore(%arg37 : memref<!tpu.dma_semaphore, #tpu.memory_space<semaphore_mem>>) src(%arg29 : memref<25088xbf16, #tpu.memory_space<vmem>>) dst(%dma_wait3A_84 : memref<25088xbf16, #tpu.memory_space<hbm>>)
      %scan3A_85 = arith.constant 0 : i32
      %scan3A_86 = arith.constant 0 : i32
      %scan3A_87 = arith.constant 98 : i32
      %scan3A_88 = arith.addi %scan3A_86, %scan3A_87 : i32
      %scan3A_89 = arith.constant 1 : i32
      scf.for %scan3A_127 = %scan3A_86 to %scan3A_88 step %scan3A_89  : i32 {
        %mul3A_128 = arith.constant 16 : i32
        %mul3A_129 = arith.muli %scan3A_127, %mul3A_128 : i32
        %add3A_130 = arith.constant 3136 : i32
        %add3A_131 = arith.addi %add3A_130, %mul3A_129 : i32
        %get3A_132 = arith.index_cast %add3A_131 : i32 to index
        %get3A_133 = tpu.vector_load %arg20[%get3A_132] {strides = array<i32>} : memref<6272xf32, #tpu.memory_space<vmem>>, vector<16xf32>,
        %get3A_134 = arith.index_cast %add3A_131 : i32 to index
        %get3A_135 = tpu.vector_load %arg24[%get3A_134] {strides = array<i32>} : memref<6272xf32, #tpu.memory_space<vmem>>, vector<16xf32>,
        %add3A_136 = arith.addf %get3A_133, %get3A_135 : vector<16xf32>
        %get3A_137 = arith.index_cast %add3A_131 : i32 to index
        %get3A_138 = tpu.vector_load %arg23[%get3A_137] {strides = array<i32>} : memref<6272xf32, #tpu.memory_space<vmem>>, vector<16xf32>,
        %mul3A_139 = arith.mulf %add3A_136, %get3A_138 : vector<16xf32>
        %get3A_140 = arith.index_cast %add3A_131 : i32 to index
        %get3A_141 = tpu.vector_load %arg22[%get3A_140] {strides = array<i32>} : memref<6272xf32, #tpu.memory_space<vmem>>, vector<16xf32>,
        %slice3A = vector.extract_strided_slice %mul3A_139 {offsets = [1], sizes = [1], strides = [1]} : vector<16xf32> to vector<1xf32>
        %squeeze3A = vector.extract %slice3A[0] : f32 from vector<1xf32>
        %slice3A_142 = vector.extract_strided_slice %mul3A_139 {offsets = [0], sizes = [1], strides = [1]} : vector<16xf32> to vector<1xf32>
        %squeeze3A_143 = vector.extract %slice3A_142[0] : f32 from vector<1xf32>
        %broadcast_in_dim3A = vector.broadcast %squeeze3A : f32 to vector<16xf32>
        %broadcast_in_dim3A_144 = vector.broadcast %squeeze3A_143 : f32 to vector<16xf32>
        %select_n3A = arith.select %ge3A_38, %broadcast_in_dim3A, %broadcast_in_dim3A_144 : vector<16xi1>, vector<16xf32>
        %slice3A_145 = vector.extract_strided_slice %get3A_141 {offsets = [1], sizes = [1], strides = [1]} : vector<16xf32> to vector<1xf32>
        %squeeze3A_146 = vector.extract %slice3A_145[0] : f32 from vector<1xf32>
        %slice3A_147 = vector.extract_strided_slice %get3A_141 {offsets = [0], sizes = [1], strides = [1]} : vector<16xf32> to vector<1xf32>
        %squeeze3A_148 = vector.extract %slice3A_147[0] : f32 from vector<1xf32>
        %broadcast_in_dim3A_149 = vector.broadcast %squeeze3A_146 : f32 to vector<16xf32>
        %broadcast_in_dim3A_150 = vector.broadcast %squeeze3A_148 : f32 to vector<16xf32>
        %select_n3A_151 = arith.select %ge3A_38, %broadcast_in_dim3A_149, %broadcast_in_dim3A_150 : vector<16xi1>, vector<16xf32>
        %mul3A_152 = arith.mulf %select_n3A, %get3A_49 : vector<16xf32>
        %add3A_153 = arith.addf %mul3A_152, %get3A_53 : vector<16xf32>
        %max3A = arith.constant 0.000000e+00 : f32
        %max3A_154 = vector.broadcast %max3A : f32 to vector<16xf32>
        %max3A_155 = arith.maximumf %add3A_153, %max3A_154 : vector<16xf32>
        %mul3A_156 = arith.mulf %select_n3A_151, %max3A_155 : vector<16xf32>
        %mul3A_157 = arith.mulf %select_n3A, %get3A_51 : vector<16xf32>
        %add3A_158 = arith.addf %mul3A_157, %get3A_55 : vector<16xf32>
        %max3A_159 = arith.constant 0.000000e+00 : f32
        %max3A_160 = vector.broadcast %max3A_159 : f32 to vector<16xf32>
        %max3A_161 = arith.maximumf %add3A_158, %max3A_160 : vector<16xf32>
        %mul3A_162 = arith.mulf %select_n3A_151, %max3A_161 : vector<16xf32>
        %pack3A = tpu.pack_subelements %mul3A_156, %mul3A_162 {pack_format = #tpu.pack_format<interleaved>, positions = array<i32: 0, 1>} : vector<16xf32>, vector<16xf32> -> vector<32xbf16>
        %mul3A_163 = arith.constant 16 : i32
        %mul3A_164 = arith.muli %scan3A_127, %mul3A_163 : i32
        %add3A_165 = arith.constant 0 : i32
        %add3A_166 = arith.addi %mul3A_164, %add3A_165 : i32
        %mul3A_167 = arith.constant 16 : i32
        %mul3A_168 = arith.muli %add3A_166, %mul3A_167 : i32
        %swap3A = arith.index_cast %mul3A_168 : i32 to index
        %swap3A_169 = tpu.vector_load %arg29[%swap3A] {strides = array<i32>} : memref<25088xbf16, #tpu.memory_space<vmem>>, vector<32xbf16>,
        tpu.vector_store %arg29[%swap3A], %pack3A {strides = array<i32>} : memref<25088xbf16, #tpu.memory_space<vmem>>, vector<32xbf16>,
        %slice3A_170 = vector.extract_strided_slice %mul3A_139 {offsets = [3], sizes = [1], strides = [1]} : vector<16xf32> to vector<1xf32>
        %squeeze3A_171 = vector.extract %slice3A_170[0] : f32 from vector<1xf32>
        %slice3A_172 = vector.extract_strided_slice %mul3A_139 {offsets = [2], sizes = [1], strides = [1]} : vector<16xf32> to vector<1xf32>
        %squeeze3A_173 = vector.extract %slice3A_172[0] : f32 from vector<1xf32>
        %broadcast_in_dim3A_174 = vector.broadcast %squeeze3A_171 : f32 to vector<16xf32>
        %broadcast_in_dim3A_175 = vector.broadcast %squeeze3A_173 : f32 to vector<16xf32>
        %select_n3A_176 = arith.select %ge3A_38, %broadcast_in_dim3A_174, %broadcast_in_dim3A_175 : vector<16xi1>, vector<16xf32>
        %slice3A_177 = vector.extract_strided_slice %get3A_141 {offsets = [3], sizes = [1], strides = [1]} : vector<16xf32> to vector<1xf32>
        %squeeze3A_178 = vector.extract %slice3A_177[0] : f32 from vector<1xf32>
        %slice3A_179 = vector.extract_strided_slice %get3A_141 {offsets = [2], sizes = [1], strides = [1]} : vector<16xf32> to vector<1xf32>
        %squeeze3A_180 = vector.extract %slice3A_179[0] : f32 from vector<1xf32>
        %broadcast_in_dim3A_181 = vector.broadcast %squeeze3A_178 : f32 to vector<16xf32>
        %broadcast_in_dim3A_182 = vector.broadcast %squeeze3A_180 : f32 to vector<16xf32>
        %select_n3A_183 = arith.select %ge3A_38, %broadcast_in_dim3A_181, %broadcast_in_dim3A_182 : vector<16xi1>, vector<16xf32>
        %mul3A_184 = arith.mulf %select_n3A_176, %get3A_49 : vector<16xf32>
        %add3A_185 = arith.addf %mul3A_184, %get3A_53 : vector<16xf32>
        %max3A_186 = arith.constant 0.000000e+00 : f32
        %max3A_187 = vector.broadcast %max3A_186 : f32 to vector<16xf32>
        %max3A_188 = arith.maximumf %add3A_185, %max3A_187 : vector<16xf32>
        %mul3A_189 = arith.mulf %select_n3A_183, %max3A_188 : vector<16xf32>
        %mul3A_190 = arith.mulf %select_n3A_176, %get3A_51 : vector<16xf32>
        %add3A_191 = arith.addf %mul3A_190, %get3A_55 : vector<16xf32>
        %max3A_192 = arith.constant 0.000000e+00 : f32
        %max3A_193 = vector.broadcast %max3A_192 : f32 to vector<16xf32>
        %max3A_194 = arith.maximumf %add3A_191, %max3A_193 : vector<16xf32>
        %mul3A_195 = arith.mulf %select_n3A_183, %max3A_194 : vector<16xf32>
        %pack3A_196 = tpu.pack_subelements %mul3A_189, %mul3A_195 {pack_format = #tpu.pack_format<interleaved>, positions = array<i32: 0, 1>} : vector<16xf32>, vector<16xf32> -> vector<32xbf16>
        %mul3A_197 = arith.constant 16 : i32
        %mul3A_198 = arith.muli %scan3A_127, %mul3A_197 : i32
        %add3A_199 = arith.constant 2 : i32
        %add3A_200 = arith.addi %mul3A_198, %add3A_199 : i32
        %mul3A_201 = arith.constant 16 : i32
        %mul3A_202 = arith.muli %add3A_200, %mul3A_201 : i32
        %swap3A_203 = arith.index_cast %mul3A_202 : i32 to index
        %swap3A_204 = tpu.vector_load %arg29[%swap3A_203] {strides = array<i32>} : memref<25088xbf16, #tpu.memory_space<vmem>>, vector<32xbf16>,
        tpu.vector_store %arg29[%swap3A_203], %pack3A_196 {strides = array<i32>} : memref<25088xbf16, #tpu.memory_space<vmem>>, vector<32xbf16>,
        %slice3A_205 = vector.extract_strided_slice %mul3A_139 {offsets = [5], sizes = [1], strides = [1]} : vector<16xf32> to vector<1xf32>
        %squeeze3A_206 = vector.extract %slice3A_205[0] : f32 from vector<1xf32>
        %slice3A_207 = vector.extract_strided_slice %mul3A_139 {offsets = [4], sizes = [1], strides = [1]} : vector<16xf32> to vector<1xf32>
        %squeeze3A_208 = vector.extract %slice3A_207[0] : f32 from vector<1xf32>
        %broadcast_in_dim3A_209 = vector.broadcast %squeeze3A_206 : f32 to vector<16xf32>
        %broadcast_in_dim3A_210 = vector.broadcast %squeeze3A_208 : f32 to vector<16xf32>
        %select_n3A_211 = arith.select %ge3A_38, %broadcast_in_dim3A_209, %broadcast_in_dim3A_210 : vector<16xi1>, vector<16xf32>
        %slice3A_212 = vector.extract_strided_slice %get3A_141 {offsets = [5], sizes = [1], strides = [1]} : vector<16xf32> to vector<1xf32>
        %squeeze3A_213 = vector.extract %slice3A_212[0] : f32 from vector<1xf32>
        %slice3A_214 = vector.extract_strided_slice %get3A_141 {offsets = [4], sizes = [1], strides = [1]} : vector<16xf32> to vector<1xf32>
        %squeeze3A_215 = vector.extract %slice3A_214[0] : f32 from vector<1xf32>
        %broadcast_in_dim3A_216 = vector.broadcast %squeeze3A_213 : f32 to vector<16xf32>
        %broadcast_in_dim3A_217 = vector.broadcast %squeeze3A_215 : f32 to vector<16xf32>
        %select_n3A_218 = arith.select %ge3A_38, %broadcast_in_dim3A_216, %broadcast_in_dim3A_217 : vector<16xi1>, vector<16xf32>
        %mul3A_219 = arith.mulf %select_n3A_211, %get3A_49 : vector<16xf32>
        %add3A_220 = arith.addf %mul3A_219, %get3A_53 : vector<16xf32>
        %max3A_221 = arith.constant 0.000000e+00 : f32
        %max3A_222 = vector.broadcast %max3A_221 : f32 to vector<16xf32>
        %max3A_223 = arith.maximumf %add3A_220, %max3A_222 : vector<16xf32>
        %mul3A_224 = arith.mulf %select_n3A_218, %max3A_223 : vector<16xf32>
        %mul3A_225 = arith.mulf %select_n3A_211, %get3A_51 : vector<16xf32>
        %add3A_226 = arith.addf %mul3A_225, %get3A_55 : vector<16xf32>
        %max3A_227 = arith.constant 0.000000e+00 : f32
        %max3A_228 = vector.broadcast %max3A_227 : f32 to vector<16xf32>
        %max3A_229 = arith.maximumf %add3A_226, %max3A_228 : vector<16xf32>
        %mul3A_230 = arith.mulf %select_n3A_218, %max3A_229 : vector<16xf32>
        %pack3A_231 = tpu.pack_subelements %mul3A_224, %mul3A_230 {pack_format = #tpu.pack_format<interleaved>, positions = array<i32: 0, 1>} : vector<16xf32>, vector<16xf32> -> vector<32xbf16>
        %mul3A_232 = arith.constant 16 : i32
        %mul3A_233 = arith.muli %scan3A_127, %mul3A_232 : i32
        %add3A_234 = arith.constant 4 : i32
        %add3A_235 = arith.addi %mul3A_233, %add3A_234 : i32
        %mul3A_236 = arith.constant 16 : i32
        %mul3A_237 = arith.muli %add3A_235, %mul3A_236 : i32
        %swap3A_238 = arith.index_cast %mul3A_237 : i32 to index
        %swap3A_239 = tpu.vector_load %arg29[%swap3A_238] {strides = array<i32>} : memref<25088xbf16, #tpu.memory_space<vmem>>, vector<32xbf16>,
        tpu.vector_store %arg29[%swap3A_238], %pack3A_231 {strides = array<i32>} : memref<25088xbf16, #tpu.memory_space<vmem>>, vector<32xbf16>,
        %slice3A_240 = vector.extract_strided_slice %mul3A_139 {offsets = [7], sizes = [1], strides = [1]} : vector<16xf32> to vector<1xf32>
        %squeeze3A_241 = vector.extract %slice3A_240[0] : f32 from vector<1xf32>
        %slice3A_242 = vector.extract_strided_slice %mul3A_139 {offsets = [6], sizes = [1], strides = [1]} : vector<16xf32> to vector<1xf32>
        %squeeze3A_243 = vector.extract %slice3A_242[0] : f32 from vector<1xf32>
        %broadcast_in_dim3A_244 = vector.broadcast %squeeze3A_241 : f32 to vector<16xf32>
        %broadcast_in_dim3A_245 = vector.broadcast %squeeze3A_243 : f32 to vector<16xf32>
        %select_n3A_246 = arith.select %ge3A_38, %broadcast_in_dim3A_244, %broadcast_in_dim3A_245 : vector<16xi1>, vector<16xf32>
        %slice3A_247 = vector.extract_strided_slice %get3A_141 {offsets = [7], sizes = [1], strides = [1]} : vector<16xf32> to vector<1xf32>
        %squeeze3A_248 = vector.extract %slice3A_247[0] : f32 from vector<1xf32>
        %slice3A_249 = vector.extract_strided_slice %get3A_141 {offsets = [6], sizes = [1], strides = [1]} : vector<16xf32> to vector<1xf32>
        %squeeze3A_250 = vector.extract %slice3A_249[0] : f32 from vector<1xf32>
        %broadcast_in_dim3A_251 = vector.broadcast %squeeze3A_248 : f32 to vector<16xf32>
        %broadcast_in_dim3A_252 = vector.broadcast %squeeze3A_250 : f32 to vector<16xf32>
        %select_n3A_253 = arith.select %ge3A_38, %broadcast_in_dim3A_251, %broadcast_in_dim3A_252 : vector<16xi1>, vector<16xf32>
        %mul3A_254 = arith.mulf %select_n3A_246, %get3A_49 : vector<16xf32>
        %add3A_255 = arith.addf %mul3A_254, %get3A_53 : vector<16xf32>
        %max3A_256 = arith.constant 0.000000e+00 : f32
        %max3A_257 = vector.broadcast %max3A_256 : f32 to vector<16xf32>
        %max3A_258 = arith.maximumf %add3A_255, %max3A_257 : vector<16xf32>
        %mul3A_259 = arith.mulf %select_n3A_253, %max3A_258 : vector<16xf32>
        %mul3A_260 = arith.mulf %select_n3A_246, %get3A_51 : vector<16xf32>
        %add3A_261 = arith.addf %mul3A_260, %get3A_55 : vector<16xf32>
        %max3A_262 = arith.constant 0.000000e+00 : f32
        %max3A_263 = vector.broadcast %max3A_262 : f32 to vector<16xf32>
        %max3A_264 = arith.maximumf %add3A_261, %max3A_263 : vector<16xf32>
        %mul3A_265 = arith.mulf %select_n3A_253, %max3A_264 : vector<16xf32>
        %pack3A_266 = tpu.pack_subelements %mul3A_259, %mul3A_265 {pack_format = #tpu.pack_format<interleaved>, positions = array<i32: 0, 1>} : vector<16xf32>, vector<16xf32> -> vector<32xbf16>
        %mul3A_267 = arith.constant 16 : i32
        %mul3A_268 = arith.muli %scan3A_127, %mul3A_267 : i32
        %add3A_269 = arith.constant 6 : i32
        %add3A_270 = arith.addi %mul3A_268, %add3A_269 : i32
        %mul3A_271 = arith.constant 16 : i32
        %mul3A_272 = arith.muli %add3A_270, %mul3A_271 : i32
        %swap3A_273 = arith.index_cast %mul3A_272 : i32 to index
        %swap3A_274 = tpu.vector_load %arg29[%swap3A_273] {strides = array<i32>} : memref<25088xbf16, #tpu.memory_space<vmem>>, vector<32xbf16>,
        tpu.vector_store %arg29[%swap3A_273], %pack3A_266 {strides = array<i32>} : memref<25088xbf16, #tpu.memory_space<vmem>>, vector<32xbf16>,
        %slice3A_275 = vector.extract_strided_slice %mul3A_139 {offsets = [9], sizes = [1], strides = [1]} : vector<16xf32> to vector<1xf32>
        %squeeze3A_276 = vector.extract %slice3A_275[0] : f32 from vector<1xf32>
        %slice3A_277 = vector.extract_strided_slice %mul3A_139 {offsets = [8], sizes = [1], strides = [1]} : vector<16xf32> to vector<1xf32>
        %squeeze3A_278 = vector.extract %slice3A_277[0] : f32 from vector<1xf32>
        %broadcast_in_dim3A_279 = vector.broadcast %squeeze3A_276 : f32 to vector<16xf32>
        %broadcast_in_dim3A_280 = vector.broadcast %squeeze3A_278 : f32 to vector<16xf32>
        %select_n3A_281 = arith.select %ge3A_38, %broadcast_in_dim3A_279, %broadcast_in_dim3A_280 : vector<16xi1>, vector<16xf32>
        %slice3A_282 = vector.extract_strided_slice %get3A_141 {offsets = [9], sizes = [1], strides = [1]} : vector<16xf32> to vector<1xf32>
        %squeeze3A_283 = vector.extract %slice3A_282[0] : f32 from vector<1xf32>
        %slice3A_284 = vector.extract_strided_slice %get3A_141 {offsets = [8], sizes = [1], strides = [1]} : vector<16xf32> to vector<1xf32>
        %squeeze3A_285 = vector.extract %slice3A_284[0] : f32 from vector<1xf32>
        %broadcast_in_dim3A_286 = vector.broadcast %squeeze3A_283 : f32 to vector<16xf32>
        %broadcast_in_dim3A_287 = vector.broadcast %squeeze3A_285 : f32 to vector<16xf32>
        %select_n3A_288 = arith.select %ge3A_38, %broadcast_in_dim3A_286, %broadcast_in_dim3A_287 : vector<16xi1>, vector<16xf32>
        %mul3A_289 = arith.mulf %select_n3A_281, %get3A_49 : vector<16xf32>
        %add3A_290 = arith.addf %mul3A_289, %get3A_53 : vector<16xf32>
        %max3A_291 = arith.constant 0.000000e+00 : f32
        %max3A_292 = vector.broadcast %max3A_291 : f32 to vector<16xf32>
        %max3A_293 = arith.maximumf %add3A_290, %max3A_292 : vector<16xf32>
        %mul3A_294 = arith.mulf %select_n3A_288, %max3A_293 : vector<16xf32>
        %mul3A_295 = arith.mulf %select_n3A_281, %get3A_51 : vector<16xf32>
        %add3A_296 = arith.addf %mul3A_295, %get3A_55 : vector<16xf32>
        %max3A_297 = arith.constant 0.000000e+00 : f32
        %max3A_298 = vector.broadcast %max3A_297 : f32 to vector<16xf32>
        %max3A_299 = arith.maximumf %add3A_296, %max3A_298 : vector<16xf32>
        %mul3A_300 = arith.mulf %select_n3A_288, %max3A_299 : vector<16xf32>
        %pack3A_301 = tpu.pack_subelements %mul3A_294, %mul3A_300 {pack_format = #tpu.pack_format<interleaved>, positions = array<i32: 0, 1>} : vector<16xf32>, vector<16xf32> -> vector<32xbf16>
        %mul3A_302 = arith.constant 16 : i32
        %mul3A_303 = arith.muli %scan3A_127, %mul3A_302 : i32
        %add3A_304 = arith.constant 8 : i32
        %add3A_305 = arith.addi %mul3A_303, %add3A_304 : i32
        %mul3A_306 = arith.constant 16 : i32
        %mul3A_307 = arith.muli %add3A_305, %mul3A_306 : i32
        %swap3A_308 = arith.index_cast %mul3A_307 : i32 to index
        %swap3A_309 = tpu.vector_load %arg29[%swap3A_308] {strides = array<i32>} : memref<25088xbf16, #tpu.memory_space<vmem>>, vector<32xbf16>,
        tpu.vector_store %arg29[%swap3A_308], %pack3A_301 {strides = array<i32>} : memref<25088xbf16, #tpu.memory_space<vmem>>, vector<32xbf16>,
        %slice3A_310 = vector.extract_strided_slice %mul3A_139 {offsets = [11], sizes = [1], strides = [1]} : vector<16xf32> to vector<1xf32>
        %squeeze3A_311 = vector.extract %slice3A_310[0] : f32 from vector<1xf32>
        %slice3A_312 = vector.extract_strided_slice %mul3A_139 {offsets = [10], sizes = [1], strides = [1]} : vector<16xf32> to vector<1xf32>
        %squeeze3A_313 = vector.extract %slice3A_312[0] : f32 from vector<1xf32>
        %broadcast_in_dim3A_314 = vector.broadcast %squeeze3A_311 : f32 to vector<16xf32>
        %broadcast_in_dim3A_315 = vector.broadcast %squeeze3A_313 : f32 to vector<16xf32>
        %select_n3A_316 = arith.select %ge3A_38, %broadcast_in_dim3A_314, %broadcast_in_dim3A_315 : vector<16xi1>, vector<16xf32>
        %slice3A_317 = vector.extract_strided_slice %get3A_141 {offsets = [11], sizes = [1], strides = [1]} : vector<16xf32> to vector<1xf32>
        %squeeze3A_318 = vector.extract %slice3A_317[0] : f32 from vector<1xf32>
        %slice3A_319 = vector.extract_strided_slice %get3A_141 {offsets = [10], sizes = [1], strides = [1]} : vector<16xf32> to vector<1xf32>
        %squeeze3A_320 = vector.extract %slice3A_319[0] : f32 from vector<1xf32>
        %broadcast_in_dim3A_321 = vector.broadcast %squeeze3A_318 : f32 to vector<16xf32>
        %broadcast_in_dim3A_322 = vector.broadcast %squeeze3A_320 : f32 to vector<16xf32>
        %select_n3A_323 = arith.select %ge3A_38, %broadcast_in_dim3A_321, %broadcast_in_dim3A_322 : vector<16xi1>, vector<16xf32>
        %mul3A_324 = arith.mulf %select_n3A_316, %get3A_49 : vector<16xf32>
        %add3A_325 = arith.addf %mul3A_324, %get3A_53 : vector<16xf32>
        %max3A_326 = arith.constant 0.000000e+00 : f32
        %max3A_327 = vector.broadcast %max3A_326 : f32 to vector<16xf32>
        %max3A_328 = arith.maximumf %add3A_325, %max3A_327 : vector<16xf32>
        %mul3A_329 = arith.mulf %select_n3A_323, %max3A_328 : vector<16xf32>
        %mul3A_330 = arith.mulf %select_n3A_316, %get3A_51 : vector<16xf32>
        %add3A_331 = arith.addf %mul3A_330, %get3A_55 : vector<16xf32>
        %max3A_332 = arith.constant 0.000000e+00 : f32
        %max3A_333 = vector.broadcast %max3A_332 : f32 to vector<16xf32>
        %max3A_334 = arith.maximumf %add3A_331, %max3A_333 : vector<16xf32>
        %mul3A_335 = arith.mulf %select_n3A_323, %max3A_334 : vector<16xf32>
        %pack3A_336 = tpu.pack_subelements %mul3A_329, %mul3A_335 {pack_format = #tpu.pack_format<interleaved>, positions = array<i32: 0, 1>} : vector<16xf32>, vector<16xf32> -> vector<32xbf16>
        %mul3A_337 = arith.constant 16 : i32
        %mul3A_338 = arith.muli %scan3A_127, %mul3A_337 : i32
        %add3A_339 = arith.constant 10 : i32
        %add3A_340 = arith.addi %mul3A_338, %add3A_339 : i32
        %mul3A_341 = arith.constant 16 : i32
        %mul3A_342 = arith.muli %add3A_340, %mul3A_341 : i32
        %swap3A_343 = arith.index_cast %mul3A_342 : i32 to index
        %swap3A_344 = tpu.vector_load %arg29[%swap3A_343] {strides = array<i32>} : memref<25088xbf16, #tpu.memory_space<vmem>>, vector<32xbf16>,
        tpu.vector_store %arg29[%swap3A_343], %pack3A_336 {strides = array<i32>} : memref<25088xbf16, #tpu.memory_space<vmem>>, vector<32xbf16>,
        %slice3A_345 = vector.extract_strided_slice %mul3A_139 {offsets = [13], sizes = [1], strides = [1]} : vector<16xf32> to vector<1xf32>
        %squeeze3A_346 = vector.extract %slice3A_345[0] : f32 from vector<1xf32>
        %slice3A_347 = vector.extract_strided_slice %mul3A_139 {offsets = [12], sizes = [1], strides = [1]} : vector<16xf32> to vector<1xf32>
        %squeeze3A_348 = vector.extract %slice3A_347[0] : f32 from vector<1xf32>
        %broadcast_in_dim3A_349 = vector.broadcast %squeeze3A_346 : f32 to vector<16xf32>
        %broadcast_in_dim3A_350 = vector.broadcast %squeeze3A_348 : f32 to vector<16xf32>
        %select_n3A_351 = arith.select %ge3A_38, %broadcast_in_dim3A_349, %broadcast_in_dim3A_350 : vector<16xi1>, vector<16xf32>
        %slice3A_352 = vector.extract_strided_slice %get3A_141 {offsets = [13], sizes = [1], strides = [1]} : vector<16xf32> to vector<1xf32>
        %squeeze3A_353 = vector.extract %slice3A_352[0] : f32 from vector<1xf32>
        %slice3A_354 = vector.extract_strided_slice %get3A_141 {offsets = [12], sizes = [1], strides = [1]} : vector<16xf32> to vector<1xf32>
        %squeeze3A_355 = vector.extract %slice3A_354[0] : f32 from vector<1xf32>
        %broadcast_in_dim3A_356 = vector.broadcast %squeeze3A_353 : f32 to vector<16xf32>
        %broadcast_in_dim3A_357 = vector.broadcast %squeeze3A_355 : f32 to vector<16xf32>
        %select_n3A_358 = arith.select %ge3A_38, %broadcast_in_dim3A_356, %broadcast_in_dim3A_357 : vector<16xi1>, vector<16xf32>
        %mul3A_359 = arith.mulf %select_n3A_351, %get3A_49 : vector<16xf32>
        %add3A_360 = arith.addf %mul3A_359, %get3A_53 : vector<16xf32>
        %max3A_361 = arith.constant 0.000000e+00 : f32
        %max3A_362 = vector.broadcast %max3A_361 : f32 to vector<16xf32>
        %max3A_363 = arith.maximumf %add3A_360, %max3A_362 : vector<16xf32>
        %mul3A_364 = arith.mulf %select_n3A_358, %max3A_363 : vector<16xf32>
        %mul3A_365 = arith.mulf %select_n3A_351, %get3A_51 : vector<16xf32>
        %add3A_366 = arith.addf %mul3A_365, %get3A_55 : vector<16xf32>
        %max3A_367 = arith.constant 0.000000e+00 : f32
        %max3A_368 = vector.broadcast %max3A_367 : f32 to vector<16xf32>
        %max3A_369 = arith.maximumf %add3A_366, %max3A_368 : vector<16xf32>
        %mul3A_370 = arith.mulf %select_n3A_358, %max3A_369 : vector<16xf32>
        %pack3A_371 = tpu.pack_subelements %mul3A_364, %mul3A_370 {pack_format = #tpu.pack_format<interleaved>, positions = array<i32: 0, 1>} : vector<16xf32>, vector<16xf32> -> vector<32xbf16>
        %mul3A_372 = arith.constant 16 : i32
        %mul3A_373 = arith.muli %scan3A_127, %mul3A_372 : i32
        %add3A_374 = arith.constant 12 : i32
        %add3A_375 = arith.addi %mul3A_373, %add3A_374 : i32
        %mul3A_376 = arith.constant 16 : i32
        %mul3A_377 = arith.muli %add3A_375, %mul3A_376 : i32
        %swap3A_378 = arith.index_cast %mul3A_377 : i32 to index
        %swap3A_379 = tpu.vector_load %arg29[%swap3A_378] {strides = array<i32>} : memref<25088xbf16, #tpu.memory_space<vmem>>, vector<32xbf16>,
        tpu.vector_store %arg29[%swap3A_378], %pack3A_371 {strides = array<i32>} : memref<25088xbf16, #tpu.memory_space<vmem>>, vector<32xbf16>,
        %slice3A_380 = vector.extract_strided_slice %mul3A_139 {offsets = [15], sizes = [1], strides = [1]} : vector<16xf32> to vector<1xf32>
        %squeeze3A_381 = vector.extract %slice3A_380[0] : f32 from vector<1xf32>
        %slice3A_382 = vector.extract_strided_slice %mul3A_139 {offsets = [14], sizes = [1], strides = [1]} : vector<16xf32> to vector<1xf32>
        %squeeze3A_383 = vector.extract %slice3A_382[0] : f32 from vector<1xf32>
        %broadcast_in_dim3A_384 = vector.broadcast %squeeze3A_381 : f32 to vector<16xf32>
        %broadcast_in_dim3A_385 = vector.broadcast %squeeze3A_383 : f32 to vector<16xf32>
        %select_n3A_386 = arith.select %ge3A_38, %broadcast_in_dim3A_384, %broadcast_in_dim3A_385 : vector<16xi1>, vector<16xf32>
        %slice3A_387 = vector.extract_strided_slice %get3A_141 {offsets = [15], sizes = [1], strides = [1]} : vector<16xf32> to vector<1xf32>
        %squeeze3A_388 = vector.extract %slice3A_387[0] : f32 from vector<1xf32>
        %slice3A_389 = vector.extract_strided_slice %get3A_141 {offsets = [14], sizes = [1], strides = [1]} : vector<16xf32> to vector<1xf32>
        %squeeze3A_390 = vector.extract %slice3A_389[0] : f32 from vector<1xf32>
        %broadcast_in_dim3A_391 = vector.broadcast %squeeze3A_388 : f32 to vector<16xf32>
        %broadcast_in_dim3A_392 = vector.broadcast %squeeze3A_390 : f32 to vector<16xf32>
        %select_n3A_393 = arith.select %ge3A_38, %broadcast_in_dim3A_391, %broadcast_in_dim3A_392 : vector<16xi1>, vector<16xf32>
        %mul3A_394 = arith.mulf %select_n3A_386, %get3A_49 : vector<16xf32>
        %add3A_395 = arith.addf %mul3A_394, %get3A_53 : vector<16xf32>
        %max3A_396 = arith.constant 0.000000e+00 : f32
        %max3A_397 = vector.broadcast %max3A_396 : f32 to vector<16xf32>
        %max3A_398 = arith.maximumf %add3A_395, %max3A_397 : vector<16xf32>
        %mul3A_399 = arith.mulf %select_n3A_393, %max3A_398 : vector<16xf32>
        %mul3A_400 = arith.mulf %select_n3A_386, %get3A_51 : vector<16xf32>
        %add3A_401 = arith.addf %mul3A_400, %get3A_55 : vector<16xf32>
        %max3A_402 = arith.constant 0.000000e+00 : f32
        %max3A_403 = vector.broadcast %max3A_402 : f32 to vector<16xf32>
        %max3A_404 = arith.maximumf %add3A_401, %max3A_403 : vector<16xf32>
        %mul3A_405 = arith.mulf %select_n3A_393, %max3A_404 : vector<16xf32>
        %pack3A_406 = tpu.pack_subelements %mul3A_399, %mul3A_405 {pack_format = #tpu.pack_format<interleaved>, positions = array<i32: 0, 1>} : vector<16xf32>, vector<16xf32> -> vector<32xbf16>
        %mul3A_407 = arith.constant 16 : i32
        %mul3A_408 = arith.muli %scan3A_127, %mul3A_407 : i32
        %add3A_409 = arith.constant 14 : i32
        %add3A_410 = arith.addi %mul3A_408, %add3A_409 : i32
        %mul3A_411 = arith.constant 16 : i32
        %mul3A_412 = arith.muli %add3A_410, %mul3A_411 : i32
        %swap3A_413 = arith.index_cast %mul3A_412 : i32 to index
        %swap3A_414 = tpu.vector_load %arg29[%swap3A_413] {strides = array<i32>} : memref<25088xbf16, #tpu.memory_space<vmem>>, vector<32xbf16>,
        tpu.vector_store %arg29[%swap3A_413], %pack3A_406 {strides = array<i32>} : memref<25088xbf16, #tpu.memory_space<vmem>>, vector<32xbf16>,
      }
      %scan3A_90 = arith.constant 98 : i32
      %add3A_91 = arith.constant 3136 : i32
      %add3A_92 = arith.addi %mul3A_0, %add3A_91 : i32
      %mul3A_93 = arith.constant 16 : i32
      %mul3A_94 = arith.muli %add3A_92, %mul3A_93 : i32
      %dma_start3A_95 = tpu.memref_slice %arg11[%mul3A_94] : memref<1605632xbf16, #tpu.memory_space<hbm>> -> memref<25088xbf16, #tpu.memory_space<hbm>>
      %dma_start3A_96 = tpu.memref_slice %arg11[%mul3A_94] : memref<1605632xbf16, #tpu.memory_space<hbm>> -> memref<25088xbf16, #tpu.memory_space<hbm>>
      tpu.enqueue_dma source(%arg29 : memref<25088xbf16, #tpu.memory_space<vmem>>) target(%dma_start3A_96 : memref<25088xbf16, #tpu.memory_space<hbm>>) target_semaphore(%arg37 : memref<!tpu.dma_semaphore, #tpu.memory_space<semaphore_mem>>)
      %add3A_97 = arith.constant 1568 : i32
      %add3A_98 = arith.addi %mul3A_0, %add3A_97 : i32
      %mul3A_99 = arith.constant 16 : i32
      %mul3A_100 = arith.muli %add3A_98, %mul3A_99 : i32
      %dma_wait3A_101 = tpu.memref_slice %arg11[%mul3A_100] : memref<1605632xbf16, #tpu.memory_space<hbm>> -> memref<25088xbf16, #tpu.memory_space<hbm>>
      %dma_wait3A_102 = tpu.memref_slice %arg11[%mul3A_100] : memref<1605632xbf16, #tpu.memory_space<hbm>> -> memref<25088xbf16, #tpu.memory_space<hbm>>
      tpu.wait_dma2 semaphore(%arg37 : memref<!tpu.dma_semaphore, #tpu.memory_space<semaphore_mem>>) src(%arg30 : memref<25088xbf16, #tpu.memory_space<vmem>>) dst(%dma_wait3A_102 : memref<25088xbf16, #tpu.memory_space<hbm>>)
      %scan3A_103 = arith.constant 0 : i32
      %scan3A_104 = arith.constant 0 : i32
      %scan3A_105 = arith.constant 98 : i32
      %scan3A_106 = arith.addi %scan3A_104, %scan3A_105 : i32
      %scan3A_107 = arith.constant 1 : i32
      scf.for %scan3A_127 = %scan3A_104 to %scan3A_106 step %scan3A_107  : i32 {
        %mul3A_128 = arith.constant 16 : i32
        %mul3A_129 = arith.muli %scan3A_127, %mul3A_128 : i32
        %add3A_130 = arith.constant 4704 : i32
        %add3A_131 = arith.addi %add3A_130, %mul3A_129 : i32
        %get3A_132 = arith.index_cast %add3A_131 : i32 to index
        %get3A_133 = tpu.vector_load %arg20[%get3A_132] {strides = array<i32>} : memref<6272xf32, #tpu.memory_space<vmem>>, vector<16xf32>,
        %get3A_134 = arith.index_cast %add3A_131 : i32 to index
        %get3A_135 = tpu.vector_load %arg24[%get3A_134] {strides = array<i32>} : memref<6272xf32, #tpu.memory_space<vmem>>, vector<16xf32>,
        %add3A_136 = arith.addf %get3A_133, %get3A_135 : vector<16xf32>
        %get3A_137 = arith.index_cast %add3A_131 : i32 to index
        %get3A_138 = tpu.vector_load %arg23[%get3A_137] {strides = array<i32>} : memref<6272xf32, #tpu.memory_space<vmem>>, vector<16xf32>,
        %mul3A_139 = arith.mulf %add3A_136, %get3A_138 : vector<16xf32>
        %get3A_140 = arith.index_cast %add3A_131 : i32 to index
        %get3A_141 = tpu.vector_load %arg22[%get3A_140] {strides = array<i32>} : memref<6272xf32, #tpu.memory_space<vmem>>, vector<16xf32>,
        %slice3A = vector.extract_strided_slice %mul3A_139 {offsets = [1], sizes = [1], strides = [1]} : vector<16xf32> to vector<1xf32>
        %squeeze3A = vector.extract %slice3A[0] : f32 from vector<1xf32>
        %slice3A_142 = vector.extract_strided_slice %mul3A_139 {offsets = [0], sizes = [1], strides = [1]} : vector<16xf32> to vector<1xf32>
        %squeeze3A_143 = vector.extract %slice3A_142[0] : f32 from vector<1xf32>
        %broadcast_in_dim3A = vector.broadcast %squeeze3A : f32 to vector<16xf32>
        %broadcast_in_dim3A_144 = vector.broadcast %squeeze3A_143 : f32 to vector<16xf32>
        %select_n3A = arith.select %ge3A_38, %broadcast_in_dim3A, %broadcast_in_dim3A_144 : vector<16xi1>, vector<16xf32>
        %slice3A_145 = vector.extract_strided_slice %get3A_141 {offsets = [1], sizes = [1], strides = [1]} : vector<16xf32> to vector<1xf32>
        %squeeze3A_146 = vector.extract %slice3A_145[0] : f32 from vector<1xf32>
        %slice3A_147 = vector.extract_strided_slice %get3A_141 {offsets = [0], sizes = [1], strides = [1]} : vector<16xf32> to vector<1xf32>
        %squeeze3A_148 = vector.extract %slice3A_147[0] : f32 from vector<1xf32>
        %broadcast_in_dim3A_149 = vector.broadcast %squeeze3A_146 : f32 to vector<16xf32>
        %broadcast_in_dim3A_150 = vector.broadcast %squeeze3A_148 : f32 to vector<16xf32>
        %select_n3A_151 = arith.select %ge3A_38, %broadcast_in_dim3A_149, %broadcast_in_dim3A_150 : vector<16xi1>, vector<16xf32>
        %mul3A_152 = arith.mulf %select_n3A, %get3A_49 : vector<16xf32>
        %add3A_153 = arith.addf %mul3A_152, %get3A_53 : vector<16xf32>
        %max3A = arith.constant 0.000000e+00 : f32
        %max3A_154 = vector.broadcast %max3A : f32 to vector<16xf32>
        %max3A_155 = arith.maximumf %add3A_153, %max3A_154 : vector<16xf32>
        %mul3A_156 = arith.mulf %select_n3A_151, %max3A_155 : vector<16xf32>
        %mul3A_157 = arith.mulf %select_n3A, %get3A_51 : vector<16xf32>
        %add3A_158 = arith.addf %mul3A_157, %get3A_55 : vector<16xf32>
        %max3A_159 = arith.constant 0.000000e+00 : f32
        %max3A_160 = vector.broadcast %max3A_159 : f32 to vector<16xf32>
        %max3A_161 = arith.maximumf %add3A_158, %max3A_160 : vector<16xf32>
        %mul3A_162 = arith.mulf %select_n3A_151, %max3A_161 : vector<16xf32>
        %pack3A = tpu.pack_subelements %mul3A_156, %mul3A_162 {pack_format = #tpu.pack_format<interleaved>, positions = array<i32: 0, 1>} : vector<16xf32>, vector<16xf32> -> vector<32xbf16>
        %mul3A_163 = arith.constant 16 : i32
        %mul3A_164 = arith.muli %scan3A_127, %mul3A_163 : i32
        %add3A_165 = arith.constant 0 : i32
        %add3A_166 = arith.addi %mul3A_164, %add3A_165 : i32
        %mul3A_167 = arith.constant 16 : i32
        %mul3A_168 = arith.muli %add3A_166, %mul3A_167 : i32
        %swap3A = arith.index_cast %mul3A_168 : i32 to index
        %swap3A_169 = tpu.vector_load %arg30[%swap3A] {strides = array<i32>} : memref<25088xbf16, #tpu.memory_space<vmem>>, vector<32xbf16>,
        tpu.vector_store %arg30[%swap3A], %pack3A {strides = array<i32>} : memref<25088xbf16, #tpu.memory_space<vmem>>, vector<32xbf16>,
        %slice3A_170 = vector.extract_strided_slice %mul3A_139 {offsets = [3], sizes = [1], strides = [1]} : vector<16xf32> to vector<1xf32>
        %squeeze3A_171 = vector.extract %slice3A_170[0] : f32 from vector<1xf32>
        %slice3A_172 = vector.extract_strided_slice %mul3A_139 {offsets = [2], sizes = [1], strides = [1]} : vector<16xf32> to vector<1xf32>
        %squeeze3A_173 = vector.extract %slice3A_172[0] : f32 from vector<1xf32>
        %broadcast_in_dim3A_174 = vector.broadcast %squeeze3A_171 : f32 to vector<16xf32>
        %broadcast_in_dim3A_175 = vector.broadcast %squeeze3A_173 : f32 to vector<16xf32>
        %select_n3A_176 = arith.select %ge3A_38, %broadcast_in_dim3A_174, %broadcast_in_dim3A_175 : vector<16xi1>, vector<16xf32>
        %slice3A_177 = vector.extract_strided_slice %get3A_141 {offsets = [3], sizes = [1], strides = [1]} : vector<16xf32> to vector<1xf32>
        %squeeze3A_178 = vector.extract %slice3A_177[0] : f32 from vector<1xf32>
        %slice3A_179 = vector.extract_strided_slice %get3A_141 {offsets = [2], sizes = [1], strides = [1]} : vector<16xf32> to vector<1xf32>
        %squeeze3A_180 = vector.extract %slice3A_179[0] : f32 from vector<1xf32>
        %broadcast_in_dim3A_181 = vector.broadcast %squeeze3A_178 : f32 to vector<16xf32>
        %broadcast_in_dim3A_182 = vector.broadcast %squeeze3A_180 : f32 to vector<16xf32>
        %select_n3A_183 = arith.select %ge3A_38, %broadcast_in_dim3A_181, %broadcast_in_dim3A_182 : vector<16xi1>, vector<16xf32>
        %mul3A_184 = arith.mulf %select_n3A_176, %get3A_49 : vector<16xf32>
        %add3A_185 = arith.addf %mul3A_184, %get3A_53 : vector<16xf32>
        %max3A_186 = arith.constant 0.000000e+00 : f32
        %max3A_187 = vector.broadcast %max3A_186 : f32 to vector<16xf32>
        %max3A_188 = arith.maximumf %add3A_185, %max3A_187 : vector<16xf32>
        %mul3A_189 = arith.mulf %select_n3A_183, %max3A_188 : vector<16xf32>
        %mul3A_190 = arith.mulf %select_n3A_176, %get3A_51 : vector<16xf32>
        %add3A_191 = arith.addf %mul3A_190, %get3A_55 : vector<16xf32>
        %max3A_192 = arith.constant 0.000000e+00 : f32
        %max3A_193 = vector.broadcast %max3A_192 : f32 to vector<16xf32>
        %max3A_194 = arith.maximumf %add3A_191, %max3A_193 : vector<16xf32>
        %mul3A_195 = arith.mulf %select_n3A_183, %max3A_194 : vector<16xf32>
        %pack3A_196 = tpu.pack_subelements %mul3A_189, %mul3A_195 {pack_format = #tpu.pack_format<interleaved>, positions = array<i32: 0, 1>} : vector<16xf32>, vector<16xf32> -> vector<32xbf16>
        %mul3A_197 = arith.constant 16 : i32
        %mul3A_198 = arith.muli %scan3A_127, %mul3A_197 : i32
        %add3A_199 = arith.constant 2 : i32
        %add3A_200 = arith.addi %mul3A_198, %add3A_199 : i32
        %mul3A_201 = arith.constant 16 : i32
        %mul3A_202 = arith.muli %add3A_200, %mul3A_201 : i32
        %swap3A_203 = arith.index_cast %mul3A_202 : i32 to index
        %swap3A_204 = tpu.vector_load %arg30[%swap3A_203] {strides = array<i32>} : memref<25088xbf16, #tpu.memory_space<vmem>>, vector<32xbf16>,
        tpu.vector_store %arg30[%swap3A_203], %pack3A_196 {strides = array<i32>} : memref<25088xbf16, #tpu.memory_space<vmem>>, vector<32xbf16>,
        %slice3A_205 = vector.extract_strided_slice %mul3A_139 {offsets = [5], sizes = [1], strides = [1]} : vector<16xf32> to vector<1xf32>
        %squeeze3A_206 = vector.extract %slice3A_205[0] : f32 from vector<1xf32>
        %slice3A_207 = vector.extract_strided_slice %mul3A_139 {offsets = [4], sizes = [1], strides = [1]} : vector<16xf32> to vector<1xf32>
        %squeeze3A_208 = vector.extract %slice3A_207[0] : f32 from vector<1xf32>
        %broadcast_in_dim3A_209 = vector.broadcast %squeeze3A_206 : f32 to vector<16xf32>
        %broadcast_in_dim3A_210 = vector.broadcast %squeeze3A_208 : f32 to vector<16xf32>
        %select_n3A_211 = arith.select %ge3A_38, %broadcast_in_dim3A_209, %broadcast_in_dim3A_210 : vector<16xi1>, vector<16xf32>
        %slice3A_212 = vector.extract_strided_slice %get3A_141 {offsets = [5], sizes = [1], strides = [1]} : vector<16xf32> to vector<1xf32>
        %squeeze3A_213 = vector.extract %slice3A_212[0] : f32 from vector<1xf32>
        %slice3A_214 = vector.extract_strided_slice %get3A_141 {offsets = [4], sizes = [1], strides = [1]} : vector<16xf32> to vector<1xf32>
        %squeeze3A_215 = vector.extract %slice3A_214[0] : f32 from vector<1xf32>
        %broadcast_in_dim3A_216 = vector.broadcast %squeeze3A_213 : f32 to vector<16xf32>
        %broadcast_in_dim3A_217 = vector.broadcast %squeeze3A_215 : f32 to vector<16xf32>
        %select_n3A_218 = arith.select %ge3A_38, %broadcast_in_dim3A_216, %broadcast_in_dim3A_217 : vector<16xi1>, vector<16xf32>
        %mul3A_219 = arith.mulf %select_n3A_211, %get3A_49 : vector<16xf32>
        %add3A_220 = arith.addf %mul3A_219, %get3A_53 : vector<16xf32>
        %max3A_221 = arith.constant 0.000000e+00 : f32
        %max3A_222 = vector.broadcast %max3A_221 : f32 to vector<16xf32>
        %max3A_223 = arith.maximumf %add3A_220, %max3A_222 : vector<16xf32>
        %mul3A_224 = arith.mulf %select_n3A_218, %max3A_223 : vector<16xf32>
        %mul3A_225 = arith.mulf %select_n3A_211, %get3A_51 : vector<16xf32>
        %add3A_226 = arith.addf %mul3A_225, %get3A_55 : vector<16xf32>
        %max3A_227 = arith.constant 0.000000e+00 : f32
        %max3A_228 = vector.broadcast %max3A_227 : f32 to vector<16xf32>
        %max3A_229 = arith.maximumf %add3A_226, %max3A_228 : vector<16xf32>
        %mul3A_230 = arith.mulf %select_n3A_218, %max3A_229 : vector<16xf32>
        %pack3A_231 = tpu.pack_subelements %mul3A_224, %mul3A_230 {pack_format = #tpu.pack_format<interleaved>, positions = array<i32: 0, 1>} : vector<16xf32>, vector<16xf32> -> vector<32xbf16>
        %mul3A_232 = arith.constant 16 : i32
        %mul3A_233 = arith.muli %scan3A_127, %mul3A_232 : i32
        %add3A_234 = arith.constant 4 : i32
        %add3A_235 = arith.addi %mul3A_233, %add3A_234 : i32
        %mul3A_236 = arith.constant 16 : i32
        %mul3A_237 = arith.muli %add3A_235, %mul3A_236 : i32
        %swap3A_238 = arith.index_cast %mul3A_237 : i32 to index
        %swap3A_239 = tpu.vector_load %arg30[%swap3A_238] {strides = array<i32>} : memref<25088xbf16, #tpu.memory_space<vmem>>, vector<32xbf16>,
        tpu.vector_store %arg30[%swap3A_238], %pack3A_231 {strides = array<i32>} : memref<25088xbf16, #tpu.memory_space<vmem>>, vector<32xbf16>,
        %slice3A_240 = vector.extract_strided_slice %mul3A_139 {offsets = [7], sizes = [1], strides = [1]} : vector<16xf32> to vector<1xf32>
        %squeeze3A_241 = vector.extract %slice3A_240[0] : f32 from vector<1xf32>
        %slice3A_242 = vector.extract_strided_slice %mul3A_139 {offsets = [6], sizes = [1], strides = [1]} : vector<16xf32> to vector<1xf32>
        %squeeze3A_243 = vector.extract %slice3A_242[0] : f32 from vector<1xf32>
        %broadcast_in_dim3A_244 = vector.broadcast %squeeze3A_241 : f32 to vector<16xf32>
        %broadcast_in_dim3A_245 = vector.broadcast %squeeze3A_243 : f32 to vector<16xf32>
        %select_n3A_246 = arith.select %ge3A_38, %broadcast_in_dim3A_244, %broadcast_in_dim3A_245 : vector<16xi1>, vector<16xf32>
        %slice3A_247 = vector.extract_strided_slice %get3A_141 {offsets = [7], sizes = [1], strides = [1]} : vector<16xf32> to vector<1xf32>
        %squeeze3A_248 = vector.extract %slice3A_247[0] : f32 from vector<1xf32>
        %slice3A_249 = vector.extract_strided_slice %get3A_141 {offsets = [6], sizes = [1], strides = [1]} : vector<16xf32> to vector<1xf32>
        %squeeze3A_250 = vector.extract %slice3A_249[0] : f32 from vector<1xf32>
        %broadcast_in_dim3A_251 = vector.broadcast %squeeze3A_248 : f32 to vector<16xf32>
        %broadcast_in_dim3A_252 = vector.broadcast %squeeze3A_250 : f32 to vector<16xf32>
        %select_n3A_253 = arith.select %ge3A_38, %broadcast_in_dim3A_251, %broadcast_in_dim3A_252 : vector<16xi1>, vector<16xf32>
        %mul3A_254 = arith.mulf %select_n3A_246, %get3A_49 : vector<16xf32>
        %add3A_255 = arith.addf %mul3A_254, %get3A_53 : vector<16xf32>
        %max3A_256 = arith.constant 0.000000e+00 : f32
        %max3A_257 = vector.broadcast %max3A_256 : f32 to vector<16xf32>
        %max3A_258 = arith.maximumf %add3A_255, %max3A_257 : vector<16xf32>
        %mul3A_259 = arith.mulf %select_n3A_253, %max3A_258 : vector<16xf32>
        %mul3A_260 = arith.mulf %select_n3A_246, %get3A_51 : vector<16xf32>
        %add3A_261 = arith.addf %mul3A_260, %get3A_55 : vector<16xf32>
        %max3A_262 = arith.constant 0.000000e+00 : f32
        %max3A_263 = vector.broadcast %max3A_262 : f32 to vector<16xf32>
        %max3A_264 = arith.maximumf %add3A_261, %max3A_263 : vector<16xf32>
        %mul3A_265 = arith.mulf %select_n3A_253, %max3A_264 : vector<16xf32>
        %pack3A_266 = tpu.pack_subelements %mul3A_259, %mul3A_265 {pack_format = #tpu.pack_format<interleaved>, positions = array<i32: 0, 1>} : vector<16xf32>, vector<16xf32> -> vector<32xbf16>
        %mul3A_267 = arith.constant 16 : i32
        %mul3A_268 = arith.muli %scan3A_127, %mul3A_267 : i32
        %add3A_269 = arith.constant 6 : i32
        %add3A_270 = arith.addi %mul3A_268, %add3A_269 : i32
        %mul3A_271 = arith.constant 16 : i32
        %mul3A_272 = arith.muli %add3A_270, %mul3A_271 : i32
        %swap3A_273 = arith.index_cast %mul3A_272 : i32 to index
        %swap3A_274 = tpu.vector_load %arg30[%swap3A_273] {strides = array<i32>} : memref<25088xbf16, #tpu.memory_space<vmem>>, vector<32xbf16>,
        tpu.vector_store %arg30[%swap3A_273], %pack3A_266 {strides = array<i32>} : memref<25088xbf16, #tpu.memory_space<vmem>>, vector<32xbf16>,
        %slice3A_275 = vector.extract_strided_slice %mul3A_139 {offsets = [9], sizes = [1], strides = [1]} : vector<16xf32> to vector<1xf32>
        %squeeze3A_276 = vector.extract %slice3A_275[0] : f32 from vector<1xf32>
        %slice3A_277 = vector.extract_strided_slice %mul3A_139 {offsets = [8], sizes = [1], strides = [1]} : vector<16xf32> to vector<1xf32>
        %squeeze3A_278 = vector.extract %slice3A_277[0] : f32 from vector<1xf32>
        %broadcast_in_dim3A_279 = vector.broadcast %squeeze3A_276 : f32 to vector<16xf32>
        %broadcast_in_dim3A_280 = vector.broadcast %squeeze3A_278 : f32 to vector<16xf32>
        %select_n3A_281 = arith.select %ge3A_38, %broadcast_in_dim3A_279, %broadcast_in_dim3A_280 : vector<16xi1>, vector<16xf32>
        %slice3A_282 = vector.extract_strided_slice %get3A_141 {offsets = [9], sizes = [1], strides = [1]} : vector<16xf32> to vector<1xf32>
        %squeeze3A_283 = vector.extract %slice3A_282[0] : f32 from vector<1xf32>
        %slice3A_284 = vector.extract_strided_slice %get3A_141 {offsets = [8], sizes = [1], strides = [1]} : vector<16xf32> to vector<1xf32>
        %squeeze3A_285 = vector.extract %slice3A_284[0] : f32 from vector<1xf32>
        %broadcast_in_dim3A_286 = vector.broadcast %squeeze3A_283 : f32 to vector<16xf32>
        %broadcast_in_dim3A_287 = vector.broadcast %squeeze3A_285 : f32 to vector<16xf32>
        %select_n3A_288 = arith.select %ge3A_38, %broadcast_in_dim3A_286, %broadcast_in_dim3A_287 : vector<16xi1>, vector<16xf32>
        %mul3A_289 = arith.mulf %select_n3A_281, %get3A_49 : vector<16xf32>
        %add3A_290 = arith.addf %mul3A_289, %get3A_53 : vector<16xf32>
        %max3A_291 = arith.constant 0.000000e+00 : f32
        %max3A_292 = vector.broadcast %max3A_291 : f32 to vector<16xf32>
        %max3A_293 = arith.maximumf %add3A_290, %max3A_292 : vector<16xf32>
        %mul3A_294 = arith.mulf %select_n3A_288, %max3A_293 : vector<16xf32>
        %mul3A_295 = arith.mulf %select_n3A_281, %get3A_51 : vector<16xf32>
        %add3A_296 = arith.addf %mul3A_295, %get3A_55 : vector<16xf32>
        %max3A_297 = arith.constant 0.000000e+00 : f32
        %max3A_298 = vector.broadcast %max3A_297 : f32 to vector<16xf32>
        %max3A_299 = arith.maximumf %add3A_296, %max3A_298 : vector<16xf32>
        %mul3A_300 = arith.mulf %select_n3A_288, %max3A_299 : vector<16xf32>
        %pack3A_301 = tpu.pack_subelements %mul3A_294, %mul3A_300 {pack_format = #tpu.pack_format<interleaved>, positions = array<i32: 0, 1>} : vector<16xf32>, vector<16xf32> -> vector<32xbf16>
        %mul3A_302 = arith.constant 16 : i32
        %mul3A_303 = arith.muli %scan3A_127, %mul3A_302 : i32
        %add3A_304 = arith.constant 8 : i32
        %add3A_305 = arith.addi %mul3A_303, %add3A_304 : i32
        %mul3A_306 = arith.constant 16 : i32
        %mul3A_307 = arith.muli %add3A_305, %mul3A_306 : i32
        %swap3A_308 = arith.index_cast %mul3A_307 : i32 to index
        %swap3A_309 = tpu.vector_load %arg30[%swap3A_308] {strides = array<i32>} : memref<25088xbf16, #tpu.memory_space<vmem>>, vector<32xbf16>,
        tpu.vector_store %arg30[%swap3A_308], %pack3A_301 {strides = array<i32>} : memref<25088xbf16, #tpu.memory_space<vmem>>, vector<32xbf16>,
        %slice3A_310 = vector.extract_strided_slice %mul3A_139 {offsets = [11], sizes = [1], strides = [1]} : vector<16xf32> to vector<1xf32>
        %squeeze3A_311 = vector.extract %slice3A_310[0] : f32 from vector<1xf32>
        %slice3A_312 = vector.extract_strided_slice %mul3A_139 {offsets = [10], sizes = [1], strides = [1]} : vector<16xf32> to vector<1xf32>
        %squeeze3A_313 = vector.extract %slice3A_312[0] : f32 from vector<1xf32>
        %broadcast_in_dim3A_314 = vector.broadcast %squeeze3A_311 : f32 to vector<16xf32>
        %broadcast_in_dim3A_315 = vector.broadcast %squeeze3A_313 : f32 to vector<16xf32>
        %select_n3A_316 = arith.select %ge3A_38, %broadcast_in_dim3A_314, %broadcast_in_dim3A_315 : vector<16xi1>, vector<16xf32>
        %slice3A_317 = vector.extract_strided_slice %get3A_141 {offsets = [11], sizes = [1], strides = [1]} : vector<16xf32> to vector<1xf32>
        %squeeze3A_318 = vector.extract %slice3A_317[0] : f32 from vector<1xf32>
        %slice3A_319 = vector.extract_strided_slice %get3A_141 {offsets = [10], sizes = [1], strides = [1]} : vector<16xf32> to vector<1xf32>
        %squeeze3A_320 = vector.extract %slice3A_319[0] : f32 from vector<1xf32>
        %broadcast_in_dim3A_321 = vector.broadcast %squeeze3A_318 : f32 to vector<16xf32>
        %broadcast_in_dim3A_322 = vector.broadcast %squeeze3A_320 : f32 to vector<16xf32>
        %select_n3A_323 = arith.select %ge3A_38, %broadcast_in_dim3A_321, %broadcast_in_dim3A_322 : vector<16xi1>, vector<16xf32>
        %mul3A_324 = arith.mulf %select_n3A_316, %get3A_49 : vector<16xf32>
        %add3A_325 = arith.addf %mul3A_324, %get3A_53 : vector<16xf32>
        %max3A_326 = arith.constant 0.000000e+00 : f32
        %max3A_327 = vector.broadcast %max3A_326 : f32 to vector<16xf32>
        %max3A_328 = arith.maximumf %add3A_325, %max3A_327 : vector<16xf32>
        %mul3A_329 = arith.mulf %select_n3A_323, %max3A_328 : vector<16xf32>
        %mul3A_330 = arith.mulf %select_n3A_316, %get3A_51 : vector<16xf32>
        %add3A_331 = arith.addf %mul3A_330, %get3A_55 : vector<16xf32>
        %max3A_332 = arith.constant 0.000000e+00 : f32
        %max3A_333 = vector.broadcast %max3A_332 : f32 to vector<16xf32>
        %max3A_334 = arith.maximumf %add3A_331, %max3A_333 : vector<16xf32>
        %mul3A_335 = arith.mulf %select_n3A_323, %max3A_334 : vector<16xf32>
        %pack3A_336 = tpu.pack_subelements %mul3A_329, %mul3A_335 {pack_format = #tpu.pack_format<interleaved>, positions = array<i32: 0, 1>} : vector<16xf32>, vector<16xf32> -> vector<32xbf16>
        %mul3A_337 = arith.constant 16 : i32
        %mul3A_338 = arith.muli %scan3A_127, %mul3A_337 : i32
        %add3A_339 = arith.constant 10 : i32
        %add3A_340 = arith.addi %mul3A_338, %add3A_339 : i32
        %mul3A_341 = arith.constant 16 : i32
        %mul3A_342 = arith.muli %add3A_340, %mul3A_341 : i32
        %swap3A_343 = arith.index_cast %mul3A_342 : i32 to index
        %swap3A_344 = tpu.vector_load %arg30[%swap3A_343] {strides = array<i32>} : memref<25088xbf16, #tpu.memory_space<vmem>>, vector<32xbf16>,
        tpu.vector_store %arg30[%swap3A_343], %pack3A_336 {strides = array<i32>} : memref<25088xbf16, #tpu.memory_space<vmem>>, vector<32xbf16>,
        %slice3A_345 = vector.extract_strided_slice %mul3A_139 {offsets = [13], sizes = [1], strides = [1]} : vector<16xf32> to vector<1xf32>
        %squeeze3A_346 = vector.extract %slice3A_345[0] : f32 from vector<1xf32>
        %slice3A_347 = vector.extract_strided_slice %mul3A_139 {offsets = [12], sizes = [1], strides = [1]} : vector<16xf32> to vector<1xf32>
        %squeeze3A_348 = vector.extract %slice3A_347[0] : f32 from vector<1xf32>
        %broadcast_in_dim3A_349 = vector.broadcast %squeeze3A_346 : f32 to vector<16xf32>
        %broadcast_in_dim3A_350 = vector.broadcast %squeeze3A_348 : f32 to vector<16xf32>
        %select_n3A_351 = arith.select %ge3A_38, %broadcast_in_dim3A_349, %broadcast_in_dim3A_350 : vector<16xi1>, vector<16xf32>
        %slice3A_352 = vector.extract_strided_slice %get3A_141 {offsets = [13], sizes = [1], strides = [1]} : vector<16xf32> to vector<1xf32>
        %squeeze3A_353 = vector.extract %slice3A_352[0] : f32 from vector<1xf32>
        %slice3A_354 = vector.extract_strided_slice %get3A_141 {offsets = [12], sizes = [1], strides = [1]} : vector<16xf32> to vector<1xf32>
        %squeeze3A_355 = vector.extract %slice3A_354[0] : f32 from vector<1xf32>
        %broadcast_in_dim3A_356 = vector.broadcast %squeeze3A_353 : f32 to vector<16xf32>
        %broadcast_in_dim3A_357 = vector.broadcast %squeeze3A_355 : f32 to vector<16xf32>
        %select_n3A_358 = arith.select %ge3A_38, %broadcast_in_dim3A_356, %broadcast_in_dim3A_357 : vector<16xi1>, vector<16xf32>
        %mul3A_359 = arith.mulf %select_n3A_351, %get3A_49 : vector<16xf32>
        %add3A_360 = arith.addf %mul3A_359, %get3A_53 : vector<16xf32>
        %max3A_361 = arith.constant 0.000000e+00 : f32
        %max3A_362 = vector.broadcast %max3A_361 : f32 to vector<16xf32>
        %max3A_363 = arith.maximumf %add3A_360, %max3A_362 : vector<16xf32>
        %mul3A_364 = arith.mulf %select_n3A_358, %max3A_363 : vector<16xf32>
        %mul3A_365 = arith.mulf %select_n3A_351, %get3A_51 : vector<16xf32>
        %add3A_366 = arith.addf %mul3A_365, %get3A_55 : vector<16xf32>
        %max3A_367 = arith.constant 0.000000e+00 : f32
        %max3A_368 = vector.broadcast %max3A_367 : f32 to vector<16xf32>
        %max3A_369 = arith.maximumf %add3A_366, %max3A_368 : vector<16xf32>
        %mul3A_370 = arith.mulf %select_n3A_358, %max3A_369 : vector<16xf32>
        %pack3A_371 = tpu.pack_subelements %mul3A_364, %mul3A_370 {pack_format = #tpu.pack_format<interleaved>, positions = array<i32: 0, 1>} : vector<16xf32>, vector<16xf32> -> vector<32xbf16>
        %mul3A_372 = arith.constant 16 : i32
        %mul3A_373 = arith.muli %scan3A_127, %mul3A_372 : i32
        %add3A_374 = arith.constant 12 : i32
        %add3A_375 = arith.addi %mul3A_373, %add3A_374 : i32
        %mul3A_376 = arith.constant 16 : i32
        %mul3A_377 = arith.muli %add3A_375, %mul3A_376 : i32
        %swap3A_378 = arith.index_cast %mul3A_377 : i32 to index
        %swap3A_379 = tpu.vector_load %arg30[%swap3A_378] {strides = array<i32>} : memref<25088xbf16, #tpu.memory_space<vmem>>, vector<32xbf16>,
        tpu.vector_store %arg30[%swap3A_378], %pack3A_371 {strides = array<i32>} : memref<25088xbf16, #tpu.memory_space<vmem>>, vector<32xbf16>,
        %slice3A_380 = vector.extract_strided_slice %mul3A_139 {offsets = [15], sizes = [1], strides = [1]} : vector<16xf32> to vector<1xf32>
        %squeeze3A_381 = vector.extract %slice3A_380[0] : f32 from vector<1xf32>
        %slice3A_382 = vector.extract_strided_slice %mul3A_139 {offsets = [14], sizes = [1], strides = [1]} : vector<16xf32> to vector<1xf32>
        %squeeze3A_383 = vector.extract %slice3A_382[0] : f32 from vector<1xf32>
        %broadcast_in_dim3A_384 = vector.broadcast %squeeze3A_381 : f32 to vector<16xf32>
        %broadcast_in_dim3A_385 = vector.broadcast %squeeze3A_383 : f32 to vector<16xf32>
        %select_n3A_386 = arith.select %ge3A_38, %broadcast_in_dim3A_384, %broadcast_in_dim3A_385 : vector<16xi1>, vector<16xf32>
        %slice3A_387 = vector.extract_strided_slice %get3A_141 {offsets = [15], sizes = [1], strides = [1]} : vector<16xf32> to vector<1xf32>
        %squeeze3A_388 = vector.extract %slice3A_387[0] : f32 from vector<1xf32>
        %slice3A_389 = vector.extract_strided_slice %get3A_141 {offsets = [14], sizes = [1], strides = [1]} : vector<16xf32> to vector<1xf32>
        %squeeze3A_390 = vector.extract %slice3A_389[0] : f32 from vector<1xf32>
        %broadcast_in_dim3A_391 = vector.broadcast %squeeze3A_388 : f32 to vector<16xf32>
        %broadcast_in_dim3A_392 = vector.broadcast %squeeze3A_390 : f32 to vector<16xf32>
        %select_n3A_393 = arith.select %ge3A_38, %broadcast_in_dim3A_391, %broadcast_in_dim3A_392 : vector<16xi1>, vector<16xf32>
        %mul3A_394 = arith.mulf %select_n3A_386, %get3A_49 : vector<16xf32>
        %add3A_395 = arith.addf %mul3A_394, %get3A_53 : vector<16xf32>
        %max3A_396 = arith.constant 0.000000e+00 : f32
        %max3A_397 = vector.broadcast %max3A_396 : f32 to vector<16xf32>
        %max3A_398 = arith.maximumf %add3A_395, %max3A_397 : vector<16xf32>
        %mul3A_399 = arith.mulf %select_n3A_393, %max3A_398 : vector<16xf32>
        %mul3A_400 = arith.mulf %select_n3A_386, %get3A_51 : vector<16xf32>
        %add3A_401 = arith.addf %mul3A_400, %get3A_55 : vector<16xf32>
        %max3A_402 = arith.constant 0.000000e+00 : f32
        %max3A_403 = vector.broadcast %max3A_402 : f32 to vector<16xf32>
        %max3A_404 = arith.maximumf %add3A_401, %max3A_403 : vector<16xf32>
        %mul3A_405 = arith.mulf %select_n3A_393, %max3A_404 : vector<16xf32>
        %pack3A_406 = tpu.pack_subelements %mul3A_399, %mul3A_405 {pack_format = #tpu.pack_format<interleaved>, positions = array<i32: 0, 1>} : vector<16xf32>, vector<16xf32> -> vector<32xbf16>
        %mul3A_407 = arith.constant 16 : i32
        %mul3A_408 = arith.muli %scan3A_127, %mul3A_407 : i32
        %add3A_409 = arith.constant 14 : i32
        %add3A_410 = arith.addi %mul3A_408, %add3A_409 : i32
        %mul3A_411 = arith.constant 16 : i32
        %mul3A_412 = arith.muli %add3A_410, %mul3A_411 : i32
        %swap3A_413 = arith.index_cast %mul3A_412 : i32 to index
        %swap3A_414 = tpu.vector_load %arg30[%swap3A_413] {strides = array<i32>} : memref<25088xbf16, #tpu.memory_space<vmem>>, vector<32xbf16>,
        tpu.vector_store %arg30[%swap3A_413], %pack3A_406 {strides = array<i32>} : memref<25088xbf16, #tpu.memory_space<vmem>>, vector<32xbf16>,
      }
      %scan3A_108 = arith.constant 98 : i32
      %add3A_109 = arith.constant 4704 : i32
      %add3A_110 = arith.addi %mul3A_0, %add3A_109 : i32
      %mul3A_111 = arith.constant 16 : i32
      %mul3A_112 = arith.muli %add3A_110, %mul3A_111 : i32
      %dma_start3A_113 = tpu.memref_slice %arg11[%mul3A_112] : memref<1605632xbf16, #tpu.memory_space<hbm>> -> memref<25088xbf16, #tpu.memory_space<hbm>>
      %dma_start3A_114 = tpu.memref_slice %arg11[%mul3A_112] : memref<1605632xbf16, #tpu.memory_space<hbm>> -> memref<25088xbf16, #tpu.memory_space<hbm>>
      tpu.enqueue_dma source(%arg30 : memref<25088xbf16, #tpu.memory_space<vmem>>) target(%dma_start3A_114 : memref<25088xbf16, #tpu.memory_space<hbm>>) target_semaphore(%arg37 : memref<!tpu.dma_semaphore, #tpu.memory_space<semaphore_mem>>)
      %add3A_115 = arith.constant 3136 : i32
      %add3A_116 = arith.addi %mul3A_0, %add3A_115 : i32
      %mul3A_117 = arith.constant 16 : i32
      %mul3A_118 = arith.muli %add3A_116, %mul3A_117 : i32
      %dma_wait3A_119 = tpu.memref_slice %arg11[%mul3A_118] : memref<1605632xbf16, #tpu.memory_space<hbm>> -> memref<25088xbf16, #tpu.memory_space<hbm>>
      %dma_wait3A_120 = tpu.memref_slice %arg11[%mul3A_118] : memref<1605632xbf16, #tpu.memory_space<hbm>> -> memref<25088xbf16, #tpu.memory_space<hbm>>
      tpu.wait_dma2 semaphore(%arg37 : memref<!tpu.dma_semaphore, #tpu.memory_space<semaphore_mem>>) src(%arg29 : memref<25088xbf16, #tpu.memory_space<vmem>>) dst(%dma_wait3A_120 : memref<25088xbf16, #tpu.memory_space<hbm>>)
      %add3A_121 = arith.constant 4704 : i32
      %add3A_122 = arith.addi %mul3A_0, %add3A_121 : i32
      %mul3A_123 = arith.constant 16 : i32
      %mul3A_124 = arith.muli %add3A_122, %mul3A_123 : i32
      %dma_wait3A_125 = tpu.memref_slice %arg11[%mul3A_124] : memref<1605632xbf16, #tpu.memory_space<hbm>> -> memref<25088xbf16, #tpu.memory_space<hbm>>
      %dma_wait3A_126 = tpu.memref_slice %arg11[%mul3A_124] : memref<1605632xbf16, #tpu.memory_space<hbm>> -> memref<25088xbf16, #tpu.memory_space<hbm>>
      tpu.wait_dma2 semaphore(%arg37 : memref<!tpu.dma_semaphore, #tpu.memory_space<semaphore_mem>>) src(%arg30 : memref<25088xbf16, #tpu.memory_space<vmem>>) dst(%dma_wait3A_126 : memref<25088xbf16, #tpu.memory_space<hbm>>)
    } else {
    }
    return
  }
}

module attributes {stable_mosaic.version = 14 : i64} {
  func.func @_out_body(%arg0: i32, %arg1: memref<5000x16xbf16, #tpu.memory_space<vmem>>, %arg2: memref<5000x16xbf16, #tpu.memory_space<vmem>>, %arg3: memref<5000x16xbf16, #tpu.memory_space<vmem>>, %arg4: memref<5000x16xbf16, #tpu.memory_space<vmem>>, %arg5: memref<5000x1xf32, #tpu.memory_space<vmem>>, %arg6: memref<16x32xf32, #tpu.memory_space<vmem>>, %arg7: memref<16x32xf32, #tpu.memory_space<vmem>>, %arg8: memref<1x32xf32, #tpu.memory_space<vmem>>, %arg9: memref<32x10xf32, #tpu.memory_space<vmem>>, %arg10: memref<1x10xf32, #tpu.memory_space<vmem>>, %arg11: memref<1x10xf32, #tpu.memory_space<vmem>>, %arg12: memref<1x32xf32, #tpu.memory_space<vmem>>) attributes {dimension_semantics = [#tpu.dimension_semantics<arbitrary>], iteration_bounds = array<i64: 20>, scalar_prefetch = 0 : i64, scratch_operands = 1 : i64, tpu.core_type = #tpu.core_type<tc>, window_params = [{transform_indices = @transform_0, window_bounds = array<i64: 5000, 16>}, {transform_indices = @transform_1, window_bounds = array<i64: 5000, 16>}, {transform_indices = @transform_2, window_bounds = array<i64: 5000, 16>}, {transform_indices = @transform_3, window_bounds = array<i64: 5000, 16>}, {transform_indices = @transform_4, window_bounds = array<i64: 5000, 1>}, {pipeline_mode = #tpu.pipeline_mode<synchronous>, transform_indices = @transform_5, window_bounds = array<i64: 16, 32>}, {pipeline_mode = #tpu.pipeline_mode<synchronous>, transform_indices = @transform_6, window_bounds = array<i64: 16, 32>}, {pipeline_mode = #tpu.pipeline_mode<synchronous>, transform_indices = @transform_7, window_bounds = array<i64: 1, 32>}, {pipeline_mode = #tpu.pipeline_mode<synchronous>, transform_indices = @transform_8, window_bounds = array<i64: 32, 10>}, {pipeline_mode = #tpu.pipeline_mode<synchronous>, transform_indices = @transform_9, window_bounds = array<i64: 1, 10>}, {pipeline_mode = #tpu.pipeline_mode<synchronous>, transform_indices = @transform_10, window_bounds = array<i64: 1, 10>}]} {
    %eq3A = arith.constant 0 : i32
    %eq3A_0 = arith.cmpi eq, %arg0, %eq3A : i32
    %convert_element_type3A = arith.extui %eq3A_0 : i1 to i32
    %cond3A = arith.constant 0 : i32
    %cond3A_1 = arith.cmpi ne, %convert_element_type3A, %cond3A : i32
    scf.if %cond3A_1 {
      %broadcast_in_dim3A_51 = arith.constant 0.000000e+00 : f32
      %broadcast_in_dim3A_52 = vector.broadcast %broadcast_in_dim3A_51 : f32 to vector<1x32xf32>
      %swap3A_53 = arith.constant 0 : index
      %swap3A_54 = arith.constant 0 : index
      %swap3A_55 = vector.load %arg12[%swap3A_53, %swap3A_54] : memref<1x32xf32, #tpu.memory_space<vmem>>, vector<1x32xf32>
      tpu.vector_store %arg12[%swap3A_53, %swap3A_54], %broadcast_in_dim3A_52 {strides = array<i32>} : memref<1x32xf32, #tpu.memory_space<vmem>>, vector<1x32xf32>,
    } else {
    }
    %get3A = arith.constant 0 : index
    %get3A_2 = arith.constant 0 : index
    %get3A_3 = vector.load %arg1[%get3A, %get3A_2] : memref<5000x16xbf16, #tpu.memory_space<vmem>>, vector<5000x16xbf16>
    %get3A_4 = arith.constant 0 : index
    %get3A_5 = arith.constant 0 : index
    %get3A_6 = vector.load %arg3[%get3A_4, %get3A_5] : memref<5000x16xbf16, #tpu.memory_space<vmem>>, vector<5000x16xbf16>
    %convert_element_type3A_7 = arith.extf %get3A_6 : vector<5000x16xbf16> to vector<5000x16xf32>
    %convert_element_type3A_8 = arith.extf %get3A_3 : vector<5000x16xbf16> to vector<5000x16xf32>
    %add3A = arith.addf %convert_element_type3A_8, %convert_element_type3A_7 : vector<5000x16xf32>
    %get3A_9 = arith.constant 0 : index
    %get3A_10 = arith.constant 0 : index
    %get3A_11 = vector.load %arg2[%get3A_9, %get3A_10] : memref<5000x16xbf16, #tpu.memory_space<vmem>>, vector<5000x16xbf16>
    %get3A_12 = arith.constant 0 : index
    %get3A_13 = arith.constant 0 : index
    %get3A_14 = vector.load %arg4[%get3A_12, %get3A_13] : memref<5000x16xbf16, #tpu.memory_space<vmem>>, vector<5000x16xbf16>
    %convert_element_type3A_15 = arith.extf %get3A_14 : vector<5000x16xbf16> to vector<5000x16xf32>
    %convert_element_type3A_16 = arith.extf %get3A_11 : vector<5000x16xbf16> to vector<5000x16xf32>
    %add3A_17 = arith.addf %convert_element_type3A_16, %convert_element_type3A_15 : vector<5000x16xf32>
    %get3A_18 = arith.constant 0 : index
    %get3A_19 = arith.constant 0 : index
    %get3A_20 = vector.load %arg6[%get3A_18, %get3A_19] : memref<16x32xf32, #tpu.memory_space<vmem>>, vector<16x32xf32>
    %dot_general3A = arith.constant dense<0.000000e+00> : vector<5000x32xf32>
    %dot_general3A_21 = tpu.matmul %add3A, %get3A_20, %dot_general3A {dimension_numbers = #tpu.dot_dimension_numbers<[1], [0], [0], [1], [0, 0, 1, 1], [], []>, transpose_lhs_hint = false} : vector<5000x16xf32>, vector<16x32xf32>, vector<5000x32xf32> -> vector<5000x32xf32>
    %get3A_22 = arith.constant 0 : index
    %get3A_23 = arith.constant 0 : index
    %get3A_24 = vector.load %arg7[%get3A_22, %get3A_23] : memref<16x32xf32, #tpu.memory_space<vmem>>, vector<16x32xf32>
    %dot_general3A_25 = arith.constant dense<0.000000e+00> : vector<5000x32xf32>
    %dot_general3A_26 = tpu.matmul %add3A_17, %get3A_24, %dot_general3A_25 {dimension_numbers = #tpu.dot_dimension_numbers<[1], [0], [0], [1], [0, 0, 1, 1], [], []>, transpose_lhs_hint = false} : vector<5000x16xf32>, vector<16x32xf32>, vector<5000x32xf32> -> vector<5000x32xf32>
    %add3A_27 = arith.addf %dot_general3A_21, %dot_general3A_26 : vector<5000x32xf32>
    %get3A_28 = arith.constant 0 : index
    %get3A_29 = arith.constant 0 : index
    %get3A_30 = vector.load %arg5[%get3A_28, %get3A_29] : memref<5000x1xf32, #tpu.memory_space<vmem>>, vector<5000x1xf32>
    %mul3A = vector.broadcast %get3A_30 : vector<5000x1xf32> to vector<5000x32xf32>
    %mul3A_31 = arith.mulf %add3A_27, %mul3A : vector<5000x32xf32>
    %get3A_32 = arith.constant 0 : index
    %get3A_33 = arith.constant 0 : index
    %get3A_34 = vector.load %arg8[%get3A_32, %get3A_33] : memref<1x32xf32, #tpu.memory_space<vmem>>, vector<1x32xf32>
    %add3A_35 = vector.broadcast %get3A_34 : vector<1x32xf32> to vector<5000x32xf32>
    %add3A_36 = arith.addf %mul3A_31, %add3A_35 : vector<5000x32xf32>
    %max3A = arith.constant 0.000000e+00 : f32
    %max3A_37 = vector.broadcast %max3A : f32 to vector<5000x32xf32>
    %max3A_38 = arith.maximumf %add3A_36, %max3A_37 : vector<5000x32xf32>
    %get3A_39 = arith.constant 0 : index
    %get3A_40 = arith.constant 0 : index
    %get3A_41 = vector.load %arg12[%get3A_39, %get3A_40] : memref<1x32xf32, #tpu.memory_space<vmem>>, vector<1x32xf32>
    %reduce_sum3A = arith.constant dense<0.000000e+00> : vector<32xf32>
    %reduce_sum3A_42 = vector.multi_reduction <add>, %max3A_38, %reduce_sum3A [0] : vector<5000x32xf32> to vector<32xf32>
    %broadcast_in_dim3A = vector.shape_cast %reduce_sum3A_42 : vector<32xf32> to vector<1x32xf32>
    %add3A_43 = arith.addf %get3A_41, %broadcast_in_dim3A : vector<1x32xf32>
    %swap3A = arith.constant 0 : index
    %swap3A_44 = arith.constant 0 : index
    %swap3A_45 = vector.load %arg12[%swap3A, %swap3A_44] : memref<1x32xf32, #tpu.memory_space<vmem>>, vector<1x32xf32>
    tpu.vector_store %arg12[%swap3A, %swap3A_44], %add3A_43 {strides = array<i32>} : memref<1x32xf32, #tpu.memory_space<vmem>>, vector<1x32xf32>,
    %eq3A_46 = arith.constant 19 : i32
    %eq3A_47 = arith.cmpi eq, %arg0, %eq3A_46 : i32
    %convert_element_type3A_48 = arith.extui %eq3A_47 : i1 to i32
    %cond3A_49 = arith.constant 0 : i32
    %cond3A_50 = arith.cmpi ne, %convert_element_type3A_48, %cond3A_49 : i32
    scf.if %cond3A_50 {
      %get3A_51 = arith.constant 0 : index
      %get3A_52 = arith.constant 0 : index
      %get3A_53 = vector.load %arg12[%get3A_51, %get3A_52] : memref<1x32xf32, #tpu.memory_space<vmem>>, vector<1x32xf32>
      %mul3A_54 = arith.constant 9.99999974E-6 : f32
      %mul3A_55 = vector.broadcast %mul3A_54 : f32 to vector<1x32xf32>
      %mul3A_56 = arith.mulf %get3A_53, %mul3A_55 : vector<1x32xf32>
      %get3A_57 = arith.constant 0 : index
      %get3A_58 = arith.constant 0 : index
      %get3A_59 = vector.load %arg9[%get3A_57, %get3A_58] : memref<32x10xf32, #tpu.memory_space<vmem>>, vector<32x10xf32>
      %dot_general3A_60 = arith.constant dense<0.000000e+00> : vector<1x10xf32>
      %dot_general3A_61 = tpu.matmul %mul3A_56, %get3A_59, %dot_general3A_60 {dimension_numbers = #tpu.dot_dimension_numbers<[1], [0], [0], [1], [0, 0, 1, 1], [], []>, transpose_lhs_hint = false} : vector<1x32xf32>, vector<32x10xf32>, vector<1x10xf32> -> vector<1x10xf32>
      %get3A_62 = arith.constant 0 : index
      %get3A_63 = arith.constant 0 : index
      %get3A_64 = vector.load %arg10[%get3A_62, %get3A_63] : memref<1x10xf32, #tpu.memory_space<vmem>>, vector<1x10xf32>
      %add3A_65 = arith.addf %dot_general3A_61, %get3A_64 : vector<1x10xf32>
      %swap3A_66 = arith.constant 0 : index
      %swap3A_67 = arith.constant 0 : index
      %swap3A_68 = vector.load %arg11[%swap3A_66, %swap3A_67] : memref<1x10xf32, #tpu.memory_space<vmem>>, vector<1x10xf32>
      tpu.vector_store %arg11[%swap3A_66, %swap3A_67], %add3A_65 {strides = array<i32>} : memref<1x10xf32, #tpu.memory_space<vmem>>, vector<1x10xf32>,
    } else {
    }
    return
  }
  func.func @transform_0(%arg0: i32) -> (i32, i32) {
    %c0_i32 = arith.constant 0 : i32
    %c0_i32_0 = arith.constant 0 : i32
    return %arg0, %c0_i32 : i32, i32
  }
  func.func @transform_1(%arg0: i32) -> (i32, i32) {
    %c0_i32 = arith.constant 0 : i32
    %c0_i32_0 = arith.constant 0 : i32
    return %arg0, %c0_i32 : i32, i32
  }
  func.func @transform_2(%arg0: i32) -> (i32, i32) {
    %c0_i32 = arith.constant 0 : i32
    %c0_i32_0 = arith.constant 0 : i32
    return %arg0, %c0_i32 : i32, i32
  }
  func.func @transform_3(%arg0: i32) -> (i32, i32) {
    %c0_i32 = arith.constant 0 : i32
    %c0_i32_0 = arith.constant 0 : i32
    return %arg0, %c0_i32 : i32, i32
  }
  func.func @transform_4(%arg0: i32) -> (i32, i32) {
    %c0_i32 = arith.constant 0 : i32
    %c0_i32_0 = arith.constant 0 : i32
    return %arg0, %c0_i32 : i32, i32
  }
  func.func @transform_5(%arg0: i32) -> (i32, i32) {
    %c0_i32 = arith.constant 0 : i32
    %c0_i32_0 = arith.constant 0 : i32
    %c0_i32_1 = arith.constant 0 : i32
    return %c0_i32, %c0_i32_0 : i32, i32
  }
  func.func @transform_6(%arg0: i32) -> (i32, i32) {
    %c0_i32 = arith.constant 0 : i32
    %c0_i32_0 = arith.constant 0 : i32
    %c0_i32_1 = arith.constant 0 : i32
    return %c0_i32, %c0_i32_0 : i32, i32
  }
  func.func @transform_7(%arg0: i32) -> (i32, i32) {
    %c0_i32 = arith.constant 0 : i32
    %c0_i32_0 = arith.constant 0 : i32
    %c0_i32_1 = arith.constant 0 : i32
    return %c0_i32, %c0_i32_0 : i32, i32
  }
  func.func @transform_8(%arg0: i32) -> (i32, i32) {
    %c0_i32 = arith.constant 0 : i32
    %c0_i32_0 = arith.constant 0 : i32
    %c0_i32_1 = arith.constant 0 : i32
    return %c0_i32, %c0_i32_0 : i32, i32
  }
  func.func @transform_9(%arg0: i32) -> (i32, i32) {
    %c0_i32 = arith.constant 0 : i32
    %c0_i32_0 = arith.constant 0 : i32
    %c0_i32_1 = arith.constant 0 : i32
    return %c0_i32, %c0_i32_0 : i32, i32
  }
  func.func @transform_10(%arg0: i32) -> (i32, i32) {
    %c0_i32 = arith.constant 0 : i32
    %c0_i32_0 = arith.constant 0 : i32
    %c0_i32_1 = arith.constant 0 : i32
    return %c0_i32, %c0_i32_0 : i32, i32
  }
}

</mosaic_0001>

<sc_bundles>
// kernel: kernel.5.cloned.1.call-start
scs
__scs_entry_jumppad:
0x0: {  	(pc) =	sbr.rel $0x88, $3  }
0x1: {  	(tag) =	ssettag $0x0;
	lr =	simm.s32 $0x1  }
0x2: {  	[smem:$0x3F9A] =	sst lr;
	_ =	strace $0xD0000000  }
0x3: {  	_ = 	snop  }
0x4: {  	_ = 	snop  }
0x5: {  	_ = 	snop  }
0x6: {  	_ = 	snop  }
0x7: {  	_ = 	snop  }
__scs_overlays_trampoline_lowered:
0x8: {  	[smem:$0x3FA9] =	sst s0  }
0x9: {  	[smem:$0x3FAA] =	sst s1  }
0xa: {  	[smem:$0x3FAB] =	sst s2  }
0xb: {  	[smem:$0x3FAC] =	sst s3  }
0xc: {  	[smem:$0x3FAD] =	sst s4  }
0xd: {  	[smem:$0x3FAE] =	sst s5  }
0xe: {  	[smem:$0x3FAF] =	sst s6  }
0xf: {  	[smem:$0x3FB0] =	sst s7  }
0x10: {  	[smem:$0x3FB1] =	sst s8  }
0x11: {  	[smem:$0x3FB2] =	sst s9;
	s0 =	simm.s32 @!p0 $0x0  }
0x12: {  	s1 =	sld [smem:$0x3F98];
	s0 =	simm.s32 @p0 $0x1  }
0x13: {  	[smem:$0x3FB3] =	sst s0;
	s0 =	simm.s32 @!p1 $0x0  }
0x14: {  	s2 =	sld [smem:$0x3F97];
	s0 =	simm.s32 @p1 $0x1  }
0x15: {  	[smem:$0x3FB4] =	sst s0;
	s0 =	simm.s32 @!p2 $0x0  }
0x16: {  	s3 =	sld [smem:$0x3FDB];
	s0 =	simm.s32 @p2 $0x1  }
0x17: {  	s4 =	simm.s32 $0x1BF5;
	[smem:$0x3FB6] =	sst s0  }
0x18: {  	s0 =	sld [smem:$0x3F99];
	_ =	swait.ge [sflag:s4], $0x0  }
0x19: {  	s7 =	sld [smem:$0x3F9A]  }
0x1a: {  	s8 =	sadd.s32 $0xFFFFE003, lr  }
0x1b: {  	s9 =	sadd.s32 $0xFFFFFEF7, lr;
	s5 =	simm.s32 $0xFFFFFFFF;
	p2 =	slt.u32 s8, $0xFFFFF086  }
0x1c: {  	p1 =	slt.u32 s9, $0xF7A;
	s5 =	simm.s32 @!p2 $0x0  }
0x1d: {  	s5 =	simm.s32 @p1 $0x1;
	p0 =	seq.s32 s7, s2  }
0x1e: {  	s7 =	smul.u32 @!p0 $0xF7A, s2;
	p2 =	seq.s32 @!p0 s5, $0x0  }
0x1f: {  	s9 =	smul.u32 $0xF7A, s1;
	s8 =	simm.s32 @!p0 $0x1BF5;
	p2 =	por !p2, p0  }
0x20: {  	[sflag:s8] =	ssyncset.s32 @!p0 $0xFFFFF086;
	s6 =	sadd.s32 @!p0 s3, s7;
	s7 =	simm.s32 @!p0 $0x108  }
0x21: {  	s3 =	sadd.s32 s3, s9;
	s6 =	sadd.s32 @!p0 $0x88, s6;
	s7 =	simm.s32 @p2 $0x1082  }
0x22: {  	[simem:s7], [sflag:s8] =	dma.local @!p0 [hbm:s6], $0xF7A  }
0x23: {  	s9 =	sor.u32 $0xD0000000, s2;
	s6 =	simm.s32 $0x108;
	_ =	swait.ge @!p0 [sflag:s8], $0x0  }
0x24: {  	s3 =	sadd.s32 $0x88, s3;
	s6 =	simm.s32 @!p1 $0x1082;
	[sflag:s4] =	ssyncset.s32 $0xFFFFF086  }
0x25: {  	[simem:s6], [sflag:s4] =	dma.local [hbm:s3], $0xF7A  }
0x26: {  	[smem:$0x3F9A] =	sst s1;
	(tag) =	ssettag s2;
	_ =	strace s9  }
0x27: {  	s1 =	sld [smem:$0x3FAA]  }
0x28: {  	s2 =	sld [smem:$0x3FAB]  }
0x29: {  	s4 =	sld [smem:$0x3FAD]  }
0x2a: {  	p0 =	seq.s32 s5, $0x0;
	s5 =	sld [smem:$0x3FAE]  }
0x2b: {  	s6 =	sld [smem:$0x3FAF]  }
0x2c: {  	s7 =	sld [smem:$0x3FB0]  }
0x2d: {  	s3 =	simm.s32 $0x108;
	s8 =	sld [smem:$0x3FB1]  }
0x2e: {  	s3 =	simm.s32 @!p0 $0x1082;
	s9 =	sld [smem:$0x3FB2]  }
0x2f: {  	lr =	sadd.s32 s0, s3;
	s0 =	sld [smem:$0x3FA9]  }
0x30: {  	s3 =	sld [smem:$0x3FAC]  }
0x31: {  	[smem:$0x3FB5] =	sst s10  }
0x32: {  	s10 =	sld [smem:$0x3FB3];
	_ =	sdelay $0x3  }
0x33: {  	p0 =	seq.s32 s10, $0x1;
	s10 =	sld [smem:$0x3FB5];
	_ =	sdelay $0x3  }
0x34: {  	[smem:$0x3FB5] =	sst s10  }
0x35: {  	s10 =	sld [smem:$0x3FB4];
	_ =	sdelay $0x3  }
0x36: {  	p1 =	seq.s32 s10, $0x1;
	s10 =	sld [smem:$0x3FB5];
	_ =	sdelay $0x3  }
0x37: {  	[smem:$0x3FB5] =	sst s10  }
0x38: {  	s10 =	sld [smem:$0x3FB6]  }
0x39: {  	_ = 	snop;
	(pc) =	sbr.ind lr, $3  }
0x3a: {  	_ = 	snop  }
0x3b: {  	_ = 	snop  }
0x3c: {  	p2 =	seq.s32 s10, $0x1;
	s10 =	sld [smem:$0x3FB5]  }
0x3d: {  	_ =	shalt  }
0x3e: {  	_ =	shalt  }
0x3f: {  	_ =	shalt  }
0x40: {  	_ =	shalt  }
0x41: {  	_ =	shalt  }
0x42: {  	_ =	shalt  }
0x43: {  	_ =	shalt  }
0x44: {  	_ =	shalt  }
0x45: {  	_ =	shalt  }
0x46: {  	_ =	shalt  }
0x47: {  	_ =	shalt  }
0x48: {  	_ =	shalt  }
0x49: {  	_ =	shalt  }
0x4a: {  	_ =	shalt  }
0x4b: {  	_ =	shalt  }
0x4c: {  	_ =	shalt  }
0x4d: {  	_ =	shalt  }
0x4e: {  	_ =	shalt  }
0x4f: {  	_ =	shalt  }
0x50: {  	_ =	shalt  }
0x51: {  	_ =	shalt  }
0x52: {  	_ =	shalt  }
0x53: {  	_ =	shalt  }
0x54: {  	_ =	shalt  }
0x55: {  	_ =	shalt  }
0x56: {  	_ =	shalt  }
0x57: {  	_ =	shalt  }
0x58: {  	_ =	shalt  }
0x59: {  	_ =	shalt  }
0x5a: {  	_ =	shalt  }
0x5b: {  	_ =	shalt  }
0x5c: {  	_ =	shalt  }
0x5d: {  	_ =	shalt  }
0x5e: {  	_ =	shalt  }
0x5f: {  	_ =	shalt  }
0x60: {  	_ =	shalt  }
0x61: {  	_ =	shalt  }
0x62: {  	_ =	shalt  }
0x63: {  	_ =	shalt  }
0x64: {  	_ =	shalt  }
0x65: {  	_ =	shalt  }
0x66: {  	_ =	shalt  }
0x67: {  	_ =	shalt  }
0x68: {  	_ =	shalt  }
0x69: {  	_ =	shalt  }
0x6a: {  	_ =	shalt  }
0x6b: {  	_ =	shalt  }
0x6c: {  	_ =	shalt  }
0x6d: {  	_ =	shalt  }
0x6e: {  	_ =	shalt  }
0x6f: {  	_ =	shalt  }
0x70: {  	_ =	shalt  }
0x71: {  	_ =	shalt  }
0x72: {  	_ =	shalt  }
0x73: {  	_ =	shalt  }
0x74: {  	_ =	shalt  }
0x75: {  	_ =	shalt  }
0x76: {  	_ =	shalt  }
0x77: {  	_ =	shalt  }
0x78: {  	_ =	shalt  }
0x79: {  	_ =	shalt  }
0x7a: {  	_ =	shalt  }
0x7b: {  	_ =	shalt  }
0x7c: {  	_ =	shalt  }
0x7d: {  	_ =	shalt  }
0x7e: {  	_ =	shalt  }
0x7f: {  	_ =	shalt  }
0x80: {  	_ =	shalt  }
0x81: {  	_ =	shalt  }
0x82: {  	_ =	shalt  }
0x83: {  	_ =	shalt  }
0x84: {  	_ =	shalt  }
0x85: {  	_ =	shalt  }
0x86: {  	_ =	shalt  }
0x87: {  	_ =	shalt  }
.Lfunc_end0:
.L_simem_size_0:
called_computation_lowered:
.L_overlay_start_0:
0x88: {  	s2 =	sld [smem:$0x3FD9]  }
0x89: {  	s3 =	sld [smem:$0x3FFE];
	_ =	sdelay $0x1  }
0x8a: {  	s1 =	srdreg.scid  }
0x8b: {  	s0 =	sand.u32 $0x1, s1  }
0x8c: {  	s17 =	sshll.u32 s0, $0xA;
	s2 =	sadd.s32 s3, s2  }
0x8d: {  	s2 =	sadd.s32 s2, s17  }
0x8e: {  	[smem:$0x3FC1] =	sst s2  }
0x8f: {  	_ = 	snop  }
0x90: {  	s2 =	sld [smem:$0x3FD0];
	(tm) =	ssettm $0x1  }
0x91: {  	s18 =	sld [smem:$0x3FFB];
	_ =	sdelay $0x3  }
0x92: {  	_ =	strace s18  }
0x93: {  	s3 =	sld [smem:$0x3FFC];
	_ =	sdelay $0x3  }
0x94: {  	_ =	strace s3  }
0x95: {  	s3 =	sld [smem:$0x3FFD];
	_ =	sdelay $0x3  }
0x96: {  	_ =	strace s3  }
0x97: {  	_ =	strace $0x8FFFFFFF  }
0x98: {  	s19 =	sld [smem:$0x3FDB];
	_ =	sdelay $0x1  }
0x99: {  	s4 =	simm.s32 $_scs_section_size  }
0x9a: {  	s5 =	simm.s32 $_size__tile_overlayer_lowered;
	s6 =	simm.s32 $_tile_overlayer_lowered  }
0x9b: {  	s22 =	simm.s32 $0x1BFF;
	s21 =	sshll.u32 s6, $0x1;
	s3 =	sadd.s32 s4, s19  }
0x9c: {  	s7 =	simm.s32 $0x0;
	s20 =	sshll.u32 s5, $0x1;
	s5 =	sadd.s32 s21, s3  }
0x9d: {  	[timem:s7], [sflag:s22] =	dma.local [hbm:s5], s20  }
0x9e: {  	_ =	swait.ge [sflag:s22], s20  }
0x9f: {  	s4 =	ssub.s32 $0x0, s20;
	[sflag:s22] =	ssyncset.done $0x0  }
0xa0: {  	[sflag:s22] =	ssyncadd.s32 s4;
	_ =	sdelay $0x1  }
0xa1: {  	s23 =	simm.s32 $0x1B8B  }
0xa2: {  	_ =	swait.ge [sflag:s23], $0x1  }
0xa3: {  	[sflag:s23] =	ssyncset.done $0x0  }
0xa4: {  	s25 =	simm.s32 $0x1B8E;
	s24 =	sld [smem:$0x3FFE];
	[sflag:s23] =	ssyncadd.s32 $0xFFFFFFFF  }
0xa5: {  	s26 =	simm.s32 $execute0_lowered;
	[smem:$0x3FD2] =	sst s25  }
0xa6: {  	s5 =	sshll.u32 s26, $0x1;
	_ =	strace $0x80000046;
	[dreg:$0x1] =	wrdreg $0xFFFFFFFF  }
0xa7: {  	s28 =	simm.s32 $_size_execute0_lowered;
	s3 =	sadd.s32 s3, s5;
	[dreg:$0x0] =	wrdreg $0x0  }
0xa8: {  	s5 =	sshll.u32 s28, $0x1;
	[dreg:$0x2] =	wrdreg s3  }
0xa9: {  	[dreg:$0x3] =	wrdreg s5  }
0xaa: {  	[dreg:$0x4] =	wrdreg $0xC0  }
0xab: {  	_ =	task [dreg:s7], $0x5FFFF  }
0xac: {  	[dreg:$0x1] =	wrdreg $0xFFFFFFFF  }
0xad: {  	[dreg:$0x0] =	wrdreg $0x60  }
0xae: {  	[dreg:$0x2] =	wrdreg s24  }
0xaf: {  	[dreg:$0x3] =	wrdreg s2  }
0xb0: {  	[dreg:$0x4] =	wrdreg $0x165B80  }
0xb1: {  	[dreg:$0x5] =	wrdreg $0x17E380  }
0xb2: {  	[dreg:$0x6] =	wrdreg $0x196B80  }
0xb3: {  	[dreg:$0x7] =	wrdreg $0x1AF380  }
0xb4: {  	[dreg:$0x8] =	wrdreg $0x9  }
0xb5: {  	_ =	task.clear_ibuf [dreg:s7], $0x9FFFF;
	_ =	strace $0x90000046  }
0xb6: {  	s29 =	simm.s32 $0x9;
	_ =	strace $0x80000048  }
0xb7: {  	_ =	swait.ge [sflag:s29], $0x1  }
0xb8: {  	[sflag:s29] =	ssyncadd.s32 $0xFFFFFFFF  }
0xb9: {  	_ =	strace $0x90000048  }
0xba: {  	_ =	sfence  }
0xbb: {  	s30 =	sld [smem:$0x0];
	_ =	sdelay $0x2  }
0xbc: {  	s31 =	sshll.u32 s1, $0xD;
	s1 =	sshrl.u32 s1, $0x2  }
0xbd: {  	s3 =	sand.u32 $0x4000, s31;
	s1 =	sadd.s32 s1, s30  }
0xbe: {  	s0 =	sor.u32 s3, s0;
	s1 =	sshll.u32 s1, $0x11  }
0xbf: {  	s0 =	sor.u32 s1, s0  }
0xc0: {  	s0 =	sadd.s32 $0x8F2B, s0  }
0xc1: {  	[sflag:s0] =	ssyncadd.remote.s32 $0x1  }
0xc2: {  	_ =	sfence.sel $0xFFFF  }
0xc3: {  	[dreg:$0x0] =	wrdreg $0xFFFFFFFF;
	(pc) =	sbr.abs _section_cstart, $3  }
0xc4: {  	[dreg:$0x1] =	wrdreg $0xFFFFFFFF  }
0xc5: {  	_ =	task.clear_ibuf [dreg:s7], $0x2FFFF;
	_ =	strace $0x9FFFFFFF  }
0xc6: {  	(tm) =	ssettm $0x7FFFFFFF  }
0xc7: {  	_ =	shalt  }
tec
execute0_lowered:
.L_overlay_start_1:
0x0: {  	(tag) =	ssettag $0x1  }
0x1: {  	s0 =	rddreg [dreg:$0x0]  }
0x2: {  	s2 =	rddreg [dreg:$0x2]  }
0x3: {  	s3 =	rddreg [dreg:$0x3]  }
0x4: {  	s4 =	rddreg [dreg:$0x4]  }
0x5: {  	s5 =	rddreg [dreg:$0x5];
	s6 =	simm.s32 $0x0;
	s14 =	stileid.u32  }
0x6: {  	s9 =	srdreg.scid;
	s30 =	simm.s32 $0x7;
	s31 =	simm.s32 $0x7530  }
0x7: {  	s28 =	simm.s32 $0x0;
	[smem:$0x7FF] =	sst s6;
	s1 =	sadd.s32 $0x33200, s0  }
0x8: {  	s7 =	sadd.s32 $0x2400, s0;
	s8 =	sadd.s32 $0x64400, s0;
	s16 =	sadd.s32 $0x64200, s0  }
0x9: {  	s17 =	sadd.s32 $0x64000, s0;
	s18 =	sadd.s32 $0x67800, s0;
	s15 =	sadd.s32 $0x80400, s0  }
0xa: {  	s10 =	smul.u32 $0x186A0, s14;
	_ =	strace $0x80000047;
	[dreg:$0x7] =	wrdreg s8  }
0xb: {  	s9 =	sand.u32 $0x1, s9;
	s20 =	smul.u32 $0x30D4, s14;
	[dreg:$0x8] =	wrdreg s16  }
0xc: {  	s21 =	smul.u32 $0x18800, s14;
	s23 =	sshll.u32 s14, $0x6;
	[dreg:$0x9] =	wrdreg s17  }
0xd: {  	[dreg:$0xa] =	wrdreg s18;
	s8 =	smul.u32 $0x1880, s14;
	s16 =	sadd.s32 $0x67C00, s0  }
0xe: {  	s12 =	ssub.s32 $0x2, s9;
	p0 =	sne.s32 s9, $0x0;
	[dreg:$0xb] =	wrdreg s15  }
0xf: {  	s19 =	sshrl.u32 s12, $0x1;
	s13 =	sshrl.u32 s10, $0x3;
	s10 =	sadd.s32 $0x17318, s10  }
0x10: {  	s18 =	sadd.s32 s20, s7;
	s26 =	sshrl.u32 s21, $0x4;
	[dreg:$0xc] =	wrdreg s16  }
0x11: {  	s24 =	sadd.s32 s1, s13;
	s25 =	sadd.s32 s7, s13;
	s13 =	sadd.s32 s8, s5  }
0x12: {  	s11 =	sshrl.u32 s8, $0x3;
	s14 =	sadd.s32 s16, s8;
	[dreg:$0x15] =	wrdreg s13  }
0x13: {  	s10 =	sshrl.u32 s10, $0x3;
	s29 =	sadd.s32 s8, s2;
	[dreg:$0x16] =	wrdreg s14  }
0x14: {  	s0 =	sadd.s32 s11, s0;
	s17 =	sadd.s32 s1, s10;
	[dreg:$0x12] =	wrdreg s29  }
0x15: {  	s11 =	ssub.s32 s12, s19;
	s10 =	sadd.s32 s7, s10;
	[dreg:$0xd] =	wrdreg s17  }
0x16: {  	s19 =	sadd.s32 s20, s1;
	s1 =	sor.u32 $0x1C07, s23;
	[dreg:$0xe] =	wrdreg s10  }
0x17: {  	s9 =	sadd.s32 $0x620, s26;
	s7 =	sadd.s32 $0x1260, s26;
	[dreg:$0x14] =	wrdreg s1  }
0x18: {  	s12 =	sadd.s32 s8, s3;
	s20 =	sadd.s32 s15, s8;
	[dreg:$0x11] =	wrdreg s7  }
0x19: {  	s21 =	sadd.s32 s16, s9;
	s13 =	simm.s32 $0x5;
	[dreg:$0x13] =	wrdreg s12  }
0x1a: {  	s22 =	sadd.s32 $0x64600, s0;
	s0 =	sadd.s32 $0x98C00, s0;
	[dreg:$0x17] =	wrdreg s20  }
0x1b: {  	s10 =	sadd.s32 $0xC40, s26;
	s17 =	sadd.s32 s8, s4;
	[dreg:$0x18] =	wrdreg s21  }
0x1c: {  	s26 =	smax.u32 s11, $0x1;
	s7 =	simm.s32 $0x1;
	[dreg:$0xf] =	wrdreg s22  }
0x1d: {  	s1 =	simm.s32 $0x3A98;
	s12 =	simm.s32 $0x4E20;
	[dreg:$0x10] =	wrdreg s0  }
.Ltmp0:
0x1e: {  	s0 =	sadd.s32 s15, s9;
	[dreg:$0x1c] =	wrdreg s26;
	(pc) =	sbr.rel .LBB2_1-.Ltmp0, $4  }
0x1f: {  	s8 =	simm.s32 $0x2;
	s22 =	sadd.s32 s16, s10;
	[dreg:$0x19] =	wrdreg s0  }
0x20: {  	s11 =	simm.s32 $0x2710;
	s23 =	sadd.s32 s15, s10;
	[dreg:$0x1a] =	wrdreg s22  }
0x21: {  	s9 =	simm.s32 $0x6;
	s10 =	simm.s32 $0x3;
	[dreg:$0x1b] =	wrdreg s23  }
0x22: {  	vm0 =	vmmov $0xff;
	s0 =	simm.s32 $0x1388;
	s22 =	simm.s32 $0x61A8;
	s23 =	simm.s32 $0x4  }
.LBB2_25:
0x23: {  	v16 =	vmul.f32 v13, v0;
	v17 =	vbroadcast v8, $0xD  }
0x24: {  	v35 =	vbroadcast v8, $0x5;
	v18 =	vbroadcast v4, $0x6  }
0x25: {  	v19 =	vbroadcast v4, $0x0;
	v36 =	vmul.f32 v13, v3  }
0x26: {  	v37 =	vbroadcast v4, $0x1;
	v20 =	vbroadcast v4, $0xC  }
0x27: {  	v21 =	vbroadcast v4, $0x7;
	v23 =	vbroadcast v4, $0xE  }
0x28: {  	v9 =	vmul.f32 v9, v3;
	v24 =	vbroadcast v4, $0xA  }
0x29: {  	v38 =	vbroadcast v4, $0x5;
	v25 =	vbroadcast v4, $0x4  }
0x2a: {  	v26 =	vmul.f32 v11, v0;
	v39 =	vmul.f32 v11, v3  }
0x2b: {  	v40 =	vbroadcast v4, $0x8;
	v27 =	vbroadcast v4, $0xF  }
0x2c: {  	v41 =	vbroadcast v4, $0xB;
	v28 =	vbroadcast v4, $0x9  }
0x2d: {  	v14 =	vadd.f32 v14, v1;
	v42 =	vmul.f32 v6, v3;
	v43 =	vmul.f32 v5, v3  }
0x2e: {  	v15 =	vadd.f32 v15, v2;
	v30 =	vbroadcast v4, $0x2;
	v44 =	vbroadcast v4, $0x3  }
0x2f: {  	v7 =	vadd.f32 v7, v1;
	v45 =	vmul.f32 v6, v0;
	v53 =	vmul.f32 v5, v0  }
0x30: {  	v55 =	vbroadcast v4, $0xD;
	v12 =	vsel vm0, v12, v17;
	v16 =	vadd.f32 v16, v1  }
0x31: {  	v13 =	vadd.f32 v36, v2;
	v8 =	vsel vm0, v10, v35;
	v14 =	vmax.f32 v14, $0.0e+00  }
0x32: {  	v10 =	vsel vm0, v25, v38;
	v17 =	vsel vm0, v19, v37;
	v11 =	vadd.f32 v39, v2  }
0x33: {  	v9 =	vadd.f32 v9, v2;
	v18 =	vsel vm0, v18, v21;
	v26 =	vadd.f32 v26, v1  }
0x34: {  	v25 =	vsel vm0, v40, v28;
	v7 =	vmax.f32 v7, $0.0e+00;
	v19 =	vsel vm0, v24, v41  }
0x35: {  	v15 =	vmax.f32 v15, $0.0e+00;
	v6 =	vadd.f32 v45, v1;
	v47 =	vsel vm0, v30, v44  }
0x36: {  	v48 =	vadd.f32 v42, v2;
	v56 =	vsel vm0, v20, v55;
	v22 =	vmul.f32 v12, v3  }
0x37: {  	v60 =	vsel vm0, v23, v27;
	v12 =	vmul.f32 v12, v0;
	v29 =	vmul.f32 v8, v0  }
0x38: {  	v8 =	vmul.f32 v8, v3;
	v7 =	vmul.f32 v7, v25;
	v3 =	vadd.f32 v43, v2  }
0x39: {  	v14 =	vmul.f32 v14, v17;
	v15 =	vmul.f32 v15, v17;
	v0 =	vadd.f32 v53, v1  }
0x3a: {  	v16 =	vmax.f32 v16, $0.0e+00;
	v26 =	vmax.f32 v26, $0.0e+00;
	v9 =	vmax.f32 v9, $0.0e+00  }
0x3b: {  	v13 =	vmax.f32 v13, $0.0e+00;
	v6 =	vmax.f32 v6, $0.0e+00;
	v54 =	vmax.f32 v11, $0.0e+00  }
0x3c: {  	v22 =	vadd.f32 v22, v2;
	v46 =	vadd.f32 v29, v1;
	v16 =	vmul.f32 v16, v19  }
0x3d: {  	v3 =	vmax.f32 v3, $0.0e+00;
	v26 =	vmul.f32 v26, v47;
	v8 =	vadd.f32 v8, v2  }
0x3e: {  	v9 =	vmul.f32 v9, v25;
	v13 =	vmul.f32 v13, v19;
	v51 =	vadd.f32 v12, v1  }
0x3f: {  	v2 =	vmax.f32 v48, $0.0e+00;
	v5 =	vmul.f32 v54, v47;
	v0 =	vmax.f32 v0, $0.0e+00  }
0x40: {  	v61 =	vpack.i.f32.bf16 v15, v14;
	v62 =	vmul.f32 v6, v18;
	v0 =	vmul.f32 v0, v60  }
0x41: {  	v3 =	vmul.f32 v3, v60;
	v2 =	vmul.f32 v2, v18;
	[tilespmem:s29+$0xFFFFFFC0] =	vst v61;
	v52 =	vpack.i.f32.bf16 v13, v16  }
0x42: {  	v49 =	vmax.f32 v46, $0.0e+00;
	v8 =	vmax.f32 v8, $0.0e+00;
	v5 =	vpack.i.f32.bf16 v5, v26;
	[tilespmem:s29+$0x10] =	vst v52  }
0x43: {  	v57 =	vmax.f32 v51, $0.0e+00;
	v58 =	vmax.f32 v22, $0.0e+00;
	v59 =	vpack.i.f32.bf16 v9, v7;
	[tilespmem:s29+$0xFFFFFFD0] =	vst v5  }
0x44: {  	v50 =	vmul.f32 v49, v10;
	v8 =	vmul.f32 v8, v10;
	[tilespmem:s29+$0x0] =	vst v59;
	v0 =	vpack.i.f32.bf16 v3, v0  }
0x45: {  	v4 =	vmul.f32 v57, v56;
	v1 =	vmul.f32 v58, v56;
	v63 =	vpack.i.f32.bf16 v2, v62;
	[tilespmem:s29+$0x30] =	vst v0  }
0x46: {  	[tilespmem:s29+$0xFFFFFFF0] =	vst v63;
	v8 =	vpack.i.f32.bf16 v8, v50  }
0x47: {  	v1 =	vpack.i.f32.bf16 v1, v4;
	[tilespmem:s29+$0xFFFFFFE0] =	vst v8  }
0x48: {  	s14 =	rddreg [dreg:$0xc];
	[tilespmem:s29+$0x20] =	vst v1  }
.LBB2_26:
0x49: {  	s15 =	rddreg [dreg:$0x11]  }
0x4a: {  	s14 =	sadd.s32 s14, s15  }
0x4b: {  	[hbm4b:s14+s6] =	stream.linear.scatter [tilespmem:s21], [sflag:$0x3], $0x3100, $0x38;
	[tilespmem:$0x1C7B8] =	vst v63  }
0x4c: {  	_ =	swait.ge [sflag:s10], $0x3100  }
0x4d: {  	[sflag:s10] =	ssyncset.done $0x0  }
0x4e: {  	[sflag:s10] =	ssyncadd.s32 $0xFFFFCF00  }
0x4f: {  	_ =	swait.ge [sflag:s10], $0x3100  }
0x50: {  	s28 =	sadd.s32 $0x1, s28;
	s26 =	rddreg [dreg:$0x1c]  }
0x51: {  	p1 =	sne.s32 s28, s26  }
.Ltmp1:
0x52: {  	_ = 	snop;
	(pc) =	sbr.rel @!p1 .LBB2_27-.Ltmp1, $3  }
0x53: {  	_ =	sdelay $0x1  }
0x54: {  	[sflag:s10] =	ssyncset.done $0x0  }
0x55: {  	s29 =	rddreg [dreg:$0x12];
	[sflag:s10] =	ssyncadd.s32 $0xFFFFCF00  }
.LBB2_1:
0x56: {  	s15 =	rddreg [dreg:$0xf]  }
0x57: {  	s14 =	sshrl.u32 s29, $0x3;
	s16 =	rddreg [dreg:$0x14]  }
0x58: {  	[spmem:s14], [sflag:s16] =	dma.local [hbm:s15], $0x310  }
0x59: {  	_ =	swait.ge [sflag:s30], $0x310  }
0x5a: {  	[sflag:s30] =	ssyncset.done $0x0;
	s21 =	rddreg [dreg:$0x13]  }
0x5b: {  	[sflag:s30] =	ssyncadd.s32 $0xFFFFFCF0;
	s14 =	sshrl.u32 s21, $0x3  }
0x5c: {  	[spmem:s14], [sflag:s16] =	dma.local [hbm:s15], $0x310  }
0x5d: {  	_ =	swait.ge [sflag:s30], $0x310  }
0x5e: {  	[sflag:s30] =	ssyncset.done $0x0  }
0x5f: {  	s26 =	sshrl.u32 s17, $0x3;
	[sflag:s30] =	ssyncadd.s32 $0xFFFFFCF0  }
0x60: {  	[spmem:s26], [sflag:s16] =	dma.local [hbm:s15], $0x310  }
0x61: {  	_ =	swait.ge [sflag:s30], $0x310  }
0x62: {  	[sflag:s30] =	ssyncset.done $0x0  }
0x63: {  	s15 =	rddreg [dreg:$0xa];
	[sflag:s30] =	ssyncadd.s32 $0xFFFFFCF0  }
0x64: {  	[tilespmem:s31], [sflag:$0x7] =	stream.linear.gather [hbm4b:s15+s6], $0x1388, $0x38;
	[tilespmem:$0x1C7B8] =	vst v63  }
0x65: {  	_ =	swait.ge [sflag:s30], $0x1388  }
0x66: {  	[sflag:s30] =	ssyncset.done $0x0  }
0x67: {  	[sflag:s30] =	ssyncadd.s32 $0xFFFFEC78  }
0x68: {  	s21 =	smov.u32 s17;
	s17 =	simm.s32 $0x10338;
	s16 =	rddreg [dreg:$0x1]  }
0x69: {  	[tilespmem:s17], [sflag:$0x7] =	stream.linear.gather [hbm4b:s16+s6], $0x20, $0x38;
	[tilespmem:$0x1C7B8] =	vst v63  }
0x6a: {  	_ =	swait.ge [sflag:s30], $0x20  }
0x6b: {  	[sflag:s30] =	ssyncset.done $0x0  }
0x6c: {  	s26 =	simm.s32 $0x10358;
	s20 =	rddreg [dreg:$0x7];
	[sflag:s30] =	ssyncadd.s32 $0xFFFFFFE0  }
0x6d: {  	[tilespmem:s26], [sflag:$0x7] =	stream.linear.gather [hbm4b:s20+s6], $0x20, $0x38;
	[tilespmem:$0x1C7B8] =	vst v63  }
0x6e: {  	_ =	swait.ge [sflag:s30], $0x20  }
0x6f: {  	[sflag:s30] =	ssyncset.done $0x0  }
0x70: {  	s16 =	simm.s32 $0x10378;
	s15 =	rddreg [dreg:$0x8];
	[sflag:s30] =	ssyncadd.s32 $0xFFFFFFE0  }
0x71: {  	[tilespmem:s16], [sflag:$0x7] =	stream.linear.gather [hbm4b:s15+s6], $0x20, $0x38;
	[tilespmem:$0x1C7B8] =	vst v63  }
0x72: {  	_ =	swait.ge [sflag:s30], $0x20  }
0x73: {  	[sflag:s30] =	ssyncset.done $0x0  }
0x74: {  	s20 =	simm.s32 $0x10398;
	s17 =	rddreg [dreg:$0x9];
	[sflag:s30] =	ssyncadd.s32 $0xFFFFFFE0  }
0x75: {  	[tilespmem:s20], [sflag:$0x7] =	stream.linear.gather [hbm4b:s17+s6], $0x20, $0x38;
	[tilespmem:$0x1C7B8] =	vst v63  }
0x76: {  	_ =	swait.ge [sflag:s30], $0x20  }
0x77: {  	[sflag:s30] =	ssyncset.done $0x0  }
0x78: {  	[sflag:s30] =	ssyncadd.s32 $0xFFFFFFE0  }
0x79: {  	[bflag:$0x0] =	sbarrier.arrive $0xFFFF  }
0x7a: {  	[tilespmem:s6], [sflag:$0x1] =	stream.linear.gather [hbm4b:s24+s6], $0x1388, $0x38;
	[tilespmem:$0x1C7B8] =	vst v63  }
0x7b: {  	_ = 	snop  }
0x7c: {  	[tilespmem:s0], [sflag:$0x1] =	stream.linear.gather [hbm4b:s25+s6], $0x1388, $0x38;
	[tilespmem:$0x1C7B8] =	vst v63  }
0x7d: {  	_ =	swait.ge [sflag:s7], $0x1388  }
0x7e: {  	[sflag:s7] =	ssyncset.done $0x0  }
0x7f: {  	[sflag:s7] =	ssyncadd.s32 $0xFFFFEC78  }
0x80: {  	_ =	swait.ge [sflag:s7], $0x1388  }
0x81: {  	[sflag:s7] =	ssyncset.done $0x0  }
0x82: {  	[sflag:s7] =	ssyncadd.s32 $0xFFFFEC78  }
0x83: {  	[spmem:s3] =	stream.indirect.scatter.add.f32 [tilespmem:s31], [sflag:$0x5], $0x1, s6, s0, $0xb8;
	[tilespmem:$0x1C7B8] =	vst v63  }
0x84: {  	s20 =	smov.u32 s25;
	s25 =	sadd.s32 $0xFFFFD40E, s19  }
0x85: {  	[spmem:s2] =	stream.indirect.scatter.add.f32 [tilespmem:s31], [sflag:$0x5], $0x1, s0, s0, $0xb8;
	[tilespmem:$0x1C7B8] =	vst v63  }
0x86: {  	s17 =	sadd.s32 $0xFFFFD40E, s18;
	s16 =	sadd.s32 $0x2E63, s25  }
0x87: {  	[tilespmem:s1], [sflag:$0x2] =	stream.linear.gather [hbm4b:s16+s6], $0x1388, $0x38;
	[tilespmem:$0x1C7B8] =	vst v63  }
0x88: {  	s26 =	smov.u32 s24;
	s24 =	sadd.s32 $0x2E63, s17  }
0x89: {  	[tilespmem:s12], [sflag:$0x2] =	stream.linear.gather [hbm4b:s24+s6], $0x1388, $0x38;
	[tilespmem:$0x1C7B8] =	vst v63  }
0x8a: {  	_ =	swait.ge [sflag:s13], $0x1388  }
0x8b: {  	[sflag:s13] =	ssyncset.done $0x0  }
0x8c: {  	[sflag:s13] =	ssyncadd.s32 $0xFFFFEC78  }
0x8d: {  	_ =	swait.ge [sflag:s13], $0x1388  }
0x8e: {  	[sflag:s13] =	ssyncset.done $0x0  }
0x8f: {  	s14 =	sadd.s32 $0x30D4, s25;
	[sflag:s13] =	ssyncadd.s32 $0xFFFFEC78  }
0x90: {  	[tilespmem:s6], [sflag:$0x1] =	stream.linear.gather [hbm4b:s14+s6], $0x1388, $0x38;
	[tilespmem:$0x1C7B8] =	vst v63  }
0x91: {  	s25 =	sadd.s32 $0x30D4, s17  }
0x92: {  	[tilespmem:s0], [sflag:$0x1] =	stream.linear.gather [hbm4b:s25+s6], $0x1388, $0x38;
	[tilespmem:$0x1C7B8] =	vst v63  }
0x93: {  	_ =	swait.ge [sflag:s8], $0x1388  }
0x94: {  	[sflag:s8] =	ssyncset.done $0x0  }
0x95: {  	[sflag:s8] =	ssyncadd.s32 $0xFFFFEC78  }
0x96: {  	_ =	swait.ge [sflag:s8], $0x1388  }
0x97: {  	[sflag:s8] =	ssyncset.done $0x0  }
0x98: {  	[sflag:s8] =	ssyncadd.s32 $0xFFFFEC78  }
0x99: {  	[spmem:s3] =	stream.indirect.scatter.add.f32 [tilespmem:s31], [sflag:$0x6], $0x1, s1, s0, $0xb8;
	[tilespmem:$0x1C7B8] =	vst v63  }
0x9a: {  	_ = 	snop  }
0x9b: {  	[spmem:s2] =	stream.indirect.scatter.add.f32 [tilespmem:s31], [sflag:$0x6], $0x1, s12, s0, $0xb8;
	[tilespmem:$0x1C7B8] =	vst v63  }
0x9c: {  	_ =	swait.ge [sflag:s9], $0x1388  }
0x9d: {  	[sflag:s9] =	ssyncset.done $0x0  }
0x9e: {  	[sflag:s9] =	ssyncadd.s32 $0xFFFFEC78  }
0x9f: {  	_ =	swait.ge [sflag:s9], $0x1388  }
0xa0: {  	s14 =	simm.s32 $0xFFFFD8F0;
	[sflag:s9] =	ssyncset.done $0x0  }
.LBB2_2:
0xa1: {  	p1 =	sne.s32 s14, $0xFFFFFB1E  }
0xa2: {  	[sflag:s9] =	ssyncadd.s32 $0xFFFFEC78;
	s15 =	smov.u32 s14;
	s14 =	sadd.s32 $0x4E2, s14  }
0xa3: {  	_ =	swait.ge [sflag:s7], $0x1388  }
0xa4: {  	[sflag:s7] =	ssyncset.done $0x0  }
0xa5: {  	[sflag:s7] =	ssyncadd.s32 $0xFFFFEC78  }
0xa6: {  	_ =	swait.ge [sflag:s7], $0x1388  }
0xa7: {  	[sflag:s7] =	ssyncset.done $0x0  }
0xa8: {  	[sflag:s7] =	ssyncadd.s32 $0xFFFFEC78  }
0xa9: {  	[spmem:s3] =	stream.indirect.scatter.add.f32 [tilespmem:s31], [sflag:$0x5], $0x1, s6, s0, $0xb8;
	[tilespmem:$0x1C7B8] =	vst v63  }
0xaa: {  	s16 =	sadd.s32 s15, s19  }
0xab: {  	[spmem:s2] =	stream.indirect.scatter.add.f32 [tilespmem:s31], [sflag:$0x5], $0x1, s0, s0, $0xb8;
	[tilespmem:$0x1C7B8] =	vst v63  }
0xac: {  	s15 =	sadd.s32 s15, s18;
	s17 =	sadd.s32 $0x2E63, s16  }
0xad: {  	[tilespmem:s1], [sflag:$0x2] =	stream.linear.gather [hbm4b:s17+s6], $0x1388, $0x38;
	[tilespmem:$0x1C7B8] =	vst v63  }
0xae: {  	s17 =	sadd.s32 $0x2E63, s15  }
0xaf: {  	[tilespmem:s12], [sflag:$0x2] =	stream.linear.gather [hbm4b:s17+s6], $0x1388, $0x38;
	[tilespmem:$0x1C7B8] =	vst v63  }
0xb0: {  	_ =	swait.ge [sflag:s13], $0x1388  }
0xb1: {  	[sflag:s13] =	ssyncset.done $0x0  }
0xb2: {  	[sflag:s13] =	ssyncadd.s32 $0xFFFFEC78  }
0xb3: {  	_ =	swait.ge [sflag:s13], $0x1388  }
0xb4: {  	[sflag:s13] =	ssyncset.done $0x0  }
0xb5: {  	s16 =	sadd.s32 $0x30D4, s16;
	[sflag:s13] =	ssyncadd.s32 $0xFFFFEC78  }
0xb6: {  	[tilespmem:s6], [sflag:$0x1] =	stream.linear.gather [hbm4b:s16+s6], $0x1388, $0x38;
	[tilespmem:$0x1C7B8] =	vst v63  }
0xb7: {  	s15 =	sadd.s32 $0x30D4, s15  }
0xb8: {  	[tilespmem:s0], [sflag:$0x1] =	stream.linear.gather [hbm4b:s15+s6], $0x1388, $0x38;
	[tilespmem:$0x1C7B8] =	vst v63  }
0xb9: {  	_ =	swait.ge [sflag:s8], $0x1388  }
0xba: {  	[sflag:s8] =	ssyncset.done $0x0  }
0xbb: {  	[sflag:s8] =	ssyncadd.s32 $0xFFFFEC78  }
0xbc: {  	_ =	swait.ge [sflag:s8], $0x1388  }
0xbd: {  	[sflag:s8] =	ssyncset.done $0x0  }
0xbe: {  	[sflag:s8] =	ssyncadd.s32 $0xFFFFEC78  }
0xbf: {  	[spmem:s3] =	stream.indirect.scatter.add.f32 [tilespmem:s31], [sflag:$0x6], $0x1, s1, s0, $0xb8;
	[tilespmem:$0x1C7B8] =	vst v63  }
0xc0: {  	_ = 	snop  }
0xc1: {  	[spmem:s2] =	stream.indirect.scatter.add.f32 [tilespmem:s31], [sflag:$0x6], $0x1, s12, s0, $0xb8;
	[tilespmem:$0x1C7B8] =	vst v63  }
.Ltmp2:
0xc2: {  	_ =	swait.ge [sflag:s9], $0x1388;
	(pc) =	sbr.rel @p1 .LBB2_2-.Ltmp2, $4  }
0xc3: {  	[sflag:s9] =	ssyncset.done $0x0  }
0xc4: {  	[sflag:s9] =	ssyncadd.s32 $0xFFFFEC78  }
0xc5: {  	_ =	swait.ge [sflag:s9], $0x1388  }
0xc6: {  	[sflag:s9] =	ssyncset.done $0x0  }
0xc7: {  	[sflag:s9] =	ssyncadd.s32 $0xFFFFEC78  }
0xc8: {  	_ =	swait.ge [sflag:s7], $0x1388  }
0xc9: {  	[sflag:s7] =	ssyncset.done $0x0  }
0xca: {  	[sflag:s7] =	ssyncadd.s32 $0xFFFFEC78  }
0xcb: {  	_ =	swait.ge [sflag:s7], $0x1388  }
0xcc: {  	[sflag:s7] =	ssyncset.done $0x0  }
0xcd: {  	s14 =	simm.s32 $0x0;
	[sflag:s7] =	ssyncadd.s32 $0xFFFFEC78  }
0xce: {  	[spmem:s3] =	stream.indirect.scatter.add.f32 [tilespmem:s31], [sflag:$0x5], $0x1, s14, s0, $0xb8;
	[tilespmem:$0x1C7B8] =	vst v63  }
0xcf: {  	_ = 	snop  }
0xd0: {  	[spmem:s2] =	stream.indirect.scatter.add.f32 [tilespmem:s31], [sflag:$0x5], $0x1, s0, s0, $0xb8;
	[tilespmem:$0x1C7B8] =	vst v63  }
0xd1: {  	s15 =	rddreg [dreg:$0xd]  }
0xd2: {  	[tilespmem:s1], [sflag:$0x2] =	stream.linear.gather [hbm4b:s15+s14], $0x1388, $0x38;
	[tilespmem:$0x1C7B8] =	vst v63  }
0xd3: {  	s16 =	rddreg [dreg:$0xe]  }
0xd4: {  	[tilespmem:s12], [sflag:$0x2] =	stream.linear.gather [hbm4b:s16+s14], $0x1388, $0x38;
	[tilespmem:$0x1C7B8] =	vst v63  }
0xd5: {  	_ =	swait.ge [sflag:s13], $0x1388  }
0xd6: {  	[sflag:s13] =	ssyncset.done $0x0  }
0xd7: {  	[sflag:s13] =	ssyncadd.s32 $0xFFFFEC78  }
0xd8: {  	_ =	swait.ge [sflag:s13], $0x1388  }
0xd9: {  	[sflag:s13] =	ssyncset.done $0x0  }
0xda: {  	[sflag:s13] =	ssyncadd.s32 $0xFFFFEC78  }
0xdb: {  	_ =	swait.ge [sflag:s8], $0x1388  }
0xdc: {  	[sflag:s8] =	ssyncset.done $0x0  }
0xdd: {  	[sflag:s8] =	ssyncadd.s32 $0xFFFFEC78  }
0xde: {  	_ =	swait.ge [sflag:s8], $0x1388  }
0xdf: {  	[sflag:s8] =	ssyncset.done $0x0  }
0xe0: {  	[sflag:s8] =	ssyncadd.s32 $0xFFFFEC78  }
0xe1: {  	[spmem:s3] =	stream.indirect.scatter.add.f32 [tilespmem:s31], [sflag:$0x6], $0x1, s1, s0, $0xb8;
	[tilespmem:$0x1C7B8] =	vst v63  }
0xe2: {  	_ = 	snop  }
0xe3: {  	[spmem:s2] =	stream.indirect.scatter.add.f32 [tilespmem:s31], [sflag:$0x6], $0x1, s12, s0, $0xb8;
	[tilespmem:$0x1C7B8] =	vst v63  }
0xe4: {  	_ =	swait.ge [sflag:s9], $0x1388  }
0xe5: {  	[sflag:s9] =	ssyncset.done $0x0  }
0xe6: {  	[sflag:s9] =	ssyncadd.s32 $0xFFFFEC78  }
0xe7: {  	_ =	swait.ge [sflag:s9], $0x1388  }
0xe8: {  	[sflag:s9] =	ssyncset.done $0x0  }
0xe9: {  	[sflag:s9] =	ssyncadd.s32 $0xFFFFEC78  }
0xea: {  	s17 =	simm.s32 $0x88B8;
	[bflag:$0x0] =	sbarrier.arrive $0xFFFF  }
0xeb: {  	[tilespmem:s17], [sflag:$0x7] =	stream.linear.gather [spmem:s29], $0x1880, $0x38;
	[tilespmem:$0x1C7B8] =	vst v63  }
0xec: {  	_ =	swait.ge [sflag:s30], $0x1880  }
0xed: {  	[sflag:s30] =	ssyncset.done $0x0  }
0xee: {  	s25 =	simm.s32 $0xA138;
	s24 =	rddreg [dreg:$0x13];
	[sflag:s30] =	ssyncadd.s32 $0xFFFFE780  }
0xef: {  	[tilespmem:s25], [sflag:$0x7] =	stream.linear.gather [spmem:s24], $0x1880, $0x38;
	[tilespmem:$0x1C7B8] =	vst v63  }
0xf0: {  	_ =	swait.ge [sflag:s30], $0x1880  }
0xf1: {  	[sflag:s30] =	ssyncset.done $0x0  }
0xf2: {  	s17 =	simm.s32 $0x0;
	[sflag:s30] =	ssyncadd.s32 $0xFFFFE780  }
0xf3: {  	v0 =	vld [tilespmem:s17+$0xA138];
	_ =	sdelay $0x4  }
0xf4: {  	v0 =	vadd.f32 $1.000000000e+00, v0;
	_ =	sdelay $0x1  }
0xf5: {  	v1 =	vmul.f32 $5.000000000e-01, v0;
	v0 =	vshrl.u32 v0, $0x1  }
0xf6: {  	v0 =	vsub.s32 $0x5F3759DF, v0  }
0xf7: {  	v2 =	vmul.f32 v0, v1  }
0xf8: {  	s16 =	simm.s32 $0x10  }
0xf9: {  	v3 =	vld [tilespmem:s16+$0xA138];
	v2 =	vmul.f32 v0, v2;
	_ =	sdelay $0x1  }
0xfa: {  	v2 =	vsub.f32 $1.500000000e+00, v2;
	_ =	sdelay $0x1  }
0xfb: {  	v0 =	vmul.f32 v0, v2  }
0xfc: {  	v2 =	vadd.f32 $1.000000000e+00, v3  }
0xfd: {  	v3 =	vmul.f32 v0, v1  }
0xfe: {  	v4 =	vmul.f32 $5.000000000e-01, v2;
	v2 =	vshrl.u32 v2, $0x1  }
0xff: {  	v2 =	vsub.s32 $0x5F3759DF, v2;
	v3 =	vmul.f32 v3, v0  }
0x100: {  	v5 =	vmul.f32 v2, v4  }
0x101: {  	s29 =	simm.s32 $0x20;
	v3 =	vsub.f32 $1.500000000e+00, v3  }
0x102: {  	v6 =	vld [tilespmem:s29+$0xA138];
	v5 =	vmul.f32 v2, v5  }
0x103: {  	v0 =	vmul.f32 v3, v0  }
0x104: {  	v3 =	vsub.f32 $1.500000000e+00, v5  }
0x105: {  	v1 =	vmul.f32 v0, v1  }
0x106: {  	v2 =	vmul.f32 v2, v3  }
0x107: {  	v5 =	vld [tilespmem:s17+$0x88B8];
	v3 =	vadd.f32 $1.000000000e+00, v6;
	v1 =	vmul.f32 v1, v0  }
0x108: {  	v6 =	vmul.f32 v2, v4  }
0x109: {  	v7 =	vmul.f32 $5.000000000e-01, v3;
	v3 =	vshrl.u32 v3, $0x1;
	v1 =	vsub.f32 $1.500000000e+00, v1  }
0x10a: {  	v3 =	vsub.s32 $0x5F3759DF, v3;
	v6 =	vmul.f32 v6, v2  }
0x10b: {  	v0 =	vmul.f32 v1, v0;
	v1 =	vmul.f32 v3, v7  }
0x10c: {  	v8 =	vadd.f32 $1.000000000e+00, v5;
	v6 =	vsub.f32 $1.500000000e+00, v6  }
0x10d: {  	s14 =	simm.s32 $0x30;
	[tilespmem:s17+$0xB9B8] =	vst v0;
	v1 =	vmul.f32 v3, v1  }
0x10e: {  	v2 =	vmul.f32 v6, v2;
	v6 =	vshrl.u32 v8, $0x1;
	v8 =	vmul.f32 $5.000000000e-01, v8;
	v9 =	vld [tilespmem:s14+$0xA138]  }
0x10f: {  	v0 =	vmul.f32 v0, v5;
	v5 =	vsub.s32 $0x5F3759DF, v6;
	v1 =	vsub.f32 $1.500000000e+00, v1  }
0x110: {  	v4 =	vmul.f32 v2, v4;
	v6 =	vmul.f32 v5, v8  }
0x111: {  	v1 =	vmul.f32 v3, v1  }
0x112: {  	[tilespmem:s17+$0xEAB8] =	vst v0;
	v0 =	vmul.f32 v4, v2;
	v3 =	vmul.f32 v5, v6  }
0x113: {  	v6 =	vld [tilespmem:s16+$0x88B8];
	v4 =	vadd.f32 $1.000000000e+00, v9;
	v9 =	vmul.f32 v1, v7  }
0x114: {  	v10 =	vsub.f32 $1.500000000e+00, v0;
	v3 =	vsub.f32 $1.500000000e+00, v3  }
0x115: {  	v0 =	vmul.f32 $5.000000000e-01, v4;
	v4 =	vshrl.u32 v4, $0x1;
	v9 =	vmul.f32 v9, v1  }
0x116: {  	v2 =	vmul.f32 v10, v2;
	v3 =	vmul.f32 v5, v3;
	v4 =	vsub.s32 $0x5F3759DF, v4  }
0x117: {  	v5 =	vmul.f32 v4, v0;
	v9 =	vsub.f32 $1.500000000e+00, v9  }
0x118: {  	s15 =	simm.s32 $0x40;
	[tilespmem:s16+$0xB9B8] =	vst v2;
	v2 =	vmul.f32 v2, v6;
	v6 =	vadd.f32 $1.000000000e+00, v6;
	v10 =	vmul.f32 v3, v8  }
0x119: {  	v11 =	vld [tilespmem:s15+$0xA138];
	v5 =	vmul.f32 v4, v5;
	v9 =	vmul.f32 v9, v1  }
0x11a: {  	v12 =	vshrl.u32 v6, $0x1;
	v1 =	vmul.f32 $5.000000000e-01, v6;
	v6 =	vmul.f32 v10, v3  }
0x11b: {  	v10 =	vsub.s32 $0x5F3759DF, v12;
	v5 =	vsub.f32 $1.500000000e+00, v5;
	v7 =	vmul.f32 v9, v7  }
0x11c: {  	v12 =	vmul.f32 v10, v1;
	v6 =	vsub.f32 $1.500000000e+00, v6  }
0x11d: {  	[tilespmem:s16+$0xEAB8] =	vst v2;
	v13 =	vmul.f32 v4, v5;
	v4 =	vmul.f32 v7, v9  }
0x11e: {  	v5 =	vadd.f32 $1.000000000e+00, v11;
	v11 =	vld [tilespmem:s29+$0x88B8];
	v7 =	vmul.f32 v10, v12;
	v2 =	vmul.f32 v6, v3  }
0x11f: {  	v6 =	vmul.f32 v13, v0;
	v4 =	vsub.f32 $1.500000000e+00, v4  }
0x120: {  	v3 =	vmul.f32 $5.000000000e-01, v5;
	v12 =	vsub.f32 $1.500000000e+00, v7;
	v8 =	vmul.f32 v2, v8  }
0x121: {  	v5 =	vshrl.u32 v5, $0x1;
	v6 =	vmul.f32 v6, v13;
	v9 =	vmul.f32 v4, v9  }
0x122: {  	v7 =	vsub.s32 $0x5F3759DF, v5;
	v4 =	vmul.f32 v10, v12;
	v63 =	vmul.f32 v8, v2  }
0x123: {  	v14 =	vmul.f32 v7, v3;
	v6 =	vsub.f32 $1.500000000e+00, v6;
	v15 =	vmul.f32 v9, v11  }
0x124: {  	s24 =	simm.s32 $0x50;
	v8 =	vadd.f32 $1.000000000e+00, v11;
	[tilespmem:s29+$0xB9B8] =	vst v9;
	v10 =	vmul.f32 v4, v1  }
0x125: {  	s25 =	simm.s32 $0x180;
	v9 =	vsub.f32 $1.500000000e+00, v63;
	v11 =	vmul.f32 v7, v14;
	v5 =	vld [tilespmem:s24+$0xA138];
	v6 =	vmul.f32 v6, v13;
	[tilespmem:s29+$0xEAB8] =	vst v15  }
.LBB2_4:
0x126: {  	p1 =	sne.s32 s25, $0x61C0;
	v12 =	vshrl.u32 v8, $0x1;
	v8 =	vmul.f32 $5.000000000e-01, v8;
	v10 =	vmul.f32 v10, v4  }
0x127: {  	v11 =	vsub.f32 $1.500000000e+00, v11;
	v13 =	vmul.f32 v6, v0;
	v12 =	vsub.s32 $0x5F3759DF, v12;
	v0 =	vmovc v3  }
0x128: {  	v9 =	vmul.f32 v9, v2;
	v3 =	vmul.f32 v12, v8;
	v10 =	vsub.f32 $1.500000000e+00, v10  }
0x129: {  	v14 =	vmul.f32 v7, v11;
	v7 =	vmul.f32 v13, v6  }
0x12a: {  	v5 =	vadd.f32 $1.000000000e+00, v5;
	v11 =	vld [tilespmem:s14+$0x88B8];
	v13 =	vmul.f32 v12, v3;
	v2 =	vmul.f32 v10, v4;
	[tilespmem:s17+$0xD238] =	vst v9;
	s17 =	smov.u32 s16;
	s16 =	smov.u32 s29;
	s29 =	smov.u32 s14  }
0x12b: {  	s14 =	smov.u32 s15;
	s15 =	smov.u32 s24;
	v4 =	vmul.f32 v14, v0;
	v7 =	vsub.f32 $1.500000000e+00, v7  }
0x12c: {  	v3 =	vmul.f32 $5.000000000e-01, v5;
	v9 =	vsub.f32 $1.500000000e+00, v13;
	v10 =	vmul.f32 v2, v1;
	v1 =	vmovc v8  }
.Ltmp3:
0x12d: {  	v5 =	vshrl.u32 v5, $0x1;
	v8 =	vmul.f32 v4, v14;
	v6 =	vmul.f32 v7, v6;
	(pc) =	sbr.rel @p1 .LBB2_4-.Ltmp3, $4  }
0x12e: {  	v7 =	vsub.s32 $0x5F3759DF, v5;
	v4 =	vmul.f32 v12, v9;
	v5 =	vmul.f32 v10, v2  }
0x12f: {  	v12 =	vmul.f32 v7, v3;
	v13 =	vsub.f32 $1.500000000e+00, v8;
	[tilespmem:s29+$0xB9B8] =	vst v6;
	v15 =	vmul.f32 v6, v11  }
0x130: {  	s24 =	sshra.s32 s25, $0x2;
	v8 =	vadd.f32 $1.000000000e+00, v11;
	v10 =	vmul.f32 v4, v1;
	v9 =	vsub.f32 $1.500000000e+00, v5  }
0x131: {  	s25 =	sadd.s32 $0x40, s25;
	v11 =	vmul.f32 v7, v12;
	v5 =	vld [tilespmem:s24+$0xA138];
	v6 =	vmul.f32 v13, v14;
	[tilespmem:s29+$0xEAB8] =	vst v15  }
0x132: {  	_ = 	snop  }
0x133: {  	v11 =	vsub.f32 $1.500000000e+00, v11;
	_ =	sdelay $0x1  }
0x134: {  	v7 =	vmul.f32 v7, v11;
	_ =	sdelay $0x1  }
0x135: {  	v0 =	vmul.f32 v6, v0;
	v11 =	vmul.f32 v7, v3  }
0x136: {  	v10 =	vmul.f32 v10, v4  }
0x137: {  	v0 =	vmul.f32 v0, v6;
	v11 =	vmul.f32 v11, v7  }
0x138: {  	v12 =	vld [tilespmem:s14+$0x88B8];
	v10 =	vsub.f32 $1.500000000e+00, v10  }
0x139: {  	v0 =	vsub.f32 $1.500000000e+00, v0;
	v11 =	vsub.f32 $1.500000000e+00, v11  }
0x13a: {  	v2 =	vmul.f32 v9, v2;
	v27 =	vmul.f32 v10, v4  }
0x13b: {  	v0 =	vmul.f32 v0, v6;
	v28 =	vmul.f32 v11, v7  }
0x13c: {  	v1 =	vmul.f32 v27, v1  }
0x13d: {  	[tilespmem:s17+$0xD238] =	vst v2;
	v29 =	vmul.f32 v0, v12;
	v30 =	vmul.f32 v28, v3  }
0x13e: {  	[tilespmem:s14+$0xB9B8] =	vst v0  }
0x13f: {  	v31 =	vmul.f32 v1, v27;
	[tilespmem:s14+$0xEAB8] =	vst v29;
	v32 =	vmul.f32 v30, v28  }
0x140: {  	v35 =	vld [tilespmem:s15+$0x88B8]  }
0x141: {  	v0 =	vsub.f32 $1.500000000e+00, v31;
	v1 =	vsub.f32 $1.500000000e+00, v32  }
0x142: {  	v34 =	vmul.f32 $5.000000000e-01, v8  }
0x143: {  	v33 =	vshrl.u32 v8, $0x1;
	v0 =	vmul.f32 v0, v27;
	v1 =	vmul.f32 v1, v28  }
0x144: {  	v2 =	vsub.s32 $0x5F3759DF, v33  }
0x145: {  	v8 =	vmul.f32 v2, v34;
	[tilespmem:s16+$0xD238] =	vst v0;
	v38 =	vmul.f32 v1, v35  }
0x146: {  	[tilespmem:s15+$0xB9B8] =	vst v1  }
0x147: {  	v36 =	vmul.f32 v2, v8;
	v42 =	vadd.f32 $1.000000000e+00, v12;
	[tilespmem:s15+$0xEAB8] =	vst v38  }
0x148: {  	v37 =	vadd.f32 $1.000000000e+00, v5;
	v40 =	vld [tilespmem:s24+$0x88B8]  }
0x149: {  	v4 =	vsub.f32 $1.500000000e+00, v36;
	v44 =	vshrl.u32 v42, $0x1;
	v6 =	vmul.f32 $5.000000000e-01, v42  }
0x14a: {  	v39 =	vmul.f32 $5.000000000e-01, v37;
	v9 =	vsub.s32 $0x5F3759DF, v44;
	v0 =	vshrl.u32 v37, $0x1  }
0x14b: {  	v2 =	vmul.f32 v2, v4;
	v46 =	vmul.f32 v9, v6;
	v0 =	vsub.s32 $0x5F3759DF, v0  }
0x14c: {  	v41 =	vmul.f32 v0, v39;
	v7 =	vadd.f32 $1.000000000e+00, v35  }
0x14d: {  	v43 =	vmul.f32 v2, v34;
	v11 =	vmul.f32 v9, v46;
	v45 =	vadd.f32 $1.000000000e+00, v40  }
0x14e: {  	v5 =	vmul.f32 v0, v41;
	v47 =	vshrl.u32 v7, $0x1;
	v7 =	vmul.f32 $5.000000000e-01, v7  }
0x14f: {  	v12 =	vsub.s32 $0x5F3759DF, v47;
	v13 =	vshrl.u32 v45, $0x1;
	v10 =	vmul.f32 $5.000000000e-01, v45  }
0x150: {  	v5 =	vsub.f32 $1.500000000e+00, v5;
	v48 =	vmul.f32 v12, v7;
	v13 =	vsub.s32 $0x5F3759DF, v13  }
0x151: {  	v8 =	vmul.f32 v43, v2;
	v14 =	vmul.f32 v13, v10  }
0x152: {  	v0 =	vmul.f32 v0, v5;
	v5 =	vmul.f32 v12, v48  }
0x153: {  	v11 =	vsub.f32 $1.500000000e+00, v11;
	v8 =	vsub.f32 $1.500000000e+00, v8;
	v14 =	vmul.f32 v13, v14  }
0x154: {  	v15 =	vmul.f32 v0, v39;
	v5 =	vsub.f32 $1.500000000e+00, v5  }
0x155: {  	v9 =	vmul.f32 v9, v11;
	v2 =	vmul.f32 v8, v2;
	v49 =	vsub.f32 $1.500000000e+00, v14  }
0x156: {  	v15 =	vmul.f32 v15, v0;
	v5 =	vmul.f32 v12, v5  }
0x157: {  	v51 =	vmul.f32 v9, v6;
	v11 =	vmul.f32 v13, v49  }
0x158: {  	v3 =	vmul.f32 v2, v34;
	v50 =	vsub.f32 $1.500000000e+00, v15;
	v52 =	vmul.f32 v5, v7  }
0x159: {  	v12 =	vmul.f32 v51, v9;
	v13 =	vmul.f32 v11, v10  }
0x15a: {  	v0 =	vmul.f32 v50, v0;
	v8 =	vmul.f32 v52, v5  }
0x15b: {  	v12 =	vsub.f32 $1.500000000e+00, v12;
	v13 =	vmul.f32 v13, v11  }
0x15c: {  	v3 =	vmul.f32 v3, v2;
	v1 =	vmul.f32 v0, v39;
	v8 =	vsub.f32 $1.500000000e+00, v8  }
0x15d: {  	v9 =	vmul.f32 v12, v9;
	v53 =	vsub.f32 $1.500000000e+00, v13  }
0x15e: {  	v3 =	vsub.f32 $1.500000000e+00, v3;
	v1 =	vmul.f32 v1, v0;
	v5 =	vmul.f32 v8, v5  }
0x15f: {  	v6 =	vmul.f32 v9, v6;
	v54 =	vmul.f32 v53, v11  }
0x160: {  	v2 =	vmul.f32 v3, v2;
	v1 =	vsub.f32 $1.500000000e+00, v1;
	v55 =	vmul.f32 v5, v7  }
0x161: {  	v6 =	vmul.f32 v6, v9;
	v56 =	vmul.f32 v54, v10  }
0x162: {  	v0 =	vmul.f32 v1, v0;
	v57 =	vmul.f32 v55, v5  }
0x163: {  	v58 =	vsub.f32 $1.500000000e+00, v6;
	v59 =	vmul.f32 v56, v54  }
0x164: {  	[tilespmem:s29+$0xD238] =	vst v2;
	v60 =	vmul.f32 v0, v40;
	v1 =	vsub.f32 $1.500000000e+00, v57  }
0x165: {  	v61 =	vmul.f32 v58, v9;
	[tilespmem:s24+$0xB9B8] =	vst v0;
	v62 =	vsub.f32 $1.500000000e+00, v59  }
0x166: {  	[tilespmem:s24+$0xEAB8] =	vst v60;
	v1 =	vmul.f32 v1, v5  }
0x167: {  	[tilespmem:s14+$0xD238] =	vst v61;
	v63 =	vmul.f32 v62, v54  }
0x168: {  	[tilespmem:s15+$0xD238] =	vst v1  }
0x169: {  	s25 =	rddreg [dreg:$0x15];
	s29 =	simm.s32 $0xEAB8;
	[tilespmem:s24+$0xD238] =	vst v63  }
0x16a: {  	[spmem:s25] =	stream.linear.scatter [tilespmem:s29], [sflag:$0x7], $0x1880, $0x38;
	[tilespmem:$0x1C7B8] =	vst v63  }
0x16b: {  	_ =	swait.ge [sflag:s30], $0x1880  }
0x16c: {  	s14 =	simm.s32 @!p0 $0x0;
	[sflag:s30] =	ssyncset.done $0x0  }
0x16d: {  	s15 =	simm.s32 @!p0 $0xD238;
	s16 =	rddreg [dreg:$0x10];
	[sflag:s30] =	ssyncadd.s32 $0xFFFFE780  }
0x16e: {  	[hbm4b:s16+s14] =	stream.linear.scatter @!p0 [tilespmem:s15], [sflag:$0x7], $0x1880, $0x38;
	[tilespmem:$0x1C7B8] =	vst v63  }
0x16f: {  	s14 =	simm.s32 @!p0 $0x7  }
0x170: {  	_ =	swait.ge @!p0 [sflag:s14], $0x1880  }
0x171: {  	[sflag:s14] =	ssyncset.done @!p0 $0x0  }
0x172: {  	[sflag:s14] =	ssyncadd.s32 @!p0 $0xFFFFE780  }
0x173: {  	[bflag:$0x0] =	sbarrier.arrive $0xFFFF  }
0x174: {  	[tilespmem:s6], [sflag:$0x1] =	stream.linear.gather [hbm4b:s26+s6], $0x1388, $0x38;
	[tilespmem:$0x1C7B8] =	vst v63  }
0x175: {  	_ = 	snop  }
0x176: {  	[tilespmem:s0], [sflag:$0x1] =	stream.linear.gather [hbm4b:s20+s6], $0x1388, $0x38;
	[tilespmem:$0x1C7B8] =	vst v63  }
0x177: {  	_ =	swait.ge [sflag:s7], $0x1388  }
0x178: {  	[sflag:s7] =	ssyncset.done $0x0  }
0x179: {  	[sflag:s7] =	ssyncadd.s32 $0xFFFFEC78  }
0x17a: {  	_ =	swait.ge [sflag:s7], $0x1388  }
0x17b: {  	[sflag:s7] =	ssyncset.done $0x0  }
0x17c: {  	s16 =	sadd.s32 $0xFFFFD40E, s19;
	[sflag:s7] =	ssyncadd.s32 $0xFFFFEC78  }
0x17d: {  	[tilespmem:s11], [sflag:$0x3] =	stream.indirect.gather [spmem:s5], $0x1, s6, s0, $0xb8;
	[tilespmem:$0x1C7B8] =	vst v63  }
0x17e: {  	s25 =	smov.u32 s20;
	s17 =	sadd.s32 $0x2E63, s16;
	s20 =	sadd.s32 $0xFFFFD40E, s18  }
0x17f: {  	[tilespmem:s1], [sflag:$0x2] =	stream.linear.gather [hbm4b:s17+s6], $0x1388, $0x38;
	[tilespmem:$0x1C7B8] =	vst v63  }
0x180: {  	s24 =	smov.u32 s26;
	s26 =	sadd.s32 $0x2E63, s20  }
0x181: {  	[tilespmem:s12], [sflag:$0x2] =	stream.linear.gather [hbm4b:s26+s6], $0x1388, $0x38;
	[tilespmem:$0x1C7B8] =	vst v63  }
0x182: {  	_ =	swait.ge [sflag:s10], $0x1388  }
0x183: {  	[sflag:s10] =	ssyncset.done $0x0  }
0x184: {  	[sflag:s10] =	ssyncadd.s32 $0xFFFFEC78  }
0x185: {  	[spmem:s4] =	stream.indirect.scatter.add.f32 [tilespmem:s11], [sflag:$0x5], $0x1, s0, s0, $0xb8;
	[tilespmem:$0x1C7B8] =	vst v63  }
0x186: {  	_ =	swait.ge [sflag:s8], $0x1388  }
0x187: {  	[sflag:s8] =	ssyncset.done $0x0  }
0x188: {  	[sflag:s8] =	ssyncadd.s32 $0xFFFFEC78  }
0x189: {  	_ =	swait.ge [sflag:s8], $0x1388  }
0x18a: {  	[sflag:s8] =	ssyncset.done $0x0  }
0x18b: {  	[sflag:s8] =	ssyncadd.s32 $0xFFFFEC78  }
0x18c: {  	[tilespmem:s22], [sflag:$0x4] =	stream.indirect.gather [spmem:s5], $0x1, s1, s0, $0xb8;
	[tilespmem:$0x1C7B8] =	vst v63  }
0x18d: {  	_ =	swait.ge [sflag:s13], $0x1388  }
0x18e: {  	[sflag:s13] =	ssyncset.done $0x0  }
0x18f: {  	s14 =	sadd.s32 $0x30D4, s16;
	[sflag:s13] =	ssyncadd.s32 $0xFFFFEC78  }
0x190: {  	[tilespmem:s6], [sflag:$0x1] =	stream.linear.gather [hbm4b:s14+s6], $0x1388, $0x38;
	[tilespmem:$0x1C7B8] =	vst v63  }
0x191: {  	s29 =	sadd.s32 $0x30D4, s20  }
0x192: {  	[tilespmem:s0], [sflag:$0x1] =	stream.linear.gather [hbm4b:s29+s6], $0x1388, $0x38;
	[tilespmem:$0x1C7B8] =	vst v63  }
0x193: {  	_ =	swait.ge [sflag:s23], $0x1388  }
0x194: {  	[sflag:s23] =	ssyncset.done $0x0  }
0x195: {  	[sflag:s23] =	ssyncadd.s32 $0xFFFFEC78  }
0x196: {  	[spmem:s4] =	stream.indirect.scatter.add.f32 [tilespmem:s22], [sflag:$0x6], $0x1, s12, s0, $0xb8;
	[tilespmem:$0x1C7B8] =	vst v63  }
0x197: {  	_ =	swait.ge [sflag:s9], $0x1388  }
0x198: {  	s14 =	simm.s32 $0xFFFFD8F0;
	[sflag:s9] =	ssyncset.done $0x0  }
.LBB2_6:
0x199: {  	p1 =	sne.s32 s14, $0xFFFFFB1E  }
0x19a: {  	[sflag:s9] =	ssyncadd.s32 $0xFFFFEC78;
	s15 =	smov.u32 s14;
	s14 =	sadd.s32 $0x4E2, s14  }
0x19b: {  	_ =	swait.ge [sflag:s7], $0x1388  }
0x19c: {  	[sflag:s7] =	ssyncset.done $0x0  }
0x19d: {  	[sflag:s7] =	ssyncadd.s32 $0xFFFFEC78  }
0x19e: {  	_ =	swait.ge [sflag:s7], $0x1388  }
0x19f: {  	[sflag:s7] =	ssyncset.done $0x0  }
0x1a0: {  	s16 =	sadd.s32 s15, s19;
	[sflag:s7] =	ssyncadd.s32 $0xFFFFEC78  }
0x1a1: {  	[tilespmem:s11], [sflag:$0x3] =	stream.indirect.gather [spmem:s5], $0x1, s6, s0, $0xb8;
	[tilespmem:$0x1C7B8] =	vst v63  }
0x1a2: {  	s15 =	sadd.s32 s15, s18;
	s17 =	sadd.s32 $0x2E63, s16  }
0x1a3: {  	[tilespmem:s1], [sflag:$0x2] =	stream.linear.gather [hbm4b:s17+s6], $0x1388, $0x38;
	[tilespmem:$0x1C7B8] =	vst v63  }
0x1a4: {  	s17 =	sadd.s32 $0x2E63, s15  }
0x1a5: {  	[tilespmem:s12], [sflag:$0x2] =	stream.linear.gather [hbm4b:s17+s6], $0x1388, $0x38;
	[tilespmem:$0x1C7B8] =	vst v63  }
0x1a6: {  	_ =	swait.ge [sflag:s10], $0x1388  }
0x1a7: {  	[sflag:s10] =	ssyncset.done $0x0  }
0x1a8: {  	[sflag:s10] =	ssyncadd.s32 $0xFFFFEC78  }
0x1a9: {  	[spmem:s4] =	stream.indirect.scatter.add.f32 [tilespmem:s11], [sflag:$0x5], $0x1, s0, s0, $0xb8;
	[tilespmem:$0x1C7B8] =	vst v63  }
0x1aa: {  	_ =	swait.ge [sflag:s8], $0x1388  }
0x1ab: {  	[sflag:s8] =	ssyncset.done $0x0  }
0x1ac: {  	[sflag:s8] =	ssyncadd.s32 $0xFFFFEC78  }
0x1ad: {  	_ =	swait.ge [sflag:s8], $0x1388  }
0x1ae: {  	[sflag:s8] =	ssyncset.done $0x0  }
0x1af: {  	[sflag:s8] =	ssyncadd.s32 $0xFFFFEC78  }
0x1b0: {  	[tilespmem:s22], [sflag:$0x4] =	stream.indirect.gather [spmem:s5], $0x1, s1, s0, $0xb8;
	[tilespmem:$0x1C7B8] =	vst v63  }
0x1b1: {  	_ =	swait.ge [sflag:s13], $0x1388  }
0x1b2: {  	[sflag:s13] =	ssyncset.done $0x0  }
0x1b3: {  	s16 =	sadd.s32 $0x30D4, s16;
	[sflag:s13] =	ssyncadd.s32 $0xFFFFEC78  }
0x1b4: {  	[tilespmem:s6], [sflag:$0x1] =	stream.linear.gather [hbm4b:s16+s6], $0x1388, $0x38;
	[tilespmem:$0x1C7B8] =	vst v63  }
0x1b5: {  	s15 =	sadd.s32 $0x30D4, s15  }
0x1b6: {  	[tilespmem:s0], [sflag:$0x1] =	stream.linear.gather [hbm4b:s15+s6], $0x1388, $0x38;
	[tilespmem:$0x1C7B8] =	vst v63  }
0x1b7: {  	_ =	swait.ge [sflag:s23], $0x1388  }
.Ltmp4:
0x1b8: {  	[sflag:s23] =	ssyncset.done $0x0;
	(pc) =	sbr.rel @p1 .LBB2_6-.Ltmp4, $4  }
0x1b9: {  	[sflag:s23] =	ssyncadd.s32 $0xFFFFEC78  }
0x1ba: {  	[spmem:s4] =	stream.indirect.scatter.add.f32 [tilespmem:s22], [sflag:$0x6], $0x1, s12, s0, $0xb8;
	[tilespmem:$0x1C7B8] =	vst v63  }
0x1bb: {  	_ =	swait.ge [sflag:s9], $0x1388  }
0x1bc: {  	[sflag:s9] =	ssyncset.done $0x0  }
0x1bd: {  	[sflag:s9] =	ssyncadd.s32 $0xFFFFEC78  }
0x1be: {  	_ =	swait.ge [sflag:s7], $0x1388  }
0x1bf: {  	[sflag:s7] =	ssyncset.done $0x0  }
0x1c0: {  	[sflag:s7] =	ssyncadd.s32 $0xFFFFEC78  }
0x1c1: {  	_ =	swait.ge [sflag:s7], $0x1388  }
0x1c2: {  	[sflag:s7] =	ssyncset.done $0x0  }
0x1c3: {  	[sflag:s7] =	ssyncadd.s32 $0xFFFFEC78  }
0x1c4: {  	[tilespmem:s11], [sflag:$0x3] =	stream.indirect.gather [spmem:s5], $0x1, s6, s0, $0xb8;
	[tilespmem:$0x1C7B8] =	vst v63  }
0x1c5: {  	s14 =	rddreg [dreg:$0xd]  }
0x1c6: {  	[tilespmem:s1], [sflag:$0x2] =	stream.linear.gather [hbm4b:s14+s6], $0x1388, $0x38;
	[tilespmem:$0x1C7B8] =	vst v63  }
0x1c7: {  	s26 =	rddreg [dreg:$0xe]  }
0x1c8: {  	[tilespmem:s12], [sflag:$0x2] =	stream.linear.gather [hbm4b:s26+s6], $0x1388, $0x38;
	[tilespmem:$0x1C7B8] =	vst v63  }
0x1c9: {  	_ =	swait.ge [sflag:s10], $0x1388  }
0x1ca: {  	[sflag:s10] =	ssyncset.done $0x0  }
0x1cb: {  	[sflag:s10] =	ssyncadd.s32 $0xFFFFEC78  }
0x1cc: {  	[spmem:s4] =	stream.indirect.scatter.add.f32 [tilespmem:s11], [sflag:$0x5], $0x1, s0, s0, $0xb8;
	[tilespmem:$0x1C7B8] =	vst v63  }
0x1cd: {  	_ =	swait.ge [sflag:s8], $0x1388  }
0x1ce: {  	[sflag:s8] =	ssyncset.done $0x0  }
0x1cf: {  	[sflag:s8] =	ssyncadd.s32 $0xFFFFEC78  }
0x1d0: {  	_ =	swait.ge [sflag:s8], $0x1388  }
0x1d1: {  	[sflag:s8] =	ssyncset.done $0x0  }
0x1d2: {  	[sflag:s8] =	ssyncadd.s32 $0xFFFFEC78  }
0x1d3: {  	[tilespmem:s22], [sflag:$0x4] =	stream.indirect.gather [spmem:s5], $0x1, s1, s0, $0xb8;
	[tilespmem:$0x1C7B8] =	vst v63  }
0x1d4: {  	_ =	swait.ge [sflag:s13], $0x1388  }
0x1d5: {  	[sflag:s13] =	ssyncset.done $0x0  }
0x1d6: {  	[sflag:s13] =	ssyncadd.s32 $0xFFFFEC78  }
0x1d7: {  	_ =	swait.ge [sflag:s23], $0x1388  }
0x1d8: {  	[sflag:s23] =	ssyncset.done $0x0  }
0x1d9: {  	[sflag:s23] =	ssyncadd.s32 $0xFFFFEC78  }
0x1da: {  	[spmem:s4] =	stream.indirect.scatter.add.f32 [tilespmem:s22], [sflag:$0x6], $0x1, s12, s0, $0xb8;
	[tilespmem:$0x1C7B8] =	vst v63  }
0x1db: {  	_ =	swait.ge [sflag:s9], $0x1388  }
0x1dc: {  	[sflag:s9] =	ssyncset.done $0x0  }
0x1dd: {  	[sflag:s9] =	ssyncadd.s32 $0xFFFFEC78  }
.Ltmp5:
0x1de: {  	s29 =	simm.s32 $0x88B8;
	[bflag:$0x0] =	sbarrier.arrive $0xFFFF;
	(pc) =	sbr.rel @p0 .LBB2_17-.Ltmp5, $4  }
0x1df: {  	[tilespmem:s29], [sflag:$0x7] =	stream.linear.gather [spmem:s21], $0x1880, $0x38;
	[tilespmem:$0x1C7B8] =	vst v63  }
0x1e0: {  	_ =	swait.ge [sflag:s30], $0x1880  }
0x1e1: {  	s17 =	smov.u32 s21;
	[sflag:s30] =	ssyncset.done $0x0  }
0x1e2: {  	s20 =	simm.s32 $0x103B8;
	s16 =	simm.s32 $0x0;
	[sflag:s30] =	ssyncadd.s32 $0xFFFFE780  }
0x1e3: {  	v0 =	vld [tilespmem:s16+$0x88B8]  }
0x1e4: {  	v1 =	vld [tilespmem:s16+$0xEAB8];
	_ =	sdelay $0x1  }
0x1e5: {  	v2 =	vld [tilespmem:s16+$0xD238];
	_ =	sdelay $0x2  }
0x1e6: {  	v0 =	vadd.f32 v1, v0;
	_ =	sdelay $0x1  }
0x1e7: {  	v8 =	vmul.f32 v2, v0;
	_ =	sdelay $0x1  }
0x1e8: {  	v1 =	vbroadcast v8, $0x9;
	v5 =	vbroadcast v8, $0xE  }
0x1e9: {  	v2 =	vbroadcast v8, $0x1;
	v4 =	vbroadcast v8, $0xB  }
0x1ea: {  	v0 =	vld [tilespmem:$0x10338];
	v6 =	vbroadcast v8, $0x0;
	v7 =	vbroadcast v8, $0x8  }
0x1eb: {  	v3 =	vld [tilespmem:$0x10358];
	v11 =	vbroadcast v8, $0x6;
	v13 =	vbroadcast v8, $0xA  }
0x1ec: {  	v15 =	vsel vm0, v6, v2;
	v2 =	vbroadcast v8, $0x7;
	v9 =	vsel vm0, v7, v1;
	v1 =	vld [tilespmem:$0x10378]  }
0x1ed: {  	v12 =	vbroadcast v8, $0xC;
	v17 =	vbroadcast v8, $0xF;
	v13 =	vsel vm0, v13, v4;
	v4 =	vld [tilespmem:s16+$0xB9B8]  }
0x1ee: {  	v16 =	vbroadcast v8, $0x3;
	v18 =	vbroadcast v8, $0x2;
	v6 =	vsel vm0, v11, v2;
	v2 =	vld [tilespmem:$0x10398]  }
0x1ef: {  	s14 =	simm.s32 $0x103F8;
	v10 =	vbroadcast v8, $0x4;
	v5 =	vsel vm0, v5, v17;
	v14 =	vmul.f32 v15, v0  }
0x1f0: {  	s15 =	simm.s32 $0x40;
	s29 =	simm.s32 $0x103F8;
	s21 =	simm.s32 $0x134B8;
	v7 =	vmul.f32 v9, v0;
	v15 =	vmul.f32 v15, v3;
	v11 =	vsel vm0, v18, v16  }
.LBB2_9:
0x1f1: {  	p1 =	sne.s32 s15, $0x1840  }
0x1f2: {  	v14 =	vadd.f32 v14, v1;
	v16 =	vmul.f32 v13, v0;
	v17 =	vbroadcast v8, $0xD;
	s14 =	sadd.s32 $0x80, s14;
	s16 =	smov.u32 s15;
	s15 =	sadd.s32 $0x40, s15  }
0x1f3: {  	v8 =	vbroadcast v8, $0x5;
	v15 =	vadd.f32 v15, v2;
	v18 =	vbroadcast v4, $0x6  }
0x1f4: {  	v13 =	vmul.f32 v13, v3;
	v19 =	vbroadcast v4, $0x0;
	v12 =	vsel vm0, v12, v17  }
0x1f5: {  	v20 =	vbroadcast v4, $0xC;
	v17 =	vbroadcast v4, $0x1;
	v16 =	vadd.f32 v16, v1  }
0x1f6: {  	v21 =	vbroadcast v4, $0x7;
	v13 =	vadd.f32 v13, v2;
	v22 =	vmul.f32 v12, v3  }
0x1f7: {  	v23 =	vbroadcast v4, $0xE;
	v12 =	vmul.f32 v12, v0  }
0x1f8: {  	v9 =	vmul.f32 v9, v3;
	v24 =	vbroadcast v4, $0xA;
	v22 =	vadd.f32 v22, v2  }
0x1f9: {  	v25 =	vbroadcast v4, $0x4;
	v8 =	vsel vm0, v10, v8;
	v10 =	vbroadcast v4, $0x5  }
0x1fa: {  	v26 =	vmul.f32 v11, v0;
	v11 =	vmul.f32 v11, v3;
	v14 =	vmax.f32 v14, $0.0e+00  }
0x1fb: {  	v27 =	vbroadcast v4, $0xF;
	v10 =	vsel vm0, v25, v10;
	v25 =	vbroadcast v4, $0x8  }
0x1fc: {  	v11 =	vadd.f32 v11, v2;
	v17 =	vsel vm0, v19, v17;
	v19 =	vbroadcast v4, $0xB  }
0x1fd: {  	v7 =	vadd.f32 v7, v1;
	v28 =	vbroadcast v4, $0x9;
	v9 =	vadd.f32 v9, v2  }
0x1fe: {  	v29 =	vmul.f32 v8, v0;
	v18 =	vsel vm0, v18, v21;
	v21 =	vmul.f32 v6, v3  }
0x1ff: {  	v30 =	vmul.f32 v5, v3;
	v26 =	vadd.f32 v26, v1;
	v8 =	vmul.f32 v8, v3  }
0x200: {  	v31 =	vbroadcast v4, $0x2;
	v7 =	vmax.f32 v7, $0.0e+00;
	v25 =	vsel vm0, v25, v28  }
0x201: {  	v16 =	vmax.f32 v16, $0.0e+00;
	v28 =	vadd.f32 v30, v2;
	v7 =	vmul.f32 v7, v25  }
0x202: {  	v6 =	vmul.f32 v6, v0;
	v30 =	vbroadcast v4, $0x3;
	v19 =	vsel vm0, v24, v19  }
0x203: {  	v15 =	vmax.f32 v15, $0.0e+00;
	v24 =	vadd.f32 v29, v1;
	v16 =	vmul.f32 v16, v19  }
0x204: {  	v14 =	vmul.f32 v14, v17;
	v6 =	vadd.f32 v6, v1;
	v28 =	vmax.f32 v28, $0.0e+00  }
0x205: {  	v26 =	vmax.f32 v26, $0.0e+00;
	v15 =	vmul.f32 v15, v17;
	v17 =	vsel vm0, v31, v30  }
0x206: {  	v8 =	vadd.f32 v8, v2;
	v21 =	vadd.f32 v21, v2;
	v26 =	vmul.f32 v26, v17  }
0x207: {  	v9 =	vmax.f32 v9, $0.0e+00;
	v13 =	vmax.f32 v13, $0.0e+00;
	v24 =	vmax.f32 v24, $0.0e+00  }
0x208: {  	v8 =	vmax.f32 v8, $0.0e+00;
	v9 =	vmul.f32 v9, v25;
	v13 =	vmul.f32 v13, v19  }
0x209: {  	v8 =	vmul.f32 v8, v10;
	v19 =	vmul.f32 v24, v10;
	v10 =	vadd.f32 v12, v1  }
0x20a: {  	v5 =	vmul.f32 v5, v0;
	v6 =	vmax.f32 v6, $0.0e+00;
	v12 =	vpack.i.f32.bf16 v13, v16  }
0x20b: {  	v11 =	vmax.f32 v11, $0.0e+00;
	v4 =	vbroadcast v4, $0xD;
	v13 =	vmax.f32 v21, $0.0e+00  }
0x20c: {  	v5 =	vadd.f32 v5, v1;
	v11 =	vmul.f32 v11, v17;
	v8 =	vpack.i.f32.bf16 v8, v19;
	[tilespmem:s29+$0x10] =	vst v12  }
0x20d: {  	v4 =	vsel vm0, v20, v4;
	[tilespmem:s29+$0xFFFFFFE0] =	vst v8;
	v8 =	vmax.f32 v10, $0.0e+00;
	v10 =	vmax.f32 v22, $0.0e+00  }
0x20e: {  	v11 =	vpack.i.f32.bf16 v11, v26;
	v8 =	vmul.f32 v8, v4;
	v4 =	vmul.f32 v10, v4  }
0x20f: {  	v5 =	vmax.f32 v5, $0.0e+00;
	v7 =	vpack.i.f32.bf16 v9, v7;
	v9 =	vsel vm0, v23, v27;
	[tilespmem:s29+$0xFFFFFFD0] =	vst v11  }
0x210: {  	v5 =	vmul.f32 v5, v9;
	[tilespmem:s29+$0x0] =	vst v7;
	v4 =	vpack.i.f32.bf16 v4, v8;
	v7 =	vmul.f32 v28, v9  }
0x211: {  	v6 =	vmul.f32 v6, v18;
	v8 =	vpack.i.f32.bf16 v15, v14;
	v9 =	vmul.f32 v13, v18;
	[tilespmem:s29+$0x20] =	vst v4  }
0x212: {  	[tilespmem:s29+$0xFFFFFFC0] =	vst v8;
	v4 =	vpack.i.f32.bf16 v7, v5  }
0x213: {  	s16 =	sshra.s32 s16, $0x2;
	v5 =	vpack.i.f32.bf16 v9, v6;
	[tilespmem:s29+$0x30] =	vst v4  }
0x214: {  	[tilespmem:s29+$0xFFFFFFF0] =	vst v5;
	s29 =	smov.u32 s14  }
0x215: {  	v4 =	vld [tilespmem:s16+$0x88B8]  }
0x216: {  	v5 =	vld [tilespmem:s16+$0xEAB8]  }
0x217: {  	v6 =	vld [tilespmem:s16+$0xD238];
	_ =	sdelay $0x3  }
0x218: {  	v4 =	vadd.f32 v5, v4;
	_ =	sdelay $0x1  }
0x219: {  	v8 =	vmul.f32 v6, v4;
	_ =	sdelay $0x1  }
0x21a: {  	v5 =	vbroadcast v8, $0x9;
	v16 =	vbroadcast v8, $0xE  }
0x21b: {  	v4 =	vbroadcast v8, $0x1;
	v11 =	vbroadcast v8, $0xB  }
0x21c: {  	v6 =	vbroadcast v8, $0x0;
	v7 =	vbroadcast v8, $0x8  }
0x21d: {  	v13 =	vbroadcast v8, $0x6;
	v12 =	vbroadcast v8, $0xC  }
.Ltmp6:
0x21e: {  	v17 =	vbroadcast v8, $0x3;
	v15 =	vsel vm0, v6, v4;
	v6 =	vbroadcast v8, $0x7;
	(pc) =	sbr.rel @p1 .LBB2_9-.Ltmp6, $4  }
0x21f: {  	v18 =	vbroadcast v8, $0xF;
	v9 =	vsel vm0, v7, v5;
	v5 =	vbroadcast v8, $0xA;
	v4 =	vld [tilespmem:s16+$0xB9B8]  }
0x220: {  	v19 =	vbroadcast v8, $0x2;
	v10 =	vbroadcast v8, $0x4;
	v6 =	vsel vm0, v13, v6  }
0x221: {  	v14 =	vmul.f32 v15, v0;
	v7 =	vmul.f32 v9, v0;
	v13 =	vsel vm0, v5, v11  }
0x222: {  	v15 =	vmul.f32 v15, v3;
	v11 =	vsel vm0, v19, v17;
	v5 =	vsel vm0, v16, v18  }
0x223: {  	v16 =	vmul.f32 v13, v0  }
0x224: {  	v17 =	vbroadcast v8, $0xD;
	v8 =	vbroadcast v8, $0x5  }
0x225: {  	v13 =	vmul.f32 v13, v3;
	v9 =	vmul.f32 v9, v3  }
0x226: {  	v26 =	vmul.f32 v11, v0;
	v11 =	vmul.f32 v11, v3  }
0x227: {  	v58 =	vmul.f32 v6, v3;
	v30 =	vmul.f32 v5, v3  }
0x228: {  	v6 =	vmul.f32 v6, v0;
	v5 =	vmul.f32 v5, v0  }
0x229: {  	v18 =	vbroadcast v4, $0x6;
	v19 =	vbroadcast v4, $0x0  }
0x22a: {  	v20 =	vbroadcast v4, $0xC;
	v21 =	vbroadcast v4, $0x7  }
0x22b: {  	v23 =	vbroadcast v4, $0xE;
	v24 =	vbroadcast v4, $0xA  }
0x22c: {  	v14 =	vadd.f32 v14, v1;
	v25 =	vbroadcast v4, $0x4;
	v56 =	vbroadcast v4, $0x8  }
0x22d: {  	v7 =	vadd.f32 v7, v1;
	v27 =	vbroadcast v4, $0xF;
	v57 =	vbroadcast v4, $0xB  }
0x22e: {  	v15 =	vadd.f32 v15, v2;
	v28 =	vbroadcast v4, $0x9;
	v31 =	vbroadcast v4, $0x2  }
0x22f: {  	v60 =	vbroadcast v4, $0x3;
	v12 =	vsel vm0, v12, v17;
	v17 =	vbroadcast v4, $0x1  }
0x230: {  	v16 =	vadd.f32 v16, v1;
	v13 =	vadd.f32 v13, v2;
	v8 =	vsel vm0, v10, v8  }
0x231: {  	v10 =	vbroadcast v4, $0x5;
	v14 =	vmax.f32 v14, $0.0e+00;
	v11 =	vadd.f32 v11, v2  }
0x232: {  	v9 =	vadd.f32 v9, v2;
	v26 =	vadd.f32 v26, v1;
	v7 =	vmax.f32 v7, $0.0e+00  }
0x233: {  	v59 =	vadd.f32 v30, v2;
	v6 =	vadd.f32 v6, v1;
	v4 =	vbroadcast v4, $0xD  }
0x234: {  	v5 =	vadd.f32 v5, v1;
	v22 =	vmul.f32 v12, v3;
	v12 =	vmul.f32 v12, v0  }
0x235: {  	v29 =	vmul.f32 v8, v0;
	v18 =	vsel vm0, v18, v21;
	v8 =	vmul.f32 v8, v3  }
0x236: {  	v15 =	vmax.f32 v15, $0.0e+00;
	v21 =	vadd.f32 v58, v2;
	v10 =	vsel vm0, v25, v10  }
0x237: {  	v17 =	vsel vm0, v19, v17;
	v25 =	vsel vm0, v56, v28;
	v16 =	vmax.f32 v16, $0.0e+00  }
0x238: {  	v19 =	vsel vm0, v24, v57;
	v28 =	vmax.f32 v59, $0.0e+00;
	v26 =	vmax.f32 v26, $0.0e+00  }
0x239: {  	v9 =	vmax.f32 v9, $0.0e+00;
	v13 =	vmax.f32 v13, $0.0e+00;
	v6 =	vmax.f32 v6, $0.0e+00  }
0x23a: {  	v11 =	vmax.f32 v11, $0.0e+00;
	v4 =	vsel vm0, v20, v4;
	v5 =	vmax.f32 v5, $0.0e+00  }
0x23b: {  	v22 =	vadd.f32 v22, v2;
	v7 =	vmul.f32 v7, v25;
	v61 =	vadd.f32 v29, v1  }
0x23c: {  	v16 =	vmul.f32 v16, v19;
	v14 =	vmul.f32 v14, v17;
	v8 =	vadd.f32 v8, v2  }
0x23d: {  	v15 =	vmul.f32 v15, v17;
	v17 =	vsel vm0, v31, v60;
	v9 =	vmul.f32 v9, v25  }
0x23e: {  	v13 =	vmul.f32 v13, v19;
	v24 =	vmax.f32 v61, $0.0e+00;
	v8 =	vmax.f32 v8, $0.0e+00  }
0x23f: {  	v62 =	vmul.f32 v24, v10;
	v8 =	vmul.f32 v8, v10;
	v10 =	vadd.f32 v12, v1  }
0x240: {  	v26 =	vmul.f32 v26, v17;
	v11 =	vmul.f32 v11, v17;
	v12 =	vpack.i.f32.bf16 v13, v16  }
0x241: {  	[tilespmem:s29+$0x10] =	vst v12;
	v12 =	vmax.f32 v22, $0.0e+00;
	v8 =	vpack.i.f32.bf16 v8, v62;
	v10 =	vmax.f32 v10, $0.0e+00  }
0x242: {  	[tilespmem:s29+$0xFFFFFFE0] =	vst v8;
	v8 =	vpack.i.f32.bf16 v11, v26;
	v10 =	vmul.f32 v10, v4;
	v4 =	vmul.f32 v12, v4  }
0x243: {  	v7 =	vpack.i.f32.bf16 v9, v7;
	v13 =	vmax.f32 v21, $0.0e+00;
	[tilespmem:s29+$0xFFFFFFD0] =	vst v8;
	v8 =	vsel vm0, v23, v27  }
0x244: {  	[tilespmem:s29+$0x0] =	vst v7;
	v4 =	vpack.i.f32.bf16 v4, v10;
	v5 =	vmul.f32 v5, v8;
	v7 =	vmul.f32 v28, v8  }
0x245: {  	v6 =	vmul.f32 v6, v18;
	v9 =	vmul.f32 v13, v18;
	v8 =	vpack.i.f32.bf16 v15, v14;
	[tilespmem:s29+$0x20] =	vst v4  }
0x246: {  	[tilespmem:s29+$0xFFFFFFC0] =	vst v8;
	v4 =	vpack.i.f32.bf16 v7, v5  }
0x247: {  	v5 =	vpack.i.f32.bf16 v9, v6;
	[tilespmem:s29+$0x30] =	vst v4  }
0x248: {  	s14 =	simm.s32 $0x0;
	s15 =	rddreg [dreg:$0x17];
	s16 =	simm.s32 $0x0;
	[tilespmem:s29+$0xFFFFFFF0] =	vst v5  }
0x249: {  	[hbm4b:s15+s14] =	stream.linear.scatter [tilespmem:s20], [sflag:$0x3], $0x3100, $0x38;
	[tilespmem:$0x1C7B8] =	vst v63  }
0x24a: {  	v4 =	vld [tilespmem:s16+$0x8ED8]  }
0x24b: {  	v5 =	vld [tilespmem:s16+$0xF0D8];
	_ =	sdelay $0x1  }
0x24c: {  	v6 =	vld [tilespmem:s16+$0xD858];
	_ =	sdelay $0x2  }
0x24d: {  	v4 =	vadd.f32 v5, v4;
	_ =	sdelay $0x1  }
0x24e: {  	v8 =	vmul.f32 v6, v4;
	_ =	sdelay $0x1  }
0x24f: {  	v4 =	vbroadcast v8, $0x9;
	v5 =	vbroadcast v8, $0xE  }
0x250: {  	v6 =	vbroadcast v8, $0x1;
	v7 =	vbroadcast v8, $0x0  }
0x251: {  	v11 =	vbroadcast v8, $0xB;
	v9 =	vbroadcast v8, $0x8  }
0x252: {  	v13 =	vbroadcast v8, $0x6;
	v12 =	vbroadcast v8, $0xC;
	v15 =	vsel vm0, v7, v6  }
0x253: {  	v6 =	vbroadcast v8, $0x7;
	v9 =	vsel vm0, v9, v4;
	v4 =	vbroadcast v8, $0xA  }
0x254: {  	v16 =	vbroadcast v8, $0x3;
	v17 =	vbroadcast v8, $0xF  }
0x255: {  	v63 =	vbroadcast v8, $0x2;
	v6 =	vsel vm0, v13, v6;
	v13 =	vsel vm0, v4, v11;
	v4 =	vld [tilespmem:s16+$0xBFD8]  }
0x256: {  	v10 =	vbroadcast v8, $0x4;
	v5 =	vsel vm0, v5, v17;
	v14 =	vmul.f32 v15, v0  }
0x257: {  	s29 =	simm.s32 $0x134F8;
	s14 =	simm.s32 $0x134F8;
	s15 =	simm.s32 $0x40;
	v7 =	vmul.f32 v9, v0;
	v15 =	vmul.f32 v15, v3;
	v11 =	vsel vm0, v63, v16  }
.LBB2_11:
0x258: {  	p1 =	sne.s32 s15, $0x1840  }
0x259: {  	v14 =	vadd.f32 v14, v1;
	v16 =	vmul.f32 v13, v0;
	v17 =	vbroadcast v8, $0xD;
	s14 =	sadd.s32 $0x80, s14;
	s16 =	smov.u32 s15;
	s15 =	sadd.s32 $0x40, s15  }
0x25a: {  	v8 =	vbroadcast v8, $0x5;
	v15 =	vadd.f32 v15, v2;
	v18 =	vbroadcast v4, $0x6  }
0x25b: {  	v13 =	vmul.f32 v13, v3;
	v19 =	vbroadcast v4, $0x0;
	v12 =	vsel vm0, v12, v17  }
0x25c: {  	v20 =	vbroadcast v4, $0xC;
	v17 =	vbroadcast v4, $0x1;
	v16 =	vadd.f32 v16, v1  }
0x25d: {  	v21 =	vbroadcast v4, $0x7;
	v13 =	vadd.f32 v13, v2;
	v22 =	vmul.f32 v12, v3  }
0x25e: {  	v23 =	vbroadcast v4, $0xE;
	v12 =	vmul.f32 v12, v0  }
0x25f: {  	v9 =	vmul.f32 v9, v3;
	v24 =	vbroadcast v4, $0xA;
	v22 =	vadd.f32 v22, v2  }
0x260: {  	v25 =	vbroadcast v4, $0x4;
	v8 =	vsel vm0, v10, v8;
	v10 =	vbroadcast v4, $0x5  }
0x261: {  	v26 =	vmul.f32 v11, v0;
	v11 =	vmul.f32 v11, v3;
	v14 =	vmax.f32 v14, $0.0e+00  }
0x262: {  	v27 =	vbroadcast v4, $0xF;
	v10 =	vsel vm0, v25, v10;
	v25 =	vbroadcast v4, $0x8  }
0x263: {  	v11 =	vadd.f32 v11, v2;
	v17 =	vsel vm0, v19, v17;
	v19 =	vbroadcast v4, $0xB  }
0x264: {  	v7 =	vadd.f32 v7, v1;
	v28 =	vbroadcast v4, $0x9;
	v9 =	vadd.f32 v9, v2  }
0x265: {  	v29 =	vmul.f32 v8, v0;
	v18 =	vsel vm0, v18, v21;
	v21 =	vmul.f32 v6, v3  }
0x266: {  	v30 =	vmul.f32 v5, v3;
	v26 =	vadd.f32 v26, v1;
	v8 =	vmul.f32 v8, v3  }
0x267: {  	v31 =	vbroadcast v4, $0x2;
	v7 =	vmax.f32 v7, $0.0e+00;
	v25 =	vsel vm0, v25, v28  }
0x268: {  	v16 =	vmax.f32 v16, $0.0e+00;
	v28 =	vadd.f32 v30, v2;
	v7 =	vmul.f32 v7, v25  }
0x269: {  	v6 =	vmul.f32 v6, v0;
	v30 =	vbroadcast v4, $0x3;
	v19 =	vsel vm0, v24, v19  }
0x26a: {  	v15 =	vmax.f32 v15, $0.0e+00;
	v24 =	vadd.f32 v29, v1;
	v16 =	vmul.f32 v16, v19  }
0x26b: {  	v14 =	vmul.f32 v14, v17;
	v6 =	vadd.f32 v6, v1;
	v28 =	vmax.f32 v28, $0.0e+00  }
0x26c: {  	v26 =	vmax.f32 v26, $0.0e+00;
	v15 =	vmul.f32 v15, v17;
	v17 =	vsel vm0, v31, v30  }
0x26d: {  	v8 =	vadd.f32 v8, v2;
	v21 =	vadd.f32 v21, v2;
	v26 =	vmul.f32 v26, v17  }
0x26e: {  	v9 =	vmax.f32 v9, $0.0e+00;
	v13 =	vmax.f32 v13, $0.0e+00;
	v24 =	vmax.f32 v24, $0.0e+00  }
0x26f: {  	v8 =	vmax.f32 v8, $0.0e+00;
	v9 =	vmul.f32 v9, v25;
	v13 =	vmul.f32 v13, v19  }
0x270: {  	v8 =	vmul.f32 v8, v10;
	v19 =	vmul.f32 v24, v10;
	v10 =	vadd.f32 v12, v1  }
0x271: {  	v5 =	vmul.f32 v5, v0;
	v6 =	vmax.f32 v6, $0.0e+00;
	v12 =	vpack.i.f32.bf16 v13, v16  }
0x272: {  	v11 =	vmax.f32 v11, $0.0e+00;
	v4 =	vbroadcast v4, $0xD;
	v13 =	vmax.f32 v21, $0.0e+00  }
0x273: {  	v5 =	vadd.f32 v5, v1;
	v11 =	vmul.f32 v11, v17;
	v8 =	vpack.i.f32.bf16 v8, v19;
	[tilespmem:s29+$0x10] =	vst v12  }
0x274: {  	v4 =	vsel vm0, v20, v4;
	[tilespmem:s29+$0xFFFFFFE0] =	vst v8;
	v8 =	vmax.f32 v10, $0.0e+00;
	v10 =	vmax.f32 v22, $0.0e+00  }
0x275: {  	v11 =	vpack.i.f32.bf16 v11, v26;
	v8 =	vmul.f32 v8, v4;
	v4 =	vmul.f32 v10, v4  }
0x276: {  	v5 =	vmax.f32 v5, $0.0e+00;
	v7 =	vpack.i.f32.bf16 v9, v7;
	v9 =	vsel vm0, v23, v27;
	[tilespmem:s29+$0xFFFFFFD0] =	vst v11  }
0x277: {  	v5 =	vmul.f32 v5, v9;
	[tilespmem:s29+$0x0] =	vst v7;
	v4 =	vpack.i.f32.bf16 v4, v8;
	v7 =	vmul.f32 v28, v9  }
0x278: {  	v6 =	vmul.f32 v6, v18;
	v8 =	vpack.i.f32.bf16 v15, v14;
	v9 =	vmul.f32 v13, v18;
	[tilespmem:s29+$0x20] =	vst v4  }
0x279: {  	[tilespmem:s29+$0xFFFFFFC0] =	vst v8;
	v4 =	vpack.i.f32.bf16 v7, v5  }
0x27a: {  	s16 =	sshra.s32 s16, $0x2;
	v5 =	vpack.i.f32.bf16 v9, v6;
	[tilespmem:s29+$0x30] =	vst v4  }
0x27b: {  	[tilespmem:s29+$0xFFFFFFF0] =	vst v5;
	s29 =	smov.u32 s14  }
0x27c: {  	v4 =	vld [tilespmem:s16+$0x8ED8]  }
0x27d: {  	v5 =	vld [tilespmem:s16+$0xF0D8]  }
0x27e: {  	v6 =	vld [tilespmem:s16+$0xD858];
	_ =	sdelay $0x3  }
0x27f: {  	v4 =	vadd.f32 v5, v4;
	_ =	sdelay $0x1  }
0x280: {  	v8 =	vmul.f32 v6, v4;
	_ =	sdelay $0x1  }
0x281: {  	v5 =	vbroadcast v8, $0x9;
	v16 =	vbroadcast v8, $0xE  }
0x282: {  	v4 =	vbroadcast v8, $0x1;
	v11 =	vbroadcast v8, $0xB  }
0x283: {  	v6 =	vbroadcast v8, $0x0;
	v7 =	vbroadcast v8, $0x8  }
0x284: {  	v13 =	vbroadcast v8, $0x6;
	v12 =	vbroadcast v8, $0xC  }
.Ltmp7:
0x285: {  	v17 =	vbroadcast v8, $0x3;
	v15 =	vsel vm0, v6, v4;
	v6 =	vbroadcast v8, $0x7;
	(pc) =	sbr.rel @p1 .LBB2_11-.Ltmp7, $4  }
0x286: {  	v18 =	vbroadcast v8, $0xF;
	v9 =	vsel vm0, v7, v5;
	v5 =	vbroadcast v8, $0xA;
	v4 =	vld [tilespmem:s16+$0xBFD8]  }
0x287: {  	v19 =	vbroadcast v8, $0x2;
	v10 =	vbroadcast v8, $0x4;
	v6 =	vsel vm0, v13, v6  }
0x288: {  	v14 =	vmul.f32 v15, v0;
	v7 =	vmul.f32 v9, v0;
	v13 =	vsel vm0, v5, v11  }
0x289: {  	v15 =	vmul.f32 v15, v3;
	v11 =	vsel vm0, v19, v17;
	v5 =	vsel vm0, v16, v18  }
0x28a: {  	v16 =	vmul.f32 v13, v0  }
0x28b: {  	v17 =	vbroadcast v8, $0xD;
	v8 =	vbroadcast v8, $0x5  }
0x28c: {  	v13 =	vmul.f32 v13, v3;
	v9 =	vmul.f32 v9, v3  }
0x28d: {  	v26 =	vmul.f32 v11, v0;
	v11 =	vmul.f32 v11, v3  }
0x28e: {  	v58 =	vmul.f32 v6, v3;
	v30 =	vmul.f32 v5, v3  }
0x28f: {  	v6 =	vmul.f32 v6, v0;
	v5 =	vmul.f32 v5, v0  }
0x290: {  	v18 =	vbroadcast v4, $0x6;
	v19 =	vbroadcast v4, $0x0  }
0x291: {  	v20 =	vbroadcast v4, $0xC;
	v21 =	vbroadcast v4, $0x7  }
0x292: {  	v23 =	vbroadcast v4, $0xE;
	v24 =	vbroadcast v4, $0xA  }
0x293: {  	v14 =	vadd.f32 v14, v1;
	v25 =	vbroadcast v4, $0x4;
	v56 =	vbroadcast v4, $0x8  }
0x294: {  	v7 =	vadd.f32 v7, v1;
	v27 =	vbroadcast v4, $0xF;
	v57 =	vbroadcast v4, $0xB  }
0x295: {  	v15 =	vadd.f32 v15, v2;
	v28 =	vbroadcast v4, $0x9;
	v31 =	vbroadcast v4, $0x2  }
0x296: {  	v60 =	vbroadcast v4, $0x3;
	v12 =	vsel vm0, v12, v17;
	v17 =	vbroadcast v4, $0x1  }
0x297: {  	v16 =	vadd.f32 v16, v1;
	v13 =	vadd.f32 v13, v2;
	v8 =	vsel vm0, v10, v8  }
0x298: {  	v10 =	vbroadcast v4, $0x5;
	v14 =	vmax.f32 v14, $0.0e+00;
	v11 =	vadd.f32 v11, v2  }
0x299: {  	v9 =	vadd.f32 v9, v2;
	v26 =	vadd.f32 v26, v1;
	v7 =	vmax.f32 v7, $0.0e+00  }
0x29a: {  	v59 =	vadd.f32 v30, v2;
	v6 =	vadd.f32 v6, v1;
	v4 =	vbroadcast v4, $0xD  }
0x29b: {  	v5 =	vadd.f32 v5, v1;
	v22 =	vmul.f32 v12, v3;
	v12 =	vmul.f32 v12, v0  }
0x29c: {  	v29 =	vmul.f32 v8, v0;
	v18 =	vsel vm0, v18, v21;
	v8 =	vmul.f32 v8, v3  }
0x29d: {  	v15 =	vmax.f32 v15, $0.0e+00;
	v21 =	vadd.f32 v58, v2;
	v10 =	vsel vm0, v25, v10  }
0x29e: {  	v17 =	vsel vm0, v19, v17;
	v25 =	vsel vm0, v56, v28;
	v16 =	vmax.f32 v16, $0.0e+00  }
0x29f: {  	v19 =	vsel vm0, v24, v57;
	v28 =	vmax.f32 v59, $0.0e+00;
	v26 =	vmax.f32 v26, $0.0e+00  }
0x2a0: {  	v9 =	vmax.f32 v9, $0.0e+00;
	v13 =	vmax.f32 v13, $0.0e+00;
	v6 =	vmax.f32 v6, $0.0e+00  }
0x2a1: {  	v11 =	vmax.f32 v11, $0.0e+00;
	v4 =	vsel vm0, v20, v4;
	v5 =	vmax.f32 v5, $0.0e+00  }
0x2a2: {  	v22 =	vadd.f32 v22, v2;
	v7 =	vmul.f32 v7, v25;
	v61 =	vadd.f32 v29, v1  }
0x2a3: {  	v16 =	vmul.f32 v16, v19;
	v14 =	vmul.f32 v14, v17;
	v8 =	vadd.f32 v8, v2  }
0x2a4: {  	v15 =	vmul.f32 v15, v17;
	v17 =	vsel vm0, v31, v60;
	v9 =	vmul.f32 v9, v25  }
0x2a5: {  	v13 =	vmul.f32 v13, v19;
	v24 =	vmax.f32 v61, $0.0e+00;
	v8 =	vmax.f32 v8, $0.0e+00  }
0x2a6: {  	v62 =	vmul.f32 v24, v10;
	v8 =	vmul.f32 v8, v10;
	v10 =	vadd.f32 v12, v1  }
0x2a7: {  	v26 =	vmul.f32 v26, v17;
	v11 =	vmul.f32 v11, v17;
	v12 =	vpack.i.f32.bf16 v13, v16  }
0x2a8: {  	[tilespmem:s29+$0x10] =	vst v12;
	v12 =	vmax.f32 v22, $0.0e+00;
	v8 =	vpack.i.f32.bf16 v8, v62;
	v10 =	vmax.f32 v10, $0.0e+00  }
0x2a9: {  	[tilespmem:s29+$0xFFFFFFE0] =	vst v8;
	v8 =	vpack.i.f32.bf16 v11, v26;
	v10 =	vmul.f32 v10, v4;
	v4 =	vmul.f32 v12, v4  }
0x2aa: {  	v7 =	vpack.i.f32.bf16 v9, v7;
	v13 =	vmax.f32 v21, $0.0e+00;
	[tilespmem:s29+$0xFFFFFFD0] =	vst v8;
	v8 =	vsel vm0, v23, v27  }
0x2ab: {  	[tilespmem:s29+$0x0] =	vst v7;
	v4 =	vpack.i.f32.bf16 v4, v10;
	v5 =	vmul.f32 v5, v8;
	v7 =	vmul.f32 v28, v8  }
0x2ac: {  	v6 =	vmul.f32 v6, v18;
	v9 =	vmul.f32 v13, v18;
	v8 =	vpack.i.f32.bf16 v15, v14;
	[tilespmem:s29+$0x20] =	vst v4  }
0x2ad: {  	[tilespmem:s29+$0xFFFFFFC0] =	vst v8;
	v4 =	vpack.i.f32.bf16 v7, v5  }
0x2ae: {  	v5 =	vpack.i.f32.bf16 v9, v6;
	[tilespmem:s29+$0x30] =	vst v4  }
0x2af: {  	s14 =	simm.s32 $0x0;
	s15 =	rddreg [dreg:$0x19];
	[tilespmem:s29+$0xFFFFFFF0] =	vst v5  }
0x2b0: {  	[hbm4b:s15+s14] =	stream.linear.scatter [tilespmem:s21], [sflag:$0x3], $0x3100, $0x38;
	[tilespmem:$0x1C7B8] =	vst v63  }
0x2b1: {  	_ =	swait.ge [sflag:s10], $0x3100  }
0x2b2: {  	[sflag:s10] =	ssyncset.done $0x0  }
0x2b3: {  	s16 =	simm.s32 $0x0;
	[sflag:s10] =	ssyncadd.s32 $0xFFFFCF00  }
0x2b4: {  	v4 =	vld [tilespmem:s16+$0x94F8]  }
0x2b5: {  	v5 =	vld [tilespmem:s16+$0xF6F8];
	_ =	sdelay $0x1  }
0x2b6: {  	v6 =	vld [tilespmem:s16+$0xDE78];
	_ =	sdelay $0x2  }
0x2b7: {  	v4 =	vadd.f32 v5, v4;
	_ =	sdelay $0x1  }
0x2b8: {  	v8 =	vmul.f32 v6, v4;
	_ =	sdelay $0x1  }
0x2b9: {  	v4 =	vbroadcast v8, $0x9;
	v5 =	vbroadcast v8, $0xE  }
0x2ba: {  	v6 =	vbroadcast v8, $0x1;
	v7 =	vbroadcast v8, $0x0  }
0x2bb: {  	v11 =	vbroadcast v8, $0xB;
	v9 =	vbroadcast v8, $0x8  }
0x2bc: {  	v13 =	vbroadcast v8, $0x6;
	v12 =	vbroadcast v8, $0xC;
	v15 =	vsel vm0, v7, v6  }
0x2bd: {  	v6 =	vbroadcast v8, $0x7;
	v9 =	vsel vm0, v9, v4;
	v4 =	vbroadcast v8, $0xA  }
0x2be: {  	v16 =	vbroadcast v8, $0x3;
	v17 =	vbroadcast v8, $0xF  }
0x2bf: {  	v63 =	vbroadcast v8, $0x2;
	v6 =	vsel vm0, v13, v6;
	v13 =	vsel vm0, v4, v11;
	v4 =	vld [tilespmem:s16+$0xC5F8]  }
0x2c0: {  	v10 =	vbroadcast v8, $0x4;
	v5 =	vsel vm0, v5, v17;
	v14 =	vmul.f32 v15, v0  }
0x2c1: {  	s29 =	simm.s32 $0x103F8;
	s14 =	simm.s32 $0x103F8;
	s15 =	simm.s32 $0x40;
	v7 =	vmul.f32 v9, v0;
	v15 =	vmul.f32 v15, v3;
	v11 =	vsel vm0, v63, v16  }
.LBB2_13:
0x2c2: {  	p1 =	sne.s32 s15, $0x1840  }
0x2c3: {  	v14 =	vadd.f32 v14, v1;
	v16 =	vmul.f32 v13, v0;
	v17 =	vbroadcast v8, $0xD;
	s14 =	sadd.s32 $0x80, s14;
	s16 =	smov.u32 s15;
	s15 =	sadd.s32 $0x40, s15  }
0x2c4: {  	v8 =	vbroadcast v8, $0x5;
	v15 =	vadd.f32 v15, v2;
	v18 =	vbroadcast v4, $0x6  }
0x2c5: {  	v13 =	vmul.f32 v13, v3;
	v19 =	vbroadcast v4, $0x0;
	v12 =	vsel vm0, v12, v17  }
0x2c6: {  	v20 =	vbroadcast v4, $0xC;
	v17 =	vbroadcast v4, $0x1;
	v16 =	vadd.f32 v16, v1  }
0x2c7: {  	v21 =	vbroadcast v4, $0x7;
	v13 =	vadd.f32 v13, v2;
	v22 =	vmul.f32 v12, v3  }
0x2c8: {  	v23 =	vbroadcast v4, $0xE;
	v12 =	vmul.f32 v12, v0  }
0x2c9: {  	v9 =	vmul.f32 v9, v3;
	v24 =	vbroadcast v4, $0xA;
	v22 =	vadd.f32 v22, v2  }
0x2ca: {  	v25 =	vbroadcast v4, $0x4;
	v8 =	vsel vm0, v10, v8;
	v10 =	vbroadcast v4, $0x5  }
0x2cb: {  	v26 =	vmul.f32 v11, v0;
	v11 =	vmul.f32 v11, v3;
	v14 =	vmax.f32 v14, $0.0e+00  }
0x2cc: {  	v27 =	vbroadcast v4, $0xF;
	v10 =	vsel vm0, v25, v10;
	v25 =	vbroadcast v4, $0x8  }
0x2cd: {  	v11 =	vadd.f32 v11, v2;
	v17 =	vsel vm0, v19, v17;
	v19 =	vbroadcast v4, $0xB  }
0x2ce: {  	v7 =	vadd.f32 v7, v1;
	v28 =	vbroadcast v4, $0x9;
	v9 =	vadd.f32 v9, v2  }
0x2cf: {  	v29 =	vmul.f32 v8, v0;
	v18 =	vsel vm0, v18, v21;
	v21 =	vmul.f32 v6, v3  }
0x2d0: {  	v30 =	vmul.f32 v5, v3;
	v26 =	vadd.f32 v26, v1;
	v8 =	vmul.f32 v8, v3  }
0x2d1: {  	v31 =	vbroadcast v4, $0x2;
	v7 =	vmax.f32 v7, $0.0e+00;
	v25 =	vsel vm0, v25, v28  }
0x2d2: {  	v16 =	vmax.f32 v16, $0.0e+00;
	v28 =	vadd.f32 v30, v2;
	v7 =	vmul.f32 v7, v25  }
0x2d3: {  	v6 =	vmul.f32 v6, v0;
	v30 =	vbroadcast v4, $0x3;
	v19 =	vsel vm0, v24, v19  }
0x2d4: {  	v15 =	vmax.f32 v15, $0.0e+00;
	v24 =	vadd.f32 v29, v1;
	v16 =	vmul.f32 v16, v19  }
0x2d5: {  	v14 =	vmul.f32 v14, v17;
	v6 =	vadd.f32 v6, v1;
	v28 =	vmax.f32 v28, $0.0e+00  }
0x2d6: {  	v26 =	vmax.f32 v26, $0.0e+00;
	v15 =	vmul.f32 v15, v17;
	v17 =	vsel vm0, v31, v30  }
0x2d7: {  	v8 =	vadd.f32 v8, v2;
	v21 =	vadd.f32 v21, v2;
	v26 =	vmul.f32 v26, v17  }
0x2d8: {  	v9 =	vmax.f32 v9, $0.0e+00;
	v13 =	vmax.f32 v13, $0.0e+00;
	v24 =	vmax.f32 v24, $0.0e+00  }
0x2d9: {  	v8 =	vmax.f32 v8, $0.0e+00;
	v9 =	vmul.f32 v9, v25;
	v13 =	vmul.f32 v13, v19  }
0x2da: {  	v8 =	vmul.f32 v8, v10;
	v19 =	vmul.f32 v24, v10;
	v10 =	vadd.f32 v12, v1  }
0x2db: {  	v5 =	vmul.f32 v5, v0;
	v6 =	vmax.f32 v6, $0.0e+00;
	v12 =	vpack.i.f32.bf16 v13, v16  }
0x2dc: {  	v11 =	vmax.f32 v11, $0.0e+00;
	v4 =	vbroadcast v4, $0xD;
	v13 =	vmax.f32 v21, $0.0e+00  }
0x2dd: {  	v5 =	vadd.f32 v5, v1;
	v11 =	vmul.f32 v11, v17;
	v8 =	vpack.i.f32.bf16 v8, v19;
	[tilespmem:s29+$0x10] =	vst v12  }
0x2de: {  	v4 =	vsel vm0, v20, v4;
	[tilespmem:s29+$0xFFFFFFE0] =	vst v8;
	v8 =	vmax.f32 v10, $0.0e+00;
	v10 =	vmax.f32 v22, $0.0e+00  }
0x2df: {  	v11 =	vpack.i.f32.bf16 v11, v26;
	v8 =	vmul.f32 v8, v4;
	v4 =	vmul.f32 v10, v4  }
0x2e0: {  	v5 =	vmax.f32 v5, $0.0e+00;
	v7 =	vpack.i.f32.bf16 v9, v7;
	v9 =	vsel vm0, v23, v27;
	[tilespmem:s29+$0xFFFFFFD0] =	vst v11  }
0x2e1: {  	v5 =	vmul.f32 v5, v9;
	[tilespmem:s29+$0x0] =	vst v7;
	v4 =	vpack.i.f32.bf16 v4, v8;
	v7 =	vmul.f32 v28, v9  }
0x2e2: {  	v6 =	vmul.f32 v6, v18;
	v8 =	vpack.i.f32.bf16 v15, v14;
	v9 =	vmul.f32 v13, v18;
	[tilespmem:s29+$0x20] =	vst v4  }
0x2e3: {  	[tilespmem:s29+$0xFFFFFFC0] =	vst v8;
	v4 =	vpack.i.f32.bf16 v7, v5  }
0x2e4: {  	s16 =	sshra.s32 s16, $0x2;
	v5 =	vpack.i.f32.bf16 v9, v6;
	[tilespmem:s29+$0x30] =	vst v4  }
0x2e5: {  	[tilespmem:s29+$0xFFFFFFF0] =	vst v5;
	s29 =	smov.u32 s14  }
0x2e6: {  	v4 =	vld [tilespmem:s16+$0x94F8]  }
0x2e7: {  	v5 =	vld [tilespmem:s16+$0xF6F8]  }
0x2e8: {  	v6 =	vld [tilespmem:s16+$0xDE78];
	_ =	sdelay $0x3  }
0x2e9: {  	v4 =	vadd.f32 v5, v4;
	_ =	sdelay $0x1  }
0x2ea: {  	v8 =	vmul.f32 v6, v4;
	_ =	sdelay $0x1  }
0x2eb: {  	v5 =	vbroadcast v8, $0x9;
	v16 =	vbroadcast v8, $0xE  }
0x2ec: {  	v4 =	vbroadcast v8, $0x1;
	v11 =	vbroadcast v8, $0xB  }
0x2ed: {  	v6 =	vbroadcast v8, $0x0;
	v7 =	vbroadcast v8, $0x8  }
0x2ee: {  	v13 =	vbroadcast v8, $0x6;
	v12 =	vbroadcast v8, $0xC  }
.Ltmp8:
0x2ef: {  	v17 =	vbroadcast v8, $0x3;
	v15 =	vsel vm0, v6, v4;
	v6 =	vbroadcast v8, $0x7;
	(pc) =	sbr.rel @p1 .LBB2_13-.Ltmp8, $4  }
0x2f0: {  	v18 =	vbroadcast v8, $0xF;
	v9 =	vsel vm0, v7, v5;
	v5 =	vbroadcast v8, $0xA;
	v4 =	vld [tilespmem:s16+$0xC5F8]  }
0x2f1: {  	v19 =	vbroadcast v8, $0x2;
	v10 =	vbroadcast v8, $0x4;
	v6 =	vsel vm0, v13, v6  }
0x2f2: {  	v14 =	vmul.f32 v15, v0;
	v7 =	vmul.f32 v9, v0;
	v13 =	vsel vm0, v5, v11  }
0x2f3: {  	v15 =	vmul.f32 v15, v3;
	v11 =	vsel vm0, v19, v17;
	v5 =	vsel vm0, v16, v18  }
0x2f4: {  	v16 =	vmul.f32 v13, v0  }
0x2f5: {  	v17 =	vbroadcast v8, $0xD;
	v8 =	vbroadcast v8, $0x5  }
0x2f6: {  	v13 =	vmul.f32 v13, v3;
	v9 =	vmul.f32 v9, v3  }
0x2f7: {  	v26 =	vmul.f32 v11, v0;
	v11 =	vmul.f32 v11, v3  }
0x2f8: {  	v58 =	vmul.f32 v6, v3;
	v30 =	vmul.f32 v5, v3  }
0x2f9: {  	v6 =	vmul.f32 v6, v0;
	v5 =	vmul.f32 v5, v0  }
0x2fa: {  	v18 =	vbroadcast v4, $0x6;
	v19 =	vbroadcast v4, $0x0  }
0x2fb: {  	v20 =	vbroadcast v4, $0xC;
	v21 =	vbroadcast v4, $0x7  }
0x2fc: {  	v23 =	vbroadcast v4, $0xE;
	v24 =	vbroadcast v4, $0xA  }
0x2fd: {  	v14 =	vadd.f32 v14, v1;
	v25 =	vbroadcast v4, $0x4;
	v56 =	vbroadcast v4, $0x8  }
0x2fe: {  	v7 =	vadd.f32 v7, v1;
	v27 =	vbroadcast v4, $0xF;
	v57 =	vbroadcast v4, $0xB  }
0x2ff: {  	v15 =	vadd.f32 v15, v2;
	v28 =	vbroadcast v4, $0x9;
	v31 =	vbroadcast v4, $0x2  }
0x300: {  	v60 =	vbroadcast v4, $0x3;
	v12 =	vsel vm0, v12, v17;
	v17 =	vbroadcast v4, $0x1  }
0x301: {  	v16 =	vadd.f32 v16, v1;
	v13 =	vadd.f32 v13, v2;
	v8 =	vsel vm0, v10, v8  }
0x302: {  	v10 =	vbroadcast v4, $0x5;
	v14 =	vmax.f32 v14, $0.0e+00;
	v11 =	vadd.f32 v11, v2  }
0x303: {  	v9 =	vadd.f32 v9, v2;
	v26 =	vadd.f32 v26, v1;
	v7 =	vmax.f32 v7, $0.0e+00  }
0x304: {  	v59 =	vadd.f32 v30, v2;
	v6 =	vadd.f32 v6, v1;
	v4 =	vbroadcast v4, $0xD  }
0x305: {  	v5 =	vadd.f32 v5, v1;
	v22 =	vmul.f32 v12, v3;
	v12 =	vmul.f32 v12, v0  }
0x306: {  	v29 =	vmul.f32 v8, v0;
	v18 =	vsel vm0, v18, v21;
	v8 =	vmul.f32 v8, v3  }
0x307: {  	v15 =	vmax.f32 v15, $0.0e+00;
	v21 =	vadd.f32 v58, v2;
	v10 =	vsel vm0, v25, v10  }
0x308: {  	v17 =	vsel vm0, v19, v17;
	v25 =	vsel vm0, v56, v28;
	v16 =	vmax.f32 v16, $0.0e+00  }
0x309: {  	v19 =	vsel vm0, v24, v57;
	v28 =	vmax.f32 v59, $0.0e+00;
	v26 =	vmax.f32 v26, $0.0e+00  }
0x30a: {  	v9 =	vmax.f32 v9, $0.0e+00;
	v13 =	vmax.f32 v13, $0.0e+00;
	v6 =	vmax.f32 v6, $0.0e+00  }
0x30b: {  	v11 =	vmax.f32 v11, $0.0e+00;
	v4 =	vsel vm0, v20, v4;
	v5 =	vmax.f32 v5, $0.0e+00  }
0x30c: {  	v22 =	vadd.f32 v22, v2;
	v7 =	vmul.f32 v7, v25;
	v61 =	vadd.f32 v29, v1  }
0x30d: {  	v16 =	vmul.f32 v16, v19;
	v14 =	vmul.f32 v14, v17;
	v8 =	vadd.f32 v8, v2  }
0x30e: {  	v15 =	vmul.f32 v15, v17;
	v17 =	vsel vm0, v31, v60;
	v9 =	vmul.f32 v9, v25  }
0x30f: {  	v13 =	vmul.f32 v13, v19;
	v24 =	vmax.f32 v61, $0.0e+00;
	v8 =	vmax.f32 v8, $0.0e+00  }
0x310: {  	v62 =	vmul.f32 v24, v10;
	v8 =	vmul.f32 v8, v10;
	v10 =	vadd.f32 v12, v1  }
0x311: {  	v26 =	vmul.f32 v26, v17;
	v11 =	vmul.f32 v11, v17;
	v12 =	vpack.i.f32.bf16 v13, v16  }
0x312: {  	[tilespmem:s29+$0x10] =	vst v12;
	v12 =	vmax.f32 v22, $0.0e+00;
	v8 =	vpack.i.f32.bf16 v8, v62;
	v10 =	vmax.f32 v10, $0.0e+00  }
0x313: {  	[tilespmem:s29+$0xFFFFFFE0] =	vst v8;
	v8 =	vpack.i.f32.bf16 v11, v26;
	v10 =	vmul.f32 v10, v4;
	v4 =	vmul.f32 v12, v4  }
0x314: {  	v7 =	vpack.i.f32.bf16 v9, v7;
	v13 =	vmax.f32 v21, $0.0e+00;
	[tilespmem:s29+$0xFFFFFFD0] =	vst v8;
	v8 =	vsel vm0, v23, v27  }
0x315: {  	[tilespmem:s29+$0x0] =	vst v7;
	v4 =	vpack.i.f32.bf16 v4, v10;
	v5 =	vmul.f32 v5, v8;
	v7 =	vmul.f32 v28, v8  }
0x316: {  	v6 =	vmul.f32 v6, v18;
	v9 =	vmul.f32 v13, v18;
	v8 =	vpack.i.f32.bf16 v15, v14;
	[tilespmem:s29+$0x20] =	vst v4  }
0x317: {  	[tilespmem:s29+$0xFFFFFFC0] =	vst v8;
	v4 =	vpack.i.f32.bf16 v7, v5  }
0x318: {  	v5 =	vpack.i.f32.bf16 v9, v6;
	[tilespmem:s29+$0x30] =	vst v4  }
0x319: {  	s14 =	simm.s32 $0x0;
	s15 =	rddreg [dreg:$0x1b];
	[tilespmem:s29+$0xFFFFFFF0] =	vst v5  }
0x31a: {  	[hbm4b:s15+s14] =	stream.linear.scatter [tilespmem:s20], [sflag:$0x3], $0x3100, $0x38;
	[tilespmem:$0x1C7B8] =	vst v63  }
0x31b: {  	_ =	swait.ge [sflag:s10], $0x3100  }
0x31c: {  	[sflag:s10] =	ssyncset.done $0x0  }
0x31d: {  	s16 =	simm.s32 $0x0;
	[sflag:s10] =	ssyncadd.s32 $0xFFFFCF00  }
0x31e: {  	v4 =	vld [tilespmem:s16+$0x9B18]  }
0x31f: {  	v5 =	vld [tilespmem:s16+$0xFD18];
	_ =	sdelay $0x1  }
0x320: {  	v6 =	vld [tilespmem:s16+$0xE498];
	_ =	sdelay $0x2  }
0x321: {  	v4 =	vadd.f32 v5, v4;
	_ =	sdelay $0x1  }
0x322: {  	v8 =	vmul.f32 v6, v4;
	_ =	sdelay $0x1  }
0x323: {  	v4 =	vbroadcast v8, $0x9;
	v5 =	vbroadcast v8, $0xE  }
0x324: {  	v6 =	vbroadcast v8, $0x1;
	v7 =	vbroadcast v8, $0x0  }
0x325: {  	v11 =	vbroadcast v8, $0xB;
	v9 =	vbroadcast v8, $0x8  }
0x326: {  	v13 =	vbroadcast v8, $0x6;
	v12 =	vbroadcast v8, $0xC;
	v15 =	vsel vm0, v7, v6  }
0x327: {  	v6 =	vbroadcast v8, $0x7;
	v9 =	vsel vm0, v9, v4;
	v4 =	vbroadcast v8, $0xA  }
0x328: {  	v16 =	vbroadcast v8, $0x3;
	v17 =	vbroadcast v8, $0xF  }
0x329: {  	v63 =	vbroadcast v8, $0x2;
	v6 =	vsel vm0, v13, v6;
	v13 =	vsel vm0, v4, v11;
	v4 =	vld [tilespmem:s16+$0xCC18]  }
0x32a: {  	v10 =	vbroadcast v8, $0x4;
	v5 =	vsel vm0, v5, v17;
	v14 =	vmul.f32 v15, v0  }
0x32b: {  	s29 =	simm.s32 $0x134F8;
	s14 =	simm.s32 $0x134F8;
	s15 =	simm.s32 $0x40;
	v7 =	vmul.f32 v9, v0;
	v15 =	vmul.f32 v15, v3;
	v11 =	vsel vm0, v63, v16  }
.LBB2_15:
0x32c: {  	p1 =	seq.s32 s15, $0x1840  }
0x32d: {  	v14 =	vadd.f32 v14, v1;
	v16 =	vmul.f32 v13, v0;
	v17 =	vbroadcast v8, $0xD;
	s14 =	sadd.s32 $0x80, s14;
	s16 =	smov.u32 s15;
	s15 =	sadd.s32 $0x40, s15  }
0x32e: {  	v8 =	vbroadcast v8, $0x5;
	v15 =	vadd.f32 v15, v2;
	v18 =	vbroadcast v4, $0x6  }
0x32f: {  	v13 =	vmul.f32 v13, v3;
	v19 =	vbroadcast v4, $0x0;
	v12 =	vsel vm0, v12, v17  }
0x330: {  	v20 =	vbroadcast v4, $0xC;
	v17 =	vbroadcast v4, $0x1;
	v16 =	vadd.f32 v16, v1  }
0x331: {  	v21 =	vbroadcast v4, $0x7;
	v13 =	vadd.f32 v13, v2;
	v22 =	vmul.f32 v12, v3  }
0x332: {  	v23 =	vbroadcast v4, $0xE;
	v12 =	vmul.f32 v12, v0  }
0x333: {  	v9 =	vmul.f32 v9, v3;
	v24 =	vbroadcast v4, $0xA;
	v22 =	vadd.f32 v22, v2  }
0x334: {  	v25 =	vbroadcast v4, $0x4;
	v8 =	vsel vm0, v10, v8;
	v10 =	vbroadcast v4, $0x5  }
0x335: {  	v26 =	vmul.f32 v11, v0;
	v11 =	vmul.f32 v11, v3;
	v14 =	vmax.f32 v14, $0.0e+00  }
0x336: {  	v27 =	vbroadcast v4, $0xF;
	v10 =	vsel vm0, v25, v10;
	v25 =	vbroadcast v4, $0x8  }
0x337: {  	v11 =	vadd.f32 v11, v2;
	v17 =	vsel vm0, v19, v17;
	v19 =	vbroadcast v4, $0xB  }
0x338: {  	v7 =	vadd.f32 v7, v1;
	v28 =	vbroadcast v4, $0x9;
	v9 =	vadd.f32 v9, v2  }
0x339: {  	v29 =	vmul.f32 v8, v0;
	v18 =	vsel vm0, v18, v21;
	v21 =	vmul.f32 v6, v3  }
0x33a: {  	v30 =	vmul.f32 v5, v3;
	v26 =	vadd.f32 v26, v1;
	v8 =	vmul.f32 v8, v3  }
0x33b: {  	v31 =	vbroadcast v4, $0x2;
	v7 =	vmax.f32 v7, $0.0e+00;
	v25 =	vsel vm0, v25, v28  }
0x33c: {  	v16 =	vmax.f32 v16, $0.0e+00;
	v28 =	vadd.f32 v30, v2;
	v7 =	vmul.f32 v7, v25  }
0x33d: {  	v6 =	vmul.f32 v6, v0;
	v30 =	vbroadcast v4, $0x3;
	v19 =	vsel vm0, v24, v19  }
0x33e: {  	v15 =	vmax.f32 v15, $0.0e+00;
	v24 =	vadd.f32 v29, v1;
	v16 =	vmul.f32 v16, v19  }
0x33f: {  	v14 =	vmul.f32 v14, v17;
	v6 =	vadd.f32 v6, v1;
	v28 =	vmax.f32 v28, $0.0e+00  }
0x340: {  	v26 =	vmax.f32 v26, $0.0e+00;
	v15 =	vmul.f32 v15, v17;
	v17 =	vsel vm0, v31, v30  }
0x341: {  	v8 =	vadd.f32 v8, v2;
	v21 =	vadd.f32 v21, v2;
	v26 =	vmul.f32 v26, v17  }
0x342: {  	v9 =	vmax.f32 v9, $0.0e+00;
	v13 =	vmax.f32 v13, $0.0e+00;
	v24 =	vmax.f32 v24, $0.0e+00  }
0x343: {  	v8 =	vmax.f32 v8, $0.0e+00;
	v9 =	vmul.f32 v9, v25;
	v13 =	vmul.f32 v13, v19  }
0x344: {  	v8 =	vmul.f32 v8, v10;
	v19 =	vmul.f32 v24, v10;
	v10 =	vadd.f32 v12, v1  }
0x345: {  	v5 =	vmul.f32 v5, v0;
	v6 =	vmax.f32 v6, $0.0e+00;
	v12 =	vpack.i.f32.bf16 v13, v16  }
0x346: {  	v11 =	vmax.f32 v11, $0.0e+00;
	v4 =	vbroadcast v4, $0xD;
	v13 =	vmax.f32 v21, $0.0e+00  }
0x347: {  	v5 =	vadd.f32 v5, v1;
	v11 =	vmul.f32 v11, v17;
	v8 =	vpack.i.f32.bf16 v8, v19;
	[tilespmem:s29+$0x10] =	vst v12  }
0x348: {  	v4 =	vsel vm0, v20, v4;
	[tilespmem:s29+$0xFFFFFFE0] =	vst v8;
	v8 =	vmax.f32 v10, $0.0e+00;
	v10 =	vmax.f32 v22, $0.0e+00  }
0x349: {  	v11 =	vpack.i.f32.bf16 v11, v26;
	v8 =	vmul.f32 v8, v4;
	v4 =	vmul.f32 v10, v4  }
0x34a: {  	v5 =	vmax.f32 v5, $0.0e+00;
	v7 =	vpack.i.f32.bf16 v9, v7;
	v9 =	vsel vm0, v23, v27;
	[tilespmem:s29+$0xFFFFFFD0] =	vst v11  }
0x34b: {  	v5 =	vmul.f32 v5, v9;
	[tilespmem:s29+$0x0] =	vst v7;
	v4 =	vpack.i.f32.bf16 v4, v8;
	v7 =	vmul.f32 v28, v9  }
0x34c: {  	v6 =	vmul.f32 v6, v18;
	v8 =	vpack.i.f32.bf16 v15, v14;
	v9 =	vmul.f32 v13, v18;
	[tilespmem:s29+$0x20] =	vst v4  }
0x34d: {  	[tilespmem:s29+$0xFFFFFFC0] =	vst v8;
	v4 =	vpack.i.f32.bf16 v7, v5  }
0x34e: {  	s16 =	sshra.s32 s16, $0x2;
	v5 =	vpack.i.f32.bf16 v9, v6;
	[tilespmem:s29+$0x30] =	vst v4  }
0x34f: {  	[tilespmem:s29+$0xFFFFFFF0] =	vst v5;
	s29 =	smov.u32 s14  }
0x350: {  	v4 =	vld [tilespmem:s16+$0x9B18]  }
0x351: {  	v5 =	vld [tilespmem:s16+$0xFD18]  }
0x352: {  	v6 =	vld [tilespmem:s16+$0xE498];
	_ =	sdelay $0x3  }
0x353: {  	v4 =	vadd.f32 v5, v4;
	_ =	sdelay $0x1  }
0x354: {  	v8 =	vmul.f32 v6, v4;
	_ =	sdelay $0x1  }
0x355: {  	v5 =	vbroadcast v8, $0x9;
	v16 =	vbroadcast v8, $0xE  }
0x356: {  	v4 =	vbroadcast v8, $0x1;
	v11 =	vbroadcast v8, $0xB  }
0x357: {  	v6 =	vbroadcast v8, $0x0;
	v7 =	vbroadcast v8, $0x8  }
0x358: {  	v13 =	vbroadcast v8, $0x6;
	v12 =	vbroadcast v8, $0xC  }
.Ltmp9:
0x359: {  	v17 =	vbroadcast v8, $0x3;
	v15 =	vsel vm0, v6, v4;
	v6 =	vbroadcast v8, $0x7;
	(pc) =	sbr.rel @!p1 .LBB2_15-.Ltmp9, $4  }
0x35a: {  	v18 =	vbroadcast v8, $0xF;
	v9 =	vsel vm0, v7, v5;
	v5 =	vbroadcast v8, $0xA;
	v4 =	vld [tilespmem:s16+$0xCC18]  }
0x35b: {  	v19 =	vbroadcast v8, $0x2;
	v10 =	vbroadcast v8, $0x4;
	v6 =	vsel vm0, v13, v6  }
0x35c: {  	v14 =	vmul.f32 v15, v0;
	v7 =	vmul.f32 v9, v0;
	v13 =	vsel vm0, v5, v11  }
0x35d: {  	v15 =	vmul.f32 v15, v3;
	v11 =	vsel vm0, v19, v17;
	v5 =	vsel vm0, v16, v18  }
0x35e: {  	v16 =	vmul.f32 v13, v0;
	v17 =	vbroadcast v8, $0xD  }
0x35f: {  	v35 =	vbroadcast v8, $0x5;
	v36 =	vmul.f32 v13, v3  }
0x360: {  	v9 =	vmul.f32 v9, v3;
	v26 =	vmul.f32 v11, v0  }
0x361: {  	v39 =	vmul.f32 v11, v3;
	v42 =	vmul.f32 v6, v3  }
0x362: {  	v43 =	vmul.f32 v5, v3;
	v45 =	vmul.f32 v6, v0  }
0x363: {  	v53 =	vmul.f32 v5, v0;
	v18 =	vbroadcast v4, $0x6  }
0x364: {  	v19 =	vbroadcast v4, $0x0;
	v37 =	vbroadcast v4, $0x1  }
0x365: {  	v20 =	vbroadcast v4, $0xC;
	v21 =	vbroadcast v4, $0x7  }
0x366: {  	v23 =	vbroadcast v4, $0xE;
	v24 =	vbroadcast v4, $0xA  }
0x367: {  	v38 =	vbroadcast v4, $0x5;
	v25 =	vbroadcast v4, $0x4  }
0x368: {  	v14 =	vadd.f32 v14, v1;
	v40 =	vbroadcast v4, $0x8;
	v27 =	vbroadcast v4, $0xF  }
0x369: {  	v7 =	vadd.f32 v7, v1;
	v41 =	vbroadcast v4, $0xB;
	v28 =	vbroadcast v4, $0x9  }
0x36a: {  	v15 =	vadd.f32 v15, v2;
	v30 =	vbroadcast v4, $0x2;
	v44 =	vbroadcast v4, $0x3  }
0x36b: {  	v55 =	vbroadcast v4, $0xD;
	v12 =	vsel vm0, v12, v17;
	v16 =	vadd.f32 v16, v1  }
0x36c: {  	v13 =	vadd.f32 v36, v2;
	v8 =	vsel vm0, v10, v35;
	v11 =	vadd.f32 v39, v2  }
0x36d: {  	v14 =	vmax.f32 v14, $0.0e+00;
	v9 =	vadd.f32 v9, v2;
	v26 =	vadd.f32 v26, v1  }
0x36e: {  	v7 =	vmax.f32 v7, $0.0e+00;
	v6 =	vadd.f32 v45, v1;
	v48 =	vadd.f32 v42, v2  }
0x36f: {  	v22 =	vmul.f32 v12, v3;
	v12 =	vmul.f32 v12, v0;
	v10 =	vsel vm0, v25, v38  }
0x370: {  	v17 =	vsel vm0, v19, v37;
	v29 =	vmul.f32 v8, v0;
	v18 =	vsel vm0, v18, v21  }
0x371: {  	v8 =	vmul.f32 v8, v3;
	v25 =	vsel vm0, v40, v28;
	v3 =	vadd.f32 v43, v2  }
0x372: {  	v19 =	vsel vm0, v24, v41;
	v15 =	vmax.f32 v15, $0.0e+00;
	v47 =	vsel vm0, v30, v44  }
0x373: {  	v0 =	vadd.f32 v53, v1;
	v56 =	vsel vm0, v20, v55;
	v60 =	vsel vm0, v23, v27  }
0x374: {  	v7 =	vmul.f32 v7, v25;
	v16 =	vmax.f32 v16, $0.0e+00;
	v14 =	vmul.f32 v14, v17  }
0x375: {  	v15 =	vmul.f32 v15, v17;
	v26 =	vmax.f32 v26, $0.0e+00;
	v9 =	vmax.f32 v9, $0.0e+00  }
0x376: {  	v13 =	vmax.f32 v13, $0.0e+00;
	v6 =	vmax.f32 v6, $0.0e+00;
	v54 =	vmax.f32 v11, $0.0e+00  }
0x377: {  	v22 =	vadd.f32 v22, v2;
	v46 =	vadd.f32 v29, v1;
	v16 =	vmul.f32 v16, v19  }
0x378: {  	v3 =	vmax.f32 v3, $0.0e+00;
	v26 =	vmul.f32 v26, v47;
	v8 =	vadd.f32 v8, v2  }
0x379: {  	v9 =	vmul.f32 v9, v25;
	v13 =	vmul.f32 v13, v19;
	v51 =	vadd.f32 v12, v1  }
0x37a: {  	v2 =	vmax.f32 v48, $0.0e+00;
	v5 =	vmul.f32 v54, v47;
	v0 =	vmax.f32 v0, $0.0e+00  }
0x37b: {  	v62 =	vmul.f32 v6, v18;
	v0 =	vmul.f32 v0, v60;
	v61 =	vpack.i.f32.bf16 v15, v14  }
0x37c: {  	v3 =	vmul.f32 v3, v60;
	v2 =	vmul.f32 v2, v18;
	v52 =	vpack.i.f32.bf16 v13, v16;
	[tilespmem:s29+$0xFFFFFFC0] =	vst v61  }
0x37d: {  	v49 =	vmax.f32 v46, $0.0e+00;
	v8 =	vmax.f32 v8, $0.0e+00;
	v5 =	vpack.i.f32.bf16 v5, v26;
	[tilespmem:s29+$0x10] =	vst v52  }
0x37e: {  	v57 =	vmax.f32 v51, $0.0e+00;
	v58 =	vmax.f32 v22, $0.0e+00;
	v59 =	vpack.i.f32.bf16 v9, v7;
	[tilespmem:s29+$0xFFFFFFD0] =	vst v5  }
.Ltmp10:
0x37f: {  	v50 =	vmul.f32 v49, v10;
	v8 =	vmul.f32 v8, v10;
	[tilespmem:s29+$0x0] =	vst v59;
	v0 =	vpack.i.f32.bf16 v3, v0;
	(pc) =	sbr.rel .LBB2_26-.Ltmp10, $4  }
0x380: {  	v4 =	vmul.f32 v57, v56;
	v1 =	vmul.f32 v58, v56;
	v63 =	vpack.i.f32.bf16 v2, v62;
	[tilespmem:s29+$0x30] =	vst v0  }
0x381: {  	[tilespmem:s29+$0xFFFFFFF0] =	vst v63;
	v8 =	vpack.i.f32.bf16 v8, v50  }
0x382: {  	v1 =	vpack.i.f32.bf16 v1, v4;
	[tilespmem:s29+$0xFFFFFFE0] =	vst v8  }
0x383: {  	s14 =	rddreg [dreg:$0xb];
	[tilespmem:s29+$0x20] =	vst v1  }
.LBB2_17:
0x384: {  	v0 =	vld [tilespmem:s16+$0x88B8]  }
0x385: {  	v1 =	vld [tilespmem:s16+$0xEAB8];
	_ =	sdelay $0x1  }
0x386: {  	v2 =	vld [tilespmem:s16+$0xD238];
	_ =	sdelay $0x2  }
0x387: {  	v0 =	vadd.f32 v1, v0;
	_ =	sdelay $0x1  }
0x388: {  	v8 =	vmul.f32 v2, v0;
	_ =	sdelay $0x1  }
0x389: {  	v1 =	vbroadcast v8, $0x9;
	v5 =	vbroadcast v8, $0xE  }
0x38a: {  	v2 =	vbroadcast v8, $0x1;
	v4 =	vbroadcast v8, $0xB  }
0x38b: {  	v0 =	vld [tilespmem:$0x10348];
	v6 =	vbroadcast v8, $0x0;
	v7 =	vbroadcast v8, $0x8  }
0x38c: {  	v3 =	vld [tilespmem:$0x10368];
	v11 =	vbroadcast v8, $0x6;
	v13 =	vbroadcast v8, $0xA  }
0x38d: {  	v15 =	vsel vm0, v6, v2;
	v2 =	vbroadcast v8, $0x7;
	v9 =	vsel vm0, v7, v1;
	v1 =	vld [tilespmem:$0x10388]  }
0x38e: {  	v12 =	vbroadcast v8, $0xC;
	v17 =	vbroadcast v8, $0xF;
	v13 =	vsel vm0, v13, v4;
	v4 =	vld [tilespmem:s16+$0xB9B8]  }
0x38f: {  	v16 =	vbroadcast v8, $0x3;
	v18 =	vbroadcast v8, $0x2;
	v6 =	vsel vm0, v11, v2;
	v2 =	vld [tilespmem:$0x103A8]  }
0x390: {  	s14 =	simm.s32 $0x103F8;
	v10 =	vbroadcast v8, $0x4;
	v5 =	vsel vm0, v5, v17;
	v14 =	vmul.f32 v15, v0  }
0x391: {  	s15 =	simm.s32 $0x40;
	s29 =	simm.s32 $0x103F8;
	s21 =	simm.s32 $0x134B8;
	v7 =	vmul.f32 v9, v0;
	v15 =	vmul.f32 v15, v3;
	v11 =	vsel vm0, v18, v16  }
.LBB2_18:
0x392: {  	p1 =	sne.s32 s15, $0x1840  }
0x393: {  	v14 =	vadd.f32 v14, v1;
	v16 =	vmul.f32 v13, v0;
	v17 =	vbroadcast v8, $0xD;
	s14 =	sadd.s32 $0x80, s14;
	s16 =	smov.u32 s15;
	s15 =	sadd.s32 $0x40, s15  }
0x394: {  	v8 =	vbroadcast v8, $0x5;
	v15 =	vadd.f32 v15, v2;
	v18 =	vbroadcast v4, $0x6  }
0x395: {  	v13 =	vmul.f32 v13, v3;
	v19 =	vbroadcast v4, $0x0;
	v12 =	vsel vm0, v12, v17  }
0x396: {  	v20 =	vbroadcast v4, $0xC;
	v17 =	vbroadcast v4, $0x1;
	v16 =	vadd.f32 v16, v1  }
0x397: {  	v21 =	vbroadcast v4, $0x7;
	v13 =	vadd.f32 v13, v2;
	v22 =	vmul.f32 v12, v3  }
0x398: {  	v23 =	vbroadcast v4, $0xE;
	v12 =	vmul.f32 v12, v0  }
0x399: {  	v9 =	vmul.f32 v9, v3;
	v24 =	vbroadcast v4, $0xA;
	v22 =	vadd.f32 v22, v2  }
0x39a: {  	v25 =	vbroadcast v4, $0x4;
	v8 =	vsel vm0, v10, v8;
	v10 =	vbroadcast v4, $0x5  }
0x39b: {  	v26 =	vmul.f32 v11, v0;
	v11 =	vmul.f32 v11, v3;
	v14 =	vmax.f32 v14, $0.0e+00  }
0x39c: {  	v27 =	vbroadcast v4, $0xF;
	v10 =	vsel vm0, v25, v10;
	v25 =	vbroadcast v4, $0x8  }
0x39d: {  	v11 =	vadd.f32 v11, v2;
	v17 =	vsel vm0, v19, v17;
	v19 =	vbroadcast v4, $0xB  }
0x39e: {  	v7 =	vadd.f32 v7, v1;
	v28 =	vbroadcast v4, $0x9;
	v9 =	vadd.f32 v9, v2  }
0x39f: {  	v29 =	vmul.f32 v8, v0;
	v18 =	vsel vm0, v18, v21;
	v21 =	vmul.f32 v6, v3  }
0x3a0: {  	v30 =	vmul.f32 v5, v3;
	v26 =	vadd.f32 v26, v1;
	v8 =	vmul.f32 v8, v3  }
0x3a1: {  	v31 =	vbroadcast v4, $0x2;
	v7 =	vmax.f32 v7, $0.0e+00;
	v25 =	vsel vm0, v25, v28  }
0x3a2: {  	v16 =	vmax.f32 v16, $0.0e+00;
	v28 =	vadd.f32 v30, v2;
	v7 =	vmul.f32 v7, v25  }
0x3a3: {  	v6 =	vmul.f32 v6, v0;
	v30 =	vbroadcast v4, $0x3;
	v19 =	vsel vm0, v24, v19  }
0x3a4: {  	v15 =	vmax.f32 v15, $0.0e+00;
	v24 =	vadd.f32 v29, v1;
	v16 =	vmul.f32 v16, v19  }
0x3a5: {  	v14 =	vmul.f32 v14, v17;
	v6 =	vadd.f32 v6, v1;
	v28 =	vmax.f32 v28, $0.0e+00  }
0x3a6: {  	v26 =	vmax.f32 v26, $0.0e+00;
	v15 =	vmul.f32 v15, v17;
	v17 =	vsel vm0, v31, v30  }
0x3a7: {  	v8 =	vadd.f32 v8, v2;
	v21 =	vadd.f32 v21, v2;
	v26 =	vmul.f32 v26, v17  }
0x3a8: {  	v9 =	vmax.f32 v9, $0.0e+00;
	v13 =	vmax.f32 v13, $0.0e+00;
	v24 =	vmax.f32 v24, $0.0e+00  }
0x3a9: {  	v8 =	vmax.f32 v8, $0.0e+00;
	v9 =	vmul.f32 v9, v25;
	v13 =	vmul.f32 v13, v19  }
0x3aa: {  	v8 =	vmul.f32 v8, v10;
	v19 =	vmul.f32 v24, v10;
	v10 =	vadd.f32 v12, v1  }
0x3ab: {  	v5 =	vmul.f32 v5, v0;
	v6 =	vmax.f32 v6, $0.0e+00;
	v12 =	vpack.i.f32.bf16 v13, v16  }
0x3ac: {  	v11 =	vmax.f32 v11, $0.0e+00;
	v4 =	vbroadcast v4, $0xD;
	v13 =	vmax.f32 v21, $0.0e+00  }
0x3ad: {  	v5 =	vadd.f32 v5, v1;
	v11 =	vmul.f32 v11, v17;
	v8 =	vpack.i.f32.bf16 v8, v19;
	[tilespmem:s29+$0x10] =	vst v12  }
0x3ae: {  	v4 =	vsel vm0, v20, v4;
	[tilespmem:s29+$0xFFFFFFE0] =	vst v8;
	v8 =	vmax.f32 v10, $0.0e+00;
	v10 =	vmax.f32 v22, $0.0e+00  }
0x3af: {  	v11 =	vpack.i.f32.bf16 v11, v26;
	v8 =	vmul.f32 v8, v4;
	v4 =	vmul.f32 v10, v4  }
0x3b0: {  	v5 =	vmax.f32 v5, $0.0e+00;
	v7 =	vpack.i.f32.bf16 v9, v7;
	v9 =	vsel vm0, v23, v27;
	[tilespmem:s29+$0xFFFFFFD0] =	vst v11  }
0x3b1: {  	v5 =	vmul.f32 v5, v9;
	[tilespmem:s29+$0x0] =	vst v7;
	v4 =	vpack.i.f32.bf16 v4, v8;
	v7 =	vmul.f32 v28, v9  }
0x3b2: {  	v6 =	vmul.f32 v6, v18;
	v8 =	vpack.i.f32.bf16 v15, v14;
	v9 =	vmul.f32 v13, v18;
	[tilespmem:s29+$0x20] =	vst v4  }
0x3b3: {  	[tilespmem:s29+$0xFFFFFFC0] =	vst v8;
	v4 =	vpack.i.f32.bf16 v7, v5  }
0x3b4: {  	s16 =	sshra.s32 s16, $0x2;
	v5 =	vpack.i.f32.bf16 v9, v6;
	[tilespmem:s29+$0x30] =	vst v4  }
0x3b5: {  	[tilespmem:s29+$0xFFFFFFF0] =	vst v5;
	s29 =	smov.u32 s14  }
0x3b6: {  	v4 =	vld [tilespmem:s16+$0x88B8]  }
0x3b7: {  	v5 =	vld [tilespmem:s16+$0xEAB8]  }
0x3b8: {  	v6 =	vld [tilespmem:s16+$0xD238];
	_ =	sdelay $0x3  }
0x3b9: {  	v4 =	vadd.f32 v5, v4;
	_ =	sdelay $0x1  }
0x3ba: {  	v8 =	vmul.f32 v6, v4;
	_ =	sdelay $0x1  }
0x3bb: {  	v5 =	vbroadcast v8, $0x9;
	v16 =	vbroadcast v8, $0xE  }
0x3bc: {  	v4 =	vbroadcast v8, $0x1;
	v11 =	vbroadcast v8, $0xB  }
0x3bd: {  	v6 =	vbroadcast v8, $0x0;
	v7 =	vbroadcast v8, $0x8  }
0x3be: {  	v13 =	vbroadcast v8, $0x6;
	v12 =	vbroadcast v8, $0xC  }
.Ltmp11:
0x3bf: {  	v17 =	vbroadcast v8, $0x3;
	v15 =	vsel vm0, v6, v4;
	v6 =	vbroadcast v8, $0x7;
	(pc) =	sbr.rel @p1 .LBB2_18-.Ltmp11, $4  }
0x3c0: {  	v18 =	vbroadcast v8, $0xF;
	v9 =	vsel vm0, v7, v5;
	v5 =	vbroadcast v8, $0xA;
	v4 =	vld [tilespmem:s16+$0xB9B8]  }
0x3c1: {  	v19 =	vbroadcast v8, $0x2;
	v10 =	vbroadcast v8, $0x4;
	v6 =	vsel vm0, v13, v6  }
0x3c2: {  	v14 =	vmul.f32 v15, v0;
	v7 =	vmul.f32 v9, v0;
	v13 =	vsel vm0, v5, v11  }
0x3c3: {  	v15 =	vmul.f32 v15, v3;
	v11 =	vsel vm0, v19, v17;
	v5 =	vsel vm0, v16, v18  }
0x3c4: {  	v16 =	vmul.f32 v13, v0  }
0x3c5: {  	v17 =	vbroadcast v8, $0xD;
	v8 =	vbroadcast v8, $0x5  }
0x3c6: {  	v13 =	vmul.f32 v13, v3;
	v9 =	vmul.f32 v9, v3  }
0x3c7: {  	v26 =	vmul.f32 v11, v0;
	v11 =	vmul.f32 v11, v3  }
0x3c8: {  	v58 =	vmul.f32 v6, v3;
	v30 =	vmul.f32 v5, v3  }
0x3c9: {  	v6 =	vmul.f32 v6, v0;
	v5 =	vmul.f32 v5, v0  }
0x3ca: {  	v18 =	vbroadcast v4, $0x6;
	v19 =	vbroadcast v4, $0x0  }
0x3cb: {  	v20 =	vbroadcast v4, $0xC;
	v21 =	vbroadcast v4, $0x7  }
0x3cc: {  	v23 =	vbroadcast v4, $0xE;
	v24 =	vbroadcast v4, $0xA  }
0x3cd: {  	v14 =	vadd.f32 v14, v1;
	v25 =	vbroadcast v4, $0x4;
	v56 =	vbroadcast v4, $0x8  }
0x3ce: {  	v7 =	vadd.f32 v7, v1;
	v27 =	vbroadcast v4, $0xF;
	v57 =	vbroadcast v4, $0xB  }
0x3cf: {  	v15 =	vadd.f32 v15, v2;
	v28 =	vbroadcast v4, $0x9;
	v31 =	vbroadcast v4, $0x2  }
0x3d0: {  	v60 =	vbroadcast v4, $0x3;
	v12 =	vsel vm0, v12, v17;
	v17 =	vbroadcast v4, $0x1  }
0x3d1: {  	v16 =	vadd.f32 v16, v1;
	v13 =	vadd.f32 v13, v2;
	v8 =	vsel vm0, v10, v8  }
0x3d2: {  	v10 =	vbroadcast v4, $0x5;
	v14 =	vmax.f32 v14, $0.0e+00;
	v11 =	vadd.f32 v11, v2  }
0x3d3: {  	v9 =	vadd.f32 v9, v2;
	v26 =	vadd.f32 v26, v1;
	v7 =	vmax.f32 v7, $0.0e+00  }
0x3d4: {  	v59 =	vadd.f32 v30, v2;
	v6 =	vadd.f32 v6, v1;
	v4 =	vbroadcast v4, $0xD  }
0x3d5: {  	v5 =	vadd.f32 v5, v1;
	v22 =	vmul.f32 v12, v3;
	v12 =	vmul.f32 v12, v0  }
0x3d6: {  	v29 =	vmul.f32 v8, v0;
	v18 =	vsel vm0, v18, v21;
	v8 =	vmul.f32 v8, v3  }
0x3d7: {  	v15 =	vmax.f32 v15, $0.0e+00;
	v21 =	vadd.f32 v58, v2;
	v10 =	vsel vm0, v25, v10  }
0x3d8: {  	v17 =	vsel vm0, v19, v17;
	v25 =	vsel vm0, v56, v28;
	v16 =	vmax.f32 v16, $0.0e+00  }
0x3d9: {  	v19 =	vsel vm0, v24, v57;
	v28 =	vmax.f32 v59, $0.0e+00;
	v26 =	vmax.f32 v26, $0.0e+00  }
0x3da: {  	v9 =	vmax.f32 v9, $0.0e+00;
	v13 =	vmax.f32 v13, $0.0e+00;
	v6 =	vmax.f32 v6, $0.0e+00  }
0x3db: {  	v11 =	vmax.f32 v11, $0.0e+00;
	v4 =	vsel vm0, v20, v4;
	v5 =	vmax.f32 v5, $0.0e+00  }
0x3dc: {  	v22 =	vadd.f32 v22, v2;
	v7 =	vmul.f32 v7, v25;
	v61 =	vadd.f32 v29, v1  }
0x3dd: {  	v16 =	vmul.f32 v16, v19;
	v14 =	vmul.f32 v14, v17;
	v8 =	vadd.f32 v8, v2  }
0x3de: {  	v15 =	vmul.f32 v15, v17;
	v17 =	vsel vm0, v31, v60;
	v9 =	vmul.f32 v9, v25  }
0x3df: {  	v13 =	vmul.f32 v13, v19;
	v24 =	vmax.f32 v61, $0.0e+00;
	v8 =	vmax.f32 v8, $0.0e+00  }
0x3e0: {  	v62 =	vmul.f32 v24, v10;
	v8 =	vmul.f32 v8, v10;
	v10 =	vadd.f32 v12, v1  }
0x3e1: {  	v26 =	vmul.f32 v26, v17;
	v11 =	vmul.f32 v11, v17;
	v12 =	vpack.i.f32.bf16 v13, v16  }
0x3e2: {  	[tilespmem:s29+$0x10] =	vst v12;
	v12 =	vmax.f32 v22, $0.0e+00;
	v8 =	vpack.i.f32.bf16 v8, v62;
	v10 =	vmax.f32 v10, $0.0e+00  }
0x3e3: {  	[tilespmem:s29+$0xFFFFFFE0] =	vst v8;
	v8 =	vpack.i.f32.bf16 v11, v26;
	v10 =	vmul.f32 v10, v4;
	v4 =	vmul.f32 v12, v4  }
0x3e4: {  	v7 =	vpack.i.f32.bf16 v9, v7;
	v13 =	vmax.f32 v21, $0.0e+00;
	[tilespmem:s29+$0xFFFFFFD0] =	vst v8;
	v8 =	vsel vm0, v23, v27  }
0x3e5: {  	[tilespmem:s29+$0x0] =	vst v7;
	v4 =	vpack.i.f32.bf16 v4, v10;
	v5 =	vmul.f32 v5, v8;
	v7 =	vmul.f32 v28, v8  }
0x3e6: {  	v6 =	vmul.f32 v6, v18;
	v9 =	vmul.f32 v13, v18;
	v8 =	vpack.i.f32.bf16 v15, v14;
	[tilespmem:s29+$0x20] =	vst v4  }
0x3e7: {  	[tilespmem:s29+$0xFFFFFFC0] =	vst v8;
	v4 =	vpack.i.f32.bf16 v7, v5  }
0x3e8: {  	v5 =	vpack.i.f32.bf16 v9, v6;
	[tilespmem:s29+$0x30] =	vst v4  }
0x3e9: {  	s14 =	simm.s32 $0x0;
	s15 =	rddreg [dreg:$0x16];
	s16 =	simm.s32 $0x0;
	[tilespmem:s29+$0xFFFFFFF0] =	vst v5  }
0x3ea: {  	[hbm4b:s15+s14] =	stream.linear.scatter [tilespmem:s20], [sflag:$0x3], $0x3100, $0x38;
	[tilespmem:$0x1C7B8] =	vst v63  }
0x3eb: {  	v4 =	vld [tilespmem:s16+$0x8ED8]  }
0x3ec: {  	v5 =	vld [tilespmem:s16+$0xF0D8];
	_ =	sdelay $0x1  }
0x3ed: {  	v6 =	vld [tilespmem:s16+$0xD858];
	_ =	sdelay $0x2  }
0x3ee: {  	v4 =	vadd.f32 v5, v4;
	_ =	sdelay $0x1  }
0x3ef: {  	v8 =	vmul.f32 v6, v4;
	_ =	sdelay $0x1  }
0x3f0: {  	v4 =	vbroadcast v8, $0x9;
	v5 =	vbroadcast v8, $0xE  }
0x3f1: {  	v6 =	vbroadcast v8, $0x1;
	v7 =	vbroadcast v8, $0x0  }
0x3f2: {  	v11 =	vbroadcast v8, $0xB;
	v9 =	vbroadcast v8, $0x8  }
0x3f3: {  	v13 =	vbroadcast v8, $0x6;
	v12 =	vbroadcast v8, $0xC;
	v15 =	vsel vm0, v7, v6  }
0x3f4: {  	v6 =	vbroadcast v8, $0x7;
	v9 =	vsel vm0, v9, v4;
	v4 =	vbroadcast v8, $0xA  }
0x3f5: {  	v16 =	vbroadcast v8, $0x3;
	v17 =	vbroadcast v8, $0xF  }
0x3f6: {  	v63 =	vbroadcast v8, $0x2;
	v6 =	vsel vm0, v13, v6;
	v13 =	vsel vm0, v4, v11;
	v4 =	vld [tilespmem:s16+$0xBFD8]  }
0x3f7: {  	v10 =	vbroadcast v8, $0x4;
	v5 =	vsel vm0, v5, v17;
	v14 =	vmul.f32 v15, v0  }
0x3f8: {  	s29 =	simm.s32 $0x134F8;
	s14 =	simm.s32 $0x134F8;
	s15 =	simm.s32 $0x40;
	v7 =	vmul.f32 v9, v0;
	v15 =	vmul.f32 v15, v3;
	v11 =	vsel vm0, v63, v16  }
.LBB2_20:
0x3f9: {  	p1 =	sne.s32 s15, $0x1840  }
0x3fa: {  	v14 =	vadd.f32 v14, v1;
	v16 =	vmul.f32 v13, v0;
	v17 =	vbroadcast v8, $0xD;
	s14 =	sadd.s32 $0x80, s14;
	s16 =	smov.u32 s15;
	s15 =	sadd.s32 $0x40, s15  }
0x3fb: {  	v8 =	vbroadcast v8, $0x5;
	v15 =	vadd.f32 v15, v2;
	v18 =	vbroadcast v4, $0x6  }
0x3fc: {  	v13 =	vmul.f32 v13, v3;
	v19 =	vbroadcast v4, $0x0;
	v12 =	vsel vm0, v12, v17  }
0x3fd: {  	v20 =	vbroadcast v4, $0xC;
	v17 =	vbroadcast v4, $0x1;
	v16 =	vadd.f32 v16, v1  }
0x3fe: {  	v21 =	vbroadcast v4, $0x7;
	v13 =	vadd.f32 v13, v2;
	v22 =	vmul.f32 v12, v3  }
0x3ff: {  	v23 =	vbroadcast v4, $0xE;
	v12 =	vmul.f32 v12, v0  }
0x400: {  	v9 =	vmul.f32 v9, v3;
	v24 =	vbroadcast v4, $0xA;
	v22 =	vadd.f32 v22, v2  }
0x401: {  	v25 =	vbroadcast v4, $0x4;
	v8 =	vsel vm0, v10, v8;
	v10 =	vbroadcast v4, $0x5  }
0x402: {  	v26 =	vmul.f32 v11, v0;
	v11 =	vmul.f32 v11, v3;
	v14 =	vmax.f32 v14, $0.0e+00  }
0x403: {  	v27 =	vbroadcast v4, $0xF;
	v10 =	vsel vm0, v25, v10;
	v25 =	vbroadcast v4, $0x8  }
0x404: {  	v11 =	vadd.f32 v11, v2;
	v17 =	vsel vm0, v19, v17;
	v19 =	vbroadcast v4, $0xB  }
0x405: {  	v7 =	vadd.f32 v7, v1;
	v28 =	vbroadcast v4, $0x9;
	v9 =	vadd.f32 v9, v2  }
0x406: {  	v29 =	vmul.f32 v8, v0;
	v18 =	vsel vm0, v18, v21;
	v21 =	vmul.f32 v6, v3  }
0x407: {  	v30 =	vmul.f32 v5, v3;
	v26 =	vadd.f32 v26, v1;
	v8 =	vmul.f32 v8, v3  }
0x408: {  	v31 =	vbroadcast v4, $0x2;
	v7 =	vmax.f32 v7, $0.0e+00;
	v25 =	vsel vm0, v25, v28  }
0x409: {  	v16 =	vmax.f32 v16, $0.0e+00;
	v28 =	vadd.f32 v30, v2;
	v7 =	vmul.f32 v7, v25  }
0x40a: {  	v6 =	vmul.f32 v6, v0;
	v30 =	vbroadcast v4, $0x3;
	v19 =	vsel vm0, v24, v19  }
0x40b: {  	v15 =	vmax.f32 v15, $0.0e+00;
	v24 =	vadd.f32 v29, v1;
	v16 =	vmul.f32 v16, v19  }
0x40c: {  	v14 =	vmul.f32 v14, v17;
	v6 =	vadd.f32 v6, v1;
	v28 =	vmax.f32 v28, $0.0e+00  }
0x40d: {  	v26 =	vmax.f32 v26, $0.0e+00;
	v15 =	vmul.f32 v15, v17;
	v17 =	vsel vm0, v31, v30  }
0x40e: {  	v8 =	vadd.f32 v8, v2;
	v21 =	vadd.f32 v21, v2;
	v26 =	vmul.f32 v26, v17  }
0x40f: {  	v9 =	vmax.f32 v9, $0.0e+00;
	v13 =	vmax.f32 v13, $0.0e+00;
	v24 =	vmax.f32 v24, $0.0e+00  }
0x410: {  	v8 =	vmax.f32 v8, $0.0e+00;
	v9 =	vmul.f32 v9, v25;
	v13 =	vmul.f32 v13, v19  }
0x411: {  	v8 =	vmul.f32 v8, v10;
	v19 =	vmul.f32 v24, v10;
	v10 =	vadd.f32 v12, v1  }
0x412: {  	v5 =	vmul.f32 v5, v0;
	v6 =	vmax.f32 v6, $0.0e+00;
	v12 =	vpack.i.f32.bf16 v13, v16  }
0x413: {  	v11 =	vmax.f32 v11, $0.0e+00;
	v4 =	vbroadcast v4, $0xD;
	v13 =	vmax.f32 v21, $0.0e+00  }
0x414: {  	v5 =	vadd.f32 v5, v1;
	v11 =	vmul.f32 v11, v17;
	v8 =	vpack.i.f32.bf16 v8, v19;
	[tilespmem:s29+$0x10] =	vst v12  }
0x415: {  	v4 =	vsel vm0, v20, v4;
	[tilespmem:s29+$0xFFFFFFE0] =	vst v8;
	v8 =	vmax.f32 v10, $0.0e+00;
	v10 =	vmax.f32 v22, $0.0e+00  }
0x416: {  	v11 =	vpack.i.f32.bf16 v11, v26;
	v8 =	vmul.f32 v8, v4;
	v4 =	vmul.f32 v10, v4  }
0x417: {  	v5 =	vmax.f32 v5, $0.0e+00;
	v7 =	vpack.i.f32.bf16 v9, v7;
	v9 =	vsel vm0, v23, v27;
	[tilespmem:s29+$0xFFFFFFD0] =	vst v11  }
0x418: {  	v5 =	vmul.f32 v5, v9;
	[tilespmem:s29+$0x0] =	vst v7;
	v4 =	vpack.i.f32.bf16 v4, v8;
	v7 =	vmul.f32 v28, v9  }
0x419: {  	v6 =	vmul.f32 v6, v18;
	v8 =	vpack.i.f32.bf16 v15, v14;
	v9 =	vmul.f32 v13, v18;
	[tilespmem:s29+$0x20] =	vst v4  }
0x41a: {  	[tilespmem:s29+$0xFFFFFFC0] =	vst v8;
	v4 =	vpack.i.f32.bf16 v7, v5  }
0x41b: {  	s16 =	sshra.s32 s16, $0x2;
	v5 =	vpack.i.f32.bf16 v9, v6;
	[tilespmem:s29+$0x30] =	vst v4  }
0x41c: {  	[tilespmem:s29+$0xFFFFFFF0] =	vst v5;
	s29 =	smov.u32 s14  }
0x41d: {  	v4 =	vld [tilespmem:s16+$0x8ED8]  }
0x41e: {  	v5 =	vld [tilespmem:s16+$0xF0D8]  }
0x41f: {  	v6 =	vld [tilespmem:s16+$0xD858];
	_ =	sdelay $0x3  }
0x420: {  	v4 =	vadd.f32 v5, v4;
	_ =	sdelay $0x1  }
0x421: {  	v8 =	vmul.f32 v6, v4;
	_ =	sdelay $0x1  }
0x422: {  	v5 =	vbroadcast v8, $0x9;
	v16 =	vbroadcast v8, $0xE  }
0x423: {  	v4 =	vbroadcast v8, $0x1;
	v11 =	vbroadcast v8, $0xB  }
0x424: {  	v6 =	vbroadcast v8, $0x0;
	v7 =	vbroadcast v8, $0x8  }
0x425: {  	v13 =	vbroadcast v8, $0x6;
	v12 =	vbroadcast v8, $0xC  }
.Ltmp12:
0x426: {  	v17 =	vbroadcast v8, $0x3;
	v15 =	vsel vm0, v6, v4;
	v6 =	vbroadcast v8, $0x7;
	(pc) =	sbr.rel @p1 .LBB2_20-.Ltmp12, $4  }
0x427: {  	v18 =	vbroadcast v8, $0xF;
	v9 =	vsel vm0, v7, v5;
	v5 =	vbroadcast v8, $0xA;
	v4 =	vld [tilespmem:s16+$0xBFD8]  }
0x428: {  	v19 =	vbroadcast v8, $0x2;
	v10 =	vbroadcast v8, $0x4;
	v6 =	vsel vm0, v13, v6  }
0x429: {  	v14 =	vmul.f32 v15, v0;
	v7 =	vmul.f32 v9, v0;
	v13 =	vsel vm0, v5, v11  }
0x42a: {  	v15 =	vmul.f32 v15, v3;
	v11 =	vsel vm0, v19, v17;
	v5 =	vsel vm0, v16, v18  }
0x42b: {  	v16 =	vmul.f32 v13, v0  }
0x42c: {  	v17 =	vbroadcast v8, $0xD;
	v8 =	vbroadcast v8, $0x5  }
0x42d: {  	v13 =	vmul.f32 v13, v3;
	v9 =	vmul.f32 v9, v3  }
0x42e: {  	v26 =	vmul.f32 v11, v0;
	v11 =	vmul.f32 v11, v3  }
0x42f: {  	v58 =	vmul.f32 v6, v3;
	v30 =	vmul.f32 v5, v3  }
0x430: {  	v6 =	vmul.f32 v6, v0;
	v5 =	vmul.f32 v5, v0  }
0x431: {  	v18 =	vbroadcast v4, $0x6;
	v19 =	vbroadcast v4, $0x0  }
0x432: {  	v20 =	vbroadcast v4, $0xC;
	v21 =	vbroadcast v4, $0x7  }
0x433: {  	v23 =	vbroadcast v4, $0xE;
	v24 =	vbroadcast v4, $0xA  }
0x434: {  	v14 =	vadd.f32 v14, v1;
	v25 =	vbroadcast v4, $0x4;
	v56 =	vbroadcast v4, $0x8  }
0x435: {  	v7 =	vadd.f32 v7, v1;
	v27 =	vbroadcast v4, $0xF;
	v57 =	vbroadcast v4, $0xB  }
0x436: {  	v15 =	vadd.f32 v15, v2;
	v28 =	vbroadcast v4, $0x9;
	v31 =	vbroadcast v4, $0x2  }
0x437: {  	v60 =	vbroadcast v4, $0x3;
	v12 =	vsel vm0, v12, v17;
	v17 =	vbroadcast v4, $0x1  }
0x438: {  	v16 =	vadd.f32 v16, v1;
	v13 =	vadd.f32 v13, v2;
	v8 =	vsel vm0, v10, v8  }
0x439: {  	v10 =	vbroadcast v4, $0x5;
	v14 =	vmax.f32 v14, $0.0e+00;
	v11 =	vadd.f32 v11, v2  }
0x43a: {  	v9 =	vadd.f32 v9, v2;
	v26 =	vadd.f32 v26, v1;
	v7 =	vmax.f32 v7, $0.0e+00  }
0x43b: {  	v59 =	vadd.f32 v30, v2;
	v6 =	vadd.f32 v6, v1;
	v4 =	vbroadcast v4, $0xD  }
0x43c: {  	v5 =	vadd.f32 v5, v1;
	v22 =	vmul.f32 v12, v3;
	v12 =	vmul.f32 v12, v0  }
0x43d: {  	v29 =	vmul.f32 v8, v0;
	v18 =	vsel vm0, v18, v21;
	v8 =	vmul.f32 v8, v3  }
0x43e: {  	v15 =	vmax.f32 v15, $0.0e+00;
	v21 =	vadd.f32 v58, v2;
	v10 =	vsel vm0, v25, v10  }
0x43f: {  	v17 =	vsel vm0, v19, v17;
	v25 =	vsel vm0, v56, v28;
	v16 =	vmax.f32 v16, $0.0e+00  }
0x440: {  	v19 =	vsel vm0, v24, v57;
	v28 =	vmax.f32 v59, $0.0e+00;
	v26 =	vmax.f32 v26, $0.0e+00  }
0x441: {  	v9 =	vmax.f32 v9, $0.0e+00;
	v13 =	vmax.f32 v13, $0.0e+00;
	v6 =	vmax.f32 v6, $0.0e+00  }
0x442: {  	v11 =	vmax.f32 v11, $0.0e+00;
	v4 =	vsel vm0, v20, v4;
	v5 =	vmax.f32 v5, $0.0e+00  }
0x443: {  	v22 =	vadd.f32 v22, v2;
	v7 =	vmul.f32 v7, v25;
	v61 =	vadd.f32 v29, v1  }
0x444: {  	v16 =	vmul.f32 v16, v19;
	v14 =	vmul.f32 v14, v17;
	v8 =	vadd.f32 v8, v2  }
0x445: {  	v15 =	vmul.f32 v15, v17;
	v17 =	vsel vm0, v31, v60;
	v9 =	vmul.f32 v9, v25  }
0x446: {  	v13 =	vmul.f32 v13, v19;
	v24 =	vmax.f32 v61, $0.0e+00;
	v8 =	vmax.f32 v8, $0.0e+00  }
0x447: {  	v62 =	vmul.f32 v24, v10;
	v8 =	vmul.f32 v8, v10;
	v10 =	vadd.f32 v12, v1  }
0x448: {  	v26 =	vmul.f32 v26, v17;
	v11 =	vmul.f32 v11, v17;
	v12 =	vpack.i.f32.bf16 v13, v16  }
0x449: {  	[tilespmem:s29+$0x10] =	vst v12;
	v12 =	vmax.f32 v22, $0.0e+00;
	v8 =	vpack.i.f32.bf16 v8, v62;
	v10 =	vmax.f32 v10, $0.0e+00  }
0x44a: {  	[tilespmem:s29+$0xFFFFFFE0] =	vst v8;
	v8 =	vpack.i.f32.bf16 v11, v26;
	v10 =	vmul.f32 v10, v4;
	v4 =	vmul.f32 v12, v4  }
0x44b: {  	v7 =	vpack.i.f32.bf16 v9, v7;
	v13 =	vmax.f32 v21, $0.0e+00;
	[tilespmem:s29+$0xFFFFFFD0] =	vst v8;
	v8 =	vsel vm0, v23, v27  }
0x44c: {  	[tilespmem:s29+$0x0] =	vst v7;
	v4 =	vpack.i.f32.bf16 v4, v10;
	v5 =	vmul.f32 v5, v8;
	v7 =	vmul.f32 v28, v8  }
0x44d: {  	v6 =	vmul.f32 v6, v18;
	v9 =	vmul.f32 v13, v18;
	v8 =	vpack.i.f32.bf16 v15, v14;
	[tilespmem:s29+$0x20] =	vst v4  }
0x44e: {  	[tilespmem:s29+$0xFFFFFFC0] =	vst v8;
	v4 =	vpack.i.f32.bf16 v7, v5  }
0x44f: {  	v5 =	vpack.i.f32.bf16 v9, v6;
	[tilespmem:s29+$0x30] =	vst v4  }
0x450: {  	s14 =	simm.s32 $0x0;
	s15 =	rddreg [dreg:$0x18];
	[tilespmem:s29+$0xFFFFFFF0] =	vst v5  }
0x451: {  	[hbm4b:s15+s14] =	stream.linear.scatter [tilespmem:s21], [sflag:$0x3], $0x3100, $0x38;
	[tilespmem:$0x1C7B8] =	vst v63  }
0x452: {  	_ =	swait.ge [sflag:s10], $0x3100  }
0x453: {  	[sflag:s10] =	ssyncset.done $0x0  }
0x454: {  	s16 =	simm.s32 $0x0;
	[sflag:s10] =	ssyncadd.s32 $0xFFFFCF00  }
0x455: {  	v4 =	vld [tilespmem:s16+$0x94F8]  }
0x456: {  	v5 =	vld [tilespmem:s16+$0xF6F8];
	_ =	sdelay $0x1  }
0x457: {  	v6 =	vld [tilespmem:s16+$0xDE78];
	_ =	sdelay $0x2  }
0x458: {  	v4 =	vadd.f32 v5, v4;
	_ =	sdelay $0x1  }
0x459: {  	v8 =	vmul.f32 v6, v4;
	_ =	sdelay $0x1  }
0x45a: {  	v4 =	vbroadcast v8, $0x9;
	v5 =	vbroadcast v8, $0xE  }
0x45b: {  	v6 =	vbroadcast v8, $0x1;
	v7 =	vbroadcast v8, $0x0  }
0x45c: {  	v11 =	vbroadcast v8, $0xB;
	v9 =	vbroadcast v8, $0x8  }
0x45d: {  	v13 =	vbroadcast v8, $0x6;
	v12 =	vbroadcast v8, $0xC;
	v15 =	vsel vm0, v7, v6  }
0x45e: {  	v6 =	vbroadcast v8, $0x7;
	v9 =	vsel vm0, v9, v4;
	v4 =	vbroadcast v8, $0xA  }
0x45f: {  	v16 =	vbroadcast v8, $0x3;
	v17 =	vbroadcast v8, $0xF  }
0x460: {  	v63 =	vbroadcast v8, $0x2;
	v6 =	vsel vm0, v13, v6;
	v13 =	vsel vm0, v4, v11;
	v4 =	vld [tilespmem:s16+$0xC5F8]  }
0x461: {  	v10 =	vbroadcast v8, $0x4;
	v5 =	vsel vm0, v5, v17;
	v14 =	vmul.f32 v15, v0  }
0x462: {  	s29 =	simm.s32 $0x103F8;
	s14 =	simm.s32 $0x103F8;
	s15 =	simm.s32 $0x40;
	v7 =	vmul.f32 v9, v0;
	v15 =	vmul.f32 v15, v3;
	v11 =	vsel vm0, v63, v16  }
.LBB2_22:
0x463: {  	p1 =	sne.s32 s15, $0x1840  }
0x464: {  	v14 =	vadd.f32 v14, v1;
	v16 =	vmul.f32 v13, v0;
	v17 =	vbroadcast v8, $0xD;
	s14 =	sadd.s32 $0x80, s14;
	s16 =	smov.u32 s15;
	s15 =	sadd.s32 $0x40, s15  }
0x465: {  	v8 =	vbroadcast v8, $0x5;
	v15 =	vadd.f32 v15, v2;
	v18 =	vbroadcast v4, $0x6  }
0x466: {  	v13 =	vmul.f32 v13, v3;
	v19 =	vbroadcast v4, $0x0;
	v12 =	vsel vm0, v12, v17  }
0x467: {  	v20 =	vbroadcast v4, $0xC;
	v17 =	vbroadcast v4, $0x1;
	v16 =	vadd.f32 v16, v1  }
0x468: {  	v21 =	vbroadcast v4, $0x7;
	v13 =	vadd.f32 v13, v2;
	v22 =	vmul.f32 v12, v3  }
0x469: {  	v23 =	vbroadcast v4, $0xE;
	v12 =	vmul.f32 v12, v0  }
0x46a: {  	v9 =	vmul.f32 v9, v3;
	v24 =	vbroadcast v4, $0xA;
	v22 =	vadd.f32 v22, v2  }
0x46b: {  	v25 =	vbroadcast v4, $0x4;
	v8 =	vsel vm0, v10, v8;
	v10 =	vbroadcast v4, $0x5  }
0x46c: {  	v26 =	vmul.f32 v11, v0;
	v11 =	vmul.f32 v11, v3;
	v14 =	vmax.f32 v14, $0.0e+00  }
0x46d: {  	v27 =	vbroadcast v4, $0xF;
	v10 =	vsel vm0, v25, v10;
	v25 =	vbroadcast v4, $0x8  }
0x46e: {  	v11 =	vadd.f32 v11, v2;
	v17 =	vsel vm0, v19, v17;
	v19 =	vbroadcast v4, $0xB  }
0x46f: {  	v7 =	vadd.f32 v7, v1;
	v28 =	vbroadcast v4, $0x9;
	v9 =	vadd.f32 v9, v2  }
0x470: {  	v29 =	vmul.f32 v8, v0;
	v18 =	vsel vm0, v18, v21;
	v21 =	vmul.f32 v6, v3  }
0x471: {  	v30 =	vmul.f32 v5, v3;
	v26 =	vadd.f32 v26, v1;
	v8 =	vmul.f32 v8, v3  }
0x472: {  	v31 =	vbroadcast v4, $0x2;
	v7 =	vmax.f32 v7, $0.0e+00;
	v25 =	vsel vm0, v25, v28  }
0x473: {  	v16 =	vmax.f32 v16, $0.0e+00;
	v28 =	vadd.f32 v30, v2;
	v7 =	vmul.f32 v7, v25  }
0x474: {  	v6 =	vmul.f32 v6, v0;
	v30 =	vbroadcast v4, $0x3;
	v19 =	vsel vm0, v24, v19  }
0x475: {  	v15 =	vmax.f32 v15, $0.0e+00;
	v24 =	vadd.f32 v29, v1;
	v16 =	vmul.f32 v16, v19  }
0x476: {  	v14 =	vmul.f32 v14, v17;
	v6 =	vadd.f32 v6, v1;
	v28 =	vmax.f32 v28, $0.0e+00  }
0x477: {  	v26 =	vmax.f32 v26, $0.0e+00;
	v15 =	vmul.f32 v15, v17;
	v17 =	vsel vm0, v31, v30  }
0x478: {  	v8 =	vadd.f32 v8, v2;
	v21 =	vadd.f32 v21, v2;
	v26 =	vmul.f32 v26, v17  }
0x479: {  	v9 =	vmax.f32 v9, $0.0e+00;
	v13 =	vmax.f32 v13, $0.0e+00;
	v24 =	vmax.f32 v24, $0.0e+00  }
0x47a: {  	v8 =	vmax.f32 v8, $0.0e+00;
	v9 =	vmul.f32 v9, v25;
	v13 =	vmul.f32 v13, v19  }
0x47b: {  	v8 =	vmul.f32 v8, v10;
	v19 =	vmul.f32 v24, v10;
	v10 =	vadd.f32 v12, v1  }
0x47c: {  	v5 =	vmul.f32 v5, v0;
	v6 =	vmax.f32 v6, $0.0e+00;
	v12 =	vpack.i.f32.bf16 v13, v16  }
0x47d: {  	v11 =	vmax.f32 v11, $0.0e+00;
	v4 =	vbroadcast v4, $0xD;
	v13 =	vmax.f32 v21, $0.0e+00  }
0x47e: {  	v5 =	vadd.f32 v5, v1;
	v11 =	vmul.f32 v11, v17;
	v8 =	vpack.i.f32.bf16 v8, v19;
	[tilespmem:s29+$0x10] =	vst v12  }
0x47f: {  	v4 =	vsel vm0, v20, v4;
	[tilespmem:s29+$0xFFFFFFE0] =	vst v8;
	v8 =	vmax.f32 v10, $0.0e+00;
	v10 =	vmax.f32 v22, $0.0e+00  }
0x480: {  	v11 =	vpack.i.f32.bf16 v11, v26;
	v8 =	vmul.f32 v8, v4;
	v4 =	vmul.f32 v10, v4  }
0x481: {  	v5 =	vmax.f32 v5, $0.0e+00;
	v7 =	vpack.i.f32.bf16 v9, v7;
	v9 =	vsel vm0, v23, v27;
	[tilespmem:s29+$0xFFFFFFD0] =	vst v11  }
0x482: {  	v5 =	vmul.f32 v5, v9;
	[tilespmem:s29+$0x0] =	vst v7;
	v4 =	vpack.i.f32.bf16 v4, v8;
	v7 =	vmul.f32 v28, v9  }
0x483: {  	v6 =	vmul.f32 v6, v18;
	v8 =	vpack.i.f32.bf16 v15, v14;
	v9 =	vmul.f32 v13, v18;
	[tilespmem:s29+$0x20] =	vst v4  }
0x484: {  	[tilespmem:s29+$0xFFFFFFC0] =	vst v8;
	v4 =	vpack.i.f32.bf16 v7, v5  }
0x485: {  	s16 =	sshra.s32 s16, $0x2;
	v5 =	vpack.i.f32.bf16 v9, v6;
	[tilespmem:s29+$0x30] =	vst v4  }
0x486: {  	[tilespmem:s29+$0xFFFFFFF0] =	vst v5;
	s29 =	smov.u32 s14  }
0x487: {  	v4 =	vld [tilespmem:s16+$0x94F8]  }
0x488: {  	v5 =	vld [tilespmem:s16+$0xF6F8]  }
0x489: {  	v6 =	vld [tilespmem:s16+$0xDE78];
	_ =	sdelay $0x3  }
0x48a: {  	v4 =	vadd.f32 v5, v4;
	_ =	sdelay $0x1  }
0x48b: {  	v8 =	vmul.f32 v6, v4;
	_ =	sdelay $0x1  }
0x48c: {  	v5 =	vbroadcast v8, $0x9;
	v16 =	vbroadcast v8, $0xE  }
0x48d: {  	v4 =	vbroadcast v8, $0x1;
	v11 =	vbroadcast v8, $0xB  }
0x48e: {  	v6 =	vbroadcast v8, $0x0;
	v7 =	vbroadcast v8, $0x8  }
0x48f: {  	v13 =	vbroadcast v8, $0x6;
	v12 =	vbroadcast v8, $0xC  }
.Ltmp13:
0x490: {  	v17 =	vbroadcast v8, $0x3;
	v15 =	vsel vm0, v6, v4;
	v6 =	vbroadcast v8, $0x7;
	(pc) =	sbr.rel @p1 .LBB2_22-.Ltmp13, $4  }
0x491: {  	v18 =	vbroadcast v8, $0xF;
	v9 =	vsel vm0, v7, v5;
	v5 =	vbroadcast v8, $0xA;
	v4 =	vld [tilespmem:s16+$0xC5F8]  }
0x492: {  	v19 =	vbroadcast v8, $0x2;
	v10 =	vbroadcast v8, $0x4;
	v6 =	vsel vm0, v13, v6  }
0x493: {  	v14 =	vmul.f32 v15, v0;
	v7 =	vmul.f32 v9, v0;
	v13 =	vsel vm0, v5, v11  }
0x494: {  	v15 =	vmul.f32 v15, v3;
	v11 =	vsel vm0, v19, v17;
	v5 =	vsel vm0, v16, v18  }
0x495: {  	v16 =	vmul.f32 v13, v0  }
0x496: {  	v17 =	vbroadcast v8, $0xD;
	v8 =	vbroadcast v8, $0x5  }
0x497: {  	v13 =	vmul.f32 v13, v3;
	v9 =	vmul.f32 v9, v3  }
0x498: {  	v26 =	vmul.f32 v11, v0;
	v11 =	vmul.f32 v11, v3  }
0x499: {  	v58 =	vmul.f32 v6, v3;
	v30 =	vmul.f32 v5, v3  }
0x49a: {  	v6 =	vmul.f32 v6, v0;
	v5 =	vmul.f32 v5, v0  }
0x49b: {  	v18 =	vbroadcast v4, $0x6;
	v19 =	vbroadcast v4, $0x0  }
0x49c: {  	v20 =	vbroadcast v4, $0xC;
	v21 =	vbroadcast v4, $0x7  }
0x49d: {  	v23 =	vbroadcast v4, $0xE;
	v24 =	vbroadcast v4, $0xA  }
0x49e: {  	v14 =	vadd.f32 v14, v1;
	v25 =	vbroadcast v4, $0x4;
	v56 =	vbroadcast v4, $0x8  }
0x49f: {  	v7 =	vadd.f32 v7, v1;
	v27 =	vbroadcast v4, $0xF;
	v57 =	vbroadcast v4, $0xB  }
0x4a0: {  	v15 =	vadd.f32 v15, v2;
	v28 =	vbroadcast v4, $0x9;
	v31 =	vbroadcast v4, $0x2  }
0x4a1: {  	v60 =	vbroadcast v4, $0x3;
	v12 =	vsel vm0, v12, v17;
	v17 =	vbroadcast v4, $0x1  }
0x4a2: {  	v16 =	vadd.f32 v16, v1;
	v13 =	vadd.f32 v13, v2;
	v8 =	vsel vm0, v10, v8  }
0x4a3: {  	v10 =	vbroadcast v4, $0x5;
	v14 =	vmax.f32 v14, $0.0e+00;
	v11 =	vadd.f32 v11, v2  }
0x4a4: {  	v9 =	vadd.f32 v9, v2;
	v26 =	vadd.f32 v26, v1;
	v7 =	vmax.f32 v7, $0.0e+00  }
0x4a5: {  	v59 =	vadd.f32 v30, v2;
	v6 =	vadd.f32 v6, v1;
	v4 =	vbroadcast v4, $0xD  }
0x4a6: {  	v5 =	vadd.f32 v5, v1;
	v22 =	vmul.f32 v12, v3;
	v12 =	vmul.f32 v12, v0  }
0x4a7: {  	v29 =	vmul.f32 v8, v0;
	v18 =	vsel vm0, v18, v21;
	v8 =	vmul.f32 v8, v3  }
0x4a8: {  	v15 =	vmax.f32 v15, $0.0e+00;
	v21 =	vadd.f32 v58, v2;
	v10 =	vsel vm0, v25, v10  }
0x4a9: {  	v17 =	vsel vm0, v19, v17;
	v25 =	vsel vm0, v56, v28;
	v16 =	vmax.f32 v16, $0.0e+00  }
0x4aa: {  	v19 =	vsel vm0, v24, v57;
	v28 =	vmax.f32 v59, $0.0e+00;
	v26 =	vmax.f32 v26, $0.0e+00  }
0x4ab: {  	v9 =	vmax.f32 v9, $0.0e+00;
	v13 =	vmax.f32 v13, $0.0e+00;
	v6 =	vmax.f32 v6, $0.0e+00  }
0x4ac: {  	v11 =	vmax.f32 v11, $0.0e+00;
	v4 =	vsel vm0, v20, v4;
	v5 =	vmax.f32 v5, $0.0e+00  }
0x4ad: {  	v22 =	vadd.f32 v22, v2;
	v7 =	vmul.f32 v7, v25;
	v61 =	vadd.f32 v29, v1  }
0x4ae: {  	v16 =	vmul.f32 v16, v19;
	v14 =	vmul.f32 v14, v17;
	v8 =	vadd.f32 v8, v2  }
0x4af: {  	v15 =	vmul.f32 v15, v17;
	v17 =	vsel vm0, v31, v60;
	v9 =	vmul.f32 v9, v25  }
0x4b0: {  	v13 =	vmul.f32 v13, v19;
	v24 =	vmax.f32 v61, $0.0e+00;
	v8 =	vmax.f32 v8, $0.0e+00  }
0x4b1: {  	v62 =	vmul.f32 v24, v10;
	v8 =	vmul.f32 v8, v10;
	v10 =	vadd.f32 v12, v1  }
0x4b2: {  	v26 =	vmul.f32 v26, v17;
	v11 =	vmul.f32 v11, v17;
	v12 =	vpack.i.f32.bf16 v13, v16  }
0x4b3: {  	[tilespmem:s29+$0x10] =	vst v12;
	v12 =	vmax.f32 v22, $0.0e+00;
	v8 =	vpack.i.f32.bf16 v8, v62;
	v10 =	vmax.f32 v10, $0.0e+00  }
0x4b4: {  	[tilespmem:s29+$0xFFFFFFE0] =	vst v8;
	v8 =	vpack.i.f32.bf16 v11, v26;
	v10 =	vmul.f32 v10, v4;
	v4 =	vmul.f32 v12, v4  }
0x4b5: {  	v7 =	vpack.i.f32.bf16 v9, v7;
	v13 =	vmax.f32 v21, $0.0e+00;
	[tilespmem:s29+$0xFFFFFFD0] =	vst v8;
	v8 =	vsel vm0, v23, v27  }
0x4b6: {  	[tilespmem:s29+$0x0] =	vst v7;
	v4 =	vpack.i.f32.bf16 v4, v10;
	v5 =	vmul.f32 v5, v8;
	v7 =	vmul.f32 v28, v8  }
0x4b7: {  	v6 =	vmul.f32 v6, v18;
	v9 =	vmul.f32 v13, v18;
	v8 =	vpack.i.f32.bf16 v15, v14;
	[tilespmem:s29+$0x20] =	vst v4  }
0x4b8: {  	[tilespmem:s29+$0xFFFFFFC0] =	vst v8;
	v4 =	vpack.i.f32.bf16 v7, v5  }
0x4b9: {  	v5 =	vpack.i.f32.bf16 v9, v6;
	[tilespmem:s29+$0x30] =	vst v4  }
0x4ba: {  	s14 =	simm.s32 $0x0;
	s15 =	rddreg [dreg:$0x1a];
	[tilespmem:s29+$0xFFFFFFF0] =	vst v5  }
0x4bb: {  	[hbm4b:s15+s14] =	stream.linear.scatter [tilespmem:s20], [sflag:$0x3], $0x3100, $0x38;
	[tilespmem:$0x1C7B8] =	vst v63  }
0x4bc: {  	_ =	swait.ge [sflag:s10], $0x3100  }
0x4bd: {  	[sflag:s10] =	ssyncset.done $0x0  }
0x4be: {  	s16 =	simm.s32 $0x0;
	[sflag:s10] =	ssyncadd.s32 $0xFFFFCF00  }
0x4bf: {  	v4 =	vld [tilespmem:s16+$0x9B18]  }
0x4c0: {  	v5 =	vld [tilespmem:s16+$0xFD18];
	_ =	sdelay $0x1  }
0x4c1: {  	v6 =	vld [tilespmem:s16+$0xE498];
	_ =	sdelay $0x2  }
0x4c2: {  	v4 =	vadd.f32 v5, v4;
	_ =	sdelay $0x1  }
0x4c3: {  	v8 =	vmul.f32 v6, v4;
	_ =	sdelay $0x1  }
0x4c4: {  	v4 =	vbroadcast v8, $0x9;
	v5 =	vbroadcast v8, $0xE  }
0x4c5: {  	v6 =	vbroadcast v8, $0x1;
	v7 =	vbroadcast v8, $0x0  }
0x4c6: {  	v11 =	vbroadcast v8, $0xB;
	v9 =	vbroadcast v8, $0x8  }
0x4c7: {  	v13 =	vbroadcast v8, $0x6;
	v12 =	vbroadcast v8, $0xC;
	v15 =	vsel vm0, v7, v6  }
0x4c8: {  	v6 =	vbroadcast v8, $0x7;
	v9 =	vsel vm0, v9, v4;
	v4 =	vbroadcast v8, $0xA  }
0x4c9: {  	v16 =	vbroadcast v8, $0x3;
	v17 =	vbroadcast v8, $0xF  }
0x4ca: {  	v63 =	vbroadcast v8, $0x2;
	v6 =	vsel vm0, v13, v6;
	v13 =	vsel vm0, v4, v11;
	v4 =	vld [tilespmem:s16+$0xCC18]  }
0x4cb: {  	v10 =	vbroadcast v8, $0x4;
	v5 =	vsel vm0, v5, v17;
	v14 =	vmul.f32 v15, v0  }
0x4cc: {  	s29 =	simm.s32 $0x134F8;
	s14 =	simm.s32 $0x134F8;
	s15 =	simm.s32 $0x40;
	v7 =	vmul.f32 v9, v0;
	v15 =	vmul.f32 v15, v3;
	v11 =	vsel vm0, v63, v16  }
.LBB2_24:
0x4cd: {  	p1 =	sne.s32 s15, $0x1840  }
0x4ce: {  	v14 =	vadd.f32 v14, v1;
	v16 =	vmul.f32 v13, v0;
	v17 =	vbroadcast v8, $0xD;
	s14 =	sadd.s32 $0x80, s14;
	s16 =	smov.u32 s15;
	s15 =	sadd.s32 $0x40, s15  }
0x4cf: {  	v15 =	vadd.f32 v15, v2;
	v8 =	vbroadcast v8, $0x5;
	v18 =	vbroadcast v4, $0x6  }
0x4d0: {  	v19 =	vbroadcast v4, $0x0;
	v13 =	vmul.f32 v13, v3;
	v12 =	vsel vm0, v12, v17  }
0x4d1: {  	v20 =	vbroadcast v4, $0xC;
	v17 =	vbroadcast v4, $0x1;
	v16 =	vadd.f32 v16, v1  }
0x4d2: {  	v21 =	vbroadcast v4, $0x7;
	v13 =	vadd.f32 v13, v2;
	v22 =	vmul.f32 v12, v3  }
0x4d3: {  	v23 =	vbroadcast v4, $0xE;
	v12 =	vmul.f32 v12, v0  }
0x4d4: {  	v9 =	vmul.f32 v9, v3;
	v24 =	vbroadcast v4, $0xA;
	v22 =	vadd.f32 v22, v2  }
0x4d5: {  	v25 =	vbroadcast v4, $0x4;
	v8 =	vsel vm0, v10, v8;
	v10 =	vbroadcast v4, $0x5  }
0x4d6: {  	v26 =	vmul.f32 v11, v0;
	v11 =	vmul.f32 v11, v3;
	v14 =	vmax.f32 v14, $0.0e+00  }
0x4d7: {  	v27 =	vbroadcast v4, $0xF;
	v10 =	vsel vm0, v25, v10;
	v25 =	vbroadcast v4, $0x8  }
0x4d8: {  	v11 =	vadd.f32 v11, v2;
	v17 =	vsel vm0, v19, v17;
	v19 =	vbroadcast v4, $0xB  }
0x4d9: {  	v28 =	vbroadcast v4, $0x9;
	v7 =	vadd.f32 v7, v1;
	v9 =	vadd.f32 v9, v2  }
0x4da: {  	v18 =	vsel vm0, v18, v21;
	v21 =	vmul.f32 v6, v3;
	v29 =	vmul.f32 v8, v0  }
0x4db: {  	v30 =	vmul.f32 v5, v3;
	v26 =	vadd.f32 v26, v1;
	v8 =	vmul.f32 v8, v3  }
0x4dc: {  	v31 =	vbroadcast v4, $0x2;
	v7 =	vmax.f32 v7, $0.0e+00;
	v25 =	vsel vm0, v25, v28  }
0x4dd: {  	v16 =	vmax.f32 v16, $0.0e+00;
	v28 =	vadd.f32 v30, v2;
	v7 =	vmul.f32 v7, v25  }
0x4de: {  	v6 =	vmul.f32 v6, v0;
	v30 =	vbroadcast v4, $0x3;
	v19 =	vsel vm0, v24, v19  }
0x4df: {  	v15 =	vmax.f32 v15, $0.0e+00;
	v24 =	vadd.f32 v29, v1;
	v16 =	vmul.f32 v16, v19  }
0x4e0: {  	v6 =	vadd.f32 v6, v1;
	v14 =	vmul.f32 v14, v17;
	v28 =	vmax.f32 v28, $0.0e+00  }
0x4e1: {  	v26 =	vmax.f32 v26, $0.0e+00;
	v15 =	vmul.f32 v15, v17;
	v17 =	vsel vm0, v31, v30  }
0x4e2: {  	v21 =	vadd.f32 v21, v2;
	v8 =	vadd.f32 v8, v2;
	v26 =	vmul.f32 v26, v17  }
0x4e3: {  	v9 =	vmax.f32 v9, $0.0e+00;
	v13 =	vmax.f32 v13, $0.0e+00;
	v24 =	vmax.f32 v24, $0.0e+00  }
0x4e4: {  	v8 =	vmax.f32 v8, $0.0e+00;
	v9 =	vmul.f32 v9, v25;
	v13 =	vmul.f32 v13, v19  }
0x4e5: {  	v8 =	vmul.f32 v8, v10;
	v19 =	vmul.f32 v24, v10;
	v10 =	vadd.f32 v12, v1  }
0x4e6: {  	v5 =	vmul.f32 v5, v0;
	v6 =	vmax.f32 v6, $0.0e+00;
	v12 =	vpack.i.f32.bf16 v13, v16  }
0x4e7: {  	v11 =	vmax.f32 v11, $0.0e+00;
	v4 =	vbroadcast v4, $0xD;
	v13 =	vmax.f32 v21, $0.0e+00  }
0x4e8: {  	v5 =	vadd.f32 v5, v1;
	v11 =	vmul.f32 v11, v17;
	v8 =	vpack.i.f32.bf16 v8, v19;
	[tilespmem:s29+$0x10] =	vst v12  }
0x4e9: {  	v4 =	vsel vm0, v20, v4;
	[tilespmem:s29+$0xFFFFFFE0] =	vst v8;
	v8 =	vmax.f32 v10, $0.0e+00;
	v10 =	vmax.f32 v22, $0.0e+00  }
0x4ea: {  	v11 =	vpack.i.f32.bf16 v11, v26;
	v8 =	vmul.f32 v8, v4;
	v4 =	vmul.f32 v10, v4  }
0x4eb: {  	v5 =	vmax.f32 v5, $0.0e+00;
	v7 =	vpack.i.f32.bf16 v9, v7;
	v9 =	vsel vm0, v23, v27;
	[tilespmem:s29+$0xFFFFFFD0] =	vst v11  }
0x4ec: {  	v5 =	vmul.f32 v5, v9;
	[tilespmem:s29+$0x0] =	vst v7;
	v4 =	vpack.i.f32.bf16 v4, v8;
	v7 =	vmul.f32 v28, v9  }
0x4ed: {  	v6 =	vmul.f32 v6, v18;
	v8 =	vpack.i.f32.bf16 v15, v14;
	v9 =	vmul.f32 v13, v18;
	[tilespmem:s29+$0x20] =	vst v4  }
0x4ee: {  	[tilespmem:s29+$0xFFFFFFC0] =	vst v8;
	v4 =	vpack.i.f32.bf16 v7, v5  }
0x4ef: {  	s16 =	sshra.s32 s16, $0x2;
	v5 =	vpack.i.f32.bf16 v9, v6;
	[tilespmem:s29+$0x30] =	vst v4  }
0x4f0: {  	[tilespmem:s29+$0xFFFFFFF0] =	vst v5;
	s29 =	smov.u32 s14  }
0x4f1: {  	v4 =	vld [tilespmem:s16+$0x9B18]  }
0x4f2: {  	v5 =	vld [tilespmem:s16+$0xFD18]  }
0x4f3: {  	v6 =	vld [tilespmem:s16+$0xE498];
	_ =	sdelay $0x3  }
0x4f4: {  	v4 =	vadd.f32 v5, v4;
	_ =	sdelay $0x1  }
0x4f5: {  	v8 =	vmul.f32 v6, v4;
	_ =	sdelay $0x1  }
0x4f6: {  	v5 =	vbroadcast v8, $0x9;
	v16 =	vbroadcast v8, $0xE  }
0x4f7: {  	v4 =	vbroadcast v8, $0x1;
	v11 =	vbroadcast v8, $0xB  }
0x4f8: {  	v6 =	vbroadcast v8, $0x0;
	v7 =	vbroadcast v8, $0x8  }
0x4f9: {  	v13 =	vbroadcast v8, $0x6;
	v12 =	vbroadcast v8, $0xC  }
.Ltmp14:
0x4fa: {  	v17 =	vbroadcast v8, $0x3;
	v15 =	vsel vm0, v6, v4;
	v6 =	vbroadcast v8, $0x7;
	(pc) =	sbr.rel @p1 .LBB2_24-.Ltmp14, $4  }
0x4fb: {  	v18 =	vbroadcast v8, $0xF;
	v9 =	vsel vm0, v7, v5;
	v5 =	vbroadcast v8, $0xA;
	v4 =	vld [tilespmem:s16+$0xCC18]  }
0x4fc: {  	v19 =	vbroadcast v8, $0x2;
	v10 =	vbroadcast v8, $0x4;
	v6 =	vsel vm0, v13, v6  }
0x4fd: {  	v14 =	vmul.f32 v15, v0;
	v7 =	vmul.f32 v9, v0;
	v13 =	vsel vm0, v5, v11  }
0x4fe: {  	v15 =	vmul.f32 v15, v3;
	v11 =	vsel vm0, v19, v17;
	v5 =	vsel vm0, v16, v18  }
.Ltmp15:
0x4ff: {  	_ = 	snop;
	(pc) =	sbr.rel .LBB2_25-.Ltmp15, $1  }
0x500: {  	_ =	sdelay $0x3  }
.LBB2_27:
0x501: {  	_ =	sfence.sel $0x180000  }
0x502: {  	[bflag:$0x0] =	sbarrier.arrive $0xFFFF  }
0x503: {  	_ =	strace $0x90000047  }
0x504: {  	s0 =	stileid.u32;
	[bflag:$0x2] =	sbarrier.arrive $0xFFFF  }
0x505: {  	p0 =	sne.s32 s0, $0x0;
	s0 =	rddreg [dreg:$0x6]  }
0x506: {  	s0 =	sadd.s32 @!p0 $0x100000, s0  }
0x507: {  	[sflag:s0] =	ssyncadd.tile.s32 @!p0 $0x1;
	_ =	shalt  }
.Lfunc_end2:
_tile_overlayer_lowered:
.L_overlay_start_2:
0x508: {  	(tag) =	ssettag $0x2  }
0x509: {  	s0 =	rddreg [dreg:$0x0];
	s2 =	stileid.u32  }
0x50a: {  	s1 =	rddreg [dreg:$0x1];
	p0 =	sne.s32 s2, $0x0  }
0x50b: {  	s3 =	rddreg [dreg:$0x2];
	[bflag:$0x3] =	sbarrier.arrive $0xFFFF;
	s2 =	simm.s32 @!p0 $0x1C07  }
0x50c: {  	[timem:s3], [sflag:s2] =	dma.local @!p0 [hbm:s0], s1  }
0x50d: {  	s0 =	simm.s32 @!p0 $0x7  }
0x50e: {  	_ =	swait.ge @!p0 [sflag:s0], s1  }
0x50f: {  	s1 =	ssub.s32 @!p0 $0x0, s1;
	[sflag:s0] =	ssyncset.done @!p0 $0x0  }
0x510: {  	[sflag:s0] =	ssyncadd.s32 @!p0 s1  }
0x511: {  	[bflag:$0x3] =	sbarrier.arrive $0xFFFF  }
0x512: {  	_ =	shalt  }

// kernel: kernel.8.cloned.1.call-start
scs
__scs_entry_jumppad:
0x0: {  	(pc) =	sbr.rel $0x88, $3  }
0x1: {  	(tag) =	ssettag $0x0;
	lr =	simm.s32 $0x1  }
0x2: {  	[smem:$0x3F9A] =	sst lr;
	_ =	strace $0xD0000000  }
0x3: {  	_ = 	snop  }
0x4: {  	_ = 	snop  }
0x5: {  	_ = 	snop  }
0x6: {  	_ = 	snop  }
0x7: {  	_ = 	snop  }
__scs_overlays_trampoline_lowered:
0x8: {  	[smem:$0x3FA9] =	sst s0  }
0x9: {  	[smem:$0x3FAA] =	sst s1  }
0xa: {  	[smem:$0x3FAB] =	sst s2  }
0xb: {  	[smem:$0x3FAC] =	sst s3  }
0xc: {  	[smem:$0x3FAD] =	sst s4  }
0xd: {  	[smem:$0x3FAE] =	sst s5  }
0xe: {  	[smem:$0x3FAF] =	sst s6  }
0xf: {  	[smem:$0x3FB0] =	sst s7  }
0x10: {  	[smem:$0x3FB1] =	sst s8  }
0x11: {  	[smem:$0x3FB2] =	sst s9;
	s0 =	simm.s32 @!p0 $0x0  }
0x12: {  	s1 =	sld [smem:$0x3F98];
	s0 =	simm.s32 @p0 $0x1  }
0x13: {  	[smem:$0x3FB3] =	sst s0;
	s0 =	simm.s32 @!p1 $0x0  }
0x14: {  	s2 =	sld [smem:$0x3F97];
	s0 =	simm.s32 @p1 $0x1  }
0x15: {  	[smem:$0x3FB4] =	sst s0;
	s0 =	simm.s32 @!p2 $0x0  }
0x16: {  	s3 =	sld [smem:$0x3FDB];
	s0 =	simm.s32 @p2 $0x1  }
0x17: {  	s4 =	simm.s32 $0x1BF5;
	[smem:$0x3FB6] =	sst s0  }
0x18: {  	s0 =	sld [smem:$0x3F99];
	_ =	swait.ge [sflag:s4], $0x0  }
0x19: {  	s7 =	sld [smem:$0x3F9A]  }
0x1a: {  	s8 =	sadd.s32 $0xFFFFE003, lr  }
0x1b: {  	s9 =	sadd.s32 $0xFFFFFEF7, lr;
	s5 =	simm.s32 $0xFFFFFFFF;
	p2 =	slt.u32 s8, $0xFFFFF086  }
0x1c: {  	p1 =	slt.u32 s9, $0xF7A;
	s5 =	simm.s32 @!p2 $0x0  }
0x1d: {  	s5 =	simm.s32 @p1 $0x1;
	p0 =	seq.s32 s7, s2  }
0x1e: {  	s7 =	smul.u32 @!p0 $0xF7A, s2;
	p2 =	seq.s32 @!p0 s5, $0x0  }
0x1f: {  	s9 =	smul.u32 $0xF7A, s1;
	s8 =	simm.s32 @!p0 $0x1BF5;
	p2 =	por !p2, p0  }
0x20: {  	[sflag:s8] =	ssyncset.s32 @!p0 $0xFFFFF086;
	s6 =	sadd.s32 @!p0 s3, s7;
	s7 =	simm.s32 @!p0 $0x108  }
0x21: {  	s3 =	sadd.s32 s3, s9;
	s6 =	sadd.s32 @!p0 $0x88, s6;
	s7 =	simm.s32 @p2 $0x1082  }
0x22: {  	[simem:s7], [sflag:s8] =	dma.local @!p0 [hbm:s6], $0xF7A  }
0x23: {  	s9 =	sor.u32 $0xD0000000, s2;
	s6 =	simm.s32 $0x108;
	_ =	swait.ge @!p0 [sflag:s8], $0x0  }
0x24: {  	s3 =	sadd.s32 $0x88, s3;
	s6 =	simm.s32 @!p1 $0x1082;
	[sflag:s4] =	ssyncset.s32 $0xFFFFF086  }
0x25: {  	[simem:s6], [sflag:s4] =	dma.local [hbm:s3], $0xF7A  }
0x26: {  	[smem:$0x3F9A] =	sst s1;
	(tag) =	ssettag s2;
	_ =	strace s9  }
0x27: {  	s1 =	sld [smem:$0x3FAA]  }
0x28: {  	s2 =	sld [smem:$0x3FAB]  }
0x29: {  	s4 =	sld [smem:$0x3FAD]  }
0x2a: {  	p0 =	seq.s32 s5, $0x0;
	s5 =	sld [smem:$0x3FAE]  }
0x2b: {  	s6 =	sld [smem:$0x3FAF]  }
0x2c: {  	s7 =	sld [smem:$0x3FB0]  }
0x2d: {  	s3 =	simm.s32 $0x108;
	s8 =	sld [smem:$0x3FB1]  }
0x2e: {  	s3 =	simm.s32 @!p0 $0x1082;
	s9 =	sld [smem:$0x3FB2]  }
0x2f: {  	lr =	sadd.s32 s0, s3;
	s0 =	sld [smem:$0x3FA9]  }
0x30: {  	s3 =	sld [smem:$0x3FAC]  }
0x31: {  	[smem:$0x3FB5] =	sst s10  }
0x32: {  	s10 =	sld [smem:$0x3FB3];
	_ =	sdelay $0x3  }
0x33: {  	p0 =	seq.s32 s10, $0x1;
	s10 =	sld [smem:$0x3FB5];
	_ =	sdelay $0x3  }
0x34: {  	[smem:$0x3FB5] =	sst s10  }
0x35: {  	s10 =	sld [smem:$0x3FB4];
	_ =	sdelay $0x3  }
0x36: {  	p1 =	seq.s32 s10, $0x1;
	s10 =	sld [smem:$0x3FB5];
	_ =	sdelay $0x3  }
0x37: {  	[smem:$0x3FB5] =	sst s10  }
0x38: {  	s10 =	sld [smem:$0x3FB6]  }
0x39: {  	_ = 	snop;
	(pc) =	sbr.ind lr, $3  }
0x3a: {  	_ = 	snop  }
0x3b: {  	_ = 	snop  }
0x3c: {  	p2 =	seq.s32 s10, $0x1;
	s10 =	sld [smem:$0x3FB5]  }
0x3d: {  	_ =	shalt  }
0x3e: {  	_ =	shalt  }
0x3f: {  	_ =	shalt  }
0x40: {  	_ =	shalt  }
0x41: {  	_ =	shalt  }
0x42: {  	_ =	shalt  }
0x43: {  	_ =	shalt  }
0x44: {  	_ =	shalt  }
0x45: {  	_ =	shalt  }
0x46: {  	_ =	shalt  }
0x47: {  	_ =	shalt  }
0x48: {  	_ =	shalt  }
0x49: {  	_ =	shalt  }
0x4a: {  	_ =	shalt  }
0x4b: {  	_ =	shalt  }
0x4c: {  	_ =	shalt  }
0x4d: {  	_ =	shalt  }
0x4e: {  	_ =	shalt  }
0x4f: {  	_ =	shalt  }
0x50: {  	_ =	shalt  }
0x51: {  	_ =	shalt  }
0x52: {  	_ =	shalt  }
0x53: {  	_ =	shalt  }
0x54: {  	_ =	shalt  }
0x55: {  	_ =	shalt  }
0x56: {  	_ =	shalt  }
0x57: {  	_ =	shalt  }
0x58: {  	_ =	shalt  }
0x59: {  	_ =	shalt  }
0x5a: {  	_ =	shalt  }
0x5b: {  	_ =	shalt  }
0x5c: {  	_ =	shalt  }
0x5d: {  	_ =	shalt  }
0x5e: {  	_ =	shalt  }
0x5f: {  	_ =	shalt  }
0x60: {  	_ =	shalt  }
0x61: {  	_ =	shalt  }
0x62: {  	_ =	shalt  }
0x63: {  	_ =	shalt  }
0x64: {  	_ =	shalt  }
0x65: {  	_ =	shalt  }
0x66: {  	_ =	shalt  }
0x67: {  	_ =	shalt  }
0x68: {  	_ =	shalt  }
0x69: {  	_ =	shalt  }
0x6a: {  	_ =	shalt  }
0x6b: {  	_ =	shalt  }
0x6c: {  	_ =	shalt  }
0x6d: {  	_ =	shalt  }
0x6e: {  	_ =	shalt  }
0x6f: {  	_ =	shalt  }
0x70: {  	_ =	shalt  }
0x71: {  	_ =	shalt  }
0x72: {  	_ =	shalt  }
0x73: {  	_ =	shalt  }
0x74: {  	_ =	shalt  }
0x75: {  	_ =	shalt  }
0x76: {  	_ =	shalt  }
0x77: {  	_ =	shalt  }
0x78: {  	_ =	shalt  }
0x79: {  	_ =	shalt  }
0x7a: {  	_ =	shalt  }
0x7b: {  	_ =	shalt  }
0x7c: {  	_ =	shalt  }
0x7d: {  	_ =	shalt  }
0x7e: {  	_ =	shalt  }
0x7f: {  	_ =	shalt  }
0x80: {  	_ =	shalt  }
0x81: {  	_ =	shalt  }
0x82: {  	_ =	shalt  }
0x83: {  	_ =	shalt  }
0x84: {  	_ =	shalt  }
0x85: {  	_ =	shalt  }
0x86: {  	_ =	shalt  }
0x87: {  	_ =	shalt  }
.Lfunc_end0:
.L_simem_size_0:
called_computation.1_lowered:
.L_overlay_start_0:
0x88: {  	s2 =	sld [smem:$0x3FD9]  }
0x89: {  	s3 =	sld [smem:$0x3FFE];
	_ =	sdelay $0x1  }
0x8a: {  	s1 =	srdreg.scid  }
0x8b: {  	s0 =	sand.u32 $0x1, s1  }
0x8c: {  	s16 =	sshll.u32 s0, $0xA;
	s2 =	sadd.s32 s3, s2  }
0x8d: {  	s2 =	sadd.s32 s2, s16  }
0x8e: {  	[smem:$0x3FC1] =	sst s2  }
0x8f: {  	_ = 	snop  }
0x90: {  	(tm) =	ssettm $0x1  }
0x91: {  	s17 =	sld [smem:$0x3FFB];
	_ =	sdelay $0x3  }
0x92: {  	_ =	strace s17  }
0x93: {  	s2 =	sld [smem:$0x3FFC];
	_ =	sdelay $0x3  }
0x94: {  	_ =	strace s2  }
0x95: {  	s2 =	sld [smem:$0x3FFD];
	_ =	sdelay $0x3  }
0x96: {  	_ =	strace s2  }
0x97: {  	_ =	strace $0x8FFFFFFF  }
0x98: {  	s18 =	sld [smem:$0x3FDB];
	_ =	sdelay $0x1  }
0x99: {  	s19 =	simm.s32 $_scs_section_size  }
0x9a: {  	s4 =	simm.s32 $_size__tile_overlayer_lowered;
	s5 =	simm.s32 $_tile_overlayer_lowered  }
0x9b: {  	s22 =	simm.s32 $0x1BFF;
	s21 =	sshll.u32 s5, $0x1;
	s2 =	sadd.s32 s19, s18  }
0x9c: {  	s6 =	simm.s32 $0x0;
	s20 =	sshll.u32 s4, $0x1;
	s4 =	sadd.s32 s21, s2  }
0x9d: {  	[timem:s6], [sflag:s22] =	dma.local [hbm:s4], s20  }
0x9e: {  	_ =	swait.ge [sflag:s22], s20  }
0x9f: {  	s3 =	ssub.s32 $0x0, s20;
	[sflag:s22] =	ssyncset.done $0x0  }
0xa0: {  	[sflag:s22] =	ssyncadd.s32 s3;
	_ =	sdelay $0x1  }
0xa1: {  	s23 =	simm.s32 $0x1B8B  }
0xa2: {  	_ =	swait.ge [sflag:s23], $0x1  }
0xa3: {  	[sflag:s23] =	ssyncset.done $0x0  }
0xa4: {  	s25 =	simm.s32 $0x1B8E;
	s24 =	sld [smem:$0x3FFE];
	[sflag:s23] =	ssyncadd.s32 $0xFFFFFFFF  }
0xa5: {  	s26 =	simm.s32 $execute0_lowered;
	[smem:$0x3FD2] =	sst s25  }
0xa6: {  	s4 =	sshll.u32 s26, $0x1;
	_ =	strace $0x80000049;
	[dreg:$0x1] =	wrdreg $0xFFFFFFFF  }
0xa7: {  	s28 =	simm.s32 $_size_execute0_lowered;
	s2 =	sadd.s32 s2, s4;
	[dreg:$0x0] =	wrdreg $0x0  }
0xa8: {  	s4 =	sshll.u32 s28, $0x1;
	[dreg:$0x2] =	wrdreg s2  }
0xa9: {  	[dreg:$0x3] =	wrdreg s4  }
0xaa: {  	[dreg:$0x4] =	wrdreg $0xC0  }
0xab: {  	_ =	task [dreg:s6], $0x5FFFF  }
0xac: {  	[dreg:$0x1] =	wrdreg $0xFFFFFFFF  }
0xad: {  	[dreg:$0x0] =	wrdreg $0x60  }
0xae: {  	[dreg:$0x2] =	wrdreg s24  }
0xaf: {  	[dreg:$0x3] =	wrdreg $0x138800  }
0xb0: {  	[dreg:$0x4] =	wrdreg $0x9  }
0xb1: {  	_ =	task.clear_ibuf [dreg:s6], $0x5FFFF;
	_ =	strace $0x90000049  }
0xb2: {  	s29 =	simm.s32 $0x9;
	_ =	strace $0x8000004B  }
0xb3: {  	_ =	swait.ge [sflag:s29], $0x1  }
0xb4: {  	[sflag:s29] =	ssyncadd.s32 $0xFFFFFFFF  }
0xb5: {  	_ =	strace $0x9000004B  }
0xb6: {  	_ =	sfence  }
0xb7: {  	s30 =	sld [smem:$0x0];
	_ =	sdelay $0x2  }
0xb8: {  	s31 =	sshll.u32 s1, $0xD;
	s1 =	sshrl.u32 s1, $0x2  }
0xb9: {  	s3 =	sand.u32 $0x4000, s31;
	s1 =	sadd.s32 s1, s30  }
0xba: {  	s0 =	sor.u32 s3, s0;
	s1 =	sshll.u32 s1, $0x11  }
0xbb: {  	s0 =	sor.u32 s1, s0  }
0xbc: {  	s0 =	sadd.s32 $0x8F2B, s0  }
0xbd: {  	[sflag:s0] =	ssyncadd.remote.s32 $0x1  }
0xbe: {  	_ =	sfence.sel $0xFFFF  }
0xbf: {  	[dreg:$0x0] =	wrdreg $0xFFFFFFFF;
	(pc) =	sbr.abs _section_cstart, $3  }
0xc0: {  	[dreg:$0x1] =	wrdreg $0xFFFFFFFF  }
0xc1: {  	_ =	task.clear_ibuf [dreg:s6], $0x2FFFF;
	_ =	strace $0x9FFFFFFF  }
0xc2: {  	(tm) =	ssettm $0x7FFFFFFF  }
0xc3: {  	_ =	shalt  }
tec
execute0_lowered:
.L_overlay_start_1:
0x0: {  	(tag) =	ssettag $0x1  }
0x1: {  	s0 =	rddreg [dreg:$0x0]  }
0x2: {  	s2 =	rddreg [dreg:$0x1]  }
0x3: {  	s3 =	simm.s32 $0x0;
	s1 =	stileid.u32;
	s7 =	srdreg.scid  }
0x4: {  	s19 =	simm.s32 $0x1;
	s20 =	simm.s32 $0x1F40;
	s21 =	simm.s32 $0x9C40  }
0x5: {  	s22 =	simm.s32 $0xABE0;
	s23 =	simm.s32 $0x2;
	s24 =	simm.s32 $0x4  }
0x6: {  	s28 =	simm.s32 $0x5;
	s29 =	simm.s32 $0x6;
	s30 =	simm.s32 $0x0  }
0x7: {  	[smem:$0x7FF] =	sst s3;
	s9 =	smul.u32 $0x18800, s1;
	s15 =	sadd.s32 $0x33200, s0  }
0x8: {  	s14 =	sadd.s32 $0x2400, s0;
	s4 =	sadd.s32 $0x7C800, s0;
	s6 =	sadd.s32 $0x64000, s0  }
0x9: {  	s16 =	sand.u32 $0x1, s7;
	s25 =	sadd.s32 $0xCCE00, s0;
	s12 =	smul.u32 $0x186A0, s1  }
0xa: {  	s8 =	sadd.s32 $0xB4600, s0;
	s31 =	sshll.u32 s1, $0x6;
	s18 =	smul.u32 $0x30D4, s1  }
0xb: {  	_ =	strace $0x8000004A;
	[dreg:$0x3] =	wrdreg s25;
	s26 =	ssub.s32 $0x2, s16  }
0xc: {  	p0 =	sne.s32 s16, $0x0;
	s25 =	simm.s32 $0xBB80;
	s5 =	sshrl.u32 s9, $0x4  }
0xd: {  	s11 =	sshrl.u32 s26, $0x1;
	s9 =	sshrl.u32 s9, $0x1;
	s12 =	sshrl.u32 s12, $0x3  }
.Ltmp0:
0xe: {  	s10 =	sadd.s32 s5, s0;
	s0 =	ssub.s32 s26, s11;
	(pc) =	sbr.rel .LBB2_1-.Ltmp0, $4  }
0xf: {  	s17 =	sadd.s32 s9, s2;
	s11 =	sadd.s32 s15, s12;
	s12 =	sadd.s32 s14, s12  }
0x10: {  	s14 =	sadd.s32 s18, s14;
	s15 =	sadd.s32 s18, s15;
	s18 =	simm.s32 $0xFA0  }
0x11: {  	s26 =	simm.s32 $0x3;
	s9 =	sadd.s32 $0x9BE00, s10;
	s10 =	sor.u32 $0x1C07, s31  }
0x12: {  	s13 =	smax.u32 s0, $0x1;
	s16 =	sshrl.u32 s17, $0x3;
	s17 =	simm.s32 $0x7  }
.LBB2_7:
0x13: {  	[sflag:s29] =	ssyncadd.s32 $0xFFFF8300;
	s0 =	smov.u32 s6;
	s31 =	smov.u32 s8  }
.LBB2_8:
0x14: {  	_ =	swait.ge [sflag:s19], $0xFA0  }
0x15: {  	[sflag:s19] =	ssyncset.done $0x0  }
0x16: {  	[sflag:s19] =	ssyncadd.s32 $0xFFFFF060  }
0x17: {  	_ =	swait.ge [sflag:s19], $0xFA0  }
0x18: {  	[sflag:s19] =	ssyncset.done $0x0  }
0x19: {  	[sflag:s19] =	ssyncadd.s32 $0xFFFFF060  }
0x1a: {  	[tilespmem:s20], [sflag:$0x2] =	stream.indirect.gather [hbm4b:s0+s18], $0x8, s3, s18, $0xb8;
	[tilespmem:$0x1FC80] =	vst v63  }
0x1b: {  	_ =	swait.ge [sflag:s23], $0x7D00  }
0x1c: {  	[sflag:s23] =	ssyncset.done $0x0  }
0x1d: {  	[sflag:s23] =	ssyncadd.s32 $0xFFFF8300  }
0x1e: {  	[spmem:s2] =	stream.indirect.scatter.add.bf16 [tilespmem:s20], [sflag:$0x3], $0x8, s18, s18, $0xb8;
	[tilespmem:$0x1FC80] =	vst v63  }
0x1f: {  	_ =	swait.ge [sflag:s26], $0x7D00  }
0x20: {  	s30 =	sadd.s32 $0x1, s30;
	[sflag:s26] =	ssyncset.done $0x0  }
0x21: {  	p1 =	sne.s32 s30, s13;
	[sflag:s26] =	ssyncadd.s32 $0xFFFF8300  }
.Ltmp1:
0x22: {  	s31 =	sadd.s32 s31, s5;
	[bflag:$0x0] =	sbarrier.arrive $0xFFFF;
	(pc) =	sbr.rel @!p1 .LBB2_9-.Ltmp1, $4  }
0x23: {  	[hbm:s31], [sflag:s10] =	dma.local [spmem:s16], $0x1880  }
0x24: {  	_ =	swait.ge [sflag:s17], $0x1880  }
0x25: {  	[sflag:s17] =	ssyncset.done $0x0  }
0x26: {  	[sflag:s17] =	ssyncadd.s32 $0xFFFFE780  }
.LBB2_1:
0x27: {  	[spmem:s16], [sflag:s10] =	dma.local [hbm:s9], $0x1880  }
0x28: {  	_ =	swait.ge [sflag:s17], $0x1880  }
0x29: {  	[sflag:s17] =	ssyncset.done $0x0  }
.Ltmp2:
0x2a: {  	[sflag:s17] =	ssyncadd.s32 $0xFFFFE780;
	(pc) =	sbr.rel @p0 .LBB2_5-.Ltmp2, $4  }
0x2b: {  	[bflag:$0x0] =	sbarrier.arrive $0xFFFF  }
0x2c: {  	[tilespmem:s3], [sflag:$0x1] =	stream.linear.gather [hbm4b:s11+s3], $0xFA0, $0x38;
	[tilespmem:$0x1FC80] =	vst v63  }
0x2d: {  	_ = 	snop  }
0x2e: {  	[tilespmem:s18], [sflag:$0x1] =	stream.linear.gather [hbm4b:s12+s3], $0xFA0, $0x38;
	[tilespmem:$0x1FC80] =	vst v63  }
0x2f: {  	_ =	swait.ge [sflag:s19], $0xFA0  }
0x30: {  	[sflag:s19] =	ssyncset.done $0x0  }
0x31: {  	[sflag:s19] =	ssyncadd.s32 $0xFFFFF060  }
0x32: {  	_ =	swait.ge [sflag:s19], $0xFA0  }
0x33: {  	[sflag:s19] =	ssyncset.done $0x0  }
0x34: {  	s0 =	sadd.s32 $0xFFFFD120, s15;
	[sflag:s19] =	ssyncadd.s32 $0xFFFFF060  }
0x35: {  	[tilespmem:s20], [sflag:$0x2] =	stream.indirect.gather [hbm4b:s4+s18], $0x8, s3, s18, $0xb8;
	[tilespmem:$0x1FC80] =	vst v63  }
0x36: {  	s1 =	sadd.s32 $0xFFFFD120, s14;
	s31 =	sadd.s32 $0x30D4, s0  }
0x37: {  	[tilespmem:s21], [sflag:$0x4] =	stream.linear.gather [hbm4b:s31+s3], $0xFA0, $0x38;
	[tilespmem:$0x1FC80] =	vst v63  }
0x38: {  	s31 =	sadd.s32 $0x30D4, s1  }
0x39: {  	[tilespmem:s22], [sflag:$0x4] =	stream.linear.gather [hbm4b:s31+s3], $0xFA0, $0x38;
	[tilespmem:$0x1FC80] =	vst v63  }
0x3a: {  	_ =	swait.ge [sflag:s23], $0x7D00  }
0x3b: {  	[sflag:s23] =	ssyncset.done $0x0  }
0x3c: {  	[sflag:s23] =	ssyncadd.s32 $0xFFFF8300  }
0x3d: {  	[spmem:s2] =	stream.indirect.scatter.add.bf16 [tilespmem:s20], [sflag:$0x3], $0x8, s18, s18, $0xb8;
	[tilespmem:$0x1FC80] =	vst v63  }
0x3e: {  	_ =	swait.ge [sflag:s24], $0xFA0  }
0x3f: {  	[sflag:s24] =	ssyncset.done $0x0  }
0x40: {  	[sflag:s24] =	ssyncadd.s32 $0xFFFFF060  }
0x41: {  	_ =	swait.ge [sflag:s24], $0xFA0  }
0x42: {  	[sflag:s24] =	ssyncset.done $0x0  }
0x43: {  	[sflag:s24] =	ssyncadd.s32 $0xFFFFF060  }
0x44: {  	[tilespmem:s25], [sflag:$0x5] =	stream.indirect.gather [hbm4b:s4+s18], $0x8, s21, s18, $0xb8;
	[tilespmem:$0x1FC80] =	vst v63  }
0x45: {  	_ =	swait.ge [sflag:s26], $0x7D00  }
0x46: {  	[sflag:s26] =	ssyncset.done $0x0  }
0x47: {  	s0 =	sadd.s32 $0x32C8, s0;
	[sflag:s26] =	ssyncadd.s32 $0xFFFF8300  }
0x48: {  	[tilespmem:s3], [sflag:$0x1] =	stream.linear.gather [hbm4b:s0+s3], $0xFA0, $0x38;
	[tilespmem:$0x1FC80] =	vst v63  }
0x49: {  	s7 =	sadd.s32 $0x32C8, s1  }
0x4a: {  	[tilespmem:s18], [sflag:$0x1] =	stream.linear.gather [hbm4b:s7+s3], $0xFA0, $0x38;
	[tilespmem:$0x1FC80] =	vst v63  }
0x4b: {  	_ =	swait.ge [sflag:s28], $0x7D00  }
0x4c: {  	[sflag:s28] =	ssyncset.done $0x0  }
0x4d: {  	[sflag:s28] =	ssyncadd.s32 $0xFFFF8300  }
0x4e: {  	[spmem:s2] =	stream.indirect.scatter.add.bf16 [tilespmem:s25], [sflag:$0x6], $0x8, s22, s18, $0xb8;
	[tilespmem:$0x1FC80] =	vst v63  }
0x4f: {  	_ =	swait.ge [sflag:s29], $0x7D00  }
0x50: {  	s31 =	simm.s32 $0xFFFFD508;
	[sflag:s29] =	ssyncset.done $0x0  }
.LBB2_3:
0x51: {  	p1 =	seq.s32 s31, $0xFFFFFC18  }
0x52: {  	[sflag:s29] =	ssyncadd.s32 $0xFFFF8300;
	s0 =	smov.u32 s31;
	s31 =	sadd.s32 $0x3E8, s31  }
0x53: {  	_ =	swait.ge [sflag:s19], $0xFA0  }
0x54: {  	[sflag:s19] =	ssyncset.done $0x0  }
0x55: {  	[sflag:s19] =	ssyncadd.s32 $0xFFFFF060  }
0x56: {  	_ =	swait.ge [sflag:s19], $0xFA0  }
0x57: {  	[sflag:s19] =	ssyncset.done $0x0  }
0x58: {  	s1 =	sadd.s32 s0, s15;
	[sflag:s19] =	ssyncadd.s32 $0xFFFFF060  }
0x59: {  	[tilespmem:s20], [sflag:$0x2] =	stream.indirect.gather [hbm4b:s4+s18], $0x8, s3, s18, $0xb8;
	[tilespmem:$0x1FC80] =	vst v63  }
0x5a: {  	s0 =	sadd.s32 s0, s14;
	s7 =	sadd.s32 $0x30D4, s1  }
0x5b: {  	[tilespmem:s21], [sflag:$0x4] =	stream.linear.gather [hbm4b:s7+s3], $0xFA0, $0x38;
	[tilespmem:$0x1FC80] =	vst v63  }
0x5c: {  	s7 =	sadd.s32 $0x30D4, s0  }
0x5d: {  	[tilespmem:s22], [sflag:$0x4] =	stream.linear.gather [hbm4b:s7+s3], $0xFA0, $0x38;
	[tilespmem:$0x1FC80] =	vst v63  }
0x5e: {  	_ =	swait.ge [sflag:s23], $0x7D00  }
0x5f: {  	[sflag:s23] =	ssyncset.done $0x0  }
0x60: {  	[sflag:s23] =	ssyncadd.s32 $0xFFFF8300  }
0x61: {  	[spmem:s2] =	stream.indirect.scatter.add.bf16 [tilespmem:s20], [sflag:$0x3], $0x8, s18, s18, $0xb8;
	[tilespmem:$0x1FC80] =	vst v63  }
0x62: {  	_ =	swait.ge [sflag:s24], $0xFA0  }
0x63: {  	[sflag:s24] =	ssyncset.done $0x0  }
0x64: {  	[sflag:s24] =	ssyncadd.s32 $0xFFFFF060  }
0x65: {  	_ =	swait.ge [sflag:s24], $0xFA0  }
0x66: {  	[sflag:s24] =	ssyncset.done $0x0  }
0x67: {  	[sflag:s24] =	ssyncadd.s32 $0xFFFFF060  }
0x68: {  	[tilespmem:s25], [sflag:$0x5] =	stream.indirect.gather [hbm4b:s4+s18], $0x8, s21, s18, $0xb8;
	[tilespmem:$0x1FC80] =	vst v63  }
0x69: {  	_ =	swait.ge [sflag:s26], $0x7D00  }
0x6a: {  	[sflag:s26] =	ssyncset.done $0x0  }
0x6b: {  	s1 =	sadd.s32 $0x32C8, s1;
	[sflag:s26] =	ssyncadd.s32 $0xFFFF8300  }
0x6c: {  	[tilespmem:s3], [sflag:$0x1] =	stream.linear.gather [hbm4b:s1+s3], $0xFA0, $0x38;
	[tilespmem:$0x1FC80] =	vst v63  }
0x6d: {  	s0 =	sadd.s32 $0x32C8, s0  }
0x6e: {  	[tilespmem:s18], [sflag:$0x1] =	stream.linear.gather [hbm4b:s0+s3], $0xFA0, $0x38;
	[tilespmem:$0x1FC80] =	vst v63  }
0x6f: {  	_ =	swait.ge [sflag:s28], $0x7D00  }
.Ltmp3:
0x70: {  	[sflag:s28] =	ssyncset.done $0x0;
	(pc) =	sbr.rel @!p1 .LBB2_3-.Ltmp3, $4  }
0x71: {  	[sflag:s28] =	ssyncadd.s32 $0xFFFF8300  }
0x72: {  	[spmem:s2] =	stream.indirect.scatter.add.bf16 [tilespmem:s25], [sflag:$0x6], $0x8, s22, s18, $0xb8;
	[tilespmem:$0x1FC80] =	vst v63  }
0x73: {  	_ =	swait.ge [sflag:s29], $0x7D00  }
0x74: {  	[sflag:s29] =	ssyncset.done $0x0  }
.Ltmp4:
0x75: {  	(pc) =	sbr.rel .LBB2_8-.Ltmp4, $2  }
0x76: {  	_ =	sdelay $0x2  }
0x77: {  	[sflag:s29] =	ssyncadd.s32 $0xFFFF8300;
	s0 =	smov.u32 s4;
	s31 =	rddreg [dreg:$0x3]  }
.LBB2_5:
0x78: {  	_ =	swait.ge [sflag:s19], $0xFA0  }
0x79: {  	[sflag:s19] =	ssyncset.done $0x0  }
0x7a: {  	[sflag:s19] =	ssyncadd.s32 $0xFFFFF060  }
0x7b: {  	_ =	swait.ge [sflag:s19], $0xFA0  }
0x7c: {  	[sflag:s19] =	ssyncset.done $0x0  }
0x7d: {  	s0 =	sadd.s32 $0xFFFFD120, s15;
	[sflag:s19] =	ssyncadd.s32 $0xFFFFF060  }
0x7e: {  	[tilespmem:s20], [sflag:$0x2] =	stream.indirect.gather [hbm4b:s6+s18], $0x8, s3, s18, $0xb8;
	[tilespmem:$0x1FC80] =	vst v63  }
0x7f: {  	s7 =	sadd.s32 $0xFFFFD120, s14;
	s1 =	sadd.s32 $0x30D4, s0  }
0x80: {  	[tilespmem:s21], [sflag:$0x4] =	stream.linear.gather [hbm4b:s1+s3], $0xFA0, $0x38;
	[tilespmem:$0x1FC80] =	vst v63  }
0x81: {  	s1 =	sadd.s32 $0x30D4, s7  }
0x82: {  	[tilespmem:s22], [sflag:$0x4] =	stream.linear.gather [hbm4b:s1+s3], $0xFA0, $0x38;
	[tilespmem:$0x1FC80] =	vst v63  }
0x83: {  	_ =	swait.ge [sflag:s23], $0x7D00  }
0x84: {  	[sflag:s23] =	ssyncset.done $0x0  }
0x85: {  	[sflag:s23] =	ssyncadd.s32 $0xFFFF8300  }
0x86: {  	[spmem:s2] =	stream.indirect.scatter.add.bf16 [tilespmem:s20], [sflag:$0x3], $0x8, s18, s18, $0xb8;
	[tilespmem:$0x1FC80] =	vst v63  }
0x87: {  	_ =	swait.ge [sflag:s24], $0xFA0  }
0x88: {  	[sflag:s24] =	ssyncset.done $0x0  }
0x89: {  	[sflag:s24] =	ssyncadd.s32 $0xFFFFF060  }
0x8a: {  	_ =	swait.ge [sflag:s24], $0xFA0  }
0x8b: {  	[sflag:s24] =	ssyncset.done $0x0  }
0x8c: {  	[sflag:s24] =	ssyncadd.s32 $0xFFFFF060  }
0x8d: {  	[tilespmem:s25], [sflag:$0x5] =	stream.indirect.gather [hbm4b:s6+s18], $0x8, s21, s18, $0xb8;
	[tilespmem:$0x1FC80] =	vst v63  }
0x8e: {  	_ =	swait.ge [sflag:s26], $0x7D00  }
0x8f: {  	[sflag:s26] =	ssyncset.done $0x0  }
0x90: {  	s0 =	sadd.s32 $0x32C8, s0;
	[sflag:s26] =	ssyncadd.s32 $0xFFFF8300  }
0x91: {  	[tilespmem:s3], [sflag:$0x1] =	stream.linear.gather [hbm4b:s0+s3], $0xFA0, $0x38;
	[tilespmem:$0x1FC80] =	vst v63  }
0x92: {  	s7 =	sadd.s32 $0x32C8, s7  }
0x93: {  	[tilespmem:s18], [sflag:$0x1] =	stream.linear.gather [hbm4b:s7+s3], $0xFA0, $0x38;
	[tilespmem:$0x1FC80] =	vst v63  }
0x94: {  	_ =	swait.ge [sflag:s28], $0x7D00  }
0x95: {  	[sflag:s28] =	ssyncset.done $0x0  }
0x96: {  	[sflag:s28] =	ssyncadd.s32 $0xFFFF8300  }
0x97: {  	[spmem:s2] =	stream.indirect.scatter.add.bf16 [tilespmem:s25], [sflag:$0x6], $0x8, s22, s18, $0xb8;
	[tilespmem:$0x1FC80] =	vst v63  }
0x98: {  	_ =	swait.ge [sflag:s29], $0x7D00  }
0x99: {  	s31 =	simm.s32 $0xFFFFD508;
	[sflag:s29] =	ssyncset.done $0x0  }
.LBB2_6:
0x9a: {  	p1 =	sne.s32 s31, $0xFFFFFC18  }
0x9b: {  	[sflag:s29] =	ssyncadd.s32 $0xFFFF8300;
	s0 =	smov.u32 s31;
	s31 =	sadd.s32 $0x3E8, s31  }
0x9c: {  	_ =	swait.ge [sflag:s19], $0xFA0  }
0x9d: {  	[sflag:s19] =	ssyncset.done $0x0  }
0x9e: {  	[sflag:s19] =	ssyncadd.s32 $0xFFFFF060  }
0x9f: {  	_ =	swait.ge [sflag:s19], $0xFA0  }
0xa0: {  	[sflag:s19] =	ssyncset.done $0x0  }
0xa1: {  	s1 =	sadd.s32 s0, s15;
	[sflag:s19] =	ssyncadd.s32 $0xFFFFF060  }
0xa2: {  	[tilespmem:s20], [sflag:$0x2] =	stream.indirect.gather [hbm4b:s6+s18], $0x8, s3, s18, $0xb8;
	[tilespmem:$0x1FC80] =	vst v63  }
0xa3: {  	s0 =	sadd.s32 s0, s14;
	s7 =	sadd.s32 $0x30D4, s1  }
0xa4: {  	[tilespmem:s21], [sflag:$0x4] =	stream.linear.gather [hbm4b:s7+s3], $0xFA0, $0x38;
	[tilespmem:$0x1FC80] =	vst v63  }
0xa5: {  	s7 =	sadd.s32 $0x30D4, s0  }
0xa6: {  	[tilespmem:s22], [sflag:$0x4] =	stream.linear.gather [hbm4b:s7+s3], $0xFA0, $0x38;
	[tilespmem:$0x1FC80] =	vst v63  }
0xa7: {  	_ =	swait.ge [sflag:s23], $0x7D00  }
0xa8: {  	[sflag:s23] =	ssyncset.done $0x0  }
0xa9: {  	[sflag:s23] =	ssyncadd.s32 $0xFFFF8300  }
0xaa: {  	[spmem:s2] =	stream.indirect.scatter.add.bf16 [tilespmem:s20], [sflag:$0x3], $0x8, s18, s18, $0xb8;
	[tilespmem:$0x1FC80] =	vst v63  }
0xab: {  	_ =	swait.ge [sflag:s24], $0xFA0  }
0xac: {  	[sflag:s24] =	ssyncset.done $0x0  }
0xad: {  	[sflag:s24] =	ssyncadd.s32 $0xFFFFF060  }
0xae: {  	_ =	swait.ge [sflag:s24], $0xFA0  }
0xaf: {  	[sflag:s24] =	ssyncset.done $0x0  }
0xb0: {  	[sflag:s24] =	ssyncadd.s32 $0xFFFFF060  }
0xb1: {  	[tilespmem:s25], [sflag:$0x5] =	stream.indirect.gather [hbm4b:s6+s18], $0x8, s21, s18, $0xb8;
	[tilespmem:$0x1FC80] =	vst v63  }
0xb2: {  	_ =	swait.ge [sflag:s26], $0x7D00  }
0xb3: {  	[sflag:s26] =	ssyncset.done $0x0  }
0xb4: {  	s1 =	sadd.s32 $0x32C8, s1;
	[sflag:s26] =	ssyncadd.s32 $0xFFFF8300  }
0xb5: {  	[tilespmem:s3], [sflag:$0x1] =	stream.linear.gather [hbm4b:s1+s3], $0xFA0, $0x38;
	[tilespmem:$0x1FC80] =	vst v63  }
0xb6: {  	s0 =	sadd.s32 $0x32C8, s0  }
0xb7: {  	[tilespmem:s18], [sflag:$0x1] =	stream.linear.gather [hbm4b:s0+s3], $0xFA0, $0x38;
	[tilespmem:$0x1FC80] =	vst v63  }
0xb8: {  	_ =	swait.ge [sflag:s28], $0x7D00  }
.Ltmp5:
0xb9: {  	[sflag:s28] =	ssyncset.done $0x0;
	(pc) =	sbr.rel @p1 .LBB2_6-.Ltmp5, $4  }
0xba: {  	[sflag:s28] =	ssyncadd.s32 $0xFFFF8300  }
0xbb: {  	[spmem:s2] =	stream.indirect.scatter.add.bf16 [tilespmem:s25], [sflag:$0x6], $0x8, s22, s18, $0xb8;
	[tilespmem:$0x1FC80] =	vst v63  }
0xbc: {  	_ =	swait.ge [sflag:s29], $0x7D00  }
0xbd: {  	[sflag:s29] =	ssyncset.done $0x0  }
.Ltmp6:
0xbe: {  	_ = 	snop;
	(pc) =	sbr.rel .LBB2_7-.Ltmp6, $1  }
0xbf: {  	_ =	sdelay $0x3  }
.LBB2_9:
0xc0: {  	_ =	sfence.sel $0x180000  }
0xc1: {  	[bflag:$0x0] =	sbarrier.arrive $0xFFFF  }
0xc2: {  	_ =	strace $0x9000004A  }
0xc3: {  	s0 =	stileid.u32;
	[bflag:$0x2] =	sbarrier.arrive $0xFFFF  }
0xc4: {  	p0 =	sne.s32 s0, $0x0;
	s0 =	rddreg [dreg:$0x2]  }
0xc5: {  	s0 =	sadd.s32 @!p0 $0x100000, s0  }
0xc6: {  	[sflag:s0] =	ssyncadd.tile.s32 @!p0 $0x1;
	_ =	shalt  }
.Lfunc_end2:
_tile_overlayer_lowered:
.L_overlay_start_2:
0xc7: {  	(tag) =	ssettag $0x2  }
0xc8: {  	s0 =	rddreg [dreg:$0x0];
	s2 =	stileid.u32  }
0xc9: {  	s1 =	rddreg [dreg:$0x1];
	p0 =	sne.s32 s2, $0x0  }
0xca: {  	s3 =	rddreg [dreg:$0x2];
	[bflag:$0x3] =	sbarrier.arrive $0xFFFF;
	s2 =	simm.s32 @!p0 $0x1C07  }
0xcb: {  	[timem:s3], [sflag:s2] =	dma.local @!p0 [hbm:s0], s1  }
0xcc: {  	s0 =	simm.s32 @!p0 $0x7  }
0xcd: {  	_ =	swait.ge @!p0 [sflag:s0], s1  }
0xce: {  	s1 =	ssub.s32 @!p0 $0x0, s1;
	[sflag:s0] =	ssyncset.done @!p0 $0x0  }
0xcf: {  	[sflag:s0] =	ssyncadd.s32 @!p0 s1  }
0xd0: {  	[bflag:$0x3] =	sbarrier.arrive $0xFFFF  }
0xd1: {  	_ =	shalt  }

</sc_bundles>
